<compile_context>
chip_gen: v7x
topology: tpu7x:2x2x1
jax: 0.10.2.dev20260603
libtpu: 0.0.44.dev20260713+nightly
codegen_flags: <defaults>
</compile_context>

<pallas_src>
import functools

import jax
import jax.numpy as jnp
from jax import lax
from jax.experimental import pallas as pl
from jax.experimental.pallas import tpu as pltpu
from jax.experimental.pallas import tpu_sc as plsc

B = 4096
Q = 50
NOBJ = 10
S = NOBJ + Q
H = 128
E = 64
NPOS = 6
POSVOCAB = S
CVOCAB = 3 * POSVOCAB

_NC, _NS = 2, 16
_NW = _NC * _NS
_NIDX = B * Q
_CHUNK = 64
_NBUF = 10
_QA = 20
_QB = Q - _QA
_GRP = 10


def _gather_rows(table, idx, nidx):
  mesh = plsc.VectorSubcoreMesh(core_axis_name="c", subcore_axis_name="s")
  bpw = nidx // _NW
  nch = bpw // _CHUNK
  nko = nch // _NBUF

  @functools.partial(
      pl.kernel,
      out_type=jax.ShapeDtypeStruct((nidx, H), jnp.float32),
      mesh=mesh,
      scratch_types=[
          pltpu.VMEM((bpw,), jnp.int32),
          pltpu.VMEM((_NBUF, _CHUNK, H), jnp.float32),
      ] + [pltpu.SemaphoreType.DMA] * (2 * _NBUF),
  )
  def gather_kernel(table_hbm, idx_hbm, out_hbm, idx_v, rows_v, *sems):
    gsems, wsems = sems[:_NBUF], sems[_NBUF:]
    wid = lax.axis_index("s") * _NC + lax.axis_index("c")
    base = wid * bpw
    pltpu.sync_copy(idx_hbm.at[pl.ds(base, bpw)], idx_v)

    def fire(g, b):
      pltpu.async_copy(
          table_hbm.at[idx_v.at[pl.ds(g * _CHUNK, _CHUNK)]],
          rows_v.at[b], gsems[b])

    def wait_wb(b):
      pltpu.make_async_copy(
          rows_v.at[b], out_hbm.at[pl.ds(0, _CHUNK)], wsems[b]).wait()

    for b in range(_NBUF - 1):
      fire(b, b)

    def outer(k, carry):
      for b in range(_NBUF):
        g = k * _NBUF + b
        bprev = (b - 1) % _NBUF
        pltpu.make_async_copy(
            table_hbm.at[pl.ds(0, _CHUNK)], rows_v.at[b], gsems[b]).wait()
        pltpu.async_copy(
            rows_v.at[b], out_hbm.at[pl.ds(base + g * _CHUNK, _CHUNK)],
            wsems[b])

        @pl.when(g <= nch - _NBUF)
        def _():
          @pl.when(g >= 1)
          def _():
            wait_wb(bprev)
          fire(g + _NBUF - 1, bprev)
      return carry

    lax.fori_loop(0, nko, outer, 0)
    for b in range(_NBUF):
      wait_wb(b)

  return gather_kernel(table, idx)


_BS = 256


def _ln(x):
  u = jnp.mean(x, axis=-1, keepdims=True)
  d = x - u
  s = jnp.mean(d * d, axis=-1, keepdims=True)
  return d * lax.rsqrt(s + 1e-12)


def _onehot3(v, n):
  shape = v.shape + (n,)
  return (v[:, :, None] == lax.broadcasted_iota(jnp.int32, shape, 2)
          ).astype(jnp.float32)


def _wcomb(wpos, wtype):
  return jnp.repeat(wpos, 3, axis=0) + jnp.tile(wtype, (POSVOCAB, 1))


def _qbranch(qr, cq, wcomb, ntok):
  f32 = jnp.float32
  ohq = _onehot3(cq, CVOCAB).reshape(ntok * _BS, CVOCAB)
  pemb = jnp.dot(ohq, wcomb, preferred_element_type=f32)
  return _ln(qr + pemb.reshape(ntok, _BS, H))


def _tc_a_kernel(qr_ref, typt_ref, cq_ref, opos_ref, ocol_ref,
                 oshp_ref, omat_ref, osiz_ref, wpos_ref, wtype_ref, wcol_ref,
                 wshape_ref, wmat_ref, wsize_ref, wproj_ref, wre_ref,
                 emb_ref, mask_ref, omask_ref):
  f32 = jnp.float32
  typt = typt_ref[...]
  mask_ref[...] = jnp.where(typt >= 1, 0.0, -100000.0).astype(f32)
  omask_ref[...] = (typt == 1).astype(f32)

  wtype = wtype_ref[...]
  qn = _qbranch(qr_ref[...], cq_ref[...], _wcomb(wpos_ref[...], wtype), _QA)

  wre = wre_ref[...]
  mp = jnp.dot(wproj_ref[...], wre[0:E, :], preferred_element_type=f32)
  tcol = jnp.dot(wcol_ref[...], wre[E:2 * E, :], preferred_element_type=f32)
  tshp = jnp.dot(wshape_ref[...], wre[2 * E:3 * E, :], preferred_element_type=f32)
  tmat = jnp.dot(wmat_ref[...], wre[3 * E:4 * E, :], preferred_element_type=f32)
  tsiz = jnp.dot(wsize_ref[...], wre[4 * E:5 * E, :], preferred_element_type=f32)

  dimnum = (((0,), (0,)), ((), ()))

  def dott(a, b):
    return lax.dot_general(a, b, dimnum, preferred_element_type=f32)

  def oh1t(row, n):
    return (jnp.broadcast_to(row, (n, _BS))
            == lax.broadcasted_iota(jnp.int32, (n, _BS), 0)).astype(f32)

  opos = opos_ref[...]
  ocol, oshp = ocol_ref[...], oshp_ref[...]
  omat, osiz = omat_ref[...], osiz_ref[...]
  for o in range(NOBJ):
    acc = (dott(opos[o * NPOS:(o + 1) * NPOS, :], mp)
           + dott(oh1t(ocol[o:o + 1, :], 9), tcol)
           + dott(oh1t(oshp[o:o + 1, :], 4), tshp)
           + dott(oh1t(omat[o:o + 1, :], 3), tmat)
           + dott(oh1t(osiz[o:o + 1, :], 3), tsiz)
           + dott(oh1t(typt[o:o + 1, :], 3), wtype))
    emb_ref[o] = _ln(acc)

  emb_ref[NOBJ:] = qn


def _tc_b_kernel(qr_ref, cq_ref, wpos_ref, wtype_ref, embin_ref,
                 emb_ref):
  del embin_ref
  emb_ref[...] = _qbranch(qr_ref[...], cq_ref[0],
                          _wcomb(wpos_ref[...], wtype_ref[...]), _GRP)


def _tc_call(qrows_a, qrows_b, types_t, cq_t, opos_f, ocol_t, oshp_t, omat_t,
             osiz_t, Wpos, Wtype, Wcol, Wshape, Wmat, Wsize, Wproj, bproj,
             Wre, bre, g_obj, b_obj, g_q, b_q, interpret=False):
  f32 = jnp.float32
  col2 = lambda i: (0, i)
  col3 = lambda i: (0, i, 0)
  full = lambda i: (0, 0)
  in_specs_a = [
      pl.BlockSpec((_QA, _BS, H), col3),
      pl.BlockSpec((S, _BS), col2),
      pl.BlockSpec((_QA, _BS), col2),
      pl.BlockSpec((NOBJ * NPOS, _BS), col2),
      pl.BlockSpec((NOBJ, _BS), col2),
      pl.BlockSpec((NOBJ, _BS), col2),
      pl.BlockSpec((NOBJ, _BS), col2),
      pl.BlockSpec((NOBJ, _BS), col2),
      pl.BlockSpec((POSVOCAB, H), full),
      pl.BlockSpec((3, H), full),
      pl.BlockSpec((9, E), full),
      pl.BlockSpec((4, E), full),
      pl.BlockSpec((3, E), full),
      pl.BlockSpec((3, E), full),
      pl.BlockSpec((NPOS, E), full),
      pl.BlockSpec((5 * E, H), full),
  ]
  out_specs_a = (
      pl.BlockSpec((NOBJ + _QA, _BS, H), col3),
      pl.BlockSpec((S, _BS), col2),
      pl.BlockSpec((S, _BS), col2),
  )
  out_shape = (
      jax.ShapeDtypeStruct((S, B, H), f32),
      jax.ShapeDtypeStruct((S, B), f32),
      jax.ShapeDtypeStruct((S, B), f32),
  )
  emb_a, maskt, omaskt = pl.pallas_call(
      _tc_a_kernel,
      grid=(B // _BS,),
      in_specs=in_specs_a,
      out_specs=out_specs_a,
      out_shape=out_shape,
      compiler_params=pltpu.CompilerParams(
          dimension_semantics=("parallel",)),
      interpret=interpret,
  )(qrows_a, types_t, cq_t[:_QA], opos_f, ocol_t, oshp_t, omat_t, osiz_t,
    Wpos, Wtype, Wcol, Wshape, Wmat, Wsize, Wproj, Wre)

  nga = (NOBJ + _QA) // _GRP
  emb = pl.pallas_call(
      _tc_b_kernel,
      grid=(B // _BS, _QB // _GRP),
      in_specs=[
          pl.BlockSpec((_GRP, _BS, H), lambda i, j: (j, i, 0)),
          pl.BlockSpec((1, _GRP, _BS), lambda i, j: (j, 0, i)),
          pl.BlockSpec((POSVOCAB, H), lambda i, j: (0, 0)),
          pl.BlockSpec((3, H), lambda i, j: (0, 0)),
          pl.BlockSpec(memory_space=pl.ANY),
      ],
      out_specs=pl.BlockSpec((_GRP, _BS, H),
                             lambda i, j: (nga + j, i, 0)),
      out_shape=jax.ShapeDtypeStruct((S, B, H), f32),
      input_output_aliases={4: 0},
      compiler_params=pltpu.CompilerParams(
          dimension_semantics=("parallel", "parallel")),
      interpret=interpret,
  )(qrows_b, cq_t[_QA:].reshape(_QB // _GRP, _GRP, B), Wpos, Wtype, emb_a)
  return emb, maskt, omaskt


def kernel(positions, types, object_positions, object_colors, object_shapes,
           object_materials, object_sizes, question, Wq, Wpos, Wtype, Wcol,
           Wshape, Wmat, Wsize, Wproj, bproj, Wre, bre, g_obj, b_obj, g_q,
           b_q):
  i32 = jnp.int32
  qidx_t = question.astype(i32).T.reshape(_NIDX)
  na = _QA * B
  qrows_a = _gather_rows(Wq, qidx_t[:na], na).reshape(_QA, B, H)
  qrows_b = _gather_rows(Wq, qidx_t[na:], _NIDX - na).reshape(_QB, B, H)
  types = types.astype(i32)
  cq_t = (positions.astype(i32)[:, NOBJ:] * 3 + types[:, NOBJ:]).T
  emb_t, maskt, omaskt = _tc_call(
      qrows_a, qrows_b, types.T, cq_t,
      object_positions.transpose(1, 2, 0).reshape(NOBJ * NPOS, B),
      object_colors.astype(i32).T, object_shapes.astype(i32).T,
      object_materials.astype(i32).T, object_sizes.astype(i32).T,
      Wpos, Wtype, Wcol, Wshape, Wmat, Wsize, Wproj, bproj, Wre, bre, g_obj,
      b_obj, g_q, b_q)
  return (jnp.transpose(emb_t, (1, 0, 2)), maskt.T.reshape(B, 1, 1, S),
          omaskt.T)

# --- scband reference (transcript-rebuilt; emitter-appended) ---
"""Pipeline reference for scband-multi-modal-embedder-62843961475780 (READ-ONLY COPY).

The authoritative reference and input builder live on the scoring server;
editing this copy changes nothing except your own understanding.
"""

import jax, jax.numpy as jnp
import numpy as np

B = 4096
Q = 50
NOBJ = 10
S = NOBJ + Q
H = 128
E = 64
VOCAB = 100000
NPOS = 6
NTYPES = 3
POSVOCAB = S


def _emb(key, n, d):
    t = jax.random.normal(key, (n, d), jnp.float32) * 0.02
    return t.at[0].set(0.0)  # padding_idx=0


def _layer_norm(x, g, b, eps=1e-12):
    u = jnp.mean(x, axis=-1, keepdims=True)
    s = jnp.mean((x - u) ** 2, axis=-1, keepdims=True)
    return (x - u) / jnp.sqrt(s + eps) * g + b


def setup_inputs(seed: int = 0) -> dict:
    key = jax.random.key(seed)
    ks = jax.random.split(key, 20)
    positions = jax.random.randint(ks[0], (B, S), 0, POSVOCAB)
    types = jax.random.randint(ks[1], (B, S), 0, NTYPES)
    object_positions = jax.random.normal(ks[2], (B, NOBJ, NPOS), jnp.float32)
    object_colors = jax.random.randint(ks[3], (B, NOBJ), 0, 9)
    object_shapes = jax.random.randint(ks[4], (B, NOBJ), 0, 4)
    object_materials = jax.random.randint(ks[5], (B, NOBJ), 0, 3)
    object_sizes = jax.random.randint(ks[6], (B, NOBJ), 0, 3)
    question = jax.random.randint(ks[7], (B, Q), 0, VOCAB)
    Wq = _emb(ks[8], VOCAB, H)
    Wpos = _emb(ks[9], POSVOCAB, H)
    Wtype = _emb(ks[10], NTYPES, H)
    Wcol = _emb(ks[11], 9, E)
    Wshape = _emb(ks[12], 4, E)
    Wmat = _emb(ks[13], 3, E)
    Wsize = _emb(ks[14], 3, E)
    Wproj = jax.random.normal(ks[15], (NPOS, E), jnp.float32) * 0.05
    bproj = jnp.zeros((E,), jnp.float32)
    Wre = jax.random.normal(ks[16], (5 * E, H), jnp.float32) * 0.02
    bre = jnp.zeros((H,), jnp.float32)
    g_obj = jnp.ones((H,), jnp.float32)
    b_obj = jnp.zeros((H,), jnp.float32)
    g_q = jnp.ones((H,), jnp.float32)
    b_q = jnp.zeros((H,), jnp.float32)
    return {
        "positions": positions, "types": types,
        "object_positions": object_positions,
        "object_colors": object_colors, "object_shapes": object_shapes,
        "object_materials": object_materials, "object_sizes": object_sizes,
        "question": question,
        "Wq": Wq, "Wpos": Wpos, "Wtype": Wtype,
        "Wcol": Wcol, "Wshape": Wshape, "Wmat": Wmat, "Wsize": Wsize,
        "Wproj": Wproj, "bproj": bproj, "Wre": Wre, "bre": bre,
        "g_obj": g_obj, "b_obj": b_obj, "g_q": g_q, "b_q": b_q,
    }


def reference(positions, types, object_positions, object_colors, object_shapes,
              object_materials, object_sizes, question,
              Wq, Wpos, Wtype, Wcol, Wshape, Wmat, Wsize,
              Wproj, bproj, Wre, bre, g_obj, b_obj, g_q, b_q):
    position_embeddings = jnp.take(Wpos, positions, axis=0)
    type_embeddings = jnp.take(Wtype, types, axis=0)
    questions = jnp.take(Wq, question, axis=0)

    mask = (types >= 1).astype(jnp.float32)
    mask = mask[:, None, None, :]
    mask = (1.0 - mask) * -100000.0
    object_mask = (types == 1).astype(jnp.float32)

    op_proj = object_positions @ Wproj + bproj
    oc_proj = jnp.take(Wcol, object_colors, axis=0)
    os_proj = jnp.take(Wshape, object_shapes, axis=0)
    om_proj = jnp.take(Wmat, object_materials, axis=0)
    oz_proj = jnp.take(Wsize, object_sizes, axis=0)

    object_related = jnp.concatenate([op_proj, oc_proj, os_proj, om_proj, oz_proj], axis=2)
    ore = object_related @ Wre + bre
    ore = ore + type_embeddings[:, 0:NOBJ, :]
    ore = _layer_norm(ore, g_obj, b_obj)

    questions = questions + type_embeddings[:, NOBJ:, :] + position_embeddings[:, NOBJ:, :]
    questions = _layer_norm(questions, g_q, b_q)

    embeddings = jnp.concatenate([ore, questions], axis=1)
    return (embeddings, mask, object_mask)

if __name__ == "__main__":
    import jax
    _d = setup_inputs()
    print(jax.jit(kernel)(*tuple(_d.values())))

</pallas_src>

<mosaic_0001>
#map = affine_map<(d0, d1) -> (0, 0)>
#map1 = affine_map<(d0, d1) -> (0)>
module attributes {stable_mosaic.version = 14 : i64} {
  func.func @gather_kernel(%arg0: i32, %arg1: i32, %arg2: memref<100000x128xf32, #tpu.memory_space<hbm>>, %arg3: memref<122880xi32, #tpu.memory_space<hbm>>, %arg4: memref<122880x128xf32, #tpu.memory_space<hbm>>, %arg5: memref<3840xi32, #tpu.memory_space<vmem>>, %arg6: memref<10x64x128xf32, #tpu.memory_space<vmem>>, %arg7: memref<!tpu.dma_semaphore, #tpu.memory_space<semaphore_mem>>, %arg8: memref<!tpu.dma_semaphore, #tpu.memory_space<semaphore_mem>>, %arg9: memref<!tpu.dma_semaphore, #tpu.memory_space<semaphore_mem>>, %arg10: memref<!tpu.dma_semaphore, #tpu.memory_space<semaphore_mem>>, %arg11: memref<!tpu.dma_semaphore, #tpu.memory_space<semaphore_mem>>, %arg12: memref<!tpu.dma_semaphore, #tpu.memory_space<semaphore_mem>>, %arg13: memref<!tpu.dma_semaphore, #tpu.memory_space<semaphore_mem>>, %arg14: memref<!tpu.dma_semaphore, #tpu.memory_space<semaphore_mem>>, %arg15: memref<!tpu.dma_semaphore, #tpu.memory_space<semaphore_mem>>, %arg16: memref<!tpu.dma_semaphore, #tpu.memory_space<semaphore_mem>>, %arg17: memref<!tpu.dma_semaphore, #tpu.memory_space<semaphore_mem>>, %arg18: memref<!tpu.dma_semaphore, #tpu.memory_space<semaphore_mem>>, %arg19: memref<!tpu.dma_semaphore, #tpu.memory_space<semaphore_mem>>, %arg20: memref<!tpu.dma_semaphore, #tpu.memory_space<semaphore_mem>>, %arg21: memref<!tpu.dma_semaphore, #tpu.memory_space<semaphore_mem>>, %arg22: memref<!tpu.dma_semaphore, #tpu.memory_space<semaphore_mem>>, %arg23: memref<!tpu.dma_semaphore, #tpu.memory_space<semaphore_mem>>, %arg24: memref<!tpu.dma_semaphore, #tpu.memory_space<semaphore_mem>>, %arg25: memref<!tpu.dma_semaphore, #tpu.memory_space<semaphore_mem>>, %arg26: memref<!tpu.dma_semaphore, #tpu.memory_space<semaphore_mem>>) attributes {dimension_semantics = [#tpu.dimension_semantics<core_parallel>, #tpu.dimension_semantics<subcore_parallel>], iteration_bounds = array<i64: 2, 16>, scalar_prefetch = 0 : i64, scratch_operands = 22 : i64, tpu.core_type = #tpu.core_type<sc_vector_subcore>, window_params = [{transform_indices = #map}, {transform_indices = #map1}, {transform_indices = #map}]} {
    %mul3A = arith.constant 2 : i32
    %mul3A_0 = arith.muli %arg1, %mul3A : i32
    %add3A = arith.addi %mul3A_0, %arg0 : i32
    %mul3A_1 = arith.constant 3840 : i32
    %mul3A_2 = arith.muli %add3A, %mul3A_1 : i32
    "tpu.region"() ({
      %run_scoped3A = tpu.sem_alloc : memref<!tpu.dma_semaphore, #tpu.memory_space<semaphore_mem>>
      %dma_start3A_246 = tpu.memref_slice %arg3[%mul3A_2] : memref<122880xi32, #tpu.memory_space<hbm>> -> memref<3840xi32, #tpu.memory_space<hbm>>
      %dma_start3A_247 = tpu.memref_slice %arg3[%mul3A_2] : memref<122880xi32, #tpu.memory_space<hbm>> -> memref<3840xi32, #tpu.memory_space<hbm>>
      tpu.enqueue_dma source(%dma_start3A_247 : memref<3840xi32, #tpu.memory_space<hbm>>) target(%arg5 : memref<3840xi32, #tpu.memory_space<vmem>>) target_semaphore(%run_scoped3A : memref<!tpu.dma_semaphore, #tpu.memory_space<semaphore_mem>>)
      %dma_wait3A_248 = tpu.memref_slice %arg3[%mul3A_2] : memref<122880xi32, #tpu.memory_space<hbm>> -> memref<3840xi32, #tpu.memory_space<hbm>>
      %dma_wait3A_249 = tpu.memref_slice %arg3[%mul3A_2] : memref<122880xi32, #tpu.memory_space<hbm>> -> memref<3840xi32, #tpu.memory_space<hbm>>
      tpu.wait_dma2 semaphore(%run_scoped3A : memref<!tpu.dma_semaphore, #tpu.memory_space<semaphore_mem>>) src(%dma_wait3A_249 : memref<3840xi32, #tpu.memory_space<hbm>>) dst(%arg5 : memref<3840xi32, #tpu.memory_space<vmem>>)
      tpu.yield
    }) : () -> ()
    %dma_start3A = arith.constant 0 : i32
    %dma_start3A_3 = arith.constant 0 : i32
    %dma_start3A_4 = arith.constant 0 : i32
    %dma_start3A_5 = tpu.memref_slice %arg6[%dma_start3A, %dma_start3A_3, %dma_start3A_4] : memref<10x64x128xf32, #tpu.memory_space<vmem>> -> memref<1x64x128xf32, #tpu.memory_space<vmem>>
    %dma_start3A_6 = tpu.memref_squeeze %dma_start3A_5 : memref<1x64x128xf32, #tpu.memory_space<vmem>> -> memref<64x128xf32, #tpu.memory_space<vmem>>
    %dma_start3A_7 = arith.constant 0 : i32
    %dma_start3A_8 = tpu.memref_slice %arg5[%dma_start3A_7] : memref<3840xi32, #tpu.memory_space<vmem>> -> memref<64xi32, #tpu.memory_space<vmem>>
    %dma_start3A_9 = arith.constant 0 : i32
    %dma_start3A_10 = arith.constant 0 : i32
    %dma_start3A_11 = tpu.memref_slice %arg2[%dma_start3A_9, %dma_start3A_10] : memref<100000x128xf32, #tpu.memory_space<hbm>> -> memref<100000x128xf32, #tpu.memory_space<hbm>>
    tpu.enqueue_indirect_dma source(%dma_start3A_11 : memref<100000x128xf32, #tpu.memory_space<hbm>>) target(%dma_start3A_6 : memref<64x128xf32, #tpu.memory_space<vmem>>) offsets(%dma_start3A_8 : memref<64xi32, #tpu.memory_space<vmem>>) semaphore(%arg7 : memref<!tpu.dma_semaphore, #tpu.memory_space<semaphore_mem>>)
    %dma_start3A_12 = arith.constant 1 : i32
    %dma_start3A_13 = arith.constant 0 : i32
    %dma_start3A_14 = arith.constant 0 : i32
    %dma_start3A_15 = tpu.memref_slice %arg6[%dma_start3A_12, %dma_start3A_13, %dma_start3A_14] : memref<10x64x128xf32, #tpu.memory_space<vmem>> -> memref<1x64x128xf32, #tpu.memory_space<vmem>>
    %dma_start3A_16 = tpu.memref_squeeze %dma_start3A_15 : memref<1x64x128xf32, #tpu.memory_space<vmem>> -> memref<64x128xf32, #tpu.memory_space<vmem>>
    %dma_start3A_17 = arith.constant 64 : i32
    %dma_start3A_18 = tpu.memref_slice %arg5[%dma_start3A_17] : memref<3840xi32, #tpu.memory_space<vmem>> -> memref<64xi32, #tpu.memory_space<vmem>>
    %dma_start3A_19 = arith.constant 0 : i32
    %dma_start3A_20 = arith.constant 0 : i32
    %dma_start3A_21 = tpu.memref_slice %arg2[%dma_start3A_19, %dma_start3A_20] : memref<100000x128xf32, #tpu.memory_space<hbm>> -> memref<100000x128xf32, #tpu.memory_space<hbm>>
    tpu.enqueue_indirect_dma source(%dma_start3A_21 : memref<100000x128xf32, #tpu.memory_space<hbm>>) target(%dma_start3A_16 : memref<64x128xf32, #tpu.memory_space<vmem>>) offsets(%dma_start3A_18 : memref<64xi32, #tpu.memory_space<vmem>>) semaphore(%arg8 : memref<!tpu.dma_semaphore, #tpu.memory_space<semaphore_mem>>)
    %dma_start3A_22 = arith.constant 2 : i32
    %dma_start3A_23 = arith.constant 0 : i32
    %dma_start3A_24 = arith.constant 0 : i32
    %dma_start3A_25 = tpu.memref_slice %arg6[%dma_start3A_22, %dma_start3A_23, %dma_start3A_24] : memref<10x64x128xf32, #tpu.memory_space<vmem>> -> memref<1x64x128xf32, #tpu.memory_space<vmem>>
    %dma_start3A_26 = tpu.memref_squeeze %dma_start3A_25 : memref<1x64x128xf32, #tpu.memory_space<vmem>> -> memref<64x128xf32, #tpu.memory_space<vmem>>
    %dma_start3A_27 = arith.constant 128 : i32
    %dma_start3A_28 = tpu.memref_slice %arg5[%dma_start3A_27] : memref<3840xi32, #tpu.memory_space<vmem>> -> memref<64xi32, #tpu.memory_space<vmem>>
    %dma_start3A_29 = arith.constant 0 : i32
    %dma_start3A_30 = arith.constant 0 : i32
    %dma_start3A_31 = tpu.memref_slice %arg2[%dma_start3A_29, %dma_start3A_30] : memref<100000x128xf32, #tpu.memory_space<hbm>> -> memref<100000x128xf32, #tpu.memory_space<hbm>>
    tpu.enqueue_indirect_dma source(%dma_start3A_31 : memref<100000x128xf32, #tpu.memory_space<hbm>>) target(%dma_start3A_26 : memref<64x128xf32, #tpu.memory_space<vmem>>) offsets(%dma_start3A_28 : memref<64xi32, #tpu.memory_space<vmem>>) semaphore(%arg9 : memref<!tpu.dma_semaphore, #tpu.memory_space<semaphore_mem>>)
    %dma_start3A_32 = arith.constant 3 : i32
    %dma_start3A_33 = arith.constant 0 : i32
    %dma_start3A_34 = arith.constant 0 : i32
    %dma_start3A_35 = tpu.memref_slice %arg6[%dma_start3A_32, %dma_start3A_33, %dma_start3A_34] : memref<10x64x128xf32, #tpu.memory_space<vmem>> -> memref<1x64x128xf32, #tpu.memory_space<vmem>>
    %dma_start3A_36 = tpu.memref_squeeze %dma_start3A_35 : memref<1x64x128xf32, #tpu.memory_space<vmem>> -> memref<64x128xf32, #tpu.memory_space<vmem>>
    %dma_start3A_37 = arith.constant 192 : i32
    %dma_start3A_38 = tpu.memref_slice %arg5[%dma_start3A_37] : memref<3840xi32, #tpu.memory_space<vmem>> -> memref<64xi32, #tpu.memory_space<vmem>>
    %dma_start3A_39 = arith.constant 0 : i32
    %dma_start3A_40 = arith.constant 0 : i32
    %dma_start3A_41 = tpu.memref_slice %arg2[%dma_start3A_39, %dma_start3A_40] : memref<100000x128xf32, #tpu.memory_space<hbm>> -> memref<100000x128xf32, #tpu.memory_space<hbm>>
    tpu.enqueue_indirect_dma source(%dma_start3A_41 : memref<100000x128xf32, #tpu.memory_space<hbm>>) target(%dma_start3A_36 : memref<64x128xf32, #tpu.memory_space<vmem>>) offsets(%dma_start3A_38 : memref<64xi32, #tpu.memory_space<vmem>>) semaphore(%arg10 : memref<!tpu.dma_semaphore, #tpu.memory_space<semaphore_mem>>)
    %dma_start3A_42 = arith.constant 4 : i32
    %dma_start3A_43 = arith.constant 0 : i32
    %dma_start3A_44 = arith.constant 0 : i32
    %dma_start3A_45 = tpu.memref_slice %arg6[%dma_start3A_42, %dma_start3A_43, %dma_start3A_44] : memref<10x64x128xf32, #tpu.memory_space<vmem>> -> memref<1x64x128xf32, #tpu.memory_space<vmem>>
    %dma_start3A_46 = tpu.memref_squeeze %dma_start3A_45 : memref<1x64x128xf32, #tpu.memory_space<vmem>> -> memref<64x128xf32, #tpu.memory_space<vmem>>
    %dma_start3A_47 = arith.constant 256 : i32
    %dma_start3A_48 = tpu.memref_slice %arg5[%dma_start3A_47] : memref<3840xi32, #tpu.memory_space<vmem>> -> memref<64xi32, #tpu.memory_space<vmem>>
    %dma_start3A_49 = arith.constant 0 : i32
    %dma_start3A_50 = arith.constant 0 : i32
    %dma_start3A_51 = tpu.memref_slice %arg2[%dma_start3A_49, %dma_start3A_50] : memref<100000x128xf32, #tpu.memory_space<hbm>> -> memref<100000x128xf32, #tpu.memory_space<hbm>>
    tpu.enqueue_indirect_dma source(%dma_start3A_51 : memref<100000x128xf32, #tpu.memory_space<hbm>>) target(%dma_start3A_46 : memref<64x128xf32, #tpu.memory_space<vmem>>) offsets(%dma_start3A_48 : memref<64xi32, #tpu.memory_space<vmem>>) semaphore(%arg11 : memref<!tpu.dma_semaphore, #tpu.memory_space<semaphore_mem>>)
    %dma_start3A_52 = arith.constant 5 : i32
    %dma_start3A_53 = arith.constant 0 : i32
    %dma_start3A_54 = arith.constant 0 : i32
    %dma_start3A_55 = tpu.memref_slice %arg6[%dma_start3A_52, %dma_start3A_53, %dma_start3A_54] : memref<10x64x128xf32, #tpu.memory_space<vmem>> -> memref<1x64x128xf32, #tpu.memory_space<vmem>>
    %dma_start3A_56 = tpu.memref_squeeze %dma_start3A_55 : memref<1x64x128xf32, #tpu.memory_space<vmem>> -> memref<64x128xf32, #tpu.memory_space<vmem>>
    %dma_start3A_57 = arith.constant 320 : i32
    %dma_start3A_58 = tpu.memref_slice %arg5[%dma_start3A_57] : memref<3840xi32, #tpu.memory_space<vmem>> -> memref<64xi32, #tpu.memory_space<vmem>>
    %dma_start3A_59 = arith.constant 0 : i32
    %dma_start3A_60 = arith.constant 0 : i32
    %dma_start3A_61 = tpu.memref_slice %arg2[%dma_start3A_59, %dma_start3A_60] : memref<100000x128xf32, #tpu.memory_space<hbm>> -> memref<100000x128xf32, #tpu.memory_space<hbm>>
    tpu.enqueue_indirect_dma source(%dma_start3A_61 : memref<100000x128xf32, #tpu.memory_space<hbm>>) target(%dma_start3A_56 : memref<64x128xf32, #tpu.memory_space<vmem>>) offsets(%dma_start3A_58 : memref<64xi32, #tpu.memory_space<vmem>>) semaphore(%arg12 : memref<!tpu.dma_semaphore, #tpu.memory_space<semaphore_mem>>)
    %dma_start3A_62 = arith.constant 6 : i32
    %dma_start3A_63 = arith.constant 0 : i32
    %dma_start3A_64 = arith.constant 0 : i32
    %dma_start3A_65 = tpu.memref_slice %arg6[%dma_start3A_62, %dma_start3A_63, %dma_start3A_64] : memref<10x64x128xf32, #tpu.memory_space<vmem>> -> memref<1x64x128xf32, #tpu.memory_space<vmem>>
    %dma_start3A_66 = tpu.memref_squeeze %dma_start3A_65 : memref<1x64x128xf32, #tpu.memory_space<vmem>> -> memref<64x128xf32, #tpu.memory_space<vmem>>
    %dma_start3A_67 = arith.constant 384 : i32
    %dma_start3A_68 = tpu.memref_slice %arg5[%dma_start3A_67] : memref<3840xi32, #tpu.memory_space<vmem>> -> memref<64xi32, #tpu.memory_space<vmem>>
    %dma_start3A_69 = arith.constant 0 : i32
    %dma_start3A_70 = arith.constant 0 : i32
    %dma_start3A_71 = tpu.memref_slice %arg2[%dma_start3A_69, %dma_start3A_70] : memref<100000x128xf32, #tpu.memory_space<hbm>> -> memref<100000x128xf32, #tpu.memory_space<hbm>>
    tpu.enqueue_indirect_dma source(%dma_start3A_71 : memref<100000x128xf32, #tpu.memory_space<hbm>>) target(%dma_start3A_66 : memref<64x128xf32, #tpu.memory_space<vmem>>) offsets(%dma_start3A_68 : memref<64xi32, #tpu.memory_space<vmem>>) semaphore(%arg13 : memref<!tpu.dma_semaphore, #tpu.memory_space<semaphore_mem>>)
    %dma_start3A_72 = arith.constant 7 : i32
    %dma_start3A_73 = arith.constant 0 : i32
    %dma_start3A_74 = arith.constant 0 : i32
    %dma_start3A_75 = tpu.memref_slice %arg6[%dma_start3A_72, %dma_start3A_73, %dma_start3A_74] : memref<10x64x128xf32, #tpu.memory_space<vmem>> -> memref<1x64x128xf32, #tpu.memory_space<vmem>>
    %dma_start3A_76 = tpu.memref_squeeze %dma_start3A_75 : memref<1x64x128xf32, #tpu.memory_space<vmem>> -> memref<64x128xf32, #tpu.memory_space<vmem>>
    %dma_start3A_77 = arith.constant 448 : i32
    %dma_start3A_78 = tpu.memref_slice %arg5[%dma_start3A_77] : memref<3840xi32, #tpu.memory_space<vmem>> -> memref<64xi32, #tpu.memory_space<vmem>>
    %dma_start3A_79 = arith.constant 0 : i32
    %dma_start3A_80 = arith.constant 0 : i32
    %dma_start3A_81 = tpu.memref_slice %arg2[%dma_start3A_79, %dma_start3A_80] : memref<100000x128xf32, #tpu.memory_space<hbm>> -> memref<100000x128xf32, #tpu.memory_space<hbm>>
    tpu.enqueue_indirect_dma source(%dma_start3A_81 : memref<100000x128xf32, #tpu.memory_space<hbm>>) target(%dma_start3A_76 : memref<64x128xf32, #tpu.memory_space<vmem>>) offsets(%dma_start3A_78 : memref<64xi32, #tpu.memory_space<vmem>>) semaphore(%arg14 : memref<!tpu.dma_semaphore, #tpu.memory_space<semaphore_mem>>)
    %dma_start3A_82 = arith.constant 8 : i32
    %dma_start3A_83 = arith.constant 0 : i32
    %dma_start3A_84 = arith.constant 0 : i32
    %dma_start3A_85 = tpu.memref_slice %arg6[%dma_start3A_82, %dma_start3A_83, %dma_start3A_84] : memref<10x64x128xf32, #tpu.memory_space<vmem>> -> memref<1x64x128xf32, #tpu.memory_space<vmem>>
    %dma_start3A_86 = tpu.memref_squeeze %dma_start3A_85 : memref<1x64x128xf32, #tpu.memory_space<vmem>> -> memref<64x128xf32, #tpu.memory_space<vmem>>
    %dma_start3A_87 = arith.constant 512 : i32
    %dma_start3A_88 = tpu.memref_slice %arg5[%dma_start3A_87] : memref<3840xi32, #tpu.memory_space<vmem>> -> memref<64xi32, #tpu.memory_space<vmem>>
    %dma_start3A_89 = arith.constant 0 : i32
    %dma_start3A_90 = arith.constant 0 : i32
    %dma_start3A_91 = tpu.memref_slice %arg2[%dma_start3A_89, %dma_start3A_90] : memref<100000x128xf32, #tpu.memory_space<hbm>> -> memref<100000x128xf32, #tpu.memory_space<hbm>>
    tpu.enqueue_indirect_dma source(%dma_start3A_91 : memref<100000x128xf32, #tpu.memory_space<hbm>>) target(%dma_start3A_86 : memref<64x128xf32, #tpu.memory_space<vmem>>) offsets(%dma_start3A_88 : memref<64xi32, #tpu.memory_space<vmem>>) semaphore(%arg15 : memref<!tpu.dma_semaphore, #tpu.memory_space<semaphore_mem>>)
    %scan3A = arith.constant 0 : i32
    %scan3A_92 = arith.constant 0 : i32
    %scan3A_93 = arith.constant 6 : i32
    %scan3A_94 = arith.addi %scan3A_92, %scan3A_93 : i32
    %scan3A_95 = arith.constant 1 : i32
    scf.for %scan3A_246 = %scan3A_92 to %scan3A_94 step %scan3A_95  : i32 {
      %mul3A_247 = arith.constant 10 : i32
      %mul3A_248 = arith.muli %scan3A_246, %mul3A_247 : i32
      %add3A_249 = arith.constant 0 : i32
      %add3A_250 = arith.addi %mul3A_248, %add3A_249 : i32
      %dma_wait3A_251 = arith.constant 0 : i32
      %dma_wait3A_252 = arith.constant 0 : i32
      %dma_wait3A_253 = arith.constant 0 : i32
      %dma_wait3A_254 = tpu.memref_slice %arg6[%dma_wait3A_251, %dma_wait3A_252, %dma_wait3A_253] : memref<10x64x128xf32, #tpu.memory_space<vmem>> -> memref<1x64x128xf32, #tpu.memory_space<vmem>>
      %dma_wait3A_255 = tpu.memref_squeeze %dma_wait3A_254 : memref<1x64x128xf32, #tpu.memory_space<vmem>> -> memref<64x128xf32, #tpu.memory_space<vmem>>
      %dma_wait3A_256 = arith.constant 0 : i32
      %dma_wait3A_257 = arith.constant 0 : i32
      %dma_wait3A_258 = tpu.memref_slice %arg2[%dma_wait3A_256, %dma_wait3A_257] : memref<100000x128xf32, #tpu.memory_space<hbm>> -> memref<64x128xf32, #tpu.memory_space<hbm>>
      %dma_wait3A_259 = arith.constant 0 : i32
      %dma_wait3A_260 = arith.constant 0 : i32
      %dma_wait3A_261 = tpu.memref_slice %arg6[%dma_wait3A_251, %dma_wait3A_259, %dma_wait3A_260] : memref<10x64x128xf32, #tpu.memory_space<vmem>> -> memref<1x64x128xf32, #tpu.memory_space<vmem>>
      %dma_wait3A_262 = tpu.memref_squeeze %dma_wait3A_261 : memref<1x64x128xf32, #tpu.memory_space<vmem>> -> memref<64x128xf32, #tpu.memory_space<vmem>>
      %dma_wait3A_263 = arith.constant 0 : i32
      %dma_wait3A_264 = arith.constant 0 : i32
      %dma_wait3A_265 = tpu.memref_slice %arg2[%dma_wait3A_263, %dma_wait3A_264] : memref<100000x128xf32, #tpu.memory_space<hbm>> -> memref<64x128xf32, #tpu.memory_space<hbm>>
      tpu.wait_dma2 semaphore(%arg7 : memref<!tpu.dma_semaphore, #tpu.memory_space<semaphore_mem>>) src(%dma_wait3A_265 : memref<64x128xf32, #tpu.memory_space<hbm>>) dst(%dma_wait3A_262 : memref<64x128xf32, #tpu.memory_space<vmem>>)
      %mul3A_266 = arith.constant 64 : i32
      %mul3A_267 = arith.muli %add3A_250, %mul3A_266 : i32
      %add3A_268 = arith.addi %mul3A_2, %mul3A_267 : i32
      %dma_start3A_269 = arith.constant 0 : i32
      %dma_start3A_270 = arith.constant 0 : i32
      %dma_start3A_271 = arith.constant 0 : i32
      %dma_start3A_272 = tpu.memref_slice %arg6[%dma_start3A_269, %dma_start3A_270, %dma_start3A_271] : memref<10x64x128xf32, #tpu.memory_space<vmem>> -> memref<1x64x128xf32, #tpu.memory_space<vmem>>
      %dma_start3A_273 = tpu.memref_squeeze %dma_start3A_272 : memref<1x64x128xf32, #tpu.memory_space<vmem>> -> memref<64x128xf32, #tpu.memory_space<vmem>>
      %dma_start3A_274 = arith.constant 0 : i32
      %dma_start3A_275 = tpu.memref_slice %arg4[%add3A_268, %dma_start3A_274] : memref<122880x128xf32, #tpu.memory_space<hbm>> -> memref<64x128xf32, #tpu.memory_space<hbm>>
      %dma_start3A_276 = arith.constant 0 : i32
      %dma_start3A_277 = tpu.memref_slice %arg4[%add3A_268, %dma_start3A_276] : memref<122880x128xf32, #tpu.memory_space<hbm>> -> memref<64x128xf32, #tpu.memory_space<hbm>>
      %dma_start3A_278 = arith.constant 0 : i32
      %dma_start3A_279 = arith.constant 0 : i32
      %dma_start3A_280 = tpu.memref_slice %arg6[%dma_start3A_269, %dma_start3A_278, %dma_start3A_279] : memref<10x64x128xf32, #tpu.memory_space<vmem>> -> memref<1x64x128xf32, #tpu.memory_space<vmem>>
      %dma_start3A_281 = tpu.memref_squeeze %dma_start3A_280 : memref<1x64x128xf32, #tpu.memory_space<vmem>> -> memref<64x128xf32, #tpu.memory_space<vmem>>
      tpu.enqueue_dma source(%dma_start3A_281 : memref<64x128xf32, #tpu.memory_space<vmem>>) target(%dma_start3A_277 : memref<64x128xf32, #tpu.memory_space<hbm>>) target_semaphore(%arg17 : memref<!tpu.dma_semaphore, #tpu.memory_space<semaphore_mem>>)
      %le3A = arith.constant 50 : i32
      %le3A_282 = arith.cmpi sle, %add3A_250, %le3A : i32
      %convert_element_type3A = arith.extui %le3A_282 : i1 to i32
      %cond3A = arith.constant 0 : i32
      %cond3A_283 = arith.cmpi ne, %convert_element_type3A, %cond3A : i32
      scf.if %cond3A_283 {
        %ge3A = arith.constant 1 : i32
        %ge3A_644 = arith.cmpi sge, %add3A_250, %ge3A : i32
        %convert_element_type3A_645 = arith.extui %ge3A_644 : i1 to i32
        %cond3A_646 = arith.constant 0 : i32
        %cond3A_647 = arith.cmpi ne, %convert_element_type3A_645, %cond3A_646 : i32
        scf.if %cond3A_647 {
          %dma_wait3A_662 = arith.constant 9 : i32
          %dma_wait3A_663 = arith.constant 0 : i32
          %dma_wait3A_664 = arith.constant 0 : i32
          %dma_wait3A_665 = tpu.memref_slice %arg6[%dma_wait3A_662, %dma_wait3A_663, %dma_wait3A_664] : memref<10x64x128xf32, #tpu.memory_space<vmem>> -> memref<1x64x128xf32, #tpu.memory_space<vmem>>
          %dma_wait3A_666 = tpu.memref_squeeze %dma_wait3A_665 : memref<1x64x128xf32, #tpu.memory_space<vmem>> -> memref<64x128xf32, #tpu.memory_space<vmem>>
          %dma_wait3A_667 = arith.constant 0 : i32
          %dma_wait3A_668 = arith.constant 0 : i32
          %dma_wait3A_669 = tpu.memref_slice %arg4[%dma_wait3A_667, %dma_wait3A_668] : memref<122880x128xf32, #tpu.memory_space<hbm>> -> memref<64x128xf32, #tpu.memory_space<hbm>>
          %dma_wait3A_670 = arith.constant 0 : i32
          %dma_wait3A_671 = arith.constant 0 : i32
          %dma_wait3A_672 = tpu.memref_slice %arg4[%dma_wait3A_670, %dma_wait3A_671] : memref<122880x128xf32, #tpu.memory_space<hbm>> -> memref<64x128xf32, #tpu.memory_space<hbm>>
          %dma_wait3A_673 = arith.constant 0 : i32
          %dma_wait3A_674 = arith.constant 0 : i32
          %dma_wait3A_675 = tpu.memref_slice %arg6[%dma_wait3A_662, %dma_wait3A_673, %dma_wait3A_674] : memref<10x64x128xf32, #tpu.memory_space<vmem>> -> memref<1x64x128xf32, #tpu.memory_space<vmem>>
          %dma_wait3A_676 = tpu.memref_squeeze %dma_wait3A_675 : memref<1x64x128xf32, #tpu.memory_space<vmem>> -> memref<64x128xf32, #tpu.memory_space<vmem>>
          tpu.wait_dma2 semaphore(%arg26 : memref<!tpu.dma_semaphore, #tpu.memory_space<semaphore_mem>>) src(%dma_wait3A_676 : memref<64x128xf32, #tpu.memory_space<vmem>>) dst(%dma_wait3A_672 : memref<64x128xf32, #tpu.memory_space<hbm>>)
        } else {
        }
        %add3A_648 = arith.constant 10 : i32
        %add3A_649 = arith.addi %add3A_250, %add3A_648 : i32
        %sub3A = arith.constant 1 : i32
        %sub3A_650 = arith.subi %add3A_649, %sub3A : i32
        %mul3A_651 = arith.constant 64 : i32
        %mul3A_652 = arith.muli %sub3A_650, %mul3A_651 : i32
        %dma_start3A_653 = arith.constant 9 : i32
        %dma_start3A_654 = arith.constant 0 : i32
        %dma_start3A_655 = arith.constant 0 : i32
        %dma_start3A_656 = tpu.memref_slice %arg6[%dma_start3A_653, %dma_start3A_654, %dma_start3A_655] : memref<10x64x128xf32, #tpu.memory_space<vmem>> -> memref<1x64x128xf32, #tpu.memory_space<vmem>>
        %dma_start3A_657 = tpu.memref_squeeze %dma_start3A_656 : memref<1x64x128xf32, #tpu.memory_space<vmem>> -> memref<64x128xf32, #tpu.memory_space<vmem>>
        %dma_start3A_658 = tpu.memref_slice %arg5[%mul3A_652] : memref<3840xi32, #tpu.memory_space<vmem>> -> memref<64xi32, #tpu.memory_space<vmem>>
        %dma_start3A_659 = arith.constant 0 : i32
        %dma_start3A_660 = arith.constant 0 : i32
        %dma_start3A_661 = tpu.memref_slice %arg2[%dma_start3A_659, %dma_start3A_660] : memref<100000x128xf32, #tpu.memory_space<hbm>> -> memref<100000x128xf32, #tpu.memory_space<hbm>>
        tpu.enqueue_indirect_dma source(%dma_start3A_661 : memref<100000x128xf32, #tpu.memory_space<hbm>>) target(%dma_start3A_657 : memref<64x128xf32, #tpu.memory_space<vmem>>) offsets(%dma_start3A_658 : memref<64xi32, #tpu.memory_space<vmem>>) semaphore(%arg16 : memref<!tpu.dma_semaphore, #tpu.memory_space<semaphore_mem>>)
      } else {
      }
      %mul3A_284 = arith.constant 10 : i32
      %mul3A_285 = arith.muli %scan3A_246, %mul3A_284 : i32
      %add3A_286 = arith.constant 1 : i32
      %add3A_287 = arith.addi %mul3A_285, %add3A_286 : i32
      %dma_wait3A_288 = arith.constant 1 : i32
      %dma_wait3A_289 = arith.constant 0 : i32
      %dma_wait3A_290 = arith.constant 0 : i32
      %dma_wait3A_291 = tpu.memref_slice %arg6[%dma_wait3A_288, %dma_wait3A_289, %dma_wait3A_290] : memref<10x64x128xf32, #tpu.memory_space<vmem>> -> memref<1x64x128xf32, #tpu.memory_space<vmem>>
      %dma_wait3A_292 = tpu.memref_squeeze %dma_wait3A_291 : memref<1x64x128xf32, #tpu.memory_space<vmem>> -> memref<64x128xf32, #tpu.memory_space<vmem>>
      %dma_wait3A_293 = arith.constant 0 : i32
      %dma_wait3A_294 = arith.constant 0 : i32
      %dma_wait3A_295 = tpu.memref_slice %arg2[%dma_wait3A_293, %dma_wait3A_294] : memref<100000x128xf32, #tpu.memory_space<hbm>> -> memref<64x128xf32, #tpu.memory_space<hbm>>
      %dma_wait3A_296 = arith.constant 0 : i32
      %dma_wait3A_297 = arith.constant 0 : i32
      %dma_wait3A_298 = tpu.memref_slice %arg6[%dma_wait3A_288, %dma_wait3A_296, %dma_wait3A_297] : memref<10x64x128xf32, #tpu.memory_space<vmem>> -> memref<1x64x128xf32, #tpu.memory_space<vmem>>
      %dma_wait3A_299 = tpu.memref_squeeze %dma_wait3A_298 : memref<1x64x128xf32, #tpu.memory_space<vmem>> -> memref<64x128xf32, #tpu.memory_space<vmem>>
      %dma_wait3A_300 = arith.constant 0 : i32
      %dma_wait3A_301 = arith.constant 0 : i32
      %dma_wait3A_302 = tpu.memref_slice %arg2[%dma_wait3A_300, %dma_wait3A_301] : memref<100000x128xf32, #tpu.memory_space<hbm>> -> memref<64x128xf32, #tpu.memory_space<hbm>>
      tpu.wait_dma2 semaphore(%arg8 : memref<!tpu.dma_semaphore, #tpu.memory_space<semaphore_mem>>) src(%dma_wait3A_302 : memref<64x128xf32, #tpu.memory_space<hbm>>) dst(%dma_wait3A_299 : memref<64x128xf32, #tpu.memory_space<vmem>>)
      %mul3A_303 = arith.constant 64 : i32
      %mul3A_304 = arith.muli %add3A_287, %mul3A_303 : i32
      %add3A_305 = arith.addi %mul3A_2, %mul3A_304 : i32
      %dma_start3A_306 = arith.constant 1 : i32
      %dma_start3A_307 = arith.constant 0 : i32
      %dma_start3A_308 = arith.constant 0 : i32
      %dma_start3A_309 = tpu.memref_slice %arg6[%dma_start3A_306, %dma_start3A_307, %dma_start3A_308] : memref<10x64x128xf32, #tpu.memory_space<vmem>> -> memref<1x64x128xf32, #tpu.memory_space<vmem>>
      %dma_start3A_310 = tpu.memref_squeeze %dma_start3A_309 : memref<1x64x128xf32, #tpu.memory_space<vmem>> -> memref<64x128xf32, #tpu.memory_space<vmem>>
      %dma_start3A_311 = arith.constant 0 : i32
      %dma_start3A_312 = tpu.memref_slice %arg4[%add3A_305, %dma_start3A_311] : memref<122880x128xf32, #tpu.memory_space<hbm>> -> memref<64x128xf32, #tpu.memory_space<hbm>>
      %dma_start3A_313 = arith.constant 0 : i32
      %dma_start3A_314 = tpu.memref_slice %arg4[%add3A_305, %dma_start3A_313] : memref<122880x128xf32, #tpu.memory_space<hbm>> -> memref<64x128xf32, #tpu.memory_space<hbm>>
      %dma_start3A_315 = arith.constant 0 : i32
      %dma_start3A_316 = arith.constant 0 : i32
      %dma_start3A_317 = tpu.memref_slice %arg6[%dma_start3A_306, %dma_start3A_315, %dma_start3A_316] : memref<10x64x128xf32, #tpu.memory_space<vmem>> -> memref<1x64x128xf32, #tpu.memory_space<vmem>>
      %dma_start3A_318 = tpu.memref_squeeze %dma_start3A_317 : memref<1x64x128xf32, #tpu.memory_space<vmem>> -> memref<64x128xf32, #tpu.memory_space<vmem>>
      tpu.enqueue_dma source(%dma_start3A_318 : memref<64x128xf32, #tpu.memory_space<vmem>>) target(%dma_start3A_314 : memref<64x128xf32, #tpu.memory_space<hbm>>) target_semaphore(%arg18 : memref<!tpu.dma_semaphore, #tpu.memory_space<semaphore_mem>>)
      %le3A_319 = arith.constant 50 : i32
      %le3A_320 = arith.cmpi sle, %add3A_287, %le3A_319 : i32
      %convert_element_type3A_321 = arith.extui %le3A_320 : i1 to i32
      %cond3A_322 = arith.constant 0 : i32
      %cond3A_323 = arith.cmpi ne, %convert_element_type3A_321, %cond3A_322 : i32
      scf.if %cond3A_323 {
        %ge3A = arith.constant 1 : i32
        %ge3A_644 = arith.cmpi sge, %add3A_287, %ge3A : i32
        %convert_element_type3A_645 = arith.extui %ge3A_644 : i1 to i32
        %cond3A_646 = arith.constant 0 : i32
        %cond3A_647 = arith.cmpi ne, %convert_element_type3A_645, %cond3A_646 : i32
        scf.if %cond3A_647 {
          %dma_wait3A_662 = arith.constant 0 : i32
          %dma_wait3A_663 = arith.constant 0 : i32
          %dma_wait3A_664 = arith.constant 0 : i32
          %dma_wait3A_665 = tpu.memref_slice %arg6[%dma_wait3A_662, %dma_wait3A_663, %dma_wait3A_664] : memref<10x64x128xf32, #tpu.memory_space<vmem>> -> memref<1x64x128xf32, #tpu.memory_space<vmem>>
          %dma_wait3A_666 = tpu.memref_squeeze %dma_wait3A_665 : memref<1x64x128xf32, #tpu.memory_space<vmem>> -> memref<64x128xf32, #tpu.memory_space<vmem>>
          %dma_wait3A_667 = arith.constant 0 : i32
          %dma_wait3A_668 = arith.constant 0 : i32
          %dma_wait3A_669 = tpu.memref_slice %arg4[%dma_wait3A_667, %dma_wait3A_668] : memref<122880x128xf32, #tpu.memory_space<hbm>> -> memref<64x128xf32, #tpu.memory_space<hbm>>
          %dma_wait3A_670 = arith.constant 0 : i32
          %dma_wait3A_671 = arith.constant 0 : i32
          %dma_wait3A_672 = tpu.memref_slice %arg4[%dma_wait3A_670, %dma_wait3A_671] : memref<122880x128xf32, #tpu.memory_space<hbm>> -> memref<64x128xf32, #tpu.memory_space<hbm>>
          %dma_wait3A_673 = arith.constant 0 : i32
          %dma_wait3A_674 = arith.constant 0 : i32
          %dma_wait3A_675 = tpu.memref_slice %arg6[%dma_wait3A_662, %dma_wait3A_673, %dma_wait3A_674] : memref<10x64x128xf32, #tpu.memory_space<vmem>> -> memref<1x64x128xf32, #tpu.memory_space<vmem>>
          %dma_wait3A_676 = tpu.memref_squeeze %dma_wait3A_675 : memref<1x64x128xf32, #tpu.memory_space<vmem>> -> memref<64x128xf32, #tpu.memory_space<vmem>>
          tpu.wait_dma2 semaphore(%arg17 : memref<!tpu.dma_semaphore, #tpu.memory_space<semaphore_mem>>) src(%dma_wait3A_676 : memref<64x128xf32, #tpu.memory_space<vmem>>) dst(%dma_wait3A_672 : memref<64x128xf32, #tpu.memory_space<hbm>>)
        } else {
        }
        %add3A_648 = arith.constant 10 : i32
        %add3A_649 = arith.addi %add3A_287, %add3A_648 : i32
        %sub3A = arith.constant 1 : i32
        %sub3A_650 = arith.subi %add3A_649, %sub3A : i32
        %mul3A_651 = arith.constant 64 : i32
        %mul3A_652 = arith.muli %sub3A_650, %mul3A_651 : i32
        %dma_start3A_653 = arith.constant 0 : i32
        %dma_start3A_654 = arith.constant 0 : i32
        %dma_start3A_655 = arith.constant 0 : i32
        %dma_start3A_656 = tpu.memref_slice %arg6[%dma_start3A_653, %dma_start3A_654, %dma_start3A_655] : memref<10x64x128xf32, #tpu.memory_space<vmem>> -> memref<1x64x128xf32, #tpu.memory_space<vmem>>
        %dma_start3A_657 = tpu.memref_squeeze %dma_start3A_656 : memref<1x64x128xf32, #tpu.memory_space<vmem>> -> memref<64x128xf32, #tpu.memory_space<vmem>>
        %dma_start3A_658 = tpu.memref_slice %arg5[%mul3A_652] : memref<3840xi32, #tpu.memory_space<vmem>> -> memref<64xi32, #tpu.memory_space<vmem>>
        %dma_start3A_659 = arith.constant 0 : i32
        %dma_start3A_660 = arith.constant 0 : i32
        %dma_start3A_661 = tpu.memref_slice %arg2[%dma_start3A_659, %dma_start3A_660] : memref<100000x128xf32, #tpu.memory_space<hbm>> -> memref<100000x128xf32, #tpu.memory_space<hbm>>
        tpu.enqueue_indirect_dma source(%dma_start3A_661 : memref<100000x128xf32, #tpu.memory_space<hbm>>) target(%dma_start3A_657 : memref<64x128xf32, #tpu.memory_space<vmem>>) offsets(%dma_start3A_658 : memref<64xi32, #tpu.memory_space<vmem>>) semaphore(%arg7 : memref<!tpu.dma_semaphore, #tpu.memory_space<semaphore_mem>>)
      } else {
      }
      %mul3A_324 = arith.constant 10 : i32
      %mul3A_325 = arith.muli %scan3A_246, %mul3A_324 : i32
      %add3A_326 = arith.constant 2 : i32
      %add3A_327 = arith.addi %mul3A_325, %add3A_326 : i32
      %dma_wait3A_328 = arith.constant 2 : i32
      %dma_wait3A_329 = arith.constant 0 : i32
      %dma_wait3A_330 = arith.constant 0 : i32
      %dma_wait3A_331 = tpu.memref_slice %arg6[%dma_wait3A_328, %dma_wait3A_329, %dma_wait3A_330] : memref<10x64x128xf32, #tpu.memory_space<vmem>> -> memref<1x64x128xf32, #tpu.memory_space<vmem>>
      %dma_wait3A_332 = tpu.memref_squeeze %dma_wait3A_331 : memref<1x64x128xf32, #tpu.memory_space<vmem>> -> memref<64x128xf32, #tpu.memory_space<vmem>>
      %dma_wait3A_333 = arith.constant 0 : i32
      %dma_wait3A_334 = arith.constant 0 : i32
      %dma_wait3A_335 = tpu.memref_slice %arg2[%dma_wait3A_333, %dma_wait3A_334] : memref<100000x128xf32, #tpu.memory_space<hbm>> -> memref<64x128xf32, #tpu.memory_space<hbm>>
      %dma_wait3A_336 = arith.constant 0 : i32
      %dma_wait3A_337 = arith.constant 0 : i32
      %dma_wait3A_338 = tpu.memref_slice %arg6[%dma_wait3A_328, %dma_wait3A_336, %dma_wait3A_337] : memref<10x64x128xf32, #tpu.memory_space<vmem>> -> memref<1x64x128xf32, #tpu.memory_space<vmem>>
      %dma_wait3A_339 = tpu.memref_squeeze %dma_wait3A_338 : memref<1x64x128xf32, #tpu.memory_space<vmem>> -> memref<64x128xf32, #tpu.memory_space<vmem>>
      %dma_wait3A_340 = arith.constant 0 : i32
      %dma_wait3A_341 = arith.constant 0 : i32
      %dma_wait3A_342 = tpu.memref_slice %arg2[%dma_wait3A_340, %dma_wait3A_341] : memref<100000x128xf32, #tpu.memory_space<hbm>> -> memref<64x128xf32, #tpu.memory_space<hbm>>
      tpu.wait_dma2 semaphore(%arg9 : memref<!tpu.dma_semaphore, #tpu.memory_space<semaphore_mem>>) src(%dma_wait3A_342 : memref<64x128xf32, #tpu.memory_space<hbm>>) dst(%dma_wait3A_339 : memref<64x128xf32, #tpu.memory_space<vmem>>)
      %mul3A_343 = arith.constant 64 : i32
      %mul3A_344 = arith.muli %add3A_327, %mul3A_343 : i32
      %add3A_345 = arith.addi %mul3A_2, %mul3A_344 : i32
      %dma_start3A_346 = arith.constant 2 : i32
      %dma_start3A_347 = arith.constant 0 : i32
      %dma_start3A_348 = arith.constant 0 : i32
      %dma_start3A_349 = tpu.memref_slice %arg6[%dma_start3A_346, %dma_start3A_347, %dma_start3A_348] : memref<10x64x128xf32, #tpu.memory_space<vmem>> -> memref<1x64x128xf32, #tpu.memory_space<vmem>>
      %dma_start3A_350 = tpu.memref_squeeze %dma_start3A_349 : memref<1x64x128xf32, #tpu.memory_space<vmem>> -> memref<64x128xf32, #tpu.memory_space<vmem>>
      %dma_start3A_351 = arith.constant 0 : i32
      %dma_start3A_352 = tpu.memref_slice %arg4[%add3A_345, %dma_start3A_351] : memref<122880x128xf32, #tpu.memory_space<hbm>> -> memref<64x128xf32, #tpu.memory_space<hbm>>
      %dma_start3A_353 = arith.constant 0 : i32
      %dma_start3A_354 = tpu.memref_slice %arg4[%add3A_345, %dma_start3A_353] : memref<122880x128xf32, #tpu.memory_space<hbm>> -> memref<64x128xf32, #tpu.memory_space<hbm>>
      %dma_start3A_355 = arith.constant 0 : i32
      %dma_start3A_356 = arith.constant 0 : i32
      %dma_start3A_357 = tpu.memref_slice %arg6[%dma_start3A_346, %dma_start3A_355, %dma_start3A_356] : memref<10x64x128xf32, #tpu.memory_space<vmem>> -> memref<1x64x128xf32, #tpu.memory_space<vmem>>
      %dma_start3A_358 = tpu.memref_squeeze %dma_start3A_357 : memref<1x64x128xf32, #tpu.memory_space<vmem>> -> memref<64x128xf32, #tpu.memory_space<vmem>>
      tpu.enqueue_dma source(%dma_start3A_358 : memref<64x128xf32, #tpu.memory_space<vmem>>) target(%dma_start3A_354 : memref<64x128xf32, #tpu.memory_space<hbm>>) target_semaphore(%arg19 : memref<!tpu.dma_semaphore, #tpu.memory_space<semaphore_mem>>)
      %le3A_359 = arith.constant 50 : i32
      %le3A_360 = arith.cmpi sle, %add3A_327, %le3A_359 : i32
      %convert_element_type3A_361 = arith.extui %le3A_360 : i1 to i32
      %cond3A_362 = arith.constant 0 : i32
      %cond3A_363 = arith.cmpi ne, %convert_element_type3A_361, %cond3A_362 : i32
      scf.if %cond3A_363 {
        %ge3A = arith.constant 1 : i32
        %ge3A_644 = arith.cmpi sge, %add3A_327, %ge3A : i32
        %convert_element_type3A_645 = arith.extui %ge3A_644 : i1 to i32
        %cond3A_646 = arith.constant 0 : i32
        %cond3A_647 = arith.cmpi ne, %convert_element_type3A_645, %cond3A_646 : i32
        scf.if %cond3A_647 {
          %dma_wait3A_662 = arith.constant 1 : i32
          %dma_wait3A_663 = arith.constant 0 : i32
          %dma_wait3A_664 = arith.constant 0 : i32
          %dma_wait3A_665 = tpu.memref_slice %arg6[%dma_wait3A_662, %dma_wait3A_663, %dma_wait3A_664] : memref<10x64x128xf32, #tpu.memory_space<vmem>> -> memref<1x64x128xf32, #tpu.memory_space<vmem>>
          %dma_wait3A_666 = tpu.memref_squeeze %dma_wait3A_665 : memref<1x64x128xf32, #tpu.memory_space<vmem>> -> memref<64x128xf32, #tpu.memory_space<vmem>>
          %dma_wait3A_667 = arith.constant 0 : i32
          %dma_wait3A_668 = arith.constant 0 : i32
          %dma_wait3A_669 = tpu.memref_slice %arg4[%dma_wait3A_667, %dma_wait3A_668] : memref<122880x128xf32, #tpu.memory_space<hbm>> -> memref<64x128xf32, #tpu.memory_space<hbm>>
          %dma_wait3A_670 = arith.constant 0 : i32
          %dma_wait3A_671 = arith.constant 0 : i32
          %dma_wait3A_672 = tpu.memref_slice %arg4[%dma_wait3A_670, %dma_wait3A_671] : memref<122880x128xf32, #tpu.memory_space<hbm>> -> memref<64x128xf32, #tpu.memory_space<hbm>>
          %dma_wait3A_673 = arith.constant 0 : i32
          %dma_wait3A_674 = arith.constant 0 : i32
          %dma_wait3A_675 = tpu.memref_slice %arg6[%dma_wait3A_662, %dma_wait3A_673, %dma_wait3A_674] : memref<10x64x128xf32, #tpu.memory_space<vmem>> -> memref<1x64x128xf32, #tpu.memory_space<vmem>>
          %dma_wait3A_676 = tpu.memref_squeeze %dma_wait3A_675 : memref<1x64x128xf32, #tpu.memory_space<vmem>> -> memref<64x128xf32, #tpu.memory_space<vmem>>
          tpu.wait_dma2 semaphore(%arg18 : memref<!tpu.dma_semaphore, #tpu.memory_space<semaphore_mem>>) src(%dma_wait3A_676 : memref<64x128xf32, #tpu.memory_space<vmem>>) dst(%dma_wait3A_672 : memref<64x128xf32, #tpu.memory_space<hbm>>)
        } else {
        }
        %add3A_648 = arith.constant 10 : i32
        %add3A_649 = arith.addi %add3A_327, %add3A_648 : i32
        %sub3A = arith.constant 1 : i32
        %sub3A_650 = arith.subi %add3A_649, %sub3A : i32
        %mul3A_651 = arith.constant 64 : i32
        %mul3A_652 = arith.muli %sub3A_650, %mul3A_651 : i32
        %dma_start3A_653 = arith.constant 1 : i32
        %dma_start3A_654 = arith.constant 0 : i32
        %dma_start3A_655 = arith.constant 0 : i32
        %dma_start3A_656 = tpu.memref_slice %arg6[%dma_start3A_653, %dma_start3A_654, %dma_start3A_655] : memref<10x64x128xf32, #tpu.memory_space<vmem>> -> memref<1x64x128xf32, #tpu.memory_space<vmem>>
        %dma_start3A_657 = tpu.memref_squeeze %dma_start3A_656 : memref<1x64x128xf32, #tpu.memory_space<vmem>> -> memref<64x128xf32, #tpu.memory_space<vmem>>
        %dma_start3A_658 = tpu.memref_slice %arg5[%mul3A_652] : memref<3840xi32, #tpu.memory_space<vmem>> -> memref<64xi32, #tpu.memory_space<vmem>>
        %dma_start3A_659 = arith.constant 0 : i32
        %dma_start3A_660 = arith.constant 0 : i32
        %dma_start3A_661 = tpu.memref_slice %arg2[%dma_start3A_659, %dma_start3A_660] : memref<100000x128xf32, #tpu.memory_space<hbm>> -> memref<100000x128xf32, #tpu.memory_space<hbm>>
        tpu.enqueue_indirect_dma source(%dma_start3A_661 : memref<100000x128xf32, #tpu.memory_space<hbm>>) target(%dma_start3A_657 : memref<64x128xf32, #tpu.memory_space<vmem>>) offsets(%dma_start3A_658 : memref<64xi32, #tpu.memory_space<vmem>>) semaphore(%arg8 : memref<!tpu.dma_semaphore, #tpu.memory_space<semaphore_mem>>)
      } else {
      }
      %mul3A_364 = arith.constant 10 : i32
      %mul3A_365 = arith.muli %scan3A_246, %mul3A_364 : i32
      %add3A_366 = arith.constant 3 : i32
      %add3A_367 = arith.addi %mul3A_365, %add3A_366 : i32
      %dma_wait3A_368 = arith.constant 3 : i32
      %dma_wait3A_369 = arith.constant 0 : i32
      %dma_wait3A_370 = arith.constant 0 : i32
      %dma_wait3A_371 = tpu.memref_slice %arg6[%dma_wait3A_368, %dma_wait3A_369, %dma_wait3A_370] : memref<10x64x128xf32, #tpu.memory_space<vmem>> -> memref<1x64x128xf32, #tpu.memory_space<vmem>>
      %dma_wait3A_372 = tpu.memref_squeeze %dma_wait3A_371 : memref<1x64x128xf32, #tpu.memory_space<vmem>> -> memref<64x128xf32, #tpu.memory_space<vmem>>
      %dma_wait3A_373 = arith.constant 0 : i32
      %dma_wait3A_374 = arith.constant 0 : i32
      %dma_wait3A_375 = tpu.memref_slice %arg2[%dma_wait3A_373, %dma_wait3A_374] : memref<100000x128xf32, #tpu.memory_space<hbm>> -> memref<64x128xf32, #tpu.memory_space<hbm>>
      %dma_wait3A_376 = arith.constant 0 : i32
      %dma_wait3A_377 = arith.constant 0 : i32
      %dma_wait3A_378 = tpu.memref_slice %arg6[%dma_wait3A_368, %dma_wait3A_376, %dma_wait3A_377] : memref<10x64x128xf32, #tpu.memory_space<vmem>> -> memref<1x64x128xf32, #tpu.memory_space<vmem>>
      %dma_wait3A_379 = tpu.memref_squeeze %dma_wait3A_378 : memref<1x64x128xf32, #tpu.memory_space<vmem>> -> memref<64x128xf32, #tpu.memory_space<vmem>>
      %dma_wait3A_380 = arith.constant 0 : i32
      %dma_wait3A_381 = arith.constant 0 : i32
      %dma_wait3A_382 = tpu.memref_slice %arg2[%dma_wait3A_380, %dma_wait3A_381] : memref<100000x128xf32, #tpu.memory_space<hbm>> -> memref<64x128xf32, #tpu.memory_space<hbm>>
      tpu.wait_dma2 semaphore(%arg10 : memref<!tpu.dma_semaphore, #tpu.memory_space<semaphore_mem>>) src(%dma_wait3A_382 : memref<64x128xf32, #tpu.memory_space<hbm>>) dst(%dma_wait3A_379 : memref<64x128xf32, #tpu.memory_space<vmem>>)
      %mul3A_383 = arith.constant 64 : i32
      %mul3A_384 = arith.muli %add3A_367, %mul3A_383 : i32
      %add3A_385 = arith.addi %mul3A_2, %mul3A_384 : i32
      %dma_start3A_386 = arith.constant 3 : i32
      %dma_start3A_387 = arith.constant 0 : i32
      %dma_start3A_388 = arith.constant 0 : i32
      %dma_start3A_389 = tpu.memref_slice %arg6[%dma_start3A_386, %dma_start3A_387, %dma_start3A_388] : memref<10x64x128xf32, #tpu.memory_space<vmem>> -> memref<1x64x128xf32, #tpu.memory_space<vmem>>
      %dma_start3A_390 = tpu.memref_squeeze %dma_start3A_389 : memref<1x64x128xf32, #tpu.memory_space<vmem>> -> memref<64x128xf32, #tpu.memory_space<vmem>>
      %dma_start3A_391 = arith.constant 0 : i32
      %dma_start3A_392 = tpu.memref_slice %arg4[%add3A_385, %dma_start3A_391] : memref<122880x128xf32, #tpu.memory_space<hbm>> -> memref<64x128xf32, #tpu.memory_space<hbm>>
      %dma_start3A_393 = arith.constant 0 : i32
      %dma_start3A_394 = tpu.memref_slice %arg4[%add3A_385, %dma_start3A_393] : memref<122880x128xf32, #tpu.memory_space<hbm>> -> memref<64x128xf32, #tpu.memory_space<hbm>>
      %dma_start3A_395 = arith.constant 0 : i32
      %dma_start3A_396 = arith.constant 0 : i32
      %dma_start3A_397 = tpu.memref_slice %arg6[%dma_start3A_386, %dma_start3A_395, %dma_start3A_396] : memref<10x64x128xf32, #tpu.memory_space<vmem>> -> memref<1x64x128xf32, #tpu.memory_space<vmem>>
      %dma_start3A_398 = tpu.memref_squeeze %dma_start3A_397 : memref<1x64x128xf32, #tpu.memory_space<vmem>> -> memref<64x128xf32, #tpu.memory_space<vmem>>
      tpu.enqueue_dma source(%dma_start3A_398 : memref<64x128xf32, #tpu.memory_space<vmem>>) target(%dma_start3A_394 : memref<64x128xf32, #tpu.memory_space<hbm>>) target_semaphore(%arg20 : memref<!tpu.dma_semaphore, #tpu.memory_space<semaphore_mem>>)
      %le3A_399 = arith.constant 50 : i32
      %le3A_400 = arith.cmpi sle, %add3A_367, %le3A_399 : i32
      %convert_element_type3A_401 = arith.extui %le3A_400 : i1 to i32
      %cond3A_402 = arith.constant 0 : i32
      %cond3A_403 = arith.cmpi ne, %convert_element_type3A_401, %cond3A_402 : i32
      scf.if %cond3A_403 {
        %ge3A = arith.constant 1 : i32
        %ge3A_644 = arith.cmpi sge, %add3A_367, %ge3A : i32
        %convert_element_type3A_645 = arith.extui %ge3A_644 : i1 to i32
        %cond3A_646 = arith.constant 0 : i32
        %cond3A_647 = arith.cmpi ne, %convert_element_type3A_645, %cond3A_646 : i32
        scf.if %cond3A_647 {
          %dma_wait3A_662 = arith.constant 2 : i32
          %dma_wait3A_663 = arith.constant 0 : i32
          %dma_wait3A_664 = arith.constant 0 : i32
          %dma_wait3A_665 = tpu.memref_slice %arg6[%dma_wait3A_662, %dma_wait3A_663, %dma_wait3A_664] : memref<10x64x128xf32, #tpu.memory_space<vmem>> -> memref<1x64x128xf32, #tpu.memory_space<vmem>>
          %dma_wait3A_666 = tpu.memref_squeeze %dma_wait3A_665 : memref<1x64x128xf32, #tpu.memory_space<vmem>> -> memref<64x128xf32, #tpu.memory_space<vmem>>
          %dma_wait3A_667 = arith.constant 0 : i32
          %dma_wait3A_668 = arith.constant 0 : i32
          %dma_wait3A_669 = tpu.memref_slice %arg4[%dma_wait3A_667, %dma_wait3A_668] : memref<122880x128xf32, #tpu.memory_space<hbm>> -> memref<64x128xf32, #tpu.memory_space<hbm>>
          %dma_wait3A_670 = arith.constant 0 : i32
          %dma_wait3A_671 = arith.constant 0 : i32
          %dma_wait3A_672 = tpu.memref_slice %arg4[%dma_wait3A_670, %dma_wait3A_671] : memref<122880x128xf32, #tpu.memory_space<hbm>> -> memref<64x128xf32, #tpu.memory_space<hbm>>
          %dma_wait3A_673 = arith.constant 0 : i32
          %dma_wait3A_674 = arith.constant 0 : i32
          %dma_wait3A_675 = tpu.memref_slice %arg6[%dma_wait3A_662, %dma_wait3A_673, %dma_wait3A_674] : memref<10x64x128xf32, #tpu.memory_space<vmem>> -> memref<1x64x128xf32, #tpu.memory_space<vmem>>
          %dma_wait3A_676 = tpu.memref_squeeze %dma_wait3A_675 : memref<1x64x128xf32, #tpu.memory_space<vmem>> -> memref<64x128xf32, #tpu.memory_space<vmem>>
          tpu.wait_dma2 semaphore(%arg19 : memref<!tpu.dma_semaphore, #tpu.memory_space<semaphore_mem>>) src(%dma_wait3A_676 : memref<64x128xf32, #tpu.memory_space<vmem>>) dst(%dma_wait3A_672 : memref<64x128xf32, #tpu.memory_space<hbm>>)
        } else {
        }
        %add3A_648 = arith.constant 10 : i32
        %add3A_649 = arith.addi %add3A_367, %add3A_648 : i32
        %sub3A = arith.constant 1 : i32
        %sub3A_650 = arith.subi %add3A_649, %sub3A : i32
        %mul3A_651 = arith.constant 64 : i32
        %mul3A_652 = arith.muli %sub3A_650, %mul3A_651 : i32
        %dma_start3A_653 = arith.constant 2 : i32
        %dma_start3A_654 = arith.constant 0 : i32
        %dma_start3A_655 = arith.constant 0 : i32
        %dma_start3A_656 = tpu.memref_slice %arg6[%dma_start3A_653, %dma_start3A_654, %dma_start3A_655] : memref<10x64x128xf32, #tpu.memory_space<vmem>> -> memref<1x64x128xf32, #tpu.memory_space<vmem>>
        %dma_start3A_657 = tpu.memref_squeeze %dma_start3A_656 : memref<1x64x128xf32, #tpu.memory_space<vmem>> -> memref<64x128xf32, #tpu.memory_space<vmem>>
        %dma_start3A_658 = tpu.memref_slice %arg5[%mul3A_652] : memref<3840xi32, #tpu.memory_space<vmem>> -> memref<64xi32, #tpu.memory_space<vmem>>
        %dma_start3A_659 = arith.constant 0 : i32
        %dma_start3A_660 = arith.constant 0 : i32
        %dma_start3A_661 = tpu.memref_slice %arg2[%dma_start3A_659, %dma_start3A_660] : memref<100000x128xf32, #tpu.memory_space<hbm>> -> memref<100000x128xf32, #tpu.memory_space<hbm>>
        tpu.enqueue_indirect_dma source(%dma_start3A_661 : memref<100000x128xf32, #tpu.memory_space<hbm>>) target(%dma_start3A_657 : memref<64x128xf32, #tpu.memory_space<vmem>>) offsets(%dma_start3A_658 : memref<64xi32, #tpu.memory_space<vmem>>) semaphore(%arg9 : memref<!tpu.dma_semaphore, #tpu.memory_space<semaphore_mem>>)
      } else {
      }
      %mul3A_404 = arith.constant 10 : i32
      %mul3A_405 = arith.muli %scan3A_246, %mul3A_404 : i32
      %add3A_406 = arith.constant 4 : i32
      %add3A_407 = arith.addi %mul3A_405, %add3A_406 : i32
      %dma_wait3A_408 = arith.constant 4 : i32
      %dma_wait3A_409 = arith.constant 0 : i32
      %dma_wait3A_410 = arith.constant 0 : i32
      %dma_wait3A_411 = tpu.memref_slice %arg6[%dma_wait3A_408, %dma_wait3A_409, %dma_wait3A_410] : memref<10x64x128xf32, #tpu.memory_space<vmem>> -> memref<1x64x128xf32, #tpu.memory_space<vmem>>
      %dma_wait3A_412 = tpu.memref_squeeze %dma_wait3A_411 : memref<1x64x128xf32, #tpu.memory_space<vmem>> -> memref<64x128xf32, #tpu.memory_space<vmem>>
      %dma_wait3A_413 = arith.constant 0 : i32
      %dma_wait3A_414 = arith.constant 0 : i32
      %dma_wait3A_415 = tpu.memref_slice %arg2[%dma_wait3A_413, %dma_wait3A_414] : memref<100000x128xf32, #tpu.memory_space<hbm>> -> memref<64x128xf32, #tpu.memory_space<hbm>>
      %dma_wait3A_416 = arith.constant 0 : i32
      %dma_wait3A_417 = arith.constant 0 : i32
      %dma_wait3A_418 = tpu.memref_slice %arg6[%dma_wait3A_408, %dma_wait3A_416, %dma_wait3A_417] : memref<10x64x128xf32, #tpu.memory_space<vmem>> -> memref<1x64x128xf32, #tpu.memory_space<vmem>>
      %dma_wait3A_419 = tpu.memref_squeeze %dma_wait3A_418 : memref<1x64x128xf32, #tpu.memory_space<vmem>> -> memref<64x128xf32, #tpu.memory_space<vmem>>
      %dma_wait3A_420 = arith.constant 0 : i32
      %dma_wait3A_421 = arith.constant 0 : i32
      %dma_wait3A_422 = tpu.memref_slice %arg2[%dma_wait3A_420, %dma_wait3A_421] : memref<100000x128xf32, #tpu.memory_space<hbm>> -> memref<64x128xf32, #tpu.memory_space<hbm>>
      tpu.wait_dma2 semaphore(%arg11 : memref<!tpu.dma_semaphore, #tpu.memory_space<semaphore_mem>>) src(%dma_wait3A_422 : memref<64x128xf32, #tpu.memory_space<hbm>>) dst(%dma_wait3A_419 : memref<64x128xf32, #tpu.memory_space<vmem>>)
      %mul3A_423 = arith.constant 64 : i32
      %mul3A_424 = arith.muli %add3A_407, %mul3A_423 : i32
      %add3A_425 = arith.addi %mul3A_2, %mul3A_424 : i32
      %dma_start3A_426 = arith.constant 4 : i32
      %dma_start3A_427 = arith.constant 0 : i32
      %dma_start3A_428 = arith.constant 0 : i32
      %dma_start3A_429 = tpu.memref_slice %arg6[%dma_start3A_426, %dma_start3A_427, %dma_start3A_428] : memref<10x64x128xf32, #tpu.memory_space<vmem>> -> memref<1x64x128xf32, #tpu.memory_space<vmem>>
      %dma_start3A_430 = tpu.memref_squeeze %dma_start3A_429 : memref<1x64x128xf32, #tpu.memory_space<vmem>> -> memref<64x128xf32, #tpu.memory_space<vmem>>
      %dma_start3A_431 = arith.constant 0 : i32
      %dma_start3A_432 = tpu.memref_slice %arg4[%add3A_425, %dma_start3A_431] : memref<122880x128xf32, #tpu.memory_space<hbm>> -> memref<64x128xf32, #tpu.memory_space<hbm>>
      %dma_start3A_433 = arith.constant 0 : i32
      %dma_start3A_434 = tpu.memref_slice %arg4[%add3A_425, %dma_start3A_433] : memref<122880x128xf32, #tpu.memory_space<hbm>> -> memref<64x128xf32, #tpu.memory_space<hbm>>
      %dma_start3A_435 = arith.constant 0 : i32
      %dma_start3A_436 = arith.constant 0 : i32
      %dma_start3A_437 = tpu.memref_slice %arg6[%dma_start3A_426, %dma_start3A_435, %dma_start3A_436] : memref<10x64x128xf32, #tpu.memory_space<vmem>> -> memref<1x64x128xf32, #tpu.memory_space<vmem>>
      %dma_start3A_438 = tpu.memref_squeeze %dma_start3A_437 : memref<1x64x128xf32, #tpu.memory_space<vmem>> -> memref<64x128xf32, #tpu.memory_space<vmem>>
      tpu.enqueue_dma source(%dma_start3A_438 : memref<64x128xf32, #tpu.memory_space<vmem>>) target(%dma_start3A_434 : memref<64x128xf32, #tpu.memory_space<hbm>>) target_semaphore(%arg21 : memref<!tpu.dma_semaphore, #tpu.memory_space<semaphore_mem>>)
      %le3A_439 = arith.constant 50 : i32
      %le3A_440 = arith.cmpi sle, %add3A_407, %le3A_439 : i32
      %convert_element_type3A_441 = arith.extui %le3A_440 : i1 to i32
      %cond3A_442 = arith.constant 0 : i32
      %cond3A_443 = arith.cmpi ne, %convert_element_type3A_441, %cond3A_442 : i32
      scf.if %cond3A_443 {
        %ge3A = arith.constant 1 : i32
        %ge3A_644 = arith.cmpi sge, %add3A_407, %ge3A : i32
        %convert_element_type3A_645 = arith.extui %ge3A_644 : i1 to i32
        %cond3A_646 = arith.constant 0 : i32
        %cond3A_647 = arith.cmpi ne, %convert_element_type3A_645, %cond3A_646 : i32
        scf.if %cond3A_647 {
          %dma_wait3A_662 = arith.constant 3 : i32
          %dma_wait3A_663 = arith.constant 0 : i32
          %dma_wait3A_664 = arith.constant 0 : i32
          %dma_wait3A_665 = tpu.memref_slice %arg6[%dma_wait3A_662, %dma_wait3A_663, %dma_wait3A_664] : memref<10x64x128xf32, #tpu.memory_space<vmem>> -> memref<1x64x128xf32, #tpu.memory_space<vmem>>
          %dma_wait3A_666 = tpu.memref_squeeze %dma_wait3A_665 : memref<1x64x128xf32, #tpu.memory_space<vmem>> -> memref<64x128xf32, #tpu.memory_space<vmem>>
          %dma_wait3A_667 = arith.constant 0 : i32
          %dma_wait3A_668 = arith.constant 0 : i32
          %dma_wait3A_669 = tpu.memref_slice %arg4[%dma_wait3A_667, %dma_wait3A_668] : memref<122880x128xf32, #tpu.memory_space<hbm>> -> memref<64x128xf32, #tpu.memory_space<hbm>>
          %dma_wait3A_670 = arith.constant 0 : i32
          %dma_wait3A_671 = arith.constant 0 : i32
          %dma_wait3A_672 = tpu.memref_slice %arg4[%dma_wait3A_670, %dma_wait3A_671] : memref<122880x128xf32, #tpu.memory_space<hbm>> -> memref<64x128xf32, #tpu.memory_space<hbm>>
          %dma_wait3A_673 = arith.constant 0 : i32
          %dma_wait3A_674 = arith.constant 0 : i32
          %dma_wait3A_675 = tpu.memref_slice %arg6[%dma_wait3A_662, %dma_wait3A_673, %dma_wait3A_674] : memref<10x64x128xf32, #tpu.memory_space<vmem>> -> memref<1x64x128xf32, #tpu.memory_space<vmem>>
          %dma_wait3A_676 = tpu.memref_squeeze %dma_wait3A_675 : memref<1x64x128xf32, #tpu.memory_space<vmem>> -> memref<64x128xf32, #tpu.memory_space<vmem>>
          tpu.wait_dma2 semaphore(%arg20 : memref<!tpu.dma_semaphore, #tpu.memory_space<semaphore_mem>>) src(%dma_wait3A_676 : memref<64x128xf32, #tpu.memory_space<vmem>>) dst(%dma_wait3A_672 : memref<64x128xf32, #tpu.memory_space<hbm>>)
        } else {
        }
        %add3A_648 = arith.constant 10 : i32
        %add3A_649 = arith.addi %add3A_407, %add3A_648 : i32
        %sub3A = arith.constant 1 : i32
        %sub3A_650 = arith.subi %add3A_649, %sub3A : i32
        %mul3A_651 = arith.constant 64 : i32
        %mul3A_652 = arith.muli %sub3A_650, %mul3A_651 : i32
        %dma_start3A_653 = arith.constant 3 : i32
        %dma_start3A_654 = arith.constant 0 : i32
        %dma_start3A_655 = arith.constant 0 : i32
        %dma_start3A_656 = tpu.memref_slice %arg6[%dma_start3A_653, %dma_start3A_654, %dma_start3A_655] : memref<10x64x128xf32, #tpu.memory_space<vmem>> -> memref<1x64x128xf32, #tpu.memory_space<vmem>>
        %dma_start3A_657 = tpu.memref_squeeze %dma_start3A_656 : memref<1x64x128xf32, #tpu.memory_space<vmem>> -> memref<64x128xf32, #tpu.memory_space<vmem>>
        %dma_start3A_658 = tpu.memref_slice %arg5[%mul3A_652] : memref<3840xi32, #tpu.memory_space<vmem>> -> memref<64xi32, #tpu.memory_space<vmem>>
        %dma_start3A_659 = arith.constant 0 : i32
        %dma_start3A_660 = arith.constant 0 : i32
        %dma_start3A_661 = tpu.memref_slice %arg2[%dma_start3A_659, %dma_start3A_660] : memref<100000x128xf32, #tpu.memory_space<hbm>> -> memref<100000x128xf32, #tpu.memory_space<hbm>>
        tpu.enqueue_indirect_dma source(%dma_start3A_661 : memref<100000x128xf32, #tpu.memory_space<hbm>>) target(%dma_start3A_657 : memref<64x128xf32, #tpu.memory_space<vmem>>) offsets(%dma_start3A_658 : memref<64xi32, #tpu.memory_space<vmem>>) semaphore(%arg10 : memref<!tpu.dma_semaphore, #tpu.memory_space<semaphore_mem>>)
      } else {
      }
      %mul3A_444 = arith.constant 10 : i32
      %mul3A_445 = arith.muli %scan3A_246, %mul3A_444 : i32
      %add3A_446 = arith.constant 5 : i32
      %add3A_447 = arith.addi %mul3A_445, %add3A_446 : i32
      %dma_wait3A_448 = arith.constant 5 : i32
      %dma_wait3A_449 = arith.constant 0 : i32
      %dma_wait3A_450 = arith.constant 0 : i32
      %dma_wait3A_451 = tpu.memref_slice %arg6[%dma_wait3A_448, %dma_wait3A_449, %dma_wait3A_450] : memref<10x64x128xf32, #tpu.memory_space<vmem>> -> memref<1x64x128xf32, #tpu.memory_space<vmem>>
      %dma_wait3A_452 = tpu.memref_squeeze %dma_wait3A_451 : memref<1x64x128xf32, #tpu.memory_space<vmem>> -> memref<64x128xf32, #tpu.memory_space<vmem>>
      %dma_wait3A_453 = arith.constant 0 : i32
      %dma_wait3A_454 = arith.constant 0 : i32
      %dma_wait3A_455 = tpu.memref_slice %arg2[%dma_wait3A_453, %dma_wait3A_454] : memref<100000x128xf32, #tpu.memory_space<hbm>> -> memref<64x128xf32, #tpu.memory_space<hbm>>
      %dma_wait3A_456 = arith.constant 0 : i32
      %dma_wait3A_457 = arith.constant 0 : i32
      %dma_wait3A_458 = tpu.memref_slice %arg6[%dma_wait3A_448, %dma_wait3A_456, %dma_wait3A_457] : memref<10x64x128xf32, #tpu.memory_space<vmem>> -> memref<1x64x128xf32, #tpu.memory_space<vmem>>
      %dma_wait3A_459 = tpu.memref_squeeze %dma_wait3A_458 : memref<1x64x128xf32, #tpu.memory_space<vmem>> -> memref<64x128xf32, #tpu.memory_space<vmem>>
      %dma_wait3A_460 = arith.constant 0 : i32
      %dma_wait3A_461 = arith.constant 0 : i32
      %dma_wait3A_462 = tpu.memref_slice %arg2[%dma_wait3A_460, %dma_wait3A_461] : memref<100000x128xf32, #tpu.memory_space<hbm>> -> memref<64x128xf32, #tpu.memory_space<hbm>>
      tpu.wait_dma2 semaphore(%arg12 : memref<!tpu.dma_semaphore, #tpu.memory_space<semaphore_mem>>) src(%dma_wait3A_462 : memref<64x128xf32, #tpu.memory_space<hbm>>) dst(%dma_wait3A_459 : memref<64x128xf32, #tpu.memory_space<vmem>>)
      %mul3A_463 = arith.constant 64 : i32
      %mul3A_464 = arith.muli %add3A_447, %mul3A_463 : i32
      %add3A_465 = arith.addi %mul3A_2, %mul3A_464 : i32
      %dma_start3A_466 = arith.constant 5 : i32
      %dma_start3A_467 = arith.constant 0 : i32
      %dma_start3A_468 = arith.constant 0 : i32
      %dma_start3A_469 = tpu.memref_slice %arg6[%dma_start3A_466, %dma_start3A_467, %dma_start3A_468] : memref<10x64x128xf32, #tpu.memory_space<vmem>> -> memref<1x64x128xf32, #tpu.memory_space<vmem>>
      %dma_start3A_470 = tpu.memref_squeeze %dma_start3A_469 : memref<1x64x128xf32, #tpu.memory_space<vmem>> -> memref<64x128xf32, #tpu.memory_space<vmem>>
      %dma_start3A_471 = arith.constant 0 : i32
      %dma_start3A_472 = tpu.memref_slice %arg4[%add3A_465, %dma_start3A_471] : memref<122880x128xf32, #tpu.memory_space<hbm>> -> memref<64x128xf32, #tpu.memory_space<hbm>>
      %dma_start3A_473 = arith.constant 0 : i32
      %dma_start3A_474 = tpu.memref_slice %arg4[%add3A_465, %dma_start3A_473] : memref<122880x128xf32, #tpu.memory_space<hbm>> -> memref<64x128xf32, #tpu.memory_space<hbm>>
      %dma_start3A_475 = arith.constant 0 : i32
      %dma_start3A_476 = arith.constant 0 : i32
      %dma_start3A_477 = tpu.memref_slice %arg6[%dma_start3A_466, %dma_start3A_475, %dma_start3A_476] : memref<10x64x128xf32, #tpu.memory_space<vmem>> -> memref<1x64x128xf32, #tpu.memory_space<vmem>>
      %dma_start3A_478 = tpu.memref_squeeze %dma_start3A_477 : memref<1x64x128xf32, #tpu.memory_space<vmem>> -> memref<64x128xf32, #tpu.memory_space<vmem>>
      tpu.enqueue_dma source(%dma_start3A_478 : memref<64x128xf32, #tpu.memory_space<vmem>>) target(%dma_start3A_474 : memref<64x128xf32, #tpu.memory_space<hbm>>) target_semaphore(%arg22 : memref<!tpu.dma_semaphore, #tpu.memory_space<semaphore_mem>>)
      %le3A_479 = arith.constant 50 : i32
      %le3A_480 = arith.cmpi sle, %add3A_447, %le3A_479 : i32
      %convert_element_type3A_481 = arith.extui %le3A_480 : i1 to i32
      %cond3A_482 = arith.constant 0 : i32
      %cond3A_483 = arith.cmpi ne, %convert_element_type3A_481, %cond3A_482 : i32
      scf.if %cond3A_483 {
        %ge3A = arith.constant 1 : i32
        %ge3A_644 = arith.cmpi sge, %add3A_447, %ge3A : i32
        %convert_element_type3A_645 = arith.extui %ge3A_644 : i1 to i32
        %cond3A_646 = arith.constant 0 : i32
        %cond3A_647 = arith.cmpi ne, %convert_element_type3A_645, %cond3A_646 : i32
        scf.if %cond3A_647 {
          %dma_wait3A_662 = arith.constant 4 : i32
          %dma_wait3A_663 = arith.constant 0 : i32
          %dma_wait3A_664 = arith.constant 0 : i32
          %dma_wait3A_665 = tpu.memref_slice %arg6[%dma_wait3A_662, %dma_wait3A_663, %dma_wait3A_664] : memref<10x64x128xf32, #tpu.memory_space<vmem>> -> memref<1x64x128xf32, #tpu.memory_space<vmem>>
          %dma_wait3A_666 = tpu.memref_squeeze %dma_wait3A_665 : memref<1x64x128xf32, #tpu.memory_space<vmem>> -> memref<64x128xf32, #tpu.memory_space<vmem>>
          %dma_wait3A_667 = arith.constant 0 : i32
          %dma_wait3A_668 = arith.constant 0 : i32
          %dma_wait3A_669 = tpu.memref_slice %arg4[%dma_wait3A_667, %dma_wait3A_668] : memref<122880x128xf32, #tpu.memory_space<hbm>> -> memref<64x128xf32, #tpu.memory_space<hbm>>
          %dma_wait3A_670 = arith.constant 0 : i32
          %dma_wait3A_671 = arith.constant 0 : i32
          %dma_wait3A_672 = tpu.memref_slice %arg4[%dma_wait3A_670, %dma_wait3A_671] : memref<122880x128xf32, #tpu.memory_space<hbm>> -> memref<64x128xf32, #tpu.memory_space<hbm>>
          %dma_wait3A_673 = arith.constant 0 : i32
          %dma_wait3A_674 = arith.constant 0 : i32
          %dma_wait3A_675 = tpu.memref_slice %arg6[%dma_wait3A_662, %dma_wait3A_673, %dma_wait3A_674] : memref<10x64x128xf32, #tpu.memory_space<vmem>> -> memref<1x64x128xf32, #tpu.memory_space<vmem>>
          %dma_wait3A_676 = tpu.memref_squeeze %dma_wait3A_675 : memref<1x64x128xf32, #tpu.memory_space<vmem>> -> memref<64x128xf32, #tpu.memory_space<vmem>>
          tpu.wait_dma2 semaphore(%arg21 : memref<!tpu.dma_semaphore, #tpu.memory_space<semaphore_mem>>) src(%dma_wait3A_676 : memref<64x128xf32, #tpu.memory_space<vmem>>) dst(%dma_wait3A_672 : memref<64x128xf32, #tpu.memory_space<hbm>>)
        } else {
        }
        %add3A_648 = arith.constant 10 : i32
        %add3A_649 = arith.addi %add3A_447, %add3A_648 : i32
        %sub3A = arith.constant 1 : i32
        %sub3A_650 = arith.subi %add3A_649, %sub3A : i32
        %mul3A_651 = arith.constant 64 : i32
        %mul3A_652 = arith.muli %sub3A_650, %mul3A_651 : i32
        %dma_start3A_653 = arith.constant 4 : i32
        %dma_start3A_654 = arith.constant 0 : i32
        %dma_start3A_655 = arith.constant 0 : i32
        %dma_start3A_656 = tpu.memref_slice %arg6[%dma_start3A_653, %dma_start3A_654, %dma_start3A_655] : memref<10x64x128xf32, #tpu.memory_space<vmem>> -> memref<1x64x128xf32, #tpu.memory_space<vmem>>
        %dma_start3A_657 = tpu.memref_squeeze %dma_start3A_656 : memref<1x64x128xf32, #tpu.memory_space<vmem>> -> memref<64x128xf32, #tpu.memory_space<vmem>>
        %dma_start3A_658 = tpu.memref_slice %arg5[%mul3A_652] : memref<3840xi32, #tpu.memory_space<vmem>> -> memref<64xi32, #tpu.memory_space<vmem>>
        %dma_start3A_659 = arith.constant 0 : i32
        %dma_start3A_660 = arith.constant 0 : i32
        %dma_start3A_661 = tpu.memref_slice %arg2[%dma_start3A_659, %dma_start3A_660] : memref<100000x128xf32, #tpu.memory_space<hbm>> -> memref<100000x128xf32, #tpu.memory_space<hbm>>
        tpu.enqueue_indirect_dma source(%dma_start3A_661 : memref<100000x128xf32, #tpu.memory_space<hbm>>) target(%dma_start3A_657 : memref<64x128xf32, #tpu.memory_space<vmem>>) offsets(%dma_start3A_658 : memref<64xi32, #tpu.memory_space<vmem>>) semaphore(%arg11 : memref<!tpu.dma_semaphore, #tpu.memory_space<semaphore_mem>>)
      } else {
      }
      %mul3A_484 = arith.constant 10 : i32
      %mul3A_485 = arith.muli %scan3A_246, %mul3A_484 : i32
      %add3A_486 = arith.constant 6 : i32
      %add3A_487 = arith.addi %mul3A_485, %add3A_486 : i32
      %dma_wait3A_488 = arith.constant 6 : i32
      %dma_wait3A_489 = arith.constant 0 : i32
      %dma_wait3A_490 = arith.constant 0 : i32
      %dma_wait3A_491 = tpu.memref_slice %arg6[%dma_wait3A_488, %dma_wait3A_489, %dma_wait3A_490] : memref<10x64x128xf32, #tpu.memory_space<vmem>> -> memref<1x64x128xf32, #tpu.memory_space<vmem>>
      %dma_wait3A_492 = tpu.memref_squeeze %dma_wait3A_491 : memref<1x64x128xf32, #tpu.memory_space<vmem>> -> memref<64x128xf32, #tpu.memory_space<vmem>>
      %dma_wait3A_493 = arith.constant 0 : i32
      %dma_wait3A_494 = arith.constant 0 : i32
      %dma_wait3A_495 = tpu.memref_slice %arg2[%dma_wait3A_493, %dma_wait3A_494] : memref<100000x128xf32, #tpu.memory_space<hbm>> -> memref<64x128xf32, #tpu.memory_space<hbm>>
      %dma_wait3A_496 = arith.constant 0 : i32
      %dma_wait3A_497 = arith.constant 0 : i32
      %dma_wait3A_498 = tpu.memref_slice %arg6[%dma_wait3A_488, %dma_wait3A_496, %dma_wait3A_497] : memref<10x64x128xf32, #tpu.memory_space<vmem>> -> memref<1x64x128xf32, #tpu.memory_space<vmem>>
      %dma_wait3A_499 = tpu.memref_squeeze %dma_wait3A_498 : memref<1x64x128xf32, #tpu.memory_space<vmem>> -> memref<64x128xf32, #tpu.memory_space<vmem>>
      %dma_wait3A_500 = arith.constant 0 : i32
      %dma_wait3A_501 = arith.constant 0 : i32
      %dma_wait3A_502 = tpu.memref_slice %arg2[%dma_wait3A_500, %dma_wait3A_501] : memref<100000x128xf32, #tpu.memory_space<hbm>> -> memref<64x128xf32, #tpu.memory_space<hbm>>
      tpu.wait_dma2 semaphore(%arg13 : memref<!tpu.dma_semaphore, #tpu.memory_space<semaphore_mem>>) src(%dma_wait3A_502 : memref<64x128xf32, #tpu.memory_space<hbm>>) dst(%dma_wait3A_499 : memref<64x128xf32, #tpu.memory_space<vmem>>)
      %mul3A_503 = arith.constant 64 : i32
      %mul3A_504 = arith.muli %add3A_487, %mul3A_503 : i32
      %add3A_505 = arith.addi %mul3A_2, %mul3A_504 : i32
      %dma_start3A_506 = arith.constant 6 : i32
      %dma_start3A_507 = arith.constant 0 : i32
      %dma_start3A_508 = arith.constant 0 : i32
      %dma_start3A_509 = tpu.memref_slice %arg6[%dma_start3A_506, %dma_start3A_507, %dma_start3A_508] : memref<10x64x128xf32, #tpu.memory_space<vmem>> -> memref<1x64x128xf32, #tpu.memory_space<vmem>>
      %dma_start3A_510 = tpu.memref_squeeze %dma_start3A_509 : memref<1x64x128xf32, #tpu.memory_space<vmem>> -> memref<64x128xf32, #tpu.memory_space<vmem>>
      %dma_start3A_511 = arith.constant 0 : i32
      %dma_start3A_512 = tpu.memref_slice %arg4[%add3A_505, %dma_start3A_511] : memref<122880x128xf32, #tpu.memory_space<hbm>> -> memref<64x128xf32, #tpu.memory_space<hbm>>
      %dma_start3A_513 = arith.constant 0 : i32
      %dma_start3A_514 = tpu.memref_slice %arg4[%add3A_505, %dma_start3A_513] : memref<122880x128xf32, #tpu.memory_space<hbm>> -> memref<64x128xf32, #tpu.memory_space<hbm>>
      %dma_start3A_515 = arith.constant 0 : i32
      %dma_start3A_516 = arith.constant 0 : i32
      %dma_start3A_517 = tpu.memref_slice %arg6[%dma_start3A_506, %dma_start3A_515, %dma_start3A_516] : memref<10x64x128xf32, #tpu.memory_space<vmem>> -> memref<1x64x128xf32, #tpu.memory_space<vmem>>
      %dma_start3A_518 = tpu.memref_squeeze %dma_start3A_517 : memref<1x64x128xf32, #tpu.memory_space<vmem>> -> memref<64x128xf32, #tpu.memory_space<vmem>>
      tpu.enqueue_dma source(%dma_start3A_518 : memref<64x128xf32, #tpu.memory_space<vmem>>) target(%dma_start3A_514 : memref<64x128xf32, #tpu.memory_space<hbm>>) target_semaphore(%arg23 : memref<!tpu.dma_semaphore, #tpu.memory_space<semaphore_mem>>)
      %le3A_519 = arith.constant 50 : i32
      %le3A_520 = arith.cmpi sle, %add3A_487, %le3A_519 : i32
      %convert_element_type3A_521 = arith.extui %le3A_520 : i1 to i32
      %cond3A_522 = arith.constant 0 : i32
      %cond3A_523 = arith.cmpi ne, %convert_element_type3A_521, %cond3A_522 : i32
      scf.if %cond3A_523 {
        %ge3A = arith.constant 1 : i32
        %ge3A_644 = arith.cmpi sge, %add3A_487, %ge3A : i32
        %convert_element_type3A_645 = arith.extui %ge3A_644 : i1 to i32
        %cond3A_646 = arith.constant 0 : i32
        %cond3A_647 = arith.cmpi ne, %convert_element_type3A_645, %cond3A_646 : i32
        scf.if %cond3A_647 {
          %dma_wait3A_662 = arith.constant 5 : i32
          %dma_wait3A_663 = arith.constant 0 : i32
          %dma_wait3A_664 = arith.constant 0 : i32
          %dma_wait3A_665 = tpu.memref_slice %arg6[%dma_wait3A_662, %dma_wait3A_663, %dma_wait3A_664] : memref<10x64x128xf32, #tpu.memory_space<vmem>> -> memref<1x64x128xf32, #tpu.memory_space<vmem>>
          %dma_wait3A_666 = tpu.memref_squeeze %dma_wait3A_665 : memref<1x64x128xf32, #tpu.memory_space<vmem>> -> memref<64x128xf32, #tpu.memory_space<vmem>>
          %dma_wait3A_667 = arith.constant 0 : i32
          %dma_wait3A_668 = arith.constant 0 : i32
          %dma_wait3A_669 = tpu.memref_slice %arg4[%dma_wait3A_667, %dma_wait3A_668] : memref<122880x128xf32, #tpu.memory_space<hbm>> -> memref<64x128xf32, #tpu.memory_space<hbm>>
          %dma_wait3A_670 = arith.constant 0 : i32
          %dma_wait3A_671 = arith.constant 0 : i32
          %dma_wait3A_672 = tpu.memref_slice %arg4[%dma_wait3A_670, %dma_wait3A_671] : memref<122880x128xf32, #tpu.memory_space<hbm>> -> memref<64x128xf32, #tpu.memory_space<hbm>>
          %dma_wait3A_673 = arith.constant 0 : i32
          %dma_wait3A_674 = arith.constant 0 : i32
          %dma_wait3A_675 = tpu.memref_slice %arg6[%dma_wait3A_662, %dma_wait3A_673, %dma_wait3A_674] : memref<10x64x128xf32, #tpu.memory_space<vmem>> -> memref<1x64x128xf32, #tpu.memory_space<vmem>>
          %dma_wait3A_676 = tpu.memref_squeeze %dma_wait3A_675 : memref<1x64x128xf32, #tpu.memory_space<vmem>> -> memref<64x128xf32, #tpu.memory_space<vmem>>
          tpu.wait_dma2 semaphore(%arg22 : memref<!tpu.dma_semaphore, #tpu.memory_space<semaphore_mem>>) src(%dma_wait3A_676 : memref<64x128xf32, #tpu.memory_space<vmem>>) dst(%dma_wait3A_672 : memref<64x128xf32, #tpu.memory_space<hbm>>)
        } else {
        }
        %add3A_648 = arith.constant 10 : i32
        %add3A_649 = arith.addi %add3A_487, %add3A_648 : i32
        %sub3A = arith.constant 1 : i32
        %sub3A_650 = arith.subi %add3A_649, %sub3A : i32
        %mul3A_651 = arith.constant 64 : i32
        %mul3A_652 = arith.muli %sub3A_650, %mul3A_651 : i32
        %dma_start3A_653 = arith.constant 5 : i32
        %dma_start3A_654 = arith.constant 0 : i32
        %dma_start3A_655 = arith.constant 0 : i32
        %dma_start3A_656 = tpu.memref_slice %arg6[%dma_start3A_653, %dma_start3A_654, %dma_start3A_655] : memref<10x64x128xf32, #tpu.memory_space<vmem>> -> memref<1x64x128xf32, #tpu.memory_space<vmem>>
        %dma_start3A_657 = tpu.memref_squeeze %dma_start3A_656 : memref<1x64x128xf32, #tpu.memory_space<vmem>> -> memref<64x128xf32, #tpu.memory_space<vmem>>
        %dma_start3A_658 = tpu.memref_slice %arg5[%mul3A_652] : memref<3840xi32, #tpu.memory_space<vmem>> -> memref<64xi32, #tpu.memory_space<vmem>>
        %dma_start3A_659 = arith.constant 0 : i32
        %dma_start3A_660 = arith.constant 0 : i32
        %dma_start3A_661 = tpu.memref_slice %arg2[%dma_start3A_659, %dma_start3A_660] : memref<100000x128xf32, #tpu.memory_space<hbm>> -> memref<100000x128xf32, #tpu.memory_space<hbm>>
        tpu.enqueue_indirect_dma source(%dma_start3A_661 : memref<100000x128xf32, #tpu.memory_space<hbm>>) target(%dma_start3A_657 : memref<64x128xf32, #tpu.memory_space<vmem>>) offsets(%dma_start3A_658 : memref<64xi32, #tpu.memory_space<vmem>>) semaphore(%arg12 : memref<!tpu.dma_semaphore, #tpu.memory_space<semaphore_mem>>)
      } else {
      }
      %mul3A_524 = arith.constant 10 : i32
      %mul3A_525 = arith.muli %scan3A_246, %mul3A_524 : i32
      %add3A_526 = arith.constant 7 : i32
      %add3A_527 = arith.addi %mul3A_525, %add3A_526 : i32
      %dma_wait3A_528 = arith.constant 7 : i32
      %dma_wait3A_529 = arith.constant 0 : i32
      %dma_wait3A_530 = arith.constant 0 : i32
      %dma_wait3A_531 = tpu.memref_slice %arg6[%dma_wait3A_528, %dma_wait3A_529, %dma_wait3A_530] : memref<10x64x128xf32, #tpu.memory_space<vmem>> -> memref<1x64x128xf32, #tpu.memory_space<vmem>>
      %dma_wait3A_532 = tpu.memref_squeeze %dma_wait3A_531 : memref<1x64x128xf32, #tpu.memory_space<vmem>> -> memref<64x128xf32, #tpu.memory_space<vmem>>
      %dma_wait3A_533 = arith.constant 0 : i32
      %dma_wait3A_534 = arith.constant 0 : i32
      %dma_wait3A_535 = tpu.memref_slice %arg2[%dma_wait3A_533, %dma_wait3A_534] : memref<100000x128xf32, #tpu.memory_space<hbm>> -> memref<64x128xf32, #tpu.memory_space<hbm>>
      %dma_wait3A_536 = arith.constant 0 : i32
      %dma_wait3A_537 = arith.constant 0 : i32
      %dma_wait3A_538 = tpu.memref_slice %arg6[%dma_wait3A_528, %dma_wait3A_536, %dma_wait3A_537] : memref<10x64x128xf32, #tpu.memory_space<vmem>> -> memref<1x64x128xf32, #tpu.memory_space<vmem>>
      %dma_wait3A_539 = tpu.memref_squeeze %dma_wait3A_538 : memref<1x64x128xf32, #tpu.memory_space<vmem>> -> memref<64x128xf32, #tpu.memory_space<vmem>>
      %dma_wait3A_540 = arith.constant 0 : i32
      %dma_wait3A_541 = arith.constant 0 : i32
      %dma_wait3A_542 = tpu.memref_slice %arg2[%dma_wait3A_540, %dma_wait3A_541] : memref<100000x128xf32, #tpu.memory_space<hbm>> -> memref<64x128xf32, #tpu.memory_space<hbm>>
      tpu.wait_dma2 semaphore(%arg14 : memref<!tpu.dma_semaphore, #tpu.memory_space<semaphore_mem>>) src(%dma_wait3A_542 : memref<64x128xf32, #tpu.memory_space<hbm>>) dst(%dma_wait3A_539 : memref<64x128xf32, #tpu.memory_space<vmem>>)
      %mul3A_543 = arith.constant 64 : i32
      %mul3A_544 = arith.muli %add3A_527, %mul3A_543 : i32
      %add3A_545 = arith.addi %mul3A_2, %mul3A_544 : i32
      %dma_start3A_546 = arith.constant 7 : i32
      %dma_start3A_547 = arith.constant 0 : i32
      %dma_start3A_548 = arith.constant 0 : i32
      %dma_start3A_549 = tpu.memref_slice %arg6[%dma_start3A_546, %dma_start3A_547, %dma_start3A_548] : memref<10x64x128xf32, #tpu.memory_space<vmem>> -> memref<1x64x128xf32, #tpu.memory_space<vmem>>
      %dma_start3A_550 = tpu.memref_squeeze %dma_start3A_549 : memref<1x64x128xf32, #tpu.memory_space<vmem>> -> memref<64x128xf32, #tpu.memory_space<vmem>>
      %dma_start3A_551 = arith.constant 0 : i32
      %dma_start3A_552 = tpu.memref_slice %arg4[%add3A_545, %dma_start3A_551] : memref<122880x128xf32, #tpu.memory_space<hbm>> -> memref<64x128xf32, #tpu.memory_space<hbm>>
      %dma_start3A_553 = arith.constant 0 : i32
      %dma_start3A_554 = tpu.memref_slice %arg4[%add3A_545, %dma_start3A_553] : memref<122880x128xf32, #tpu.memory_space<hbm>> -> memref<64x128xf32, #tpu.memory_space<hbm>>
      %dma_start3A_555 = arith.constant 0 : i32
      %dma_start3A_556 = arith.constant 0 : i32
      %dma_start3A_557 = tpu.memref_slice %arg6[%dma_start3A_546, %dma_start3A_555, %dma_start3A_556] : memref<10x64x128xf32, #tpu.memory_space<vmem>> -> memref<1x64x128xf32, #tpu.memory_space<vmem>>
      %dma_start3A_558 = tpu.memref_squeeze %dma_start3A_557 : memref<1x64x128xf32, #tpu.memory_space<vmem>> -> memref<64x128xf32, #tpu.memory_space<vmem>>
      tpu.enqueue_dma source(%dma_start3A_558 : memref<64x128xf32, #tpu.memory_space<vmem>>) target(%dma_start3A_554 : memref<64x128xf32, #tpu.memory_space<hbm>>) target_semaphore(%arg24 : memref<!tpu.dma_semaphore, #tpu.memory_space<semaphore_mem>>)
      %le3A_559 = arith.constant 50 : i32
      %le3A_560 = arith.cmpi sle, %add3A_527, %le3A_559 : i32
      %convert_element_type3A_561 = arith.extui %le3A_560 : i1 to i32
      %cond3A_562 = arith.constant 0 : i32
      %cond3A_563 = arith.cmpi ne, %convert_element_type3A_561, %cond3A_562 : i32
      scf.if %cond3A_563 {
        %ge3A = arith.constant 1 : i32
        %ge3A_644 = arith.cmpi sge, %add3A_527, %ge3A : i32
        %convert_element_type3A_645 = arith.extui %ge3A_644 : i1 to i32
        %cond3A_646 = arith.constant 0 : i32
        %cond3A_647 = arith.cmpi ne, %convert_element_type3A_645, %cond3A_646 : i32
        scf.if %cond3A_647 {
          %dma_wait3A_662 = arith.constant 6 : i32
          %dma_wait3A_663 = arith.constant 0 : i32
          %dma_wait3A_664 = arith.constant 0 : i32
          %dma_wait3A_665 = tpu.memref_slice %arg6[%dma_wait3A_662, %dma_wait3A_663, %dma_wait3A_664] : memref<10x64x128xf32, #tpu.memory_space<vmem>> -> memref<1x64x128xf32, #tpu.memory_space<vmem>>
          %dma_wait3A_666 = tpu.memref_squeeze %dma_wait3A_665 : memref<1x64x128xf32, #tpu.memory_space<vmem>> -> memref<64x128xf32, #tpu.memory_space<vmem>>
          %dma_wait3A_667 = arith.constant 0 : i32
          %dma_wait3A_668 = arith.constant 0 : i32
          %dma_wait3A_669 = tpu.memref_slice %arg4[%dma_wait3A_667, %dma_wait3A_668] : memref<122880x128xf32, #tpu.memory_space<hbm>> -> memref<64x128xf32, #tpu.memory_space<hbm>>
          %dma_wait3A_670 = arith.constant 0 : i32
          %dma_wait3A_671 = arith.constant 0 : i32
          %dma_wait3A_672 = tpu.memref_slice %arg4[%dma_wait3A_670, %dma_wait3A_671] : memref<122880x128xf32, #tpu.memory_space<hbm>> -> memref<64x128xf32, #tpu.memory_space<hbm>>
          %dma_wait3A_673 = arith.constant 0 : i32
          %dma_wait3A_674 = arith.constant 0 : i32
          %dma_wait3A_675 = tpu.memref_slice %arg6[%dma_wait3A_662, %dma_wait3A_673, %dma_wait3A_674] : memref<10x64x128xf32, #tpu.memory_space<vmem>> -> memref<1x64x128xf32, #tpu.memory_space<vmem>>
          %dma_wait3A_676 = tpu.memref_squeeze %dma_wait3A_675 : memref<1x64x128xf32, #tpu.memory_space<vmem>> -> memref<64x128xf32, #tpu.memory_space<vmem>>
          tpu.wait_dma2 semaphore(%arg23 : memref<!tpu.dma_semaphore, #tpu.memory_space<semaphore_mem>>) src(%dma_wait3A_676 : memref<64x128xf32, #tpu.memory_space<vmem>>) dst(%dma_wait3A_672 : memref<64x128xf32, #tpu.memory_space<hbm>>)
        } else {
        }
        %add3A_648 = arith.constant 10 : i32
        %add3A_649 = arith.addi %add3A_527, %add3A_648 : i32
        %sub3A = arith.constant 1 : i32
        %sub3A_650 = arith.subi %add3A_649, %sub3A : i32
        %mul3A_651 = arith.constant 64 : i32
        %mul3A_652 = arith.muli %sub3A_650, %mul3A_651 : i32
        %dma_start3A_653 = arith.constant 6 : i32
        %dma_start3A_654 = arith.constant 0 : i32
        %dma_start3A_655 = arith.constant 0 : i32
        %dma_start3A_656 = tpu.memref_slice %arg6[%dma_start3A_653, %dma_start3A_654, %dma_start3A_655] : memref<10x64x128xf32, #tpu.memory_space<vmem>> -> memref<1x64x128xf32, #tpu.memory_space<vmem>>
        %dma_start3A_657 = tpu.memref_squeeze %dma_start3A_656 : memref<1x64x128xf32, #tpu.memory_space<vmem>> -> memref<64x128xf32, #tpu.memory_space<vmem>>
        %dma_start3A_658 = tpu.memref_slice %arg5[%mul3A_652] : memref<3840xi32, #tpu.memory_space<vmem>> -> memref<64xi32, #tpu.memory_space<vmem>>
        %dma_start3A_659 = arith.constant 0 : i32
        %dma_start3A_660 = arith.constant 0 : i32
        %dma_start3A_661 = tpu.memref_slice %arg2[%dma_start3A_659, %dma_start3A_660] : memref<100000x128xf32, #tpu.memory_space<hbm>> -> memref<100000x128xf32, #tpu.memory_space<hbm>>
        tpu.enqueue_indirect_dma source(%dma_start3A_661 : memref<100000x128xf32, #tpu.memory_space<hbm>>) target(%dma_start3A_657 : memref<64x128xf32, #tpu.memory_space<vmem>>) offsets(%dma_start3A_658 : memref<64xi32, #tpu.memory_space<vmem>>) semaphore(%arg13 : memref<!tpu.dma_semaphore, #tpu.memory_space<semaphore_mem>>)
      } else {
      }
      %mul3A_564 = arith.constant 10 : i32
      %mul3A_565 = arith.muli %scan3A_246, %mul3A_564 : i32
      %add3A_566 = arith.constant 8 : i32
      %add3A_567 = arith.addi %mul3A_565, %add3A_566 : i32
      %dma_wait3A_568 = arith.constant 8 : i32
      %dma_wait3A_569 = arith.constant 0 : i32
      %dma_wait3A_570 = arith.constant 0 : i32
      %dma_wait3A_571 = tpu.memref_slice %arg6[%dma_wait3A_568, %dma_wait3A_569, %dma_wait3A_570] : memref<10x64x128xf32, #tpu.memory_space<vmem>> -> memref<1x64x128xf32, #tpu.memory_space<vmem>>
      %dma_wait3A_572 = tpu.memref_squeeze %dma_wait3A_571 : memref<1x64x128xf32, #tpu.memory_space<vmem>> -> memref<64x128xf32, #tpu.memory_space<vmem>>
      %dma_wait3A_573 = arith.constant 0 : i32
      %dma_wait3A_574 = arith.constant 0 : i32
      %dma_wait3A_575 = tpu.memref_slice %arg2[%dma_wait3A_573, %dma_wait3A_574] : memref<100000x128xf32, #tpu.memory_space<hbm>> -> memref<64x128xf32, #tpu.memory_space<hbm>>
      %dma_wait3A_576 = arith.constant 0 : i32
      %dma_wait3A_577 = arith.constant 0 : i32
      %dma_wait3A_578 = tpu.memref_slice %arg6[%dma_wait3A_568, %dma_wait3A_576, %dma_wait3A_577] : memref<10x64x128xf32, #tpu.memory_space<vmem>> -> memref<1x64x128xf32, #tpu.memory_space<vmem>>
      %dma_wait3A_579 = tpu.memref_squeeze %dma_wait3A_578 : memref<1x64x128xf32, #tpu.memory_space<vmem>> -> memref<64x128xf32, #tpu.memory_space<vmem>>
      %dma_wait3A_580 = arith.constant 0 : i32
      %dma_wait3A_581 = arith.constant 0 : i32
      %dma_wait3A_582 = tpu.memref_slice %arg2[%dma_wait3A_580, %dma_wait3A_581] : memref<100000x128xf32, #tpu.memory_space<hbm>> -> memref<64x128xf32, #tpu.memory_space<hbm>>
      tpu.wait_dma2 semaphore(%arg15 : memref<!tpu.dma_semaphore, #tpu.memory_space<semaphore_mem>>) src(%dma_wait3A_582 : memref<64x128xf32, #tpu.memory_space<hbm>>) dst(%dma_wait3A_579 : memref<64x128xf32, #tpu.memory_space<vmem>>)
      %mul3A_583 = arith.constant 64 : i32
      %mul3A_584 = arith.muli %add3A_567, %mul3A_583 : i32
      %add3A_585 = arith.addi %mul3A_2, %mul3A_584 : i32
      %dma_start3A_586 = arith.constant 8 : i32
      %dma_start3A_587 = arith.constant 0 : i32
      %dma_start3A_588 = arith.constant 0 : i32
      %dma_start3A_589 = tpu.memref_slice %arg6[%dma_start3A_586, %dma_start3A_587, %dma_start3A_588] : memref<10x64x128xf32, #tpu.memory_space<vmem>> -> memref<1x64x128xf32, #tpu.memory_space<vmem>>
      %dma_start3A_590 = tpu.memref_squeeze %dma_start3A_589 : memref<1x64x128xf32, #tpu.memory_space<vmem>> -> memref<64x128xf32, #tpu.memory_space<vmem>>
      %dma_start3A_591 = arith.constant 0 : i32
      %dma_start3A_592 = tpu.memref_slice %arg4[%add3A_585, %dma_start3A_591] : memref<122880x128xf32, #tpu.memory_space<hbm>> -> memref<64x128xf32, #tpu.memory_space<hbm>>
      %dma_start3A_593 = arith.constant 0 : i32
      %dma_start3A_594 = tpu.memref_slice %arg4[%add3A_585, %dma_start3A_593] : memref<122880x128xf32, #tpu.memory_space<hbm>> -> memref<64x128xf32, #tpu.memory_space<hbm>>
      %dma_start3A_595 = arith.constant 0 : i32
      %dma_start3A_596 = arith.constant 0 : i32
      %dma_start3A_597 = tpu.memref_slice %arg6[%dma_start3A_586, %dma_start3A_595, %dma_start3A_596] : memref<10x64x128xf32, #tpu.memory_space<vmem>> -> memref<1x64x128xf32, #tpu.memory_space<vmem>>
      %dma_start3A_598 = tpu.memref_squeeze %dma_start3A_597 : memref<1x64x128xf32, #tpu.memory_space<vmem>> -> memref<64x128xf32, #tpu.memory_space<vmem>>
      tpu.enqueue_dma source(%dma_start3A_598 : memref<64x128xf32, #tpu.memory_space<vmem>>) target(%dma_start3A_594 : memref<64x128xf32, #tpu.memory_space<hbm>>) target_semaphore(%arg25 : memref<!tpu.dma_semaphore, #tpu.memory_space<semaphore_mem>>)
      %le3A_599 = arith.constant 50 : i32
      %le3A_600 = arith.cmpi sle, %add3A_567, %le3A_599 : i32
      %convert_element_type3A_601 = arith.extui %le3A_600 : i1 to i32
      %cond3A_602 = arith.constant 0 : i32
      %cond3A_603 = arith.cmpi ne, %convert_element_type3A_601, %cond3A_602 : i32
      scf.if %cond3A_603 {
        %ge3A = arith.constant 1 : i32
        %ge3A_644 = arith.cmpi sge, %add3A_567, %ge3A : i32
        %convert_element_type3A_645 = arith.extui %ge3A_644 : i1 to i32
        %cond3A_646 = arith.constant 0 : i32
        %cond3A_647 = arith.cmpi ne, %convert_element_type3A_645, %cond3A_646 : i32
        scf.if %cond3A_647 {
          %dma_wait3A_662 = arith.constant 7 : i32
          %dma_wait3A_663 = arith.constant 0 : i32
          %dma_wait3A_664 = arith.constant 0 : i32
          %dma_wait3A_665 = tpu.memref_slice %arg6[%dma_wait3A_662, %dma_wait3A_663, %dma_wait3A_664] : memref<10x64x128xf32, #tpu.memory_space<vmem>> -> memref<1x64x128xf32, #tpu.memory_space<vmem>>
          %dma_wait3A_666 = tpu.memref_squeeze %dma_wait3A_665 : memref<1x64x128xf32, #tpu.memory_space<vmem>> -> memref<64x128xf32, #tpu.memory_space<vmem>>
          %dma_wait3A_667 = arith.constant 0 : i32
          %dma_wait3A_668 = arith.constant 0 : i32
          %dma_wait3A_669 = tpu.memref_slice %arg4[%dma_wait3A_667, %dma_wait3A_668] : memref<122880x128xf32, #tpu.memory_space<hbm>> -> memref<64x128xf32, #tpu.memory_space<hbm>>
          %dma_wait3A_670 = arith.constant 0 : i32
          %dma_wait3A_671 = arith.constant 0 : i32
          %dma_wait3A_672 = tpu.memref_slice %arg4[%dma_wait3A_670, %dma_wait3A_671] : memref<122880x128xf32, #tpu.memory_space<hbm>> -> memref<64x128xf32, #tpu.memory_space<hbm>>
          %dma_wait3A_673 = arith.constant 0 : i32
          %dma_wait3A_674 = arith.constant 0 : i32
          %dma_wait3A_675 = tpu.memref_slice %arg6[%dma_wait3A_662, %dma_wait3A_673, %dma_wait3A_674] : memref<10x64x128xf32, #tpu.memory_space<vmem>> -> memref<1x64x128xf32, #tpu.memory_space<vmem>>
          %dma_wait3A_676 = tpu.memref_squeeze %dma_wait3A_675 : memref<1x64x128xf32, #tpu.memory_space<vmem>> -> memref<64x128xf32, #tpu.memory_space<vmem>>
          tpu.wait_dma2 semaphore(%arg24 : memref<!tpu.dma_semaphore, #tpu.memory_space<semaphore_mem>>) src(%dma_wait3A_676 : memref<64x128xf32, #tpu.memory_space<vmem>>) dst(%dma_wait3A_672 : memref<64x128xf32, #tpu.memory_space<hbm>>)
        } else {
        }
        %add3A_648 = arith.constant 10 : i32
        %add3A_649 = arith.addi %add3A_567, %add3A_648 : i32
        %sub3A = arith.constant 1 : i32
        %sub3A_650 = arith.subi %add3A_649, %sub3A : i32
        %mul3A_651 = arith.constant 64 : i32
        %mul3A_652 = arith.muli %sub3A_650, %mul3A_651 : i32
        %dma_start3A_653 = arith.constant 7 : i32
        %dma_start3A_654 = arith.constant 0 : i32
        %dma_start3A_655 = arith.constant 0 : i32
        %dma_start3A_656 = tpu.memref_slice %arg6[%dma_start3A_653, %dma_start3A_654, %dma_start3A_655] : memref<10x64x128xf32, #tpu.memory_space<vmem>> -> memref<1x64x128xf32, #tpu.memory_space<vmem>>
        %dma_start3A_657 = tpu.memref_squeeze %dma_start3A_656 : memref<1x64x128xf32, #tpu.memory_space<vmem>> -> memref<64x128xf32, #tpu.memory_space<vmem>>
        %dma_start3A_658 = tpu.memref_slice %arg5[%mul3A_652] : memref<3840xi32, #tpu.memory_space<vmem>> -> memref<64xi32, #tpu.memory_space<vmem>>
        %dma_start3A_659 = arith.constant 0 : i32
        %dma_start3A_660 = arith.constant 0 : i32
        %dma_start3A_661 = tpu.memref_slice %arg2[%dma_start3A_659, %dma_start3A_660] : memref<100000x128xf32, #tpu.memory_space<hbm>> -> memref<100000x128xf32, #tpu.memory_space<hbm>>
        tpu.enqueue_indirect_dma source(%dma_start3A_661 : memref<100000x128xf32, #tpu.memory_space<hbm>>) target(%dma_start3A_657 : memref<64x128xf32, #tpu.memory_space<vmem>>) offsets(%dma_start3A_658 : memref<64xi32, #tpu.memory_space<vmem>>) semaphore(%arg14 : memref<!tpu.dma_semaphore, #tpu.memory_space<semaphore_mem>>)
      } else {
      }
      %mul3A_604 = arith.constant 10 : i32
      %mul3A_605 = arith.muli %scan3A_246, %mul3A_604 : i32
      %add3A_606 = arith.constant 9 : i32
      %add3A_607 = arith.addi %mul3A_605, %add3A_606 : i32
      %dma_wait3A_608 = arith.constant 9 : i32
      %dma_wait3A_609 = arith.constant 0 : i32
      %dma_wait3A_610 = arith.constant 0 : i32
      %dma_wait3A_611 = tpu.memref_slice %arg6[%dma_wait3A_608, %dma_wait3A_609, %dma_wait3A_610] : memref<10x64x128xf32, #tpu.memory_space<vmem>> -> memref<1x64x128xf32, #tpu.memory_space<vmem>>
      %dma_wait3A_612 = tpu.memref_squeeze %dma_wait3A_611 : memref<1x64x128xf32, #tpu.memory_space<vmem>> -> memref<64x128xf32, #tpu.memory_space<vmem>>
      %dma_wait3A_613 = arith.constant 0 : i32
      %dma_wait3A_614 = arith.constant 0 : i32
      %dma_wait3A_615 = tpu.memref_slice %arg2[%dma_wait3A_613, %dma_wait3A_614] : memref<100000x128xf32, #tpu.memory_space<hbm>> -> memref<64x128xf32, #tpu.memory_space<hbm>>
      %dma_wait3A_616 = arith.constant 0 : i32
      %dma_wait3A_617 = arith.constant 0 : i32
      %dma_wait3A_618 = tpu.memref_slice %arg6[%dma_wait3A_608, %dma_wait3A_616, %dma_wait3A_617] : memref<10x64x128xf32, #tpu.memory_space<vmem>> -> memref<1x64x128xf32, #tpu.memory_space<vmem>>
      %dma_wait3A_619 = tpu.memref_squeeze %dma_wait3A_618 : memref<1x64x128xf32, #tpu.memory_space<vmem>> -> memref<64x128xf32, #tpu.memory_space<vmem>>
      %dma_wait3A_620 = arith.constant 0 : i32
      %dma_wait3A_621 = arith.constant 0 : i32
      %dma_wait3A_622 = tpu.memref_slice %arg2[%dma_wait3A_620, %dma_wait3A_621] : memref<100000x128xf32, #tpu.memory_space<hbm>> -> memref<64x128xf32, #tpu.memory_space<hbm>>
      tpu.wait_dma2 semaphore(%arg16 : memref<!tpu.dma_semaphore, #tpu.memory_space<semaphore_mem>>) src(%dma_wait3A_622 : memref<64x128xf32, #tpu.memory_space<hbm>>) dst(%dma_wait3A_619 : memref<64x128xf32, #tpu.memory_space<vmem>>)
      %mul3A_623 = arith.constant 64 : i32
      %mul3A_624 = arith.muli %add3A_607, %mul3A_623 : i32
      %add3A_625 = arith.addi %mul3A_2, %mul3A_624 : i32
      %dma_start3A_626 = arith.constant 9 : i32
      %dma_start3A_627 = arith.constant 0 : i32
      %dma_start3A_628 = arith.constant 0 : i32
      %dma_start3A_629 = tpu.memref_slice %arg6[%dma_start3A_626, %dma_start3A_627, %dma_start3A_628] : memref<10x64x128xf32, #tpu.memory_space<vmem>> -> memref<1x64x128xf32, #tpu.memory_space<vmem>>
      %dma_start3A_630 = tpu.memref_squeeze %dma_start3A_629 : memref<1x64x128xf32, #tpu.memory_space<vmem>> -> memref<64x128xf32, #tpu.memory_space<vmem>>
      %dma_start3A_631 = arith.constant 0 : i32
      %dma_start3A_632 = tpu.memref_slice %arg4[%add3A_625, %dma_start3A_631] : memref<122880x128xf32, #tpu.memory_space<hbm>> -> memref<64x128xf32, #tpu.memory_space<hbm>>
      %dma_start3A_633 = arith.constant 0 : i32
      %dma_start3A_634 = tpu.memref_slice %arg4[%add3A_625, %dma_start3A_633] : memref<122880x128xf32, #tpu.memory_space<hbm>> -> memref<64x128xf32, #tpu.memory_space<hbm>>
      %dma_start3A_635 = arith.constant 0 : i32
      %dma_start3A_636 = arith.constant 0 : i32
      %dma_start3A_637 = tpu.memref_slice %arg6[%dma_start3A_626, %dma_start3A_635, %dma_start3A_636] : memref<10x64x128xf32, #tpu.memory_space<vmem>> -> memref<1x64x128xf32, #tpu.memory_space<vmem>>
      %dma_start3A_638 = tpu.memref_squeeze %dma_start3A_637 : memref<1x64x128xf32, #tpu.memory_space<vmem>> -> memref<64x128xf32, #tpu.memory_space<vmem>>
      tpu.enqueue_dma source(%dma_start3A_638 : memref<64x128xf32, #tpu.memory_space<vmem>>) target(%dma_start3A_634 : memref<64x128xf32, #tpu.memory_space<hbm>>) target_semaphore(%arg26 : memref<!tpu.dma_semaphore, #tpu.memory_space<semaphore_mem>>)
      %le3A_639 = arith.constant 50 : i32
      %le3A_640 = arith.cmpi sle, %add3A_607, %le3A_639 : i32
      %convert_element_type3A_641 = arith.extui %le3A_640 : i1 to i32
      %cond3A_642 = arith.constant 0 : i32
      %cond3A_643 = arith.cmpi ne, %convert_element_type3A_641, %cond3A_642 : i32
      scf.if %cond3A_643 {
        %ge3A = arith.constant 1 : i32
        %ge3A_644 = arith.cmpi sge, %add3A_607, %ge3A : i32
        %convert_element_type3A_645 = arith.extui %ge3A_644 : i1 to i32
        %cond3A_646 = arith.constant 0 : i32
        %cond3A_647 = arith.cmpi ne, %convert_element_type3A_645, %cond3A_646 : i32
        scf.if %cond3A_647 {
          %dma_wait3A_662 = arith.constant 8 : i32
          %dma_wait3A_663 = arith.constant 0 : i32
          %dma_wait3A_664 = arith.constant 0 : i32
          %dma_wait3A_665 = tpu.memref_slice %arg6[%dma_wait3A_662, %dma_wait3A_663, %dma_wait3A_664] : memref<10x64x128xf32, #tpu.memory_space<vmem>> -> memref<1x64x128xf32, #tpu.memory_space<vmem>>
          %dma_wait3A_666 = tpu.memref_squeeze %dma_wait3A_665 : memref<1x64x128xf32, #tpu.memory_space<vmem>> -> memref<64x128xf32, #tpu.memory_space<vmem>>
          %dma_wait3A_667 = arith.constant 0 : i32
          %dma_wait3A_668 = arith.constant 0 : i32
          %dma_wait3A_669 = tpu.memref_slice %arg4[%dma_wait3A_667, %dma_wait3A_668] : memref<122880x128xf32, #tpu.memory_space<hbm>> -> memref<64x128xf32, #tpu.memory_space<hbm>>
          %dma_wait3A_670 = arith.constant 0 : i32
          %dma_wait3A_671 = arith.constant 0 : i32
          %dma_wait3A_672 = tpu.memref_slice %arg4[%dma_wait3A_670, %dma_wait3A_671] : memref<122880x128xf32, #tpu.memory_space<hbm>> -> memref<64x128xf32, #tpu.memory_space<hbm>>
          %dma_wait3A_673 = arith.constant 0 : i32
          %dma_wait3A_674 = arith.constant 0 : i32
          %dma_wait3A_675 = tpu.memref_slice %arg6[%dma_wait3A_662, %dma_wait3A_673, %dma_wait3A_674] : memref<10x64x128xf32, #tpu.memory_space<vmem>> -> memref<1x64x128xf32, #tpu.memory_space<vmem>>
          %dma_wait3A_676 = tpu.memref_squeeze %dma_wait3A_675 : memref<1x64x128xf32, #tpu.memory_space<vmem>> -> memref<64x128xf32, #tpu.memory_space<vmem>>
          tpu.wait_dma2 semaphore(%arg25 : memref<!tpu.dma_semaphore, #tpu.memory_space<semaphore_mem>>) src(%dma_wait3A_676 : memref<64x128xf32, #tpu.memory_space<vmem>>) dst(%dma_wait3A_672 : memref<64x128xf32, #tpu.memory_space<hbm>>)
        } else {
        }
        %add3A_648 = arith.constant 10 : i32
        %add3A_649 = arith.addi %add3A_607, %add3A_648 : i32
        %sub3A = arith.constant 1 : i32
        %sub3A_650 = arith.subi %add3A_649, %sub3A : i32
        %mul3A_651 = arith.constant 64 : i32
        %mul3A_652 = arith.muli %sub3A_650, %mul3A_651 : i32
        %dma_start3A_653 = arith.constant 8 : i32
        %dma_start3A_654 = arith.constant 0 : i32
        %dma_start3A_655 = arith.constant 0 : i32
        %dma_start3A_656 = tpu.memref_slice %arg6[%dma_start3A_653, %dma_start3A_654, %dma_start3A_655] : memref<10x64x128xf32, #tpu.memory_space<vmem>> -> memref<1x64x128xf32, #tpu.memory_space<vmem>>
        %dma_start3A_657 = tpu.memref_squeeze %dma_start3A_656 : memref<1x64x128xf32, #tpu.memory_space<vmem>> -> memref<64x128xf32, #tpu.memory_space<vmem>>
        %dma_start3A_658 = tpu.memref_slice %arg5[%mul3A_652] : memref<3840xi32, #tpu.memory_space<vmem>> -> memref<64xi32, #tpu.memory_space<vmem>>
        %dma_start3A_659 = arith.constant 0 : i32
        %dma_start3A_660 = arith.constant 0 : i32
        %dma_start3A_661 = tpu.memref_slice %arg2[%dma_start3A_659, %dma_start3A_660] : memref<100000x128xf32, #tpu.memory_space<hbm>> -> memref<100000x128xf32, #tpu.memory_space<hbm>>
        tpu.enqueue_indirect_dma source(%dma_start3A_661 : memref<100000x128xf32, #tpu.memory_space<hbm>>) target(%dma_start3A_657 : memref<64x128xf32, #tpu.memory_space<vmem>>) offsets(%dma_start3A_658 : memref<64xi32, #tpu.memory_space<vmem>>) semaphore(%arg15 : memref<!tpu.dma_semaphore, #tpu.memory_space<semaphore_mem>>)
      } else {
      }
    }
    %scan3A_96 = arith.constant 6 : i32
    %dma_wait3A = arith.constant 0 : i32
    %dma_wait3A_97 = arith.constant 0 : i32
    %dma_wait3A_98 = arith.constant 0 : i32
    %dma_wait3A_99 = tpu.memref_slice %arg6[%dma_wait3A, %dma_wait3A_97, %dma_wait3A_98] : memref<10x64x128xf32, #tpu.memory_space<vmem>> -> memref<1x64x128xf32, #tpu.memory_space<vmem>>
    %dma_wait3A_100 = tpu.memref_squeeze %dma_wait3A_99 : memref<1x64x128xf32, #tpu.memory_space<vmem>> -> memref<64x128xf32, #tpu.memory_space<vmem>>
    %dma_wait3A_101 = arith.constant 0 : i32
    %dma_wait3A_102 = arith.constant 0 : i32
    %dma_wait3A_103 = tpu.memref_slice %arg4[%dma_wait3A_101, %dma_wait3A_102] : memref<122880x128xf32, #tpu.memory_space<hbm>> -> memref<64x128xf32, #tpu.memory_space<hbm>>
    %dma_wait3A_104 = arith.constant 0 : i32
    %dma_wait3A_105 = arith.constant 0 : i32
    %dma_wait3A_106 = tpu.memref_slice %arg4[%dma_wait3A_104, %dma_wait3A_105] : memref<122880x128xf32, #tpu.memory_space<hbm>> -> memref<64x128xf32, #tpu.memory_space<hbm>>
    %dma_wait3A_107 = arith.constant 0 : i32
    %dma_wait3A_108 = arith.constant 0 : i32
    %dma_wait3A_109 = tpu.memref_slice %arg6[%dma_wait3A, %dma_wait3A_107, %dma_wait3A_108] : memref<10x64x128xf32, #tpu.memory_space<vmem>> -> memref<1x64x128xf32, #tpu.memory_space<vmem>>
    %dma_wait3A_110 = tpu.memref_squeeze %dma_wait3A_109 : memref<1x64x128xf32, #tpu.memory_space<vmem>> -> memref<64x128xf32, #tpu.memory_space<vmem>>
    tpu.wait_dma2 semaphore(%arg17 : memref<!tpu.dma_semaphore, #tpu.memory_space<semaphore_mem>>) src(%dma_wait3A_110 : memref<64x128xf32, #tpu.memory_space<vmem>>) dst(%dma_wait3A_106 : memref<64x128xf32, #tpu.memory_space<hbm>>)
    %dma_wait3A_111 = arith.constant 1 : i32
    %dma_wait3A_112 = arith.constant 0 : i32
    %dma_wait3A_113 = arith.constant 0 : i32
    %dma_wait3A_114 = tpu.memref_slice %arg6[%dma_wait3A_111, %dma_wait3A_112, %dma_wait3A_113] : memref<10x64x128xf32, #tpu.memory_space<vmem>> -> memref<1x64x128xf32, #tpu.memory_space<vmem>>
    %dma_wait3A_115 = tpu.memref_squeeze %dma_wait3A_114 : memref<1x64x128xf32, #tpu.memory_space<vmem>> -> memref<64x128xf32, #tpu.memory_space<vmem>>
    %dma_wait3A_116 = arith.constant 0 : i32
    %dma_wait3A_117 = arith.constant 0 : i32
    %dma_wait3A_118 = tpu.memref_slice %arg4[%dma_wait3A_116, %dma_wait3A_117] : memref<122880x128xf32, #tpu.memory_space<hbm>> -> memref<64x128xf32, #tpu.memory_space<hbm>>
    %dma_wait3A_119 = arith.constant 0 : i32
    %dma_wait3A_120 = arith.constant 0 : i32
    %dma_wait3A_121 = tpu.memref_slice %arg4[%dma_wait3A_119, %dma_wait3A_120] : memref<122880x128xf32, #tpu.memory_space<hbm>> -> memref<64x128xf32, #tpu.memory_space<hbm>>
    %dma_wait3A_122 = arith.constant 0 : i32
    %dma_wait3A_123 = arith.constant 0 : i32
    %dma_wait3A_124 = tpu.memref_slice %arg6[%dma_wait3A_111, %dma_wait3A_122, %dma_wait3A_123] : memref<10x64x128xf32, #tpu.memory_space<vmem>> -> memref<1x64x128xf32, #tpu.memory_space<vmem>>
    %dma_wait3A_125 = tpu.memref_squeeze %dma_wait3A_124 : memref<1x64x128xf32, #tpu.memory_space<vmem>> -> memref<64x128xf32, #tpu.memory_space<vmem>>
    tpu.wait_dma2 semaphore(%arg18 : memref<!tpu.dma_semaphore, #tpu.memory_space<semaphore_mem>>) src(%dma_wait3A_125 : memref<64x128xf32, #tpu.memory_space<vmem>>) dst(%dma_wait3A_121 : memref<64x128xf32, #tpu.memory_space<hbm>>)
    %dma_wait3A_126 = arith.constant 2 : i32
    %dma_wait3A_127 = arith.constant 0 : i32
    %dma_wait3A_128 = arith.constant 0 : i32
    %dma_wait3A_129 = tpu.memref_slice %arg6[%dma_wait3A_126, %dma_wait3A_127, %dma_wait3A_128] : memref<10x64x128xf32, #tpu.memory_space<vmem>> -> memref<1x64x128xf32, #tpu.memory_space<vmem>>
    %dma_wait3A_130 = tpu.memref_squeeze %dma_wait3A_129 : memref<1x64x128xf32, #tpu.memory_space<vmem>> -> memref<64x128xf32, #tpu.memory_space<vmem>>
    %dma_wait3A_131 = arith.constant 0 : i32
    %dma_wait3A_132 = arith.constant 0 : i32
    %dma_wait3A_133 = tpu.memref_slice %arg4[%dma_wait3A_131, %dma_wait3A_132] : memref<122880x128xf32, #tpu.memory_space<hbm>> -> memref<64x128xf32, #tpu.memory_space<hbm>>
    %dma_wait3A_134 = arith.constant 0 : i32
    %dma_wait3A_135 = arith.constant 0 : i32
    %dma_wait3A_136 = tpu.memref_slice %arg4[%dma_wait3A_134, %dma_wait3A_135] : memref<122880x128xf32, #tpu.memory_space<hbm>> -> memref<64x128xf32, #tpu.memory_space<hbm>>
    %dma_wait3A_137 = arith.constant 0 : i32
    %dma_wait3A_138 = arith.constant 0 : i32
    %dma_wait3A_139 = tpu.memref_slice %arg6[%dma_wait3A_126, %dma_wait3A_137, %dma_wait3A_138] : memref<10x64x128xf32, #tpu.memory_space<vmem>> -> memref<1x64x128xf32, #tpu.memory_space<vmem>>
    %dma_wait3A_140 = tpu.memref_squeeze %dma_wait3A_139 : memref<1x64x128xf32, #tpu.memory_space<vmem>> -> memref<64x128xf32, #tpu.memory_space<vmem>>
    tpu.wait_dma2 semaphore(%arg19 : memref<!tpu.dma_semaphore, #tpu.memory_space<semaphore_mem>>) src(%dma_wait3A_140 : memref<64x128xf32, #tpu.memory_space<vmem>>) dst(%dma_wait3A_136 : memref<64x128xf32, #tpu.memory_space<hbm>>)
    %dma_wait3A_141 = arith.constant 3 : i32
    %dma_wait3A_142 = arith.constant 0 : i32
    %dma_wait3A_143 = arith.constant 0 : i32
    %dma_wait3A_144 = tpu.memref_slice %arg6[%dma_wait3A_141, %dma_wait3A_142, %dma_wait3A_143] : memref<10x64x128xf32, #tpu.memory_space<vmem>> -> memref<1x64x128xf32, #tpu.memory_space<vmem>>
    %dma_wait3A_145 = tpu.memref_squeeze %dma_wait3A_144 : memref<1x64x128xf32, #tpu.memory_space<vmem>> -> memref<64x128xf32, #tpu.memory_space<vmem>>
    %dma_wait3A_146 = arith.constant 0 : i32
    %dma_wait3A_147 = arith.constant 0 : i32
    %dma_wait3A_148 = tpu.memref_slice %arg4[%dma_wait3A_146, %dma_wait3A_147] : memref<122880x128xf32, #tpu.memory_space<hbm>> -> memref<64x128xf32, #tpu.memory_space<hbm>>
    %dma_wait3A_149 = arith.constant 0 : i32
    %dma_wait3A_150 = arith.constant 0 : i32
    %dma_wait3A_151 = tpu.memref_slice %arg4[%dma_wait3A_149, %dma_wait3A_150] : memref<122880x128xf32, #tpu.memory_space<hbm>> -> memref<64x128xf32, #tpu.memory_space<hbm>>
    %dma_wait3A_152 = arith.constant 0 : i32
    %dma_wait3A_153 = arith.constant 0 : i32
    %dma_wait3A_154 = tpu.memref_slice %arg6[%dma_wait3A_141, %dma_wait3A_152, %dma_wait3A_153] : memref<10x64x128xf32, #tpu.memory_space<vmem>> -> memref<1x64x128xf32, #tpu.memory_space<vmem>>
    %dma_wait3A_155 = tpu.memref_squeeze %dma_wait3A_154 : memref<1x64x128xf32, #tpu.memory_space<vmem>> -> memref<64x128xf32, #tpu.memory_space<vmem>>
    tpu.wait_dma2 semaphore(%arg20 : memref<!tpu.dma_semaphore, #tpu.memory_space<semaphore_mem>>) src(%dma_wait3A_155 : memref<64x128xf32, #tpu.memory_space<vmem>>) dst(%dma_wait3A_151 : memref<64x128xf32, #tpu.memory_space<hbm>>)
    %dma_wait3A_156 = arith.constant 4 : i32
    %dma_wait3A_157 = arith.constant 0 : i32
    %dma_wait3A_158 = arith.constant 0 : i32
    %dma_wait3A_159 = tpu.memref_slice %arg6[%dma_wait3A_156, %dma_wait3A_157, %dma_wait3A_158] : memref<10x64x128xf32, #tpu.memory_space<vmem>> -> memref<1x64x128xf32, #tpu.memory_space<vmem>>
    %dma_wait3A_160 = tpu.memref_squeeze %dma_wait3A_159 : memref<1x64x128xf32, #tpu.memory_space<vmem>> -> memref<64x128xf32, #tpu.memory_space<vmem>>
    %dma_wait3A_161 = arith.constant 0 : i32
    %dma_wait3A_162 = arith.constant 0 : i32
    %dma_wait3A_163 = tpu.memref_slice %arg4[%dma_wait3A_161, %dma_wait3A_162] : memref<122880x128xf32, #tpu.memory_space<hbm>> -> memref<64x128xf32, #tpu.memory_space<hbm>>
    %dma_wait3A_164 = arith.constant 0 : i32
    %dma_wait3A_165 = arith.constant 0 : i32
    %dma_wait3A_166 = tpu.memref_slice %arg4[%dma_wait3A_164, %dma_wait3A_165] : memref<122880x128xf32, #tpu.memory_space<hbm>> -> memref<64x128xf32, #tpu.memory_space<hbm>>
    %dma_wait3A_167 = arith.constant 0 : i32
    %dma_wait3A_168 = arith.constant 0 : i32
    %dma_wait3A_169 = tpu.memref_slice %arg6[%dma_wait3A_156, %dma_wait3A_167, %dma_wait3A_168] : memref<10x64x128xf32, #tpu.memory_space<vmem>> -> memref<1x64x128xf32, #tpu.memory_space<vmem>>
    %dma_wait3A_170 = tpu.memref_squeeze %dma_wait3A_169 : memref<1x64x128xf32, #tpu.memory_space<vmem>> -> memref<64x128xf32, #tpu.memory_space<vmem>>
    tpu.wait_dma2 semaphore(%arg21 : memref<!tpu.dma_semaphore, #tpu.memory_space<semaphore_mem>>) src(%dma_wait3A_170 : memref<64x128xf32, #tpu.memory_space<vmem>>) dst(%dma_wait3A_166 : memref<64x128xf32, #tpu.memory_space<hbm>>)
    %dma_wait3A_171 = arith.constant 5 : i32
    %dma_wait3A_172 = arith.constant 0 : i32
    %dma_wait3A_173 = arith.constant 0 : i32
    %dma_wait3A_174 = tpu.memref_slice %arg6[%dma_wait3A_171, %dma_wait3A_172, %dma_wait3A_173] : memref<10x64x128xf32, #tpu.memory_space<vmem>> -> memref<1x64x128xf32, #tpu.memory_space<vmem>>
    %dma_wait3A_175 = tpu.memref_squeeze %dma_wait3A_174 : memref<1x64x128xf32, #tpu.memory_space<vmem>> -> memref<64x128xf32, #tpu.memory_space<vmem>>
    %dma_wait3A_176 = arith.constant 0 : i32
    %dma_wait3A_177 = arith.constant 0 : i32
    %dma_wait3A_178 = tpu.memref_slice %arg4[%dma_wait3A_176, %dma_wait3A_177] : memref<122880x128xf32, #tpu.memory_space<hbm>> -> memref<64x128xf32, #tpu.memory_space<hbm>>
    %dma_wait3A_179 = arith.constant 0 : i32
    %dma_wait3A_180 = arith.constant 0 : i32
    %dma_wait3A_181 = tpu.memref_slice %arg4[%dma_wait3A_179, %dma_wait3A_180] : memref<122880x128xf32, #tpu.memory_space<hbm>> -> memref<64x128xf32, #tpu.memory_space<hbm>>
    %dma_wait3A_182 = arith.constant 0 : i32
    %dma_wait3A_183 = arith.constant 0 : i32
    %dma_wait3A_184 = tpu.memref_slice %arg6[%dma_wait3A_171, %dma_wait3A_182, %dma_wait3A_183] : memref<10x64x128xf32, #tpu.memory_space<vmem>> -> memref<1x64x128xf32, #tpu.memory_space<vmem>>
    %dma_wait3A_185 = tpu.memref_squeeze %dma_wait3A_184 : memref<1x64x128xf32, #tpu.memory_space<vmem>> -> memref<64x128xf32, #tpu.memory_space<vmem>>
    tpu.wait_dma2 semaphore(%arg22 : memref<!tpu.dma_semaphore, #tpu.memory_space<semaphore_mem>>) src(%dma_wait3A_185 : memref<64x128xf32, #tpu.memory_space<vmem>>) dst(%dma_wait3A_181 : memref<64x128xf32, #tpu.memory_space<hbm>>)
    %dma_wait3A_186 = arith.constant 6 : i32
    %dma_wait3A_187 = arith.constant 0 : i32
    %dma_wait3A_188 = arith.constant 0 : i32
    %dma_wait3A_189 = tpu.memref_slice %arg6[%dma_wait3A_186, %dma_wait3A_187, %dma_wait3A_188] : memref<10x64x128xf32, #tpu.memory_space<vmem>> -> memref<1x64x128xf32, #tpu.memory_space<vmem>>
    %dma_wait3A_190 = tpu.memref_squeeze %dma_wait3A_189 : memref<1x64x128xf32, #tpu.memory_space<vmem>> -> memref<64x128xf32, #tpu.memory_space<vmem>>
    %dma_wait3A_191 = arith.constant 0 : i32
    %dma_wait3A_192 = arith.constant 0 : i32
    %dma_wait3A_193 = tpu.memref_slice %arg4[%dma_wait3A_191, %dma_wait3A_192] : memref<122880x128xf32, #tpu.memory_space<hbm>> -> memref<64x128xf32, #tpu.memory_space<hbm>>
    %dma_wait3A_194 = arith.constant 0 : i32
    %dma_wait3A_195 = arith.constant 0 : i32
    %dma_wait3A_196 = tpu.memref_slice %arg4[%dma_wait3A_194, %dma_wait3A_195] : memref<122880x128xf32, #tpu.memory_space<hbm>> -> memref<64x128xf32, #tpu.memory_space<hbm>>
    %dma_wait3A_197 = arith.constant 0 : i32
    %dma_wait3A_198 = arith.constant 0 : i32
    %dma_wait3A_199 = tpu.memref_slice %arg6[%dma_wait3A_186, %dma_wait3A_197, %dma_wait3A_198] : memref<10x64x128xf32, #tpu.memory_space<vmem>> -> memref<1x64x128xf32, #tpu.memory_space<vmem>>
    %dma_wait3A_200 = tpu.memref_squeeze %dma_wait3A_199 : memref<1x64x128xf32, #tpu.memory_space<vmem>> -> memref<64x128xf32, #tpu.memory_space<vmem>>
    tpu.wait_dma2 semaphore(%arg23 : memref<!tpu.dma_semaphore, #tpu.memory_space<semaphore_mem>>) src(%dma_wait3A_200 : memref<64x128xf32, #tpu.memory_space<vmem>>) dst(%dma_wait3A_196 : memref<64x128xf32, #tpu.memory_space<hbm>>)
    %dma_wait3A_201 = arith.constant 7 : i32
    %dma_wait3A_202 = arith.constant 0 : i32
    %dma_wait3A_203 = arith.constant 0 : i32
    %dma_wait3A_204 = tpu.memref_slice %arg6[%dma_wait3A_201, %dma_wait3A_202, %dma_wait3A_203] : memref<10x64x128xf32, #tpu.memory_space<vmem>> -> memref<1x64x128xf32, #tpu.memory_space<vmem>>
    %dma_wait3A_205 = tpu.memref_squeeze %dma_wait3A_204 : memref<1x64x128xf32, #tpu.memory_space<vmem>> -> memref<64x128xf32, #tpu.memory_space<vmem>>
    %dma_wait3A_206 = arith.constant 0 : i32
    %dma_wait3A_207 = arith.constant 0 : i32
    %dma_wait3A_208 = tpu.memref_slice %arg4[%dma_wait3A_206, %dma_wait3A_207] : memref<122880x128xf32, #tpu.memory_space<hbm>> -> memref<64x128xf32, #tpu.memory_space<hbm>>
    %dma_wait3A_209 = arith.constant 0 : i32
    %dma_wait3A_210 = arith.constant 0 : i32
    %dma_wait3A_211 = tpu.memref_slice %arg4[%dma_wait3A_209, %dma_wait3A_210] : memref<122880x128xf32, #tpu.memory_space<hbm>> -> memref<64x128xf32, #tpu.memory_space<hbm>>
    %dma_wait3A_212 = arith.constant 0 : i32
    %dma_wait3A_213 = arith.constant 0 : i32
    %dma_wait3A_214 = tpu.memref_slice %arg6[%dma_wait3A_201, %dma_wait3A_212, %dma_wait3A_213] : memref<10x64x128xf32, #tpu.memory_space<vmem>> -> memref<1x64x128xf32, #tpu.memory_space<vmem>>
    %dma_wait3A_215 = tpu.memref_squeeze %dma_wait3A_214 : memref<1x64x128xf32, #tpu.memory_space<vmem>> -> memref<64x128xf32, #tpu.memory_space<vmem>>
    tpu.wait_dma2 semaphore(%arg24 : memref<!tpu.dma_semaphore, #tpu.memory_space<semaphore_mem>>) src(%dma_wait3A_215 : memref<64x128xf32, #tpu.memory_space<vmem>>) dst(%dma_wait3A_211 : memref<64x128xf32, #tpu.memory_space<hbm>>)
    %dma_wait3A_216 = arith.constant 8 : i32
    %dma_wait3A_217 = arith.constant 0 : i32
    %dma_wait3A_218 = arith.constant 0 : i32
    %dma_wait3A_219 = tpu.memref_slice %arg6[%dma_wait3A_216, %dma_wait3A_217, %dma_wait3A_218] : memref<10x64x128xf32, #tpu.memory_space<vmem>> -> memref<1x64x128xf32, #tpu.memory_space<vmem>>
    %dma_wait3A_220 = tpu.memref_squeeze %dma_wait3A_219 : memref<1x64x128xf32, #tpu.memory_space<vmem>> -> memref<64x128xf32, #tpu.memory_space<vmem>>
    %dma_wait3A_221 = arith.constant 0 : i32
    %dma_wait3A_222 = arith.constant 0 : i32
    %dma_wait3A_223 = tpu.memref_slice %arg4[%dma_wait3A_221, %dma_wait3A_222] : memref<122880x128xf32, #tpu.memory_space<hbm>> -> memref<64x128xf32, #tpu.memory_space<hbm>>
    %dma_wait3A_224 = arith.constant 0 : i32
    %dma_wait3A_225 = arith.constant 0 : i32
    %dma_wait3A_226 = tpu.memref_slice %arg4[%dma_wait3A_224, %dma_wait3A_225] : memref<122880x128xf32, #tpu.memory_space<hbm>> -> memref<64x128xf32, #tpu.memory_space<hbm>>
    %dma_wait3A_227 = arith.constant 0 : i32
    %dma_wait3A_228 = arith.constant 0 : i32
    %dma_wait3A_229 = tpu.memref_slice %arg6[%dma_wait3A_216, %dma_wait3A_227, %dma_wait3A_228] : memref<10x64x128xf32, #tpu.memory_space<vmem>> -> memref<1x64x128xf32, #tpu.memory_space<vmem>>
    %dma_wait3A_230 = tpu.memref_squeeze %dma_wait3A_229 : memref<1x64x128xf32, #tpu.memory_space<vmem>> -> memref<64x128xf32, #tpu.memory_space<vmem>>
    tpu.wait_dma2 semaphore(%arg25 : memref<!tpu.dma_semaphore, #tpu.memory_space<semaphore_mem>>) src(%dma_wait3A_230 : memref<64x128xf32, #tpu.memory_space<vmem>>) dst(%dma_wait3A_226 : memref<64x128xf32, #tpu.memory_space<hbm>>)
    %dma_wait3A_231 = arith.constant 9 : i32
    %dma_wait3A_232 = arith.constant 0 : i32
    %dma_wait3A_233 = arith.constant 0 : i32
    %dma_wait3A_234 = tpu.memref_slice %arg6[%dma_wait3A_231, %dma_wait3A_232, %dma_wait3A_233] : memref<10x64x128xf32, #tpu.memory_space<vmem>> -> memref<1x64x128xf32, #tpu.memory_space<vmem>>
    %dma_wait3A_235 = tpu.memref_squeeze %dma_wait3A_234 : memref<1x64x128xf32, #tpu.memory_space<vmem>> -> memref<64x128xf32, #tpu.memory_space<vmem>>
    %dma_wait3A_236 = arith.constant 0 : i32
    %dma_wait3A_237 = arith.constant 0 : i32
    %dma_wait3A_238 = tpu.memref_slice %arg4[%dma_wait3A_236, %dma_wait3A_237] : memref<122880x128xf32, #tpu.memory_space<hbm>> -> memref<64x128xf32, #tpu.memory_space<hbm>>
    %dma_wait3A_239 = arith.constant 0 : i32
    %dma_wait3A_240 = arith.constant 0 : i32
    %dma_wait3A_241 = tpu.memref_slice %arg4[%dma_wait3A_239, %dma_wait3A_240] : memref<122880x128xf32, #tpu.memory_space<hbm>> -> memref<64x128xf32, #tpu.memory_space<hbm>>
    %dma_wait3A_242 = arith.constant 0 : i32
    %dma_wait3A_243 = arith.constant 0 : i32
    %dma_wait3A_244 = tpu.memref_slice %arg6[%dma_wait3A_231, %dma_wait3A_242, %dma_wait3A_243] : memref<10x64x128xf32, #tpu.memory_space<vmem>> -> memref<1x64x128xf32, #tpu.memory_space<vmem>>
    %dma_wait3A_245 = tpu.memref_squeeze %dma_wait3A_244 : memref<1x64x128xf32, #tpu.memory_space<vmem>> -> memref<64x128xf32, #tpu.memory_space<vmem>>
    tpu.wait_dma2 semaphore(%arg26 : memref<!tpu.dma_semaphore, #tpu.memory_space<semaphore_mem>>) src(%dma_wait3A_245 : memref<64x128xf32, #tpu.memory_space<vmem>>) dst(%dma_wait3A_241 : memref<64x128xf32, #tpu.memory_space<hbm>>)
    return
  }
}

#map = affine_map<(d0, d1) -> (0, 0)>
#map1 = affine_map<(d0, d1) -> (0)>
module attributes {stable_mosaic.version = 14 : i64} {
  func.func @gather_kernel(%arg0: i32, %arg1: i32, %arg2: memref<100000x128xf32, #tpu.memory_space<hbm>>, %arg3: memref<81920xi32, #tpu.memory_space<hbm>>, %arg4: memref<81920x128xf32, #tpu.memory_space<hbm>>, %arg5: memref<2560xi32, #tpu.memory_space<vmem>>, %arg6: memref<10x64x128xf32, #tpu.memory_space<vmem>>, %arg7: memref<!tpu.dma_semaphore, #tpu.memory_space<semaphore_mem>>, %arg8: memref<!tpu.dma_semaphore, #tpu.memory_space<semaphore_mem>>, %arg9: memref<!tpu.dma_semaphore, #tpu.memory_space<semaphore_mem>>, %arg10: memref<!tpu.dma_semaphore, #tpu.memory_space<semaphore_mem>>, %arg11: memref<!tpu.dma_semaphore, #tpu.memory_space<semaphore_mem>>, %arg12: memref<!tpu.dma_semaphore, #tpu.memory_space<semaphore_mem>>, %arg13: memref<!tpu.dma_semaphore, #tpu.memory_space<semaphore_mem>>, %arg14: memref<!tpu.dma_semaphore, #tpu.memory_space<semaphore_mem>>, %arg15: memref<!tpu.dma_semaphore, #tpu.memory_space<semaphore_mem>>, %arg16: memref<!tpu.dma_semaphore, #tpu.memory_space<semaphore_mem>>, %arg17: memref<!tpu.dma_semaphore, #tpu.memory_space<semaphore_mem>>, %arg18: memref<!tpu.dma_semaphore, #tpu.memory_space<semaphore_mem>>, %arg19: memref<!tpu.dma_semaphore, #tpu.memory_space<semaphore_mem>>, %arg20: memref<!tpu.dma_semaphore, #tpu.memory_space<semaphore_mem>>, %arg21: memref<!tpu.dma_semaphore, #tpu.memory_space<semaphore_mem>>, %arg22: memref<!tpu.dma_semaphore, #tpu.memory_space<semaphore_mem>>, %arg23: memref<!tpu.dma_semaphore, #tpu.memory_space<semaphore_mem>>, %arg24: memref<!tpu.dma_semaphore, #tpu.memory_space<semaphore_mem>>, %arg25: memref<!tpu.dma_semaphore, #tpu.memory_space<semaphore_mem>>, %arg26: memref<!tpu.dma_semaphore, #tpu.memory_space<semaphore_mem>>) attributes {dimension_semantics = [#tpu.dimension_semantics<core_parallel>, #tpu.dimension_semantics<subcore_parallel>], iteration_bounds = array<i64: 2, 16>, scalar_prefetch = 0 : i64, scratch_operands = 22 : i64, tpu.core_type = #tpu.core_type<sc_vector_subcore>, window_params = [{transform_indices = #map}, {transform_indices = #map1}, {transform_indices = #map}]} {
    %mul3A = arith.constant 2 : i32
    %mul3A_0 = arith.muli %arg1, %mul3A : i32
    %add3A = arith.addi %mul3A_0, %arg0 : i32
    %mul3A_1 = arith.constant 2560 : i32
    %mul3A_2 = arith.muli %add3A, %mul3A_1 : i32
    "tpu.region"() ({
      %run_scoped3A = tpu.sem_alloc : memref<!tpu.dma_semaphore, #tpu.memory_space<semaphore_mem>>
      %dma_start3A_246 = tpu.memref_slice %arg3[%mul3A_2] : memref<81920xi32, #tpu.memory_space<hbm>> -> memref<2560xi32, #tpu.memory_space<hbm>>
      %dma_start3A_247 = tpu.memref_slice %arg3[%mul3A_2] : memref<81920xi32, #tpu.memory_space<hbm>> -> memref<2560xi32, #tpu.memory_space<hbm>>
      tpu.enqueue_dma source(%dma_start3A_247 : memref<2560xi32, #tpu.memory_space<hbm>>) target(%arg5 : memref<2560xi32, #tpu.memory_space<vmem>>) target_semaphore(%run_scoped3A : memref<!tpu.dma_semaphore, #tpu.memory_space<semaphore_mem>>)
      %dma_wait3A_248 = tpu.memref_slice %arg3[%mul3A_2] : memref<81920xi32, #tpu.memory_space<hbm>> -> memref<2560xi32, #tpu.memory_space<hbm>>
      %dma_wait3A_249 = tpu.memref_slice %arg3[%mul3A_2] : memref<81920xi32, #tpu.memory_space<hbm>> -> memref<2560xi32, #tpu.memory_space<hbm>>
      tpu.wait_dma2 semaphore(%run_scoped3A : memref<!tpu.dma_semaphore, #tpu.memory_space<semaphore_mem>>) src(%dma_wait3A_249 : memref<2560xi32, #tpu.memory_space<hbm>>) dst(%arg5 : memref<2560xi32, #tpu.memory_space<vmem>>)
      tpu.yield
    }) : () -> ()
    %dma_start3A = arith.constant 0 : i32
    %dma_start3A_3 = arith.constant 0 : i32
    %dma_start3A_4 = arith.constant 0 : i32
    %dma_start3A_5 = tpu.memref_slice %arg6[%dma_start3A, %dma_start3A_3, %dma_start3A_4] : memref<10x64x128xf32, #tpu.memory_space<vmem>> -> memref<1x64x128xf32, #tpu.memory_space<vmem>>
    %dma_start3A_6 = tpu.memref_squeeze %dma_start3A_5 : memref<1x64x128xf32, #tpu.memory_space<vmem>> -> memref<64x128xf32, #tpu.memory_space<vmem>>
    %dma_start3A_7 = arith.constant 0 : i32
    %dma_start3A_8 = tpu.memref_slice %arg5[%dma_start3A_7] : memref<2560xi32, #tpu.memory_space<vmem>> -> memref<64xi32, #tpu.memory_space<vmem>>
    %dma_start3A_9 = arith.constant 0 : i32
    %dma_start3A_10 = arith.constant 0 : i32
    %dma_start3A_11 = tpu.memref_slice %arg2[%dma_start3A_9, %dma_start3A_10] : memref<100000x128xf32, #tpu.memory_space<hbm>> -> memref<100000x128xf32, #tpu.memory_space<hbm>>
    tpu.enqueue_indirect_dma source(%dma_start3A_11 : memref<100000x128xf32, #tpu.memory_space<hbm>>) target(%dma_start3A_6 : memref<64x128xf32, #tpu.memory_space<vmem>>) offsets(%dma_start3A_8 : memref<64xi32, #tpu.memory_space<vmem>>) semaphore(%arg7 : memref<!tpu.dma_semaphore, #tpu.memory_space<semaphore_mem>>)
    %dma_start3A_12 = arith.constant 1 : i32
    %dma_start3A_13 = arith.constant 0 : i32
    %dma_start3A_14 = arith.constant 0 : i32
    %dma_start3A_15 = tpu.memref_slice %arg6[%dma_start3A_12, %dma_start3A_13, %dma_start3A_14] : memref<10x64x128xf32, #tpu.memory_space<vmem>> -> memref<1x64x128xf32, #tpu.memory_space<vmem>>
    %dma_start3A_16 = tpu.memref_squeeze %dma_start3A_15 : memref<1x64x128xf32, #tpu.memory_space<vmem>> -> memref<64x128xf32, #tpu.memory_space<vmem>>
    %dma_start3A_17 = arith.constant 64 : i32
    %dma_start3A_18 = tpu.memref_slice %arg5[%dma_start3A_17] : memref<2560xi32, #tpu.memory_space<vmem>> -> memref<64xi32, #tpu.memory_space<vmem>>
    %dma_start3A_19 = arith.constant 0 : i32
    %dma_start3A_20 = arith.constant 0 : i32
    %dma_start3A_21 = tpu.memref_slice %arg2[%dma_start3A_19, %dma_start3A_20] : memref<100000x128xf32, #tpu.memory_space<hbm>> -> memref<100000x128xf32, #tpu.memory_space<hbm>>
    tpu.enqueue_indirect_dma source(%dma_start3A_21 : memref<100000x128xf32, #tpu.memory_space<hbm>>) target(%dma_start3A_16 : memref<64x128xf32, #tpu.memory_space<vmem>>) offsets(%dma_start3A_18 : memref<64xi32, #tpu.memory_space<vmem>>) semaphore(%arg8 : memref<!tpu.dma_semaphore, #tpu.memory_space<semaphore_mem>>)
    %dma_start3A_22 = arith.constant 2 : i32
    %dma_start3A_23 = arith.constant 0 : i32
    %dma_start3A_24 = arith.constant 0 : i32
    %dma_start3A_25 = tpu.memref_slice %arg6[%dma_start3A_22, %dma_start3A_23, %dma_start3A_24] : memref<10x64x128xf32, #tpu.memory_space<vmem>> -> memref<1x64x128xf32, #tpu.memory_space<vmem>>
    %dma_start3A_26 = tpu.memref_squeeze %dma_start3A_25 : memref<1x64x128xf32, #tpu.memory_space<vmem>> -> memref<64x128xf32, #tpu.memory_space<vmem>>
    %dma_start3A_27 = arith.constant 128 : i32
    %dma_start3A_28 = tpu.memref_slice %arg5[%dma_start3A_27] : memref<2560xi32, #tpu.memory_space<vmem>> -> memref<64xi32, #tpu.memory_space<vmem>>
    %dma_start3A_29 = arith.constant 0 : i32
    %dma_start3A_30 = arith.constant 0 : i32
    %dma_start3A_31 = tpu.memref_slice %arg2[%dma_start3A_29, %dma_start3A_30] : memref<100000x128xf32, #tpu.memory_space<hbm>> -> memref<100000x128xf32, #tpu.memory_space<hbm>>
    tpu.enqueue_indirect_dma source(%dma_start3A_31 : memref<100000x128xf32, #tpu.memory_space<hbm>>) target(%dma_start3A_26 : memref<64x128xf32, #tpu.memory_space<vmem>>) offsets(%dma_start3A_28 : memref<64xi32, #tpu.memory_space<vmem>>) semaphore(%arg9 : memref<!tpu.dma_semaphore, #tpu.memory_space<semaphore_mem>>)
    %dma_start3A_32 = arith.constant 3 : i32
    %dma_start3A_33 = arith.constant 0 : i32
    %dma_start3A_34 = arith.constant 0 : i32
    %dma_start3A_35 = tpu.memref_slice %arg6[%dma_start3A_32, %dma_start3A_33, %dma_start3A_34] : memref<10x64x128xf32, #tpu.memory_space<vmem>> -> memref<1x64x128xf32, #tpu.memory_space<vmem>>
    %dma_start3A_36 = tpu.memref_squeeze %dma_start3A_35 : memref<1x64x128xf32, #tpu.memory_space<vmem>> -> memref<64x128xf32, #tpu.memory_space<vmem>>
    %dma_start3A_37 = arith.constant 192 : i32
    %dma_start3A_38 = tpu.memref_slice %arg5[%dma_start3A_37] : memref<2560xi32, #tpu.memory_space<vmem>> -> memref<64xi32, #tpu.memory_space<vmem>>
    %dma_start3A_39 = arith.constant 0 : i32
    %dma_start3A_40 = arith.constant 0 : i32
    %dma_start3A_41 = tpu.memref_slice %arg2[%dma_start3A_39, %dma_start3A_40] : memref<100000x128xf32, #tpu.memory_space<hbm>> -> memref<100000x128xf32, #tpu.memory_space<hbm>>
    tpu.enqueue_indirect_dma source(%dma_start3A_41 : memref<100000x128xf32, #tpu.memory_space<hbm>>) target(%dma_start3A_36 : memref<64x128xf32, #tpu.memory_space<vmem>>) offsets(%dma_start3A_38 : memref<64xi32, #tpu.memory_space<vmem>>) semaphore(%arg10 : memref<!tpu.dma_semaphore, #tpu.memory_space<semaphore_mem>>)
    %dma_start3A_42 = arith.constant 4 : i32
    %dma_start3A_43 = arith.constant 0 : i32
    %dma_start3A_44 = arith.constant 0 : i32
    %dma_start3A_45 = tpu.memref_slice %arg6[%dma_start3A_42, %dma_start3A_43, %dma_start3A_44] : memref<10x64x128xf32, #tpu.memory_space<vmem>> -> memref<1x64x128xf32, #tpu.memory_space<vmem>>
    %dma_start3A_46 = tpu.memref_squeeze %dma_start3A_45 : memref<1x64x128xf32, #tpu.memory_space<vmem>> -> memref<64x128xf32, #tpu.memory_space<vmem>>
    %dma_start3A_47 = arith.constant 256 : i32
    %dma_start3A_48 = tpu.memref_slice %arg5[%dma_start3A_47] : memref<2560xi32, #tpu.memory_space<vmem>> -> memref<64xi32, #tpu.memory_space<vmem>>
    %dma_start3A_49 = arith.constant 0 : i32
    %dma_start3A_50 = arith.constant 0 : i32
    %dma_start3A_51 = tpu.memref_slice %arg2[%dma_start3A_49, %dma_start3A_50] : memref<100000x128xf32, #tpu.memory_space<hbm>> -> memref<100000x128xf32, #tpu.memory_space<hbm>>
    tpu.enqueue_indirect_dma source(%dma_start3A_51 : memref<100000x128xf32, #tpu.memory_space<hbm>>) target(%dma_start3A_46 : memref<64x128xf32, #tpu.memory_space<vmem>>) offsets(%dma_start3A_48 : memref<64xi32, #tpu.memory_space<vmem>>) semaphore(%arg11 : memref<!tpu.dma_semaphore, #tpu.memory_space<semaphore_mem>>)
    %dma_start3A_52 = arith.constant 5 : i32
    %dma_start3A_53 = arith.constant 0 : i32
    %dma_start3A_54 = arith.constant 0 : i32
    %dma_start3A_55 = tpu.memref_slice %arg6[%dma_start3A_52, %dma_start3A_53, %dma_start3A_54] : memref<10x64x128xf32, #tpu.memory_space<vmem>> -> memref<1x64x128xf32, #tpu.memory_space<vmem>>
    %dma_start3A_56 = tpu.memref_squeeze %dma_start3A_55 : memref<1x64x128xf32, #tpu.memory_space<vmem>> -> memref<64x128xf32, #tpu.memory_space<vmem>>
    %dma_start3A_57 = arith.constant 320 : i32
    %dma_start3A_58 = tpu.memref_slice %arg5[%dma_start3A_57] : memref<2560xi32, #tpu.memory_space<vmem>> -> memref<64xi32, #tpu.memory_space<vmem>>
    %dma_start3A_59 = arith.constant 0 : i32
    %dma_start3A_60 = arith.constant 0 : i32
    %dma_start3A_61 = tpu.memref_slice %arg2[%dma_start3A_59, %dma_start3A_60] : memref<100000x128xf32, #tpu.memory_space<hbm>> -> memref<100000x128xf32, #tpu.memory_space<hbm>>
    tpu.enqueue_indirect_dma source(%dma_start3A_61 : memref<100000x128xf32, #tpu.memory_space<hbm>>) target(%dma_start3A_56 : memref<64x128xf32, #tpu.memory_space<vmem>>) offsets(%dma_start3A_58 : memref<64xi32, #tpu.memory_space<vmem>>) semaphore(%arg12 : memref<!tpu.dma_semaphore, #tpu.memory_space<semaphore_mem>>)
    %dma_start3A_62 = arith.constant 6 : i32
    %dma_start3A_63 = arith.constant 0 : i32
    %dma_start3A_64 = arith.constant 0 : i32
    %dma_start3A_65 = tpu.memref_slice %arg6[%dma_start3A_62, %dma_start3A_63, %dma_start3A_64] : memref<10x64x128xf32, #tpu.memory_space<vmem>> -> memref<1x64x128xf32, #tpu.memory_space<vmem>>
    %dma_start3A_66 = tpu.memref_squeeze %dma_start3A_65 : memref<1x64x128xf32, #tpu.memory_space<vmem>> -> memref<64x128xf32, #tpu.memory_space<vmem>>
    %dma_start3A_67 = arith.constant 384 : i32
    %dma_start3A_68 = tpu.memref_slice %arg5[%dma_start3A_67] : memref<2560xi32, #tpu.memory_space<vmem>> -> memref<64xi32, #tpu.memory_space<vmem>>
    %dma_start3A_69 = arith.constant 0 : i32
    %dma_start3A_70 = arith.constant 0 : i32
    %dma_start3A_71 = tpu.memref_slice %arg2[%dma_start3A_69, %dma_start3A_70] : memref<100000x128xf32, #tpu.memory_space<hbm>> -> memref<100000x128xf32, #tpu.memory_space<hbm>>
    tpu.enqueue_indirect_dma source(%dma_start3A_71 : memref<100000x128xf32, #tpu.memory_space<hbm>>) target(%dma_start3A_66 : memref<64x128xf32, #tpu.memory_space<vmem>>) offsets(%dma_start3A_68 : memref<64xi32, #tpu.memory_space<vmem>>) semaphore(%arg13 : memref<!tpu.dma_semaphore, #tpu.memory_space<semaphore_mem>>)
    %dma_start3A_72 = arith.constant 7 : i32
    %dma_start3A_73 = arith.constant 0 : i32
    %dma_start3A_74 = arith.constant 0 : i32
    %dma_start3A_75 = tpu.memref_slice %arg6[%dma_start3A_72, %dma_start3A_73, %dma_start3A_74] : memref<10x64x128xf32, #tpu.memory_space<vmem>> -> memref<1x64x128xf32, #tpu.memory_space<vmem>>
    %dma_start3A_76 = tpu.memref_squeeze %dma_start3A_75 : memref<1x64x128xf32, #tpu.memory_space<vmem>> -> memref<64x128xf32, #tpu.memory_space<vmem>>
    %dma_start3A_77 = arith.constant 448 : i32
    %dma_start3A_78 = tpu.memref_slice %arg5[%dma_start3A_77] : memref<2560xi32, #tpu.memory_space<vmem>> -> memref<64xi32, #tpu.memory_space<vmem>>
    %dma_start3A_79 = arith.constant 0 : i32
    %dma_start3A_80 = arith.constant 0 : i32
    %dma_start3A_81 = tpu.memref_slice %arg2[%dma_start3A_79, %dma_start3A_80] : memref<100000x128xf32, #tpu.memory_space<hbm>> -> memref<100000x128xf32, #tpu.memory_space<hbm>>
    tpu.enqueue_indirect_dma source(%dma_start3A_81 : memref<100000x128xf32, #tpu.memory_space<hbm>>) target(%dma_start3A_76 : memref<64x128xf32, #tpu.memory_space<vmem>>) offsets(%dma_start3A_78 : memref<64xi32, #tpu.memory_space<vmem>>) semaphore(%arg14 : memref<!tpu.dma_semaphore, #tpu.memory_space<semaphore_mem>>)
    %dma_start3A_82 = arith.constant 8 : i32
    %dma_start3A_83 = arith.constant 0 : i32
    %dma_start3A_84 = arith.constant 0 : i32
    %dma_start3A_85 = tpu.memref_slice %arg6[%dma_start3A_82, %dma_start3A_83, %dma_start3A_84] : memref<10x64x128xf32, #tpu.memory_space<vmem>> -> memref<1x64x128xf32, #tpu.memory_space<vmem>>
    %dma_start3A_86 = tpu.memref_squeeze %dma_start3A_85 : memref<1x64x128xf32, #tpu.memory_space<vmem>> -> memref<64x128xf32, #tpu.memory_space<vmem>>
    %dma_start3A_87 = arith.constant 512 : i32
    %dma_start3A_88 = tpu.memref_slice %arg5[%dma_start3A_87] : memref<2560xi32, #tpu.memory_space<vmem>> -> memref<64xi32, #tpu.memory_space<vmem>>
    %dma_start3A_89 = arith.constant 0 : i32
    %dma_start3A_90 = arith.constant 0 : i32
    %dma_start3A_91 = tpu.memref_slice %arg2[%dma_start3A_89, %dma_start3A_90] : memref<100000x128xf32, #tpu.memory_space<hbm>> -> memref<100000x128xf32, #tpu.memory_space<hbm>>
    tpu.enqueue_indirect_dma source(%dma_start3A_91 : memref<100000x128xf32, #tpu.memory_space<hbm>>) target(%dma_start3A_86 : memref<64x128xf32, #tpu.memory_space<vmem>>) offsets(%dma_start3A_88 : memref<64xi32, #tpu.memory_space<vmem>>) semaphore(%arg15 : memref<!tpu.dma_semaphore, #tpu.memory_space<semaphore_mem>>)
    %scan3A = arith.constant 0 : i32
    %scan3A_92 = arith.constant 0 : i32
    %scan3A_93 = arith.constant 4 : i32
    %scan3A_94 = arith.addi %scan3A_92, %scan3A_93 : i32
    %scan3A_95 = arith.constant 1 : i32
    scf.for %scan3A_246 = %scan3A_92 to %scan3A_94 step %scan3A_95  : i32 {
      %mul3A_247 = arith.constant 10 : i32
      %mul3A_248 = arith.muli %scan3A_246, %mul3A_247 : i32
      %add3A_249 = arith.constant 0 : i32
      %add3A_250 = arith.addi %mul3A_248, %add3A_249 : i32
      %dma_wait3A_251 = arith.constant 0 : i32
      %dma_wait3A_252 = arith.constant 0 : i32
      %dma_wait3A_253 = arith.constant 0 : i32
      %dma_wait3A_254 = tpu.memref_slice %arg6[%dma_wait3A_251, %dma_wait3A_252, %dma_wait3A_253] : memref<10x64x128xf32, #tpu.memory_space<vmem>> -> memref<1x64x128xf32, #tpu.memory_space<vmem>>
      %dma_wait3A_255 = tpu.memref_squeeze %dma_wait3A_254 : memref<1x64x128xf32, #tpu.memory_space<vmem>> -> memref<64x128xf32, #tpu.memory_space<vmem>>
      %dma_wait3A_256 = arith.constant 0 : i32
      %dma_wait3A_257 = arith.constant 0 : i32
      %dma_wait3A_258 = tpu.memref_slice %arg2[%dma_wait3A_256, %dma_wait3A_257] : memref<100000x128xf32, #tpu.memory_space<hbm>> -> memref<64x128xf32, #tpu.memory_space<hbm>>
      %dma_wait3A_259 = arith.constant 0 : i32
      %dma_wait3A_260 = arith.constant 0 : i32
      %dma_wait3A_261 = tpu.memref_slice %arg6[%dma_wait3A_251, %dma_wait3A_259, %dma_wait3A_260] : memref<10x64x128xf32, #tpu.memory_space<vmem>> -> memref<1x64x128xf32, #tpu.memory_space<vmem>>
      %dma_wait3A_262 = tpu.memref_squeeze %dma_wait3A_261 : memref<1x64x128xf32, #tpu.memory_space<vmem>> -> memref<64x128xf32, #tpu.memory_space<vmem>>
      %dma_wait3A_263 = arith.constant 0 : i32
      %dma_wait3A_264 = arith.constant 0 : i32
      %dma_wait3A_265 = tpu.memref_slice %arg2[%dma_wait3A_263, %dma_wait3A_264] : memref<100000x128xf32, #tpu.memory_space<hbm>> -> memref<64x128xf32, #tpu.memory_space<hbm>>
      tpu.wait_dma2 semaphore(%arg7 : memref<!tpu.dma_semaphore, #tpu.memory_space<semaphore_mem>>) src(%dma_wait3A_265 : memref<64x128xf32, #tpu.memory_space<hbm>>) dst(%dma_wait3A_262 : memref<64x128xf32, #tpu.memory_space<vmem>>)
      %mul3A_266 = arith.constant 64 : i32
      %mul3A_267 = arith.muli %add3A_250, %mul3A_266 : i32
      %add3A_268 = arith.addi %mul3A_2, %mul3A_267 : i32
      %dma_start3A_269 = arith.constant 0 : i32
      %dma_start3A_270 = arith.constant 0 : i32
      %dma_start3A_271 = arith.constant 0 : i32
      %dma_start3A_272 = tpu.memref_slice %arg6[%dma_start3A_269, %dma_start3A_270, %dma_start3A_271] : memref<10x64x128xf32, #tpu.memory_space<vmem>> -> memref<1x64x128xf32, #tpu.memory_space<vmem>>
      %dma_start3A_273 = tpu.memref_squeeze %dma_start3A_272 : memref<1x64x128xf32, #tpu.memory_space<vmem>> -> memref<64x128xf32, #tpu.memory_space<vmem>>
      %dma_start3A_274 = arith.constant 0 : i32
      %dma_start3A_275 = tpu.memref_slice %arg4[%add3A_268, %dma_start3A_274] : memref<81920x128xf32, #tpu.memory_space<hbm>> -> memref<64x128xf32, #tpu.memory_space<hbm>>
      %dma_start3A_276 = arith.constant 0 : i32
      %dma_start3A_277 = tpu.memref_slice %arg4[%add3A_268, %dma_start3A_276] : memref<81920x128xf32, #tpu.memory_space<hbm>> -> memref<64x128xf32, #tpu.memory_space<hbm>>
      %dma_start3A_278 = arith.constant 0 : i32
      %dma_start3A_279 = arith.constant 0 : i32
      %dma_start3A_280 = tpu.memref_slice %arg6[%dma_start3A_269, %dma_start3A_278, %dma_start3A_279] : memref<10x64x128xf32, #tpu.memory_space<vmem>> -> memref<1x64x128xf32, #tpu.memory_space<vmem>>
      %dma_start3A_281 = tpu.memref_squeeze %dma_start3A_280 : memref<1x64x128xf32, #tpu.memory_space<vmem>> -> memref<64x128xf32, #tpu.memory_space<vmem>>
      tpu.enqueue_dma source(%dma_start3A_281 : memref<64x128xf32, #tpu.memory_space<vmem>>) target(%dma_start3A_277 : memref<64x128xf32, #tpu.memory_space<hbm>>) target_semaphore(%arg17 : memref<!tpu.dma_semaphore, #tpu.memory_space<semaphore_mem>>)
      %le3A = arith.constant 30 : i32
      %le3A_282 = arith.cmpi sle, %add3A_250, %le3A : i32
      %convert_element_type3A = arith.extui %le3A_282 : i1 to i32
      %cond3A = arith.constant 0 : i32
      %cond3A_283 = arith.cmpi ne, %convert_element_type3A, %cond3A : i32
      scf.if %cond3A_283 {
        %ge3A = arith.constant 1 : i32
        %ge3A_644 = arith.cmpi sge, %add3A_250, %ge3A : i32
        %convert_element_type3A_645 = arith.extui %ge3A_644 : i1 to i32
        %cond3A_646 = arith.constant 0 : i32
        %cond3A_647 = arith.cmpi ne, %convert_element_type3A_645, %cond3A_646 : i32
        scf.if %cond3A_647 {
          %dma_wait3A_662 = arith.constant 9 : i32
          %dma_wait3A_663 = arith.constant 0 : i32
          %dma_wait3A_664 = arith.constant 0 : i32
          %dma_wait3A_665 = tpu.memref_slice %arg6[%dma_wait3A_662, %dma_wait3A_663, %dma_wait3A_664] : memref<10x64x128xf32, #tpu.memory_space<vmem>> -> memref<1x64x128xf32, #tpu.memory_space<vmem>>
          %dma_wait3A_666 = tpu.memref_squeeze %dma_wait3A_665 : memref<1x64x128xf32, #tpu.memory_space<vmem>> -> memref<64x128xf32, #tpu.memory_space<vmem>>
          %dma_wait3A_667 = arith.constant 0 : i32
          %dma_wait3A_668 = arith.constant 0 : i32
          %dma_wait3A_669 = tpu.memref_slice %arg4[%dma_wait3A_667, %dma_wait3A_668] : memref<81920x128xf32, #tpu.memory_space<hbm>> -> memref<64x128xf32, #tpu.memory_space<hbm>>
          %dma_wait3A_670 = arith.constant 0 : i32
          %dma_wait3A_671 = arith.constant 0 : i32
          %dma_wait3A_672 = tpu.memref_slice %arg4[%dma_wait3A_670, %dma_wait3A_671] : memref<81920x128xf32, #tpu.memory_space<hbm>> -> memref<64x128xf32, #tpu.memory_space<hbm>>
          %dma_wait3A_673 = arith.constant 0 : i32
          %dma_wait3A_674 = arith.constant 0 : i32
          %dma_wait3A_675 = tpu.memref_slice %arg6[%dma_wait3A_662, %dma_wait3A_673, %dma_wait3A_674] : memref<10x64x128xf32, #tpu.memory_space<vmem>> -> memref<1x64x128xf32, #tpu.memory_space<vmem>>
          %dma_wait3A_676 = tpu.memref_squeeze %dma_wait3A_675 : memref<1x64x128xf32, #tpu.memory_space<vmem>> -> memref<64x128xf32, #tpu.memory_space<vmem>>
          tpu.wait_dma2 semaphore(%arg26 : memref<!tpu.dma_semaphore, #tpu.memory_space<semaphore_mem>>) src(%dma_wait3A_676 : memref<64x128xf32, #tpu.memory_space<vmem>>) dst(%dma_wait3A_672 : memref<64x128xf32, #tpu.memory_space<hbm>>)
        } else {
        }
        %add3A_648 = arith.constant 10 : i32
        %add3A_649 = arith.addi %add3A_250, %add3A_648 : i32
        %sub3A = arith.constant 1 : i32
        %sub3A_650 = arith.subi %add3A_649, %sub3A : i32
        %mul3A_651 = arith.constant 64 : i32
        %mul3A_652 = arith.muli %sub3A_650, %mul3A_651 : i32
        %dma_start3A_653 = arith.constant 9 : i32
        %dma_start3A_654 = arith.constant 0 : i32
        %dma_start3A_655 = arith.constant 0 : i32
        %dma_start3A_656 = tpu.memref_slice %arg6[%dma_start3A_653, %dma_start3A_654, %dma_start3A_655] : memref<10x64x128xf32, #tpu.memory_space<vmem>> -> memref<1x64x128xf32, #tpu.memory_space<vmem>>
        %dma_start3A_657 = tpu.memref_squeeze %dma_start3A_656 : memref<1x64x128xf32, #tpu.memory_space<vmem>> -> memref<64x128xf32, #tpu.memory_space<vmem>>
        %dma_start3A_658 = tpu.memref_slice %arg5[%mul3A_652] : memref<2560xi32, #tpu.memory_space<vmem>> -> memref<64xi32, #tpu.memory_space<vmem>>
        %dma_start3A_659 = arith.constant 0 : i32
        %dma_start3A_660 = arith.constant 0 : i32
        %dma_start3A_661 = tpu.memref_slice %arg2[%dma_start3A_659, %dma_start3A_660] : memref<100000x128xf32, #tpu.memory_space<hbm>> -> memref<100000x128xf32, #tpu.memory_space<hbm>>
        tpu.enqueue_indirect_dma source(%dma_start3A_661 : memref<100000x128xf32, #tpu.memory_space<hbm>>) target(%dma_start3A_657 : memref<64x128xf32, #tpu.memory_space<vmem>>) offsets(%dma_start3A_658 : memref<64xi32, #tpu.memory_space<vmem>>) semaphore(%arg16 : memref<!tpu.dma_semaphore, #tpu.memory_space<semaphore_mem>>)
      } else {
      }
      %mul3A_284 = arith.constant 10 : i32
      %mul3A_285 = arith.muli %scan3A_246, %mul3A_284 : i32
      %add3A_286 = arith.constant 1 : i32
      %add3A_287 = arith.addi %mul3A_285, %add3A_286 : i32
      %dma_wait3A_288 = arith.constant 1 : i32
      %dma_wait3A_289 = arith.constant 0 : i32
      %dma_wait3A_290 = arith.constant 0 : i32
      %dma_wait3A_291 = tpu.memref_slice %arg6[%dma_wait3A_288, %dma_wait3A_289, %dma_wait3A_290] : memref<10x64x128xf32, #tpu.memory_space<vmem>> -> memref<1x64x128xf32, #tpu.memory_space<vmem>>
      %dma_wait3A_292 = tpu.memref_squeeze %dma_wait3A_291 : memref<1x64x128xf32, #tpu.memory_space<vmem>> -> memref<64x128xf32, #tpu.memory_space<vmem>>
      %dma_wait3A_293 = arith.constant 0 : i32
      %dma_wait3A_294 = arith.constant 0 : i32
      %dma_wait3A_295 = tpu.memref_slice %arg2[%dma_wait3A_293, %dma_wait3A_294] : memref<100000x128xf32, #tpu.memory_space<hbm>> -> memref<64x128xf32, #tpu.memory_space<hbm>>
      %dma_wait3A_296 = arith.constant 0 : i32
      %dma_wait3A_297 = arith.constant 0 : i32
      %dma_wait3A_298 = tpu.memref_slice %arg6[%dma_wait3A_288, %dma_wait3A_296, %dma_wait3A_297] : memref<10x64x128xf32, #tpu.memory_space<vmem>> -> memref<1x64x128xf32, #tpu.memory_space<vmem>>
      %dma_wait3A_299 = tpu.memref_squeeze %dma_wait3A_298 : memref<1x64x128xf32, #tpu.memory_space<vmem>> -> memref<64x128xf32, #tpu.memory_space<vmem>>
      %dma_wait3A_300 = arith.constant 0 : i32
      %dma_wait3A_301 = arith.constant 0 : i32
      %dma_wait3A_302 = tpu.memref_slice %arg2[%dma_wait3A_300, %dma_wait3A_301] : memref<100000x128xf32, #tpu.memory_space<hbm>> -> memref<64x128xf32, #tpu.memory_space<hbm>>
      tpu.wait_dma2 semaphore(%arg8 : memref<!tpu.dma_semaphore, #tpu.memory_space<semaphore_mem>>) src(%dma_wait3A_302 : memref<64x128xf32, #tpu.memory_space<hbm>>) dst(%dma_wait3A_299 : memref<64x128xf32, #tpu.memory_space<vmem>>)
      %mul3A_303 = arith.constant 64 : i32
      %mul3A_304 = arith.muli %add3A_287, %mul3A_303 : i32
      %add3A_305 = arith.addi %mul3A_2, %mul3A_304 : i32
      %dma_start3A_306 = arith.constant 1 : i32
      %dma_start3A_307 = arith.constant 0 : i32
      %dma_start3A_308 = arith.constant 0 : i32
      %dma_start3A_309 = tpu.memref_slice %arg6[%dma_start3A_306, %dma_start3A_307, %dma_start3A_308] : memref<10x64x128xf32, #tpu.memory_space<vmem>> -> memref<1x64x128xf32, #tpu.memory_space<vmem>>
      %dma_start3A_310 = tpu.memref_squeeze %dma_start3A_309 : memref<1x64x128xf32, #tpu.memory_space<vmem>> -> memref<64x128xf32, #tpu.memory_space<vmem>>
      %dma_start3A_311 = arith.constant 0 : i32
      %dma_start3A_312 = tpu.memref_slice %arg4[%add3A_305, %dma_start3A_311] : memref<81920x128xf32, #tpu.memory_space<hbm>> -> memref<64x128xf32, #tpu.memory_space<hbm>>
      %dma_start3A_313 = arith.constant 0 : i32
      %dma_start3A_314 = tpu.memref_slice %arg4[%add3A_305, %dma_start3A_313] : memref<81920x128xf32, #tpu.memory_space<hbm>> -> memref<64x128xf32, #tpu.memory_space<hbm>>
      %dma_start3A_315 = arith.constant 0 : i32
      %dma_start3A_316 = arith.constant 0 : i32
      %dma_start3A_317 = tpu.memref_slice %arg6[%dma_start3A_306, %dma_start3A_315, %dma_start3A_316] : memref<10x64x128xf32, #tpu.memory_space<vmem>> -> memref<1x64x128xf32, #tpu.memory_space<vmem>>
      %dma_start3A_318 = tpu.memref_squeeze %dma_start3A_317 : memref<1x64x128xf32, #tpu.memory_space<vmem>> -> memref<64x128xf32, #tpu.memory_space<vmem>>
      tpu.enqueue_dma source(%dma_start3A_318 : memref<64x128xf32, #tpu.memory_space<vmem>>) target(%dma_start3A_314 : memref<64x128xf32, #tpu.memory_space<hbm>>) target_semaphore(%arg18 : memref<!tpu.dma_semaphore, #tpu.memory_space<semaphore_mem>>)
      %le3A_319 = arith.constant 30 : i32
      %le3A_320 = arith.cmpi sle, %add3A_287, %le3A_319 : i32
      %convert_element_type3A_321 = arith.extui %le3A_320 : i1 to i32
      %cond3A_322 = arith.constant 0 : i32
      %cond3A_323 = arith.cmpi ne, %convert_element_type3A_321, %cond3A_322 : i32
      scf.if %cond3A_323 {
        %ge3A = arith.constant 1 : i32
        %ge3A_644 = arith.cmpi sge, %add3A_287, %ge3A : i32
        %convert_element_type3A_645 = arith.extui %ge3A_644 : i1 to i32
        %cond3A_646 = arith.constant 0 : i32
        %cond3A_647 = arith.cmpi ne, %convert_element_type3A_645, %cond3A_646 : i32
        scf.if %cond3A_647 {
          %dma_wait3A_662 = arith.constant 0 : i32
          %dma_wait3A_663 = arith.constant 0 : i32
          %dma_wait3A_664 = arith.constant 0 : i32
          %dma_wait3A_665 = tpu.memref_slice %arg6[%dma_wait3A_662, %dma_wait3A_663, %dma_wait3A_664] : memref<10x64x128xf32, #tpu.memory_space<vmem>> -> memref<1x64x128xf32, #tpu.memory_space<vmem>>
          %dma_wait3A_666 = tpu.memref_squeeze %dma_wait3A_665 : memref<1x64x128xf32, #tpu.memory_space<vmem>> -> memref<64x128xf32, #tpu.memory_space<vmem>>
          %dma_wait3A_667 = arith.constant 0 : i32
          %dma_wait3A_668 = arith.constant 0 : i32
          %dma_wait3A_669 = tpu.memref_slice %arg4[%dma_wait3A_667, %dma_wait3A_668] : memref<81920x128xf32, #tpu.memory_space<hbm>> -> memref<64x128xf32, #tpu.memory_space<hbm>>
          %dma_wait3A_670 = arith.constant 0 : i32
          %dma_wait3A_671 = arith.constant 0 : i32
          %dma_wait3A_672 = tpu.memref_slice %arg4[%dma_wait3A_670, %dma_wait3A_671] : memref<81920x128xf32, #tpu.memory_space<hbm>> -> memref<64x128xf32, #tpu.memory_space<hbm>>
          %dma_wait3A_673 = arith.constant 0 : i32
          %dma_wait3A_674 = arith.constant 0 : i32
          %dma_wait3A_675 = tpu.memref_slice %arg6[%dma_wait3A_662, %dma_wait3A_673, %dma_wait3A_674] : memref<10x64x128xf32, #tpu.memory_space<vmem>> -> memref<1x64x128xf32, #tpu.memory_space<vmem>>
          %dma_wait3A_676 = tpu.memref_squeeze %dma_wait3A_675 : memref<1x64x128xf32, #tpu.memory_space<vmem>> -> memref<64x128xf32, #tpu.memory_space<vmem>>
          tpu.wait_dma2 semaphore(%arg17 : memref<!tpu.dma_semaphore, #tpu.memory_space<semaphore_mem>>) src(%dma_wait3A_676 : memref<64x128xf32, #tpu.memory_space<vmem>>) dst(%dma_wait3A_672 : memref<64x128xf32, #tpu.memory_space<hbm>>)
        } else {
        }
        %add3A_648 = arith.constant 10 : i32
        %add3A_649 = arith.addi %add3A_287, %add3A_648 : i32
        %sub3A = arith.constant 1 : i32
        %sub3A_650 = arith.subi %add3A_649, %sub3A : i32
        %mul3A_651 = arith.constant 64 : i32
        %mul3A_652 = arith.muli %sub3A_650, %mul3A_651 : i32
        %dma_start3A_653 = arith.constant 0 : i32
        %dma_start3A_654 = arith.constant 0 : i32
        %dma_start3A_655 = arith.constant 0 : i32
        %dma_start3A_656 = tpu.memref_slice %arg6[%dma_start3A_653, %dma_start3A_654, %dma_start3A_655] : memref<10x64x128xf32, #tpu.memory_space<vmem>> -> memref<1x64x128xf32, #tpu.memory_space<vmem>>
        %dma_start3A_657 = tpu.memref_squeeze %dma_start3A_656 : memref<1x64x128xf32, #tpu.memory_space<vmem>> -> memref<64x128xf32, #tpu.memory_space<vmem>>
        %dma_start3A_658 = tpu.memref_slice %arg5[%mul3A_652] : memref<2560xi32, #tpu.memory_space<vmem>> -> memref<64xi32, #tpu.memory_space<vmem>>
        %dma_start3A_659 = arith.constant 0 : i32
        %dma_start3A_660 = arith.constant 0 : i32
        %dma_start3A_661 = tpu.memref_slice %arg2[%dma_start3A_659, %dma_start3A_660] : memref<100000x128xf32, #tpu.memory_space<hbm>> -> memref<100000x128xf32, #tpu.memory_space<hbm>>
        tpu.enqueue_indirect_dma source(%dma_start3A_661 : memref<100000x128xf32, #tpu.memory_space<hbm>>) target(%dma_start3A_657 : memref<64x128xf32, #tpu.memory_space<vmem>>) offsets(%dma_start3A_658 : memref<64xi32, #tpu.memory_space<vmem>>) semaphore(%arg7 : memref<!tpu.dma_semaphore, #tpu.memory_space<semaphore_mem>>)
      } else {
      }
      %mul3A_324 = arith.constant 10 : i32
      %mul3A_325 = arith.muli %scan3A_246, %mul3A_324 : i32
      %add3A_326 = arith.constant 2 : i32
      %add3A_327 = arith.addi %mul3A_325, %add3A_326 : i32
      %dma_wait3A_328 = arith.constant 2 : i32
      %dma_wait3A_329 = arith.constant 0 : i32
      %dma_wait3A_330 = arith.constant 0 : i32
      %dma_wait3A_331 = tpu.memref_slice %arg6[%dma_wait3A_328, %dma_wait3A_329, %dma_wait3A_330] : memref<10x64x128xf32, #tpu.memory_space<vmem>> -> memref<1x64x128xf32, #tpu.memory_space<vmem>>
      %dma_wait3A_332 = tpu.memref_squeeze %dma_wait3A_331 : memref<1x64x128xf32, #tpu.memory_space<vmem>> -> memref<64x128xf32, #tpu.memory_space<vmem>>
      %dma_wait3A_333 = arith.constant 0 : i32
      %dma_wait3A_334 = arith.constant 0 : i32
      %dma_wait3A_335 = tpu.memref_slice %arg2[%dma_wait3A_333, %dma_wait3A_334] : memref<100000x128xf32, #tpu.memory_space<hbm>> -> memref<64x128xf32, #tpu.memory_space<hbm>>
      %dma_wait3A_336 = arith.constant 0 : i32
      %dma_wait3A_337 = arith.constant 0 : i32
      %dma_wait3A_338 = tpu.memref_slice %arg6[%dma_wait3A_328, %dma_wait3A_336, %dma_wait3A_337] : memref<10x64x128xf32, #tpu.memory_space<vmem>> -> memref<1x64x128xf32, #tpu.memory_space<vmem>>
      %dma_wait3A_339 = tpu.memref_squeeze %dma_wait3A_338 : memref<1x64x128xf32, #tpu.memory_space<vmem>> -> memref<64x128xf32, #tpu.memory_space<vmem>>
      %dma_wait3A_340 = arith.constant 0 : i32
      %dma_wait3A_341 = arith.constant 0 : i32
      %dma_wait3A_342 = tpu.memref_slice %arg2[%dma_wait3A_340, %dma_wait3A_341] : memref<100000x128xf32, #tpu.memory_space<hbm>> -> memref<64x128xf32, #tpu.memory_space<hbm>>
      tpu.wait_dma2 semaphore(%arg9 : memref<!tpu.dma_semaphore, #tpu.memory_space<semaphore_mem>>) src(%dma_wait3A_342 : memref<64x128xf32, #tpu.memory_space<hbm>>) dst(%dma_wait3A_339 : memref<64x128xf32, #tpu.memory_space<vmem>>)
      %mul3A_343 = arith.constant 64 : i32
      %mul3A_344 = arith.muli %add3A_327, %mul3A_343 : i32
      %add3A_345 = arith.addi %mul3A_2, %mul3A_344 : i32
      %dma_start3A_346 = arith.constant 2 : i32
      %dma_start3A_347 = arith.constant 0 : i32
      %dma_start3A_348 = arith.constant 0 : i32
      %dma_start3A_349 = tpu.memref_slice %arg6[%dma_start3A_346, %dma_start3A_347, %dma_start3A_348] : memref<10x64x128xf32, #tpu.memory_space<vmem>> -> memref<1x64x128xf32, #tpu.memory_space<vmem>>
      %dma_start3A_350 = tpu.memref_squeeze %dma_start3A_349 : memref<1x64x128xf32, #tpu.memory_space<vmem>> -> memref<64x128xf32, #tpu.memory_space<vmem>>
      %dma_start3A_351 = arith.constant 0 : i32
      %dma_start3A_352 = tpu.memref_slice %arg4[%add3A_345, %dma_start3A_351] : memref<81920x128xf32, #tpu.memory_space<hbm>> -> memref<64x128xf32, #tpu.memory_space<hbm>>
      %dma_start3A_353 = arith.constant 0 : i32
      %dma_start3A_354 = tpu.memref_slice %arg4[%add3A_345, %dma_start3A_353] : memref<81920x128xf32, #tpu.memory_space<hbm>> -> memref<64x128xf32, #tpu.memory_space<hbm>>
      %dma_start3A_355 = arith.constant 0 : i32
      %dma_start3A_356 = arith.constant 0 : i32
      %dma_start3A_357 = tpu.memref_slice %arg6[%dma_start3A_346, %dma_start3A_355, %dma_start3A_356] : memref<10x64x128xf32, #tpu.memory_space<vmem>> -> memref<1x64x128xf32, #tpu.memory_space<vmem>>
      %dma_start3A_358 = tpu.memref_squeeze %dma_start3A_357 : memref<1x64x128xf32, #tpu.memory_space<vmem>> -> memref<64x128xf32, #tpu.memory_space<vmem>>
      tpu.enqueue_dma source(%dma_start3A_358 : memref<64x128xf32, #tpu.memory_space<vmem>>) target(%dma_start3A_354 : memref<64x128xf32, #tpu.memory_space<hbm>>) target_semaphore(%arg19 : memref<!tpu.dma_semaphore, #tpu.memory_space<semaphore_mem>>)
      %le3A_359 = arith.constant 30 : i32
      %le3A_360 = arith.cmpi sle, %add3A_327, %le3A_359 : i32
      %convert_element_type3A_361 = arith.extui %le3A_360 : i1 to i32
      %cond3A_362 = arith.constant 0 : i32
      %cond3A_363 = arith.cmpi ne, %convert_element_type3A_361, %cond3A_362 : i32
      scf.if %cond3A_363 {
        %ge3A = arith.constant 1 : i32
        %ge3A_644 = arith.cmpi sge, %add3A_327, %ge3A : i32
        %convert_element_type3A_645 = arith.extui %ge3A_644 : i1 to i32
        %cond3A_646 = arith.constant 0 : i32
        %cond3A_647 = arith.cmpi ne, %convert_element_type3A_645, %cond3A_646 : i32
        scf.if %cond3A_647 {
          %dma_wait3A_662 = arith.constant 1 : i32
          %dma_wait3A_663 = arith.constant 0 : i32
          %dma_wait3A_664 = arith.constant 0 : i32
          %dma_wait3A_665 = tpu.memref_slice %arg6[%dma_wait3A_662, %dma_wait3A_663, %dma_wait3A_664] : memref<10x64x128xf32, #tpu.memory_space<vmem>> -> memref<1x64x128xf32, #tpu.memory_space<vmem>>
          %dma_wait3A_666 = tpu.memref_squeeze %dma_wait3A_665 : memref<1x64x128xf32, #tpu.memory_space<vmem>> -> memref<64x128xf32, #tpu.memory_space<vmem>>
          %dma_wait3A_667 = arith.constant 0 : i32
          %dma_wait3A_668 = arith.constant 0 : i32
          %dma_wait3A_669 = tpu.memref_slice %arg4[%dma_wait3A_667, %dma_wait3A_668] : memref<81920x128xf32, #tpu.memory_space<hbm>> -> memref<64x128xf32, #tpu.memory_space<hbm>>
          %dma_wait3A_670 = arith.constant 0 : i32
          %dma_wait3A_671 = arith.constant 0 : i32
          %dma_wait3A_672 = tpu.memref_slice %arg4[%dma_wait3A_670, %dma_wait3A_671] : memref<81920x128xf32, #tpu.memory_space<hbm>> -> memref<64x128xf32, #tpu.memory_space<hbm>>
          %dma_wait3A_673 = arith.constant 0 : i32
          %dma_wait3A_674 = arith.constant 0 : i32
          %dma_wait3A_675 = tpu.memref_slice %arg6[%dma_wait3A_662, %dma_wait3A_673, %dma_wait3A_674] : memref<10x64x128xf32, #tpu.memory_space<vmem>> -> memref<1x64x128xf32, #tpu.memory_space<vmem>>
          %dma_wait3A_676 = tpu.memref_squeeze %dma_wait3A_675 : memref<1x64x128xf32, #tpu.memory_space<vmem>> -> memref<64x128xf32, #tpu.memory_space<vmem>>
          tpu.wait_dma2 semaphore(%arg18 : memref<!tpu.dma_semaphore, #tpu.memory_space<semaphore_mem>>) src(%dma_wait3A_676 : memref<64x128xf32, #tpu.memory_space<vmem>>) dst(%dma_wait3A_672 : memref<64x128xf32, #tpu.memory_space<hbm>>)
        } else {
        }
        %add3A_648 = arith.constant 10 : i32
        %add3A_649 = arith.addi %add3A_327, %add3A_648 : i32
        %sub3A = arith.constant 1 : i32
        %sub3A_650 = arith.subi %add3A_649, %sub3A : i32
        %mul3A_651 = arith.constant 64 : i32
        %mul3A_652 = arith.muli %sub3A_650, %mul3A_651 : i32
        %dma_start3A_653 = arith.constant 1 : i32
        %dma_start3A_654 = arith.constant 0 : i32
        %dma_start3A_655 = arith.constant 0 : i32
        %dma_start3A_656 = tpu.memref_slice %arg6[%dma_start3A_653, %dma_start3A_654, %dma_start3A_655] : memref<10x64x128xf32, #tpu.memory_space<vmem>> -> memref<1x64x128xf32, #tpu.memory_space<vmem>>
        %dma_start3A_657 = tpu.memref_squeeze %dma_start3A_656 : memref<1x64x128xf32, #tpu.memory_space<vmem>> -> memref<64x128xf32, #tpu.memory_space<vmem>>
        %dma_start3A_658 = tpu.memref_slice %arg5[%mul3A_652] : memref<2560xi32, #tpu.memory_space<vmem>> -> memref<64xi32, #tpu.memory_space<vmem>>
        %dma_start3A_659 = arith.constant 0 : i32
        %dma_start3A_660 = arith.constant 0 : i32
        %dma_start3A_661 = tpu.memref_slice %arg2[%dma_start3A_659, %dma_start3A_660] : memref<100000x128xf32, #tpu.memory_space<hbm>> -> memref<100000x128xf32, #tpu.memory_space<hbm>>
        tpu.enqueue_indirect_dma source(%dma_start3A_661 : memref<100000x128xf32, #tpu.memory_space<hbm>>) target(%dma_start3A_657 : memref<64x128xf32, #tpu.memory_space<vmem>>) offsets(%dma_start3A_658 : memref<64xi32, #tpu.memory_space<vmem>>) semaphore(%arg8 : memref<!tpu.dma_semaphore, #tpu.memory_space<semaphore_mem>>)
      } else {
      }
      %mul3A_364 = arith.constant 10 : i32
      %mul3A_365 = arith.muli %scan3A_246, %mul3A_364 : i32
      %add3A_366 = arith.constant 3 : i32
      %add3A_367 = arith.addi %mul3A_365, %add3A_366 : i32
      %dma_wait3A_368 = arith.constant 3 : i32
      %dma_wait3A_369 = arith.constant 0 : i32
      %dma_wait3A_370 = arith.constant 0 : i32
      %dma_wait3A_371 = tpu.memref_slice %arg6[%dma_wait3A_368, %dma_wait3A_369, %dma_wait3A_370] : memref<10x64x128xf32, #tpu.memory_space<vmem>> -> memref<1x64x128xf32, #tpu.memory_space<vmem>>
      %dma_wait3A_372 = tpu.memref_squeeze %dma_wait3A_371 : memref<1x64x128xf32, #tpu.memory_space<vmem>> -> memref<64x128xf32, #tpu.memory_space<vmem>>
      %dma_wait3A_373 = arith.constant 0 : i32
      %dma_wait3A_374 = arith.constant 0 : i32
      %dma_wait3A_375 = tpu.memref_slice %arg2[%dma_wait3A_373, %dma_wait3A_374] : memref<100000x128xf32, #tpu.memory_space<hbm>> -> memref<64x128xf32, #tpu.memory_space<hbm>>
      %dma_wait3A_376 = arith.constant 0 : i32
      %dma_wait3A_377 = arith.constant 0 : i32
      %dma_wait3A_378 = tpu.memref_slice %arg6[%dma_wait3A_368, %dma_wait3A_376, %dma_wait3A_377] : memref<10x64x128xf32, #tpu.memory_space<vmem>> -> memref<1x64x128xf32, #tpu.memory_space<vmem>>
      %dma_wait3A_379 = tpu.memref_squeeze %dma_wait3A_378 : memref<1x64x128xf32, #tpu.memory_space<vmem>> -> memref<64x128xf32, #tpu.memory_space<vmem>>
      %dma_wait3A_380 = arith.constant 0 : i32
      %dma_wait3A_381 = arith.constant 0 : i32
      %dma_wait3A_382 = tpu.memref_slice %arg2[%dma_wait3A_380, %dma_wait3A_381] : memref<100000x128xf32, #tpu.memory_space<hbm>> -> memref<64x128xf32, #tpu.memory_space<hbm>>
      tpu.wait_dma2 semaphore(%arg10 : memref<!tpu.dma_semaphore, #tpu.memory_space<semaphore_mem>>) src(%dma_wait3A_382 : memref<64x128xf32, #tpu.memory_space<hbm>>) dst(%dma_wait3A_379 : memref<64x128xf32, #tpu.memory_space<vmem>>)
      %mul3A_383 = arith.constant 64 : i32
      %mul3A_384 = arith.muli %add3A_367, %mul3A_383 : i32
      %add3A_385 = arith.addi %mul3A_2, %mul3A_384 : i32
      %dma_start3A_386 = arith.constant 3 : i32
      %dma_start3A_387 = arith.constant 0 : i32
      %dma_start3A_388 = arith.constant 0 : i32
      %dma_start3A_389 = tpu.memref_slice %arg6[%dma_start3A_386, %dma_start3A_387, %dma_start3A_388] : memref<10x64x128xf32, #tpu.memory_space<vmem>> -> memref<1x64x128xf32, #tpu.memory_space<vmem>>
      %dma_start3A_390 = tpu.memref_squeeze %dma_start3A_389 : memref<1x64x128xf32, #tpu.memory_space<vmem>> -> memref<64x128xf32, #tpu.memory_space<vmem>>
      %dma_start3A_391 = arith.constant 0 : i32
      %dma_start3A_392 = tpu.memref_slice %arg4[%add3A_385, %dma_start3A_391] : memref<81920x128xf32, #tpu.memory_space<hbm>> -> memref<64x128xf32, #tpu.memory_space<hbm>>
      %dma_start3A_393 = arith.constant 0 : i32
      %dma_start3A_394 = tpu.memref_slice %arg4[%add3A_385, %dma_start3A_393] : memref<81920x128xf32, #tpu.memory_space<hbm>> -> memref<64x128xf32, #tpu.memory_space<hbm>>
      %dma_start3A_395 = arith.constant 0 : i32
      %dma_start3A_396 = arith.constant 0 : i32
      %dma_start3A_397 = tpu.memref_slice %arg6[%dma_start3A_386, %dma_start3A_395, %dma_start3A_396] : memref<10x64x128xf32, #tpu.memory_space<vmem>> -> memref<1x64x128xf32, #tpu.memory_space<vmem>>
      %dma_start3A_398 = tpu.memref_squeeze %dma_start3A_397 : memref<1x64x128xf32, #tpu.memory_space<vmem>> -> memref<64x128xf32, #tpu.memory_space<vmem>>
      tpu.enqueue_dma source(%dma_start3A_398 : memref<64x128xf32, #tpu.memory_space<vmem>>) target(%dma_start3A_394 : memref<64x128xf32, #tpu.memory_space<hbm>>) target_semaphore(%arg20 : memref<!tpu.dma_semaphore, #tpu.memory_space<semaphore_mem>>)
      %le3A_399 = arith.constant 30 : i32
      %le3A_400 = arith.cmpi sle, %add3A_367, %le3A_399 : i32
      %convert_element_type3A_401 = arith.extui %le3A_400 : i1 to i32
      %cond3A_402 = arith.constant 0 : i32
      %cond3A_403 = arith.cmpi ne, %convert_element_type3A_401, %cond3A_402 : i32
      scf.if %cond3A_403 {
        %ge3A = arith.constant 1 : i32
        %ge3A_644 = arith.cmpi sge, %add3A_367, %ge3A : i32
        %convert_element_type3A_645 = arith.extui %ge3A_644 : i1 to i32
        %cond3A_646 = arith.constant 0 : i32
        %cond3A_647 = arith.cmpi ne, %convert_element_type3A_645, %cond3A_646 : i32
        scf.if %cond3A_647 {
          %dma_wait3A_662 = arith.constant 2 : i32
          %dma_wait3A_663 = arith.constant 0 : i32
          %dma_wait3A_664 = arith.constant 0 : i32
          %dma_wait3A_665 = tpu.memref_slice %arg6[%dma_wait3A_662, %dma_wait3A_663, %dma_wait3A_664] : memref<10x64x128xf32, #tpu.memory_space<vmem>> -> memref<1x64x128xf32, #tpu.memory_space<vmem>>
          %dma_wait3A_666 = tpu.memref_squeeze %dma_wait3A_665 : memref<1x64x128xf32, #tpu.memory_space<vmem>> -> memref<64x128xf32, #tpu.memory_space<vmem>>
          %dma_wait3A_667 = arith.constant 0 : i32
          %dma_wait3A_668 = arith.constant 0 : i32
          %dma_wait3A_669 = tpu.memref_slice %arg4[%dma_wait3A_667, %dma_wait3A_668] : memref<81920x128xf32, #tpu.memory_space<hbm>> -> memref<64x128xf32, #tpu.memory_space<hbm>>
          %dma_wait3A_670 = arith.constant 0 : i32
          %dma_wait3A_671 = arith.constant 0 : i32
          %dma_wait3A_672 = tpu.memref_slice %arg4[%dma_wait3A_670, %dma_wait3A_671] : memref<81920x128xf32, #tpu.memory_space<hbm>> -> memref<64x128xf32, #tpu.memory_space<hbm>>
          %dma_wait3A_673 = arith.constant 0 : i32
          %dma_wait3A_674 = arith.constant 0 : i32
          %dma_wait3A_675 = tpu.memref_slice %arg6[%dma_wait3A_662, %dma_wait3A_673, %dma_wait3A_674] : memref<10x64x128xf32, #tpu.memory_space<vmem>> -> memref<1x64x128xf32, #tpu.memory_space<vmem>>
          %dma_wait3A_676 = tpu.memref_squeeze %dma_wait3A_675 : memref<1x64x128xf32, #tpu.memory_space<vmem>> -> memref<64x128xf32, #tpu.memory_space<vmem>>
          tpu.wait_dma2 semaphore(%arg19 : memref<!tpu.dma_semaphore, #tpu.memory_space<semaphore_mem>>) src(%dma_wait3A_676 : memref<64x128xf32, #tpu.memory_space<vmem>>) dst(%dma_wait3A_672 : memref<64x128xf32, #tpu.memory_space<hbm>>)
        } else {
        }
        %add3A_648 = arith.constant 10 : i32
        %add3A_649 = arith.addi %add3A_367, %add3A_648 : i32
        %sub3A = arith.constant 1 : i32
        %sub3A_650 = arith.subi %add3A_649, %sub3A : i32
        %mul3A_651 = arith.constant 64 : i32
        %mul3A_652 = arith.muli %sub3A_650, %mul3A_651 : i32
        %dma_start3A_653 = arith.constant 2 : i32
        %dma_start3A_654 = arith.constant 0 : i32
        %dma_start3A_655 = arith.constant 0 : i32
        %dma_start3A_656 = tpu.memref_slice %arg6[%dma_start3A_653, %dma_start3A_654, %dma_start3A_655] : memref<10x64x128xf32, #tpu.memory_space<vmem>> -> memref<1x64x128xf32, #tpu.memory_space<vmem>>
        %dma_start3A_657 = tpu.memref_squeeze %dma_start3A_656 : memref<1x64x128xf32, #tpu.memory_space<vmem>> -> memref<64x128xf32, #tpu.memory_space<vmem>>
        %dma_start3A_658 = tpu.memref_slice %arg5[%mul3A_652] : memref<2560xi32, #tpu.memory_space<vmem>> -> memref<64xi32, #tpu.memory_space<vmem>>
        %dma_start3A_659 = arith.constant 0 : i32
        %dma_start3A_660 = arith.constant 0 : i32
        %dma_start3A_661 = tpu.memref_slice %arg2[%dma_start3A_659, %dma_start3A_660] : memref<100000x128xf32, #tpu.memory_space<hbm>> -> memref<100000x128xf32, #tpu.memory_space<hbm>>
        tpu.enqueue_indirect_dma source(%dma_start3A_661 : memref<100000x128xf32, #tpu.memory_space<hbm>>) target(%dma_start3A_657 : memref<64x128xf32, #tpu.memory_space<vmem>>) offsets(%dma_start3A_658 : memref<64xi32, #tpu.memory_space<vmem>>) semaphore(%arg9 : memref<!tpu.dma_semaphore, #tpu.memory_space<semaphore_mem>>)
      } else {
      }
      %mul3A_404 = arith.constant 10 : i32
      %mul3A_405 = arith.muli %scan3A_246, %mul3A_404 : i32
      %add3A_406 = arith.constant 4 : i32
      %add3A_407 = arith.addi %mul3A_405, %add3A_406 : i32
      %dma_wait3A_408 = arith.constant 4 : i32
      %dma_wait3A_409 = arith.constant 0 : i32
      %dma_wait3A_410 = arith.constant 0 : i32
      %dma_wait3A_411 = tpu.memref_slice %arg6[%dma_wait3A_408, %dma_wait3A_409, %dma_wait3A_410] : memref<10x64x128xf32, #tpu.memory_space<vmem>> -> memref<1x64x128xf32, #tpu.memory_space<vmem>>
      %dma_wait3A_412 = tpu.memref_squeeze %dma_wait3A_411 : memref<1x64x128xf32, #tpu.memory_space<vmem>> -> memref<64x128xf32, #tpu.memory_space<vmem>>
      %dma_wait3A_413 = arith.constant 0 : i32
      %dma_wait3A_414 = arith.constant 0 : i32
      %dma_wait3A_415 = tpu.memref_slice %arg2[%dma_wait3A_413, %dma_wait3A_414] : memref<100000x128xf32, #tpu.memory_space<hbm>> -> memref<64x128xf32, #tpu.memory_space<hbm>>
      %dma_wait3A_416 = arith.constant 0 : i32
      %dma_wait3A_417 = arith.constant 0 : i32
      %dma_wait3A_418 = tpu.memref_slice %arg6[%dma_wait3A_408, %dma_wait3A_416, %dma_wait3A_417] : memref<10x64x128xf32, #tpu.memory_space<vmem>> -> memref<1x64x128xf32, #tpu.memory_space<vmem>>
      %dma_wait3A_419 = tpu.memref_squeeze %dma_wait3A_418 : memref<1x64x128xf32, #tpu.memory_space<vmem>> -> memref<64x128xf32, #tpu.memory_space<vmem>>
      %dma_wait3A_420 = arith.constant 0 : i32
      %dma_wait3A_421 = arith.constant 0 : i32
      %dma_wait3A_422 = tpu.memref_slice %arg2[%dma_wait3A_420, %dma_wait3A_421] : memref<100000x128xf32, #tpu.memory_space<hbm>> -> memref<64x128xf32, #tpu.memory_space<hbm>>
      tpu.wait_dma2 semaphore(%arg11 : memref<!tpu.dma_semaphore, #tpu.memory_space<semaphore_mem>>) src(%dma_wait3A_422 : memref<64x128xf32, #tpu.memory_space<hbm>>) dst(%dma_wait3A_419 : memref<64x128xf32, #tpu.memory_space<vmem>>)
      %mul3A_423 = arith.constant 64 : i32
      %mul3A_424 = arith.muli %add3A_407, %mul3A_423 : i32
      %add3A_425 = arith.addi %mul3A_2, %mul3A_424 : i32
      %dma_start3A_426 = arith.constant 4 : i32
      %dma_start3A_427 = arith.constant 0 : i32
      %dma_start3A_428 = arith.constant 0 : i32
      %dma_start3A_429 = tpu.memref_slice %arg6[%dma_start3A_426, %dma_start3A_427, %dma_start3A_428] : memref<10x64x128xf32, #tpu.memory_space<vmem>> -> memref<1x64x128xf32, #tpu.memory_space<vmem>>
      %dma_start3A_430 = tpu.memref_squeeze %dma_start3A_429 : memref<1x64x128xf32, #tpu.memory_space<vmem>> -> memref<64x128xf32, #tpu.memory_space<vmem>>
      %dma_start3A_431 = arith.constant 0 : i32
      %dma_start3A_432 = tpu.memref_slice %arg4[%add3A_425, %dma_start3A_431] : memref<81920x128xf32, #tpu.memory_space<hbm>> -> memref<64x128xf32, #tpu.memory_space<hbm>>
      %dma_start3A_433 = arith.constant 0 : i32
      %dma_start3A_434 = tpu.memref_slice %arg4[%add3A_425, %dma_start3A_433] : memref<81920x128xf32, #tpu.memory_space<hbm>> -> memref<64x128xf32, #tpu.memory_space<hbm>>
      %dma_start3A_435 = arith.constant 0 : i32
      %dma_start3A_436 = arith.constant 0 : i32
      %dma_start3A_437 = tpu.memref_slice %arg6[%dma_start3A_426, %dma_start3A_435, %dma_start3A_436] : memref<10x64x128xf32, #tpu.memory_space<vmem>> -> memref<1x64x128xf32, #tpu.memory_space<vmem>>
      %dma_start3A_438 = tpu.memref_squeeze %dma_start3A_437 : memref<1x64x128xf32, #tpu.memory_space<vmem>> -> memref<64x128xf32, #tpu.memory_space<vmem>>
      tpu.enqueue_dma source(%dma_start3A_438 : memref<64x128xf32, #tpu.memory_space<vmem>>) target(%dma_start3A_434 : memref<64x128xf32, #tpu.memory_space<hbm>>) target_semaphore(%arg21 : memref<!tpu.dma_semaphore, #tpu.memory_space<semaphore_mem>>)
      %le3A_439 = arith.constant 30 : i32
      %le3A_440 = arith.cmpi sle, %add3A_407, %le3A_439 : i32
      %convert_element_type3A_441 = arith.extui %le3A_440 : i1 to i32
      %cond3A_442 = arith.constant 0 : i32
      %cond3A_443 = arith.cmpi ne, %convert_element_type3A_441, %cond3A_442 : i32
      scf.if %cond3A_443 {
        %ge3A = arith.constant 1 : i32
        %ge3A_644 = arith.cmpi sge, %add3A_407, %ge3A : i32
        %convert_element_type3A_645 = arith.extui %ge3A_644 : i1 to i32
        %cond3A_646 = arith.constant 0 : i32
        %cond3A_647 = arith.cmpi ne, %convert_element_type3A_645, %cond3A_646 : i32
        scf.if %cond3A_647 {
          %dma_wait3A_662 = arith.constant 3 : i32
          %dma_wait3A_663 = arith.constant 0 : i32
          %dma_wait3A_664 = arith.constant 0 : i32
          %dma_wait3A_665 = tpu.memref_slice %arg6[%dma_wait3A_662, %dma_wait3A_663, %dma_wait3A_664] : memref<10x64x128xf32, #tpu.memory_space<vmem>> -> memref<1x64x128xf32, #tpu.memory_space<vmem>>
          %dma_wait3A_666 = tpu.memref_squeeze %dma_wait3A_665 : memref<1x64x128xf32, #tpu.memory_space<vmem>> -> memref<64x128xf32, #tpu.memory_space<vmem>>
          %dma_wait3A_667 = arith.constant 0 : i32
          %dma_wait3A_668 = arith.constant 0 : i32
          %dma_wait3A_669 = tpu.memref_slice %arg4[%dma_wait3A_667, %dma_wait3A_668] : memref<81920x128xf32, #tpu.memory_space<hbm>> -> memref<64x128xf32, #tpu.memory_space<hbm>>
          %dma_wait3A_670 = arith.constant 0 : i32
          %dma_wait3A_671 = arith.constant 0 : i32
          %dma_wait3A_672 = tpu.memref_slice %arg4[%dma_wait3A_670, %dma_wait3A_671] : memref<81920x128xf32, #tpu.memory_space<hbm>> -> memref<64x128xf32, #tpu.memory_space<hbm>>
          %dma_wait3A_673 = arith.constant 0 : i32
          %dma_wait3A_674 = arith.constant 0 : i32
          %dma_wait3A_675 = tpu.memref_slice %arg6[%dma_wait3A_662, %dma_wait3A_673, %dma_wait3A_674] : memref<10x64x128xf32, #tpu.memory_space<vmem>> -> memref<1x64x128xf32, #tpu.memory_space<vmem>>
          %dma_wait3A_676 = tpu.memref_squeeze %dma_wait3A_675 : memref<1x64x128xf32, #tpu.memory_space<vmem>> -> memref<64x128xf32, #tpu.memory_space<vmem>>
          tpu.wait_dma2 semaphore(%arg20 : memref<!tpu.dma_semaphore, #tpu.memory_space<semaphore_mem>>) src(%dma_wait3A_676 : memref<64x128xf32, #tpu.memory_space<vmem>>) dst(%dma_wait3A_672 : memref<64x128xf32, #tpu.memory_space<hbm>>)
        } else {
        }
        %add3A_648 = arith.constant 10 : i32
        %add3A_649 = arith.addi %add3A_407, %add3A_648 : i32
        %sub3A = arith.constant 1 : i32
        %sub3A_650 = arith.subi %add3A_649, %sub3A : i32
        %mul3A_651 = arith.constant 64 : i32
        %mul3A_652 = arith.muli %sub3A_650, %mul3A_651 : i32
        %dma_start3A_653 = arith.constant 3 : i32
        %dma_start3A_654 = arith.constant 0 : i32
        %dma_start3A_655 = arith.constant 0 : i32
        %dma_start3A_656 = tpu.memref_slice %arg6[%dma_start3A_653, %dma_start3A_654, %dma_start3A_655] : memref<10x64x128xf32, #tpu.memory_space<vmem>> -> memref<1x64x128xf32, #tpu.memory_space<vmem>>
        %dma_start3A_657 = tpu.memref_squeeze %dma_start3A_656 : memref<1x64x128xf32, #tpu.memory_space<vmem>> -> memref<64x128xf32, #tpu.memory_space<vmem>>
        %dma_start3A_658 = tpu.memref_slice %arg5[%mul3A_652] : memref<2560xi32, #tpu.memory_space<vmem>> -> memref<64xi32, #tpu.memory_space<vmem>>
        %dma_start3A_659 = arith.constant 0 : i32
        %dma_start3A_660 = arith.constant 0 : i32
        %dma_start3A_661 = tpu.memref_slice %arg2[%dma_start3A_659, %dma_start3A_660] : memref<100000x128xf32, #tpu.memory_space<hbm>> -> memref<100000x128xf32, #tpu.memory_space<hbm>>
        tpu.enqueue_indirect_dma source(%dma_start3A_661 : memref<100000x128xf32, #tpu.memory_space<hbm>>) target(%dma_start3A_657 : memref<64x128xf32, #tpu.memory_space<vmem>>) offsets(%dma_start3A_658 : memref<64xi32, #tpu.memory_space<vmem>>) semaphore(%arg10 : memref<!tpu.dma_semaphore, #tpu.memory_space<semaphore_mem>>)
      } else {
      }
      %mul3A_444 = arith.constant 10 : i32
      %mul3A_445 = arith.muli %scan3A_246, %mul3A_444 : i32
      %add3A_446 = arith.constant 5 : i32
      %add3A_447 = arith.addi %mul3A_445, %add3A_446 : i32
      %dma_wait3A_448 = arith.constant 5 : i32
      %dma_wait3A_449 = arith.constant 0 : i32
      %dma_wait3A_450 = arith.constant 0 : i32
      %dma_wait3A_451 = tpu.memref_slice %arg6[%dma_wait3A_448, %dma_wait3A_449, %dma_wait3A_450] : memref<10x64x128xf32, #tpu.memory_space<vmem>> -> memref<1x64x128xf32, #tpu.memory_space<vmem>>
      %dma_wait3A_452 = tpu.memref_squeeze %dma_wait3A_451 : memref<1x64x128xf32, #tpu.memory_space<vmem>> -> memref<64x128xf32, #tpu.memory_space<vmem>>
      %dma_wait3A_453 = arith.constant 0 : i32
      %dma_wait3A_454 = arith.constant 0 : i32
      %dma_wait3A_455 = tpu.memref_slice %arg2[%dma_wait3A_453, %dma_wait3A_454] : memref<100000x128xf32, #tpu.memory_space<hbm>> -> memref<64x128xf32, #tpu.memory_space<hbm>>
      %dma_wait3A_456 = arith.constant 0 : i32
      %dma_wait3A_457 = arith.constant 0 : i32
      %dma_wait3A_458 = tpu.memref_slice %arg6[%dma_wait3A_448, %dma_wait3A_456, %dma_wait3A_457] : memref<10x64x128xf32, #tpu.memory_space<vmem>> -> memref<1x64x128xf32, #tpu.memory_space<vmem>>
      %dma_wait3A_459 = tpu.memref_squeeze %dma_wait3A_458 : memref<1x64x128xf32, #tpu.memory_space<vmem>> -> memref<64x128xf32, #tpu.memory_space<vmem>>
      %dma_wait3A_460 = arith.constant 0 : i32
      %dma_wait3A_461 = arith.constant 0 : i32
      %dma_wait3A_462 = tpu.memref_slice %arg2[%dma_wait3A_460, %dma_wait3A_461] : memref<100000x128xf32, #tpu.memory_space<hbm>> -> memref<64x128xf32, #tpu.memory_space<hbm>>
      tpu.wait_dma2 semaphore(%arg12 : memref<!tpu.dma_semaphore, #tpu.memory_space<semaphore_mem>>) src(%dma_wait3A_462 : memref<64x128xf32, #tpu.memory_space<hbm>>) dst(%dma_wait3A_459 : memref<64x128xf32, #tpu.memory_space<vmem>>)
      %mul3A_463 = arith.constant 64 : i32
      %mul3A_464 = arith.muli %add3A_447, %mul3A_463 : i32
      %add3A_465 = arith.addi %mul3A_2, %mul3A_464 : i32
      %dma_start3A_466 = arith.constant 5 : i32
      %dma_start3A_467 = arith.constant 0 : i32
      %dma_start3A_468 = arith.constant 0 : i32
      %dma_start3A_469 = tpu.memref_slice %arg6[%dma_start3A_466, %dma_start3A_467, %dma_start3A_468] : memref<10x64x128xf32, #tpu.memory_space<vmem>> -> memref<1x64x128xf32, #tpu.memory_space<vmem>>
      %dma_start3A_470 = tpu.memref_squeeze %dma_start3A_469 : memref<1x64x128xf32, #tpu.memory_space<vmem>> -> memref<64x128xf32, #tpu.memory_space<vmem>>
      %dma_start3A_471 = arith.constant 0 : i32
      %dma_start3A_472 = tpu.memref_slice %arg4[%add3A_465, %dma_start3A_471] : memref<81920x128xf32, #tpu.memory_space<hbm>> -> memref<64x128xf32, #tpu.memory_space<hbm>>
      %dma_start3A_473 = arith.constant 0 : i32
      %dma_start3A_474 = tpu.memref_slice %arg4[%add3A_465, %dma_start3A_473] : memref<81920x128xf32, #tpu.memory_space<hbm>> -> memref<64x128xf32, #tpu.memory_space<hbm>>
      %dma_start3A_475 = arith.constant 0 : i32
      %dma_start3A_476 = arith.constant 0 : i32
      %dma_start3A_477 = tpu.memref_slice %arg6[%dma_start3A_466, %dma_start3A_475, %dma_start3A_476] : memref<10x64x128xf32, #tpu.memory_space<vmem>> -> memref<1x64x128xf32, #tpu.memory_space<vmem>>
      %dma_start3A_478 = tpu.memref_squeeze %dma_start3A_477 : memref<1x64x128xf32, #tpu.memory_space<vmem>> -> memref<64x128xf32, #tpu.memory_space<vmem>>
      tpu.enqueue_dma source(%dma_start3A_478 : memref<64x128xf32, #tpu.memory_space<vmem>>) target(%dma_start3A_474 : memref<64x128xf32, #tpu.memory_space<hbm>>) target_semaphore(%arg22 : memref<!tpu.dma_semaphore, #tpu.memory_space<semaphore_mem>>)
      %le3A_479 = arith.constant 30 : i32
      %le3A_480 = arith.cmpi sle, %add3A_447, %le3A_479 : i32
      %convert_element_type3A_481 = arith.extui %le3A_480 : i1 to i32
      %cond3A_482 = arith.constant 0 : i32
      %cond3A_483 = arith.cmpi ne, %convert_element_type3A_481, %cond3A_482 : i32
      scf.if %cond3A_483 {
        %ge3A = arith.constant 1 : i32
        %ge3A_644 = arith.cmpi sge, %add3A_447, %ge3A : i32
        %convert_element_type3A_645 = arith.extui %ge3A_644 : i1 to i32
        %cond3A_646 = arith.constant 0 : i32
        %cond3A_647 = arith.cmpi ne, %convert_element_type3A_645, %cond3A_646 : i32
        scf.if %cond3A_647 {
          %dma_wait3A_662 = arith.constant 4 : i32
          %dma_wait3A_663 = arith.constant 0 : i32
          %dma_wait3A_664 = arith.constant 0 : i32
          %dma_wait3A_665 = tpu.memref_slice %arg6[%dma_wait3A_662, %dma_wait3A_663, %dma_wait3A_664] : memref<10x64x128xf32, #tpu.memory_space<vmem>> -> memref<1x64x128xf32, #tpu.memory_space<vmem>>
          %dma_wait3A_666 = tpu.memref_squeeze %dma_wait3A_665 : memref<1x64x128xf32, #tpu.memory_space<vmem>> -> memref<64x128xf32, #tpu.memory_space<vmem>>
          %dma_wait3A_667 = arith.constant 0 : i32
          %dma_wait3A_668 = arith.constant 0 : i32
          %dma_wait3A_669 = tpu.memref_slice %arg4[%dma_wait3A_667, %dma_wait3A_668] : memref<81920x128xf32, #tpu.memory_space<hbm>> -> memref<64x128xf32, #tpu.memory_space<hbm>>
          %dma_wait3A_670 = arith.constant 0 : i32
          %dma_wait3A_671 = arith.constant 0 : i32
          %dma_wait3A_672 = tpu.memref_slice %arg4[%dma_wait3A_670, %dma_wait3A_671] : memref<81920x128xf32, #tpu.memory_space<hbm>> -> memref<64x128xf32, #tpu.memory_space<hbm>>
          %dma_wait3A_673 = arith.constant 0 : i32
          %dma_wait3A_674 = arith.constant 0 : i32
          %dma_wait3A_675 = tpu.memref_slice %arg6[%dma_wait3A_662, %dma_wait3A_673, %dma_wait3A_674] : memref<10x64x128xf32, #tpu.memory_space<vmem>> -> memref<1x64x128xf32, #tpu.memory_space<vmem>>
          %dma_wait3A_676 = tpu.memref_squeeze %dma_wait3A_675 : memref<1x64x128xf32, #tpu.memory_space<vmem>> -> memref<64x128xf32, #tpu.memory_space<vmem>>
          tpu.wait_dma2 semaphore(%arg21 : memref<!tpu.dma_semaphore, #tpu.memory_space<semaphore_mem>>) src(%dma_wait3A_676 : memref<64x128xf32, #tpu.memory_space<vmem>>) dst(%dma_wait3A_672 : memref<64x128xf32, #tpu.memory_space<hbm>>)
        } else {
        }
        %add3A_648 = arith.constant 10 : i32
        %add3A_649 = arith.addi %add3A_447, %add3A_648 : i32
        %sub3A = arith.constant 1 : i32
        %sub3A_650 = arith.subi %add3A_649, %sub3A : i32
        %mul3A_651 = arith.constant 64 : i32
        %mul3A_652 = arith.muli %sub3A_650, %mul3A_651 : i32
        %dma_start3A_653 = arith.constant 4 : i32
        %dma_start3A_654 = arith.constant 0 : i32
        %dma_start3A_655 = arith.constant 0 : i32
        %dma_start3A_656 = tpu.memref_slice %arg6[%dma_start3A_653, %dma_start3A_654, %dma_start3A_655] : memref<10x64x128xf32, #tpu.memory_space<vmem>> -> memref<1x64x128xf32, #tpu.memory_space<vmem>>
        %dma_start3A_657 = tpu.memref_squeeze %dma_start3A_656 : memref<1x64x128xf32, #tpu.memory_space<vmem>> -> memref<64x128xf32, #tpu.memory_space<vmem>>
        %dma_start3A_658 = tpu.memref_slice %arg5[%mul3A_652] : memref<2560xi32, #tpu.memory_space<vmem>> -> memref<64xi32, #tpu.memory_space<vmem>>
        %dma_start3A_659 = arith.constant 0 : i32
        %dma_start3A_660 = arith.constant 0 : i32
        %dma_start3A_661 = tpu.memref_slice %arg2[%dma_start3A_659, %dma_start3A_660] : memref<100000x128xf32, #tpu.memory_space<hbm>> -> memref<100000x128xf32, #tpu.memory_space<hbm>>
        tpu.enqueue_indirect_dma source(%dma_start3A_661 : memref<100000x128xf32, #tpu.memory_space<hbm>>) target(%dma_start3A_657 : memref<64x128xf32, #tpu.memory_space<vmem>>) offsets(%dma_start3A_658 : memref<64xi32, #tpu.memory_space<vmem>>) semaphore(%arg11 : memref<!tpu.dma_semaphore, #tpu.memory_space<semaphore_mem>>)
      } else {
      }
      %mul3A_484 = arith.constant 10 : i32
      %mul3A_485 = arith.muli %scan3A_246, %mul3A_484 : i32
      %add3A_486 = arith.constant 6 : i32
      %add3A_487 = arith.addi %mul3A_485, %add3A_486 : i32
      %dma_wait3A_488 = arith.constant 6 : i32
      %dma_wait3A_489 = arith.constant 0 : i32
      %dma_wait3A_490 = arith.constant 0 : i32
      %dma_wait3A_491 = tpu.memref_slice %arg6[%dma_wait3A_488, %dma_wait3A_489, %dma_wait3A_490] : memref<10x64x128xf32, #tpu.memory_space<vmem>> -> memref<1x64x128xf32, #tpu.memory_space<vmem>>
      %dma_wait3A_492 = tpu.memref_squeeze %dma_wait3A_491 : memref<1x64x128xf32, #tpu.memory_space<vmem>> -> memref<64x128xf32, #tpu.memory_space<vmem>>
      %dma_wait3A_493 = arith.constant 0 : i32
      %dma_wait3A_494 = arith.constant 0 : i32
      %dma_wait3A_495 = tpu.memref_slice %arg2[%dma_wait3A_493, %dma_wait3A_494] : memref<100000x128xf32, #tpu.memory_space<hbm>> -> memref<64x128xf32, #tpu.memory_space<hbm>>
      %dma_wait3A_496 = arith.constant 0 : i32
      %dma_wait3A_497 = arith.constant 0 : i32
      %dma_wait3A_498 = tpu.memref_slice %arg6[%dma_wait3A_488, %dma_wait3A_496, %dma_wait3A_497] : memref<10x64x128xf32, #tpu.memory_space<vmem>> -> memref<1x64x128xf32, #tpu.memory_space<vmem>>
      %dma_wait3A_499 = tpu.memref_squeeze %dma_wait3A_498 : memref<1x64x128xf32, #tpu.memory_space<vmem>> -> memref<64x128xf32, #tpu.memory_space<vmem>>
      %dma_wait3A_500 = arith.constant 0 : i32
      %dma_wait3A_501 = arith.constant 0 : i32
      %dma_wait3A_502 = tpu.memref_slice %arg2[%dma_wait3A_500, %dma_wait3A_501] : memref<100000x128xf32, #tpu.memory_space<hbm>> -> memref<64x128xf32, #tpu.memory_space<hbm>>
      tpu.wait_dma2 semaphore(%arg13 : memref<!tpu.dma_semaphore, #tpu.memory_space<semaphore_mem>>) src(%dma_wait3A_502 : memref<64x128xf32, #tpu.memory_space<hbm>>) dst(%dma_wait3A_499 : memref<64x128xf32, #tpu.memory_space<vmem>>)
      %mul3A_503 = arith.constant 64 : i32
      %mul3A_504 = arith.muli %add3A_487, %mul3A_503 : i32
      %add3A_505 = arith.addi %mul3A_2, %mul3A_504 : i32
      %dma_start3A_506 = arith.constant 6 : i32
      %dma_start3A_507 = arith.constant 0 : i32
      %dma_start3A_508 = arith.constant 0 : i32
      %dma_start3A_509 = tpu.memref_slice %arg6[%dma_start3A_506, %dma_start3A_507, %dma_start3A_508] : memref<10x64x128xf32, #tpu.memory_space<vmem>> -> memref<1x64x128xf32, #tpu.memory_space<vmem>>
      %dma_start3A_510 = tpu.memref_squeeze %dma_start3A_509 : memref<1x64x128xf32, #tpu.memory_space<vmem>> -> memref<64x128xf32, #tpu.memory_space<vmem>>
      %dma_start3A_511 = arith.constant 0 : i32
      %dma_start3A_512 = tpu.memref_slice %arg4[%add3A_505, %dma_start3A_511] : memref<81920x128xf32, #tpu.memory_space<hbm>> -> memref<64x128xf32, #tpu.memory_space<hbm>>
      %dma_start3A_513 = arith.constant 0 : i32
      %dma_start3A_514 = tpu.memref_slice %arg4[%add3A_505, %dma_start3A_513] : memref<81920x128xf32, #tpu.memory_space<hbm>> -> memref<64x128xf32, #tpu.memory_space<hbm>>
      %dma_start3A_515 = arith.constant 0 : i32
      %dma_start3A_516 = arith.constant 0 : i32
      %dma_start3A_517 = tpu.memref_slice %arg6[%dma_start3A_506, %dma_start3A_515, %dma_start3A_516] : memref<10x64x128xf32, #tpu.memory_space<vmem>> -> memref<1x64x128xf32, #tpu.memory_space<vmem>>
      %dma_start3A_518 = tpu.memref_squeeze %dma_start3A_517 : memref<1x64x128xf32, #tpu.memory_space<vmem>> -> memref<64x128xf32, #tpu.memory_space<vmem>>
      tpu.enqueue_dma source(%dma_start3A_518 : memref<64x128xf32, #tpu.memory_space<vmem>>) target(%dma_start3A_514 : memref<64x128xf32, #tpu.memory_space<hbm>>) target_semaphore(%arg23 : memref<!tpu.dma_semaphore, #tpu.memory_space<semaphore_mem>>)
      %le3A_519 = arith.constant 30 : i32
      %le3A_520 = arith.cmpi sle, %add3A_487, %le3A_519 : i32
      %convert_element_type3A_521 = arith.extui %le3A_520 : i1 to i32
      %cond3A_522 = arith.constant 0 : i32
      %cond3A_523 = arith.cmpi ne, %convert_element_type3A_521, %cond3A_522 : i32
      scf.if %cond3A_523 {
        %ge3A = arith.constant 1 : i32
        %ge3A_644 = arith.cmpi sge, %add3A_487, %ge3A : i32
        %convert_element_type3A_645 = arith.extui %ge3A_644 : i1 to i32
        %cond3A_646 = arith.constant 0 : i32
        %cond3A_647 = arith.cmpi ne, %convert_element_type3A_645, %cond3A_646 : i32
        scf.if %cond3A_647 {
          %dma_wait3A_662 = arith.constant 5 : i32
          %dma_wait3A_663 = arith.constant 0 : i32
          %dma_wait3A_664 = arith.constant 0 : i32
          %dma_wait3A_665 = tpu.memref_slice %arg6[%dma_wait3A_662, %dma_wait3A_663, %dma_wait3A_664] : memref<10x64x128xf32, #tpu.memory_space<vmem>> -> memref<1x64x128xf32, #tpu.memory_space<vmem>>
          %dma_wait3A_666 = tpu.memref_squeeze %dma_wait3A_665 : memref<1x64x128xf32, #tpu.memory_space<vmem>> -> memref<64x128xf32, #tpu.memory_space<vmem>>
          %dma_wait3A_667 = arith.constant 0 : i32
          %dma_wait3A_668 = arith.constant 0 : i32
          %dma_wait3A_669 = tpu.memref_slice %arg4[%dma_wait3A_667, %dma_wait3A_668] : memref<81920x128xf32, #tpu.memory_space<hbm>> -> memref<64x128xf32, #tpu.memory_space<hbm>>
          %dma_wait3A_670 = arith.constant 0 : i32
          %dma_wait3A_671 = arith.constant 0 : i32
          %dma_wait3A_672 = tpu.memref_slice %arg4[%dma_wait3A_670, %dma_wait3A_671] : memref<81920x128xf32, #tpu.memory_space<hbm>> -> memref<64x128xf32, #tpu.memory_space<hbm>>
          %dma_wait3A_673 = arith.constant 0 : i32
          %dma_wait3A_674 = arith.constant 0 : i32
          %dma_wait3A_675 = tpu.memref_slice %arg6[%dma_wait3A_662, %dma_wait3A_673, %dma_wait3A_674] : memref<10x64x128xf32, #tpu.memory_space<vmem>> -> memref<1x64x128xf32, #tpu.memory_space<vmem>>
          %dma_wait3A_676 = tpu.memref_squeeze %dma_wait3A_675 : memref<1x64x128xf32, #tpu.memory_space<vmem>> -> memref<64x128xf32, #tpu.memory_space<vmem>>
          tpu.wait_dma2 semaphore(%arg22 : memref<!tpu.dma_semaphore, #tpu.memory_space<semaphore_mem>>) src(%dma_wait3A_676 : memref<64x128xf32, #tpu.memory_space<vmem>>) dst(%dma_wait3A_672 : memref<64x128xf32, #tpu.memory_space<hbm>>)
        } else {
        }
        %add3A_648 = arith.constant 10 : i32
        %add3A_649 = arith.addi %add3A_487, %add3A_648 : i32
        %sub3A = arith.constant 1 : i32
        %sub3A_650 = arith.subi %add3A_649, %sub3A : i32
        %mul3A_651 = arith.constant 64 : i32
        %mul3A_652 = arith.muli %sub3A_650, %mul3A_651 : i32
        %dma_start3A_653 = arith.constant 5 : i32
        %dma_start3A_654 = arith.constant 0 : i32
        %dma_start3A_655 = arith.constant 0 : i32
        %dma_start3A_656 = tpu.memref_slice %arg6[%dma_start3A_653, %dma_start3A_654, %dma_start3A_655] : memref<10x64x128xf32, #tpu.memory_space<vmem>> -> memref<1x64x128xf32, #tpu.memory_space<vmem>>
        %dma_start3A_657 = tpu.memref_squeeze %dma_start3A_656 : memref<1x64x128xf32, #tpu.memory_space<vmem>> -> memref<64x128xf32, #tpu.memory_space<vmem>>
        %dma_start3A_658 = tpu.memref_slice %arg5[%mul3A_652] : memref<2560xi32, #tpu.memory_space<vmem>> -> memref<64xi32, #tpu.memory_space<vmem>>
        %dma_start3A_659 = arith.constant 0 : i32
        %dma_start3A_660 = arith.constant 0 : i32
        %dma_start3A_661 = tpu.memref_slice %arg2[%dma_start3A_659, %dma_start3A_660] : memref<100000x128xf32, #tpu.memory_space<hbm>> -> memref<100000x128xf32, #tpu.memory_space<hbm>>
        tpu.enqueue_indirect_dma source(%dma_start3A_661 : memref<100000x128xf32, #tpu.memory_space<hbm>>) target(%dma_start3A_657 : memref<64x128xf32, #tpu.memory_space<vmem>>) offsets(%dma_start3A_658 : memref<64xi32, #tpu.memory_space<vmem>>) semaphore(%arg12 : memref<!tpu.dma_semaphore, #tpu.memory_space<semaphore_mem>>)
      } else {
      }
      %mul3A_524 = arith.constant 10 : i32
      %mul3A_525 = arith.muli %scan3A_246, %mul3A_524 : i32
      %add3A_526 = arith.constant 7 : i32
      %add3A_527 = arith.addi %mul3A_525, %add3A_526 : i32
      %dma_wait3A_528 = arith.constant 7 : i32
      %dma_wait3A_529 = arith.constant 0 : i32
      %dma_wait3A_530 = arith.constant 0 : i32
      %dma_wait3A_531 = tpu.memref_slice %arg6[%dma_wait3A_528, %dma_wait3A_529, %dma_wait3A_530] : memref<10x64x128xf32, #tpu.memory_space<vmem>> -> memref<1x64x128xf32, #tpu.memory_space<vmem>>
      %dma_wait3A_532 = tpu.memref_squeeze %dma_wait3A_531 : memref<1x64x128xf32, #tpu.memory_space<vmem>> -> memref<64x128xf32, #tpu.memory_space<vmem>>
      %dma_wait3A_533 = arith.constant 0 : i32
      %dma_wait3A_534 = arith.constant 0 : i32
      %dma_wait3A_535 = tpu.memref_slice %arg2[%dma_wait3A_533, %dma_wait3A_534] : memref<100000x128xf32, #tpu.memory_space<hbm>> -> memref<64x128xf32, #tpu.memory_space<hbm>>
      %dma_wait3A_536 = arith.constant 0 : i32
      %dma_wait3A_537 = arith.constant 0 : i32
      %dma_wait3A_538 = tpu.memref_slice %arg6[%dma_wait3A_528, %dma_wait3A_536, %dma_wait3A_537] : memref<10x64x128xf32, #tpu.memory_space<vmem>> -> memref<1x64x128xf32, #tpu.memory_space<vmem>>
      %dma_wait3A_539 = tpu.memref_squeeze %dma_wait3A_538 : memref<1x64x128xf32, #tpu.memory_space<vmem>> -> memref<64x128xf32, #tpu.memory_space<vmem>>
      %dma_wait3A_540 = arith.constant 0 : i32
      %dma_wait3A_541 = arith.constant 0 : i32
      %dma_wait3A_542 = tpu.memref_slice %arg2[%dma_wait3A_540, %dma_wait3A_541] : memref<100000x128xf32, #tpu.memory_space<hbm>> -> memref<64x128xf32, #tpu.memory_space<hbm>>
      tpu.wait_dma2 semaphore(%arg14 : memref<!tpu.dma_semaphore, #tpu.memory_space<semaphore_mem>>) src(%dma_wait3A_542 : memref<64x128xf32, #tpu.memory_space<hbm>>) dst(%dma_wait3A_539 : memref<64x128xf32, #tpu.memory_space<vmem>>)
      %mul3A_543 = arith.constant 64 : i32
      %mul3A_544 = arith.muli %add3A_527, %mul3A_543 : i32
      %add3A_545 = arith.addi %mul3A_2, %mul3A_544 : i32
      %dma_start3A_546 = arith.constant 7 : i32
      %dma_start3A_547 = arith.constant 0 : i32
      %dma_start3A_548 = arith.constant 0 : i32
      %dma_start3A_549 = tpu.memref_slice %arg6[%dma_start3A_546, %dma_start3A_547, %dma_start3A_548] : memref<10x64x128xf32, #tpu.memory_space<vmem>> -> memref<1x64x128xf32, #tpu.memory_space<vmem>>
      %dma_start3A_550 = tpu.memref_squeeze %dma_start3A_549 : memref<1x64x128xf32, #tpu.memory_space<vmem>> -> memref<64x128xf32, #tpu.memory_space<vmem>>
      %dma_start3A_551 = arith.constant 0 : i32
      %dma_start3A_552 = tpu.memref_slice %arg4[%add3A_545, %dma_start3A_551] : memref<81920x128xf32, #tpu.memory_space<hbm>> -> memref<64x128xf32, #tpu.memory_space<hbm>>
      %dma_start3A_553 = arith.constant 0 : i32
      %dma_start3A_554 = tpu.memref_slice %arg4[%add3A_545, %dma_start3A_553] : memref<81920x128xf32, #tpu.memory_space<hbm>> -> memref<64x128xf32, #tpu.memory_space<hbm>>
      %dma_start3A_555 = arith.constant 0 : i32
      %dma_start3A_556 = arith.constant 0 : i32
      %dma_start3A_557 = tpu.memref_slice %arg6[%dma_start3A_546, %dma_start3A_555, %dma_start3A_556] : memref<10x64x128xf32, #tpu.memory_space<vmem>> -> memref<1x64x128xf32, #tpu.memory_space<vmem>>
      %dma_start3A_558 = tpu.memref_squeeze %dma_start3A_557 : memref<1x64x128xf32, #tpu.memory_space<vmem>> -> memref<64x128xf32, #tpu.memory_space<vmem>>
      tpu.enqueue_dma source(%dma_start3A_558 : memref<64x128xf32, #tpu.memory_space<vmem>>) target(%dma_start3A_554 : memref<64x128xf32, #tpu.memory_space<hbm>>) target_semaphore(%arg24 : memref<!tpu.dma_semaphore, #tpu.memory_space<semaphore_mem>>)
      %le3A_559 = arith.constant 30 : i32
      %le3A_560 = arith.cmpi sle, %add3A_527, %le3A_559 : i32
      %convert_element_type3A_561 = arith.extui %le3A_560 : i1 to i32
      %cond3A_562 = arith.constant 0 : i32
      %cond3A_563 = arith.cmpi ne, %convert_element_type3A_561, %cond3A_562 : i32
      scf.if %cond3A_563 {
        %ge3A = arith.constant 1 : i32
        %ge3A_644 = arith.cmpi sge, %add3A_527, %ge3A : i32
        %convert_element_type3A_645 = arith.extui %ge3A_644 : i1 to i32
        %cond3A_646 = arith.constant 0 : i32
        %cond3A_647 = arith.cmpi ne, %convert_element_type3A_645, %cond3A_646 : i32
        scf.if %cond3A_647 {
          %dma_wait3A_662 = arith.constant 6 : i32
          %dma_wait3A_663 = arith.constant 0 : i32
          %dma_wait3A_664 = arith.constant 0 : i32
          %dma_wait3A_665 = tpu.memref_slice %arg6[%dma_wait3A_662, %dma_wait3A_663, %dma_wait3A_664] : memref<10x64x128xf32, #tpu.memory_space<vmem>> -> memref<1x64x128xf32, #tpu.memory_space<vmem>>
          %dma_wait3A_666 = tpu.memref_squeeze %dma_wait3A_665 : memref<1x64x128xf32, #tpu.memory_space<vmem>> -> memref<64x128xf32, #tpu.memory_space<vmem>>
          %dma_wait3A_667 = arith.constant 0 : i32
          %dma_wait3A_668 = arith.constant 0 : i32
          %dma_wait3A_669 = tpu.memref_slice %arg4[%dma_wait3A_667, %dma_wait3A_668] : memref<81920x128xf32, #tpu.memory_space<hbm>> -> memref<64x128xf32, #tpu.memory_space<hbm>>
          %dma_wait3A_670 = arith.constant 0 : i32
          %dma_wait3A_671 = arith.constant 0 : i32
          %dma_wait3A_672 = tpu.memref_slice %arg4[%dma_wait3A_670, %dma_wait3A_671] : memref<81920x128xf32, #tpu.memory_space<hbm>> -> memref<64x128xf32, #tpu.memory_space<hbm>>
          %dma_wait3A_673 = arith.constant 0 : i32
          %dma_wait3A_674 = arith.constant 0 : i32
          %dma_wait3A_675 = tpu.memref_slice %arg6[%dma_wait3A_662, %dma_wait3A_673, %dma_wait3A_674] : memref<10x64x128xf32, #tpu.memory_space<vmem>> -> memref<1x64x128xf32, #tpu.memory_space<vmem>>
          %dma_wait3A_676 = tpu.memref_squeeze %dma_wait3A_675 : memref<1x64x128xf32, #tpu.memory_space<vmem>> -> memref<64x128xf32, #tpu.memory_space<vmem>>
          tpu.wait_dma2 semaphore(%arg23 : memref<!tpu.dma_semaphore, #tpu.memory_space<semaphore_mem>>) src(%dma_wait3A_676 : memref<64x128xf32, #tpu.memory_space<vmem>>) dst(%dma_wait3A_672 : memref<64x128xf32, #tpu.memory_space<hbm>>)
        } else {
        }
        %add3A_648 = arith.constant 10 : i32
        %add3A_649 = arith.addi %add3A_527, %add3A_648 : i32
        %sub3A = arith.constant 1 : i32
        %sub3A_650 = arith.subi %add3A_649, %sub3A : i32
        %mul3A_651 = arith.constant 64 : i32
        %mul3A_652 = arith.muli %sub3A_650, %mul3A_651 : i32
        %dma_start3A_653 = arith.constant 6 : i32
        %dma_start3A_654 = arith.constant 0 : i32
        %dma_start3A_655 = arith.constant 0 : i32
        %dma_start3A_656 = tpu.memref_slice %arg6[%dma_start3A_653, %dma_start3A_654, %dma_start3A_655] : memref<10x64x128xf32, #tpu.memory_space<vmem>> -> memref<1x64x128xf32, #tpu.memory_space<vmem>>
        %dma_start3A_657 = tpu.memref_squeeze %dma_start3A_656 : memref<1x64x128xf32, #tpu.memory_space<vmem>> -> memref<64x128xf32, #tpu.memory_space<vmem>>
        %dma_start3A_658 = tpu.memref_slice %arg5[%mul3A_652] : memref<2560xi32, #tpu.memory_space<vmem>> -> memref<64xi32, #tpu.memory_space<vmem>>
        %dma_start3A_659 = arith.constant 0 : i32
        %dma_start3A_660 = arith.constant 0 : i32
        %dma_start3A_661 = tpu.memref_slice %arg2[%dma_start3A_659, %dma_start3A_660] : memref<100000x128xf32, #tpu.memory_space<hbm>> -> memref<100000x128xf32, #tpu.memory_space<hbm>>
        tpu.enqueue_indirect_dma source(%dma_start3A_661 : memref<100000x128xf32, #tpu.memory_space<hbm>>) target(%dma_start3A_657 : memref<64x128xf32, #tpu.memory_space<vmem>>) offsets(%dma_start3A_658 : memref<64xi32, #tpu.memory_space<vmem>>) semaphore(%arg13 : memref<!tpu.dma_semaphore, #tpu.memory_space<semaphore_mem>>)
      } else {
      }
      %mul3A_564 = arith.constant 10 : i32
      %mul3A_565 = arith.muli %scan3A_246, %mul3A_564 : i32
      %add3A_566 = arith.constant 8 : i32
      %add3A_567 = arith.addi %mul3A_565, %add3A_566 : i32
      %dma_wait3A_568 = arith.constant 8 : i32
      %dma_wait3A_569 = arith.constant 0 : i32
      %dma_wait3A_570 = arith.constant 0 : i32
      %dma_wait3A_571 = tpu.memref_slice %arg6[%dma_wait3A_568, %dma_wait3A_569, %dma_wait3A_570] : memref<10x64x128xf32, #tpu.memory_space<vmem>> -> memref<1x64x128xf32, #tpu.memory_space<vmem>>
      %dma_wait3A_572 = tpu.memref_squeeze %dma_wait3A_571 : memref<1x64x128xf32, #tpu.memory_space<vmem>> -> memref<64x128xf32, #tpu.memory_space<vmem>>
      %dma_wait3A_573 = arith.constant 0 : i32
      %dma_wait3A_574 = arith.constant 0 : i32
      %dma_wait3A_575 = tpu.memref_slice %arg2[%dma_wait3A_573, %dma_wait3A_574] : memref<100000x128xf32, #tpu.memory_space<hbm>> -> memref<64x128xf32, #tpu.memory_space<hbm>>
      %dma_wait3A_576 = arith.constant 0 : i32
      %dma_wait3A_577 = arith.constant 0 : i32
      %dma_wait3A_578 = tpu.memref_slice %arg6[%dma_wait3A_568, %dma_wait3A_576, %dma_wait3A_577] : memref<10x64x128xf32, #tpu.memory_space<vmem>> -> memref<1x64x128xf32, #tpu.memory_space<vmem>>
      %dma_wait3A_579 = tpu.memref_squeeze %dma_wait3A_578 : memref<1x64x128xf32, #tpu.memory_space<vmem>> -> memref<64x128xf32, #tpu.memory_space<vmem>>
      %dma_wait3A_580 = arith.constant 0 : i32
      %dma_wait3A_581 = arith.constant 0 : i32
      %dma_wait3A_582 = tpu.memref_slice %arg2[%dma_wait3A_580, %dma_wait3A_581] : memref<100000x128xf32, #tpu.memory_space<hbm>> -> memref<64x128xf32, #tpu.memory_space<hbm>>
      tpu.wait_dma2 semaphore(%arg15 : memref<!tpu.dma_semaphore, #tpu.memory_space<semaphore_mem>>) src(%dma_wait3A_582 : memref<64x128xf32, #tpu.memory_space<hbm>>) dst(%dma_wait3A_579 : memref<64x128xf32, #tpu.memory_space<vmem>>)
      %mul3A_583 = arith.constant 64 : i32
      %mul3A_584 = arith.muli %add3A_567, %mul3A_583 : i32
      %add3A_585 = arith.addi %mul3A_2, %mul3A_584 : i32
      %dma_start3A_586 = arith.constant 8 : i32
      %dma_start3A_587 = arith.constant 0 : i32
      %dma_start3A_588 = arith.constant 0 : i32
      %dma_start3A_589 = tpu.memref_slice %arg6[%dma_start3A_586, %dma_start3A_587, %dma_start3A_588] : memref<10x64x128xf32, #tpu.memory_space<vmem>> -> memref<1x64x128xf32, #tpu.memory_space<vmem>>
      %dma_start3A_590 = tpu.memref_squeeze %dma_start3A_589 : memref<1x64x128xf32, #tpu.memory_space<vmem>> -> memref<64x128xf32, #tpu.memory_space<vmem>>
      %dma_start3A_591 = arith.constant 0 : i32
      %dma_start3A_592 = tpu.memref_slice %arg4[%add3A_585, %dma_start3A_591] : memref<81920x128xf32, #tpu.memory_space<hbm>> -> memref<64x128xf32, #tpu.memory_space<hbm>>
      %dma_start3A_593 = arith.constant 0 : i32
      %dma_start3A_594 = tpu.memref_slice %arg4[%add3A_585, %dma_start3A_593] : memref<81920x128xf32, #tpu.memory_space<hbm>> -> memref<64x128xf32, #tpu.memory_space<hbm>>
      %dma_start3A_595 = arith.constant 0 : i32
      %dma_start3A_596 = arith.constant 0 : i32
      %dma_start3A_597 = tpu.memref_slice %arg6[%dma_start3A_586, %dma_start3A_595, %dma_start3A_596] : memref<10x64x128xf32, #tpu.memory_space<vmem>> -> memref<1x64x128xf32, #tpu.memory_space<vmem>>
      %dma_start3A_598 = tpu.memref_squeeze %dma_start3A_597 : memref<1x64x128xf32, #tpu.memory_space<vmem>> -> memref<64x128xf32, #tpu.memory_space<vmem>>
      tpu.enqueue_dma source(%dma_start3A_598 : memref<64x128xf32, #tpu.memory_space<vmem>>) target(%dma_start3A_594 : memref<64x128xf32, #tpu.memory_space<hbm>>) target_semaphore(%arg25 : memref<!tpu.dma_semaphore, #tpu.memory_space<semaphore_mem>>)
      %le3A_599 = arith.constant 30 : i32
      %le3A_600 = arith.cmpi sle, %add3A_567, %le3A_599 : i32
      %convert_element_type3A_601 = arith.extui %le3A_600 : i1 to i32
      %cond3A_602 = arith.constant 0 : i32
      %cond3A_603 = arith.cmpi ne, %convert_element_type3A_601, %cond3A_602 : i32
      scf.if %cond3A_603 {
        %ge3A = arith.constant 1 : i32
        %ge3A_644 = arith.cmpi sge, %add3A_567, %ge3A : i32
        %convert_element_type3A_645 = arith.extui %ge3A_644 : i1 to i32
        %cond3A_646 = arith.constant 0 : i32
        %cond3A_647 = arith.cmpi ne, %convert_element_type3A_645, %cond3A_646 : i32
        scf.if %cond3A_647 {
          %dma_wait3A_662 = arith.constant 7 : i32
          %dma_wait3A_663 = arith.constant 0 : i32
          %dma_wait3A_664 = arith.constant 0 : i32
          %dma_wait3A_665 = tpu.memref_slice %arg6[%dma_wait3A_662, %dma_wait3A_663, %dma_wait3A_664] : memref<10x64x128xf32, #tpu.memory_space<vmem>> -> memref<1x64x128xf32, #tpu.memory_space<vmem>>
          %dma_wait3A_666 = tpu.memref_squeeze %dma_wait3A_665 : memref<1x64x128xf32, #tpu.memory_space<vmem>> -> memref<64x128xf32, #tpu.memory_space<vmem>>
          %dma_wait3A_667 = arith.constant 0 : i32
          %dma_wait3A_668 = arith.constant 0 : i32
          %dma_wait3A_669 = tpu.memref_slice %arg4[%dma_wait3A_667, %dma_wait3A_668] : memref<81920x128xf32, #tpu.memory_space<hbm>> -> memref<64x128xf32, #tpu.memory_space<hbm>>
          %dma_wait3A_670 = arith.constant 0 : i32
          %dma_wait3A_671 = arith.constant 0 : i32
          %dma_wait3A_672 = tpu.memref_slice %arg4[%dma_wait3A_670, %dma_wait3A_671] : memref<81920x128xf32, #tpu.memory_space<hbm>> -> memref<64x128xf32, #tpu.memory_space<hbm>>
          %dma_wait3A_673 = arith.constant 0 : i32
          %dma_wait3A_674 = arith.constant 0 : i32
          %dma_wait3A_675 = tpu.memref_slice %arg6[%dma_wait3A_662, %dma_wait3A_673, %dma_wait3A_674] : memref<10x64x128xf32, #tpu.memory_space<vmem>> -> memref<1x64x128xf32, #tpu.memory_space<vmem>>
          %dma_wait3A_676 = tpu.memref_squeeze %dma_wait3A_675 : memref<1x64x128xf32, #tpu.memory_space<vmem>> -> memref<64x128xf32, #tpu.memory_space<vmem>>
          tpu.wait_dma2 semaphore(%arg24 : memref<!tpu.dma_semaphore, #tpu.memory_space<semaphore_mem>>) src(%dma_wait3A_676 : memref<64x128xf32, #tpu.memory_space<vmem>>) dst(%dma_wait3A_672 : memref<64x128xf32, #tpu.memory_space<hbm>>)
        } else {
        }
        %add3A_648 = arith.constant 10 : i32
        %add3A_649 = arith.addi %add3A_567, %add3A_648 : i32
        %sub3A = arith.constant 1 : i32
        %sub3A_650 = arith.subi %add3A_649, %sub3A : i32
        %mul3A_651 = arith.constant 64 : i32
        %mul3A_652 = arith.muli %sub3A_650, %mul3A_651 : i32
        %dma_start3A_653 = arith.constant 7 : i32
        %dma_start3A_654 = arith.constant 0 : i32
        %dma_start3A_655 = arith.constant 0 : i32
        %dma_start3A_656 = tpu.memref_slice %arg6[%dma_start3A_653, %dma_start3A_654, %dma_start3A_655] : memref<10x64x128xf32, #tpu.memory_space<vmem>> -> memref<1x64x128xf32, #tpu.memory_space<vmem>>
        %dma_start3A_657 = tpu.memref_squeeze %dma_start3A_656 : memref<1x64x128xf32, #tpu.memory_space<vmem>> -> memref<64x128xf32, #tpu.memory_space<vmem>>
        %dma_start3A_658 = tpu.memref_slice %arg5[%mul3A_652] : memref<2560xi32, #tpu.memory_space<vmem>> -> memref<64xi32, #tpu.memory_space<vmem>>
        %dma_start3A_659 = arith.constant 0 : i32
        %dma_start3A_660 = arith.constant 0 : i32
        %dma_start3A_661 = tpu.memref_slice %arg2[%dma_start3A_659, %dma_start3A_660] : memref<100000x128xf32, #tpu.memory_space<hbm>> -> memref<100000x128xf32, #tpu.memory_space<hbm>>
        tpu.enqueue_indirect_dma source(%dma_start3A_661 : memref<100000x128xf32, #tpu.memory_space<hbm>>) target(%dma_start3A_657 : memref<64x128xf32, #tpu.memory_space<vmem>>) offsets(%dma_start3A_658 : memref<64xi32, #tpu.memory_space<vmem>>) semaphore(%arg14 : memref<!tpu.dma_semaphore, #tpu.memory_space<semaphore_mem>>)
      } else {
      }
      %mul3A_604 = arith.constant 10 : i32
      %mul3A_605 = arith.muli %scan3A_246, %mul3A_604 : i32
      %add3A_606 = arith.constant 9 : i32
      %add3A_607 = arith.addi %mul3A_605, %add3A_606 : i32
      %dma_wait3A_608 = arith.constant 9 : i32
      %dma_wait3A_609 = arith.constant 0 : i32
      %dma_wait3A_610 = arith.constant 0 : i32
      %dma_wait3A_611 = tpu.memref_slice %arg6[%dma_wait3A_608, %dma_wait3A_609, %dma_wait3A_610] : memref<10x64x128xf32, #tpu.memory_space<vmem>> -> memref<1x64x128xf32, #tpu.memory_space<vmem>>
      %dma_wait3A_612 = tpu.memref_squeeze %dma_wait3A_611 : memref<1x64x128xf32, #tpu.memory_space<vmem>> -> memref<64x128xf32, #tpu.memory_space<vmem>>
      %dma_wait3A_613 = arith.constant 0 : i32
      %dma_wait3A_614 = arith.constant 0 : i32
      %dma_wait3A_615 = tpu.memref_slice %arg2[%dma_wait3A_613, %dma_wait3A_614] : memref<100000x128xf32, #tpu.memory_space<hbm>> -> memref<64x128xf32, #tpu.memory_space<hbm>>
      %dma_wait3A_616 = arith.constant 0 : i32
      %dma_wait3A_617 = arith.constant 0 : i32
      %dma_wait3A_618 = tpu.memref_slice %arg6[%dma_wait3A_608, %dma_wait3A_616, %dma_wait3A_617] : memref<10x64x128xf32, #tpu.memory_space<vmem>> -> memref<1x64x128xf32, #tpu.memory_space<vmem>>
      %dma_wait3A_619 = tpu.memref_squeeze %dma_wait3A_618 : memref<1x64x128xf32, #tpu.memory_space<vmem>> -> memref<64x128xf32, #tpu.memory_space<vmem>>
      %dma_wait3A_620 = arith.constant 0 : i32
      %dma_wait3A_621 = arith.constant 0 : i32
      %dma_wait3A_622 = tpu.memref_slice %arg2[%dma_wait3A_620, %dma_wait3A_621] : memref<100000x128xf32, #tpu.memory_space<hbm>> -> memref<64x128xf32, #tpu.memory_space<hbm>>
      tpu.wait_dma2 semaphore(%arg16 : memref<!tpu.dma_semaphore, #tpu.memory_space<semaphore_mem>>) src(%dma_wait3A_622 : memref<64x128xf32, #tpu.memory_space<hbm>>) dst(%dma_wait3A_619 : memref<64x128xf32, #tpu.memory_space<vmem>>)
      %mul3A_623 = arith.constant 64 : i32
      %mul3A_624 = arith.muli %add3A_607, %mul3A_623 : i32
      %add3A_625 = arith.addi %mul3A_2, %mul3A_624 : i32
      %dma_start3A_626 = arith.constant 9 : i32
      %dma_start3A_627 = arith.constant 0 : i32
      %dma_start3A_628 = arith.constant 0 : i32
      %dma_start3A_629 = tpu.memref_slice %arg6[%dma_start3A_626, %dma_start3A_627, %dma_start3A_628] : memref<10x64x128xf32, #tpu.memory_space<vmem>> -> memref<1x64x128xf32, #tpu.memory_space<vmem>>
      %dma_start3A_630 = tpu.memref_squeeze %dma_start3A_629 : memref<1x64x128xf32, #tpu.memory_space<vmem>> -> memref<64x128xf32, #tpu.memory_space<vmem>>
      %dma_start3A_631 = arith.constant 0 : i32
      %dma_start3A_632 = tpu.memref_slice %arg4[%add3A_625, %dma_start3A_631] : memref<81920x128xf32, #tpu.memory_space<hbm>> -> memref<64x128xf32, #tpu.memory_space<hbm>>
      %dma_start3A_633 = arith.constant 0 : i32
      %dma_start3A_634 = tpu.memref_slice %arg4[%add3A_625, %dma_start3A_633] : memref<81920x128xf32, #tpu.memory_space<hbm>> -> memref<64x128xf32, #tpu.memory_space<hbm>>
      %dma_start3A_635 = arith.constant 0 : i32
      %dma_start3A_636 = arith.constant 0 : i32
      %dma_start3A_637 = tpu.memref_slice %arg6[%dma_start3A_626, %dma_start3A_635, %dma_start3A_636] : memref<10x64x128xf32, #tpu.memory_space<vmem>> -> memref<1x64x128xf32, #tpu.memory_space<vmem>>
      %dma_start3A_638 = tpu.memref_squeeze %dma_start3A_637 : memref<1x64x128xf32, #tpu.memory_space<vmem>> -> memref<64x128xf32, #tpu.memory_space<vmem>>
      tpu.enqueue_dma source(%dma_start3A_638 : memref<64x128xf32, #tpu.memory_space<vmem>>) target(%dma_start3A_634 : memref<64x128xf32, #tpu.memory_space<hbm>>) target_semaphore(%arg26 : memref<!tpu.dma_semaphore, #tpu.memory_space<semaphore_mem>>)
      %le3A_639 = arith.constant 30 : i32
      %le3A_640 = arith.cmpi sle, %add3A_607, %le3A_639 : i32
      %convert_element_type3A_641 = arith.extui %le3A_640 : i1 to i32
      %cond3A_642 = arith.constant 0 : i32
      %cond3A_643 = arith.cmpi ne, %convert_element_type3A_641, %cond3A_642 : i32
      scf.if %cond3A_643 {
        %ge3A = arith.constant 1 : i32
        %ge3A_644 = arith.cmpi sge, %add3A_607, %ge3A : i32
        %convert_element_type3A_645 = arith.extui %ge3A_644 : i1 to i32
        %cond3A_646 = arith.constant 0 : i32
        %cond3A_647 = arith.cmpi ne, %convert_element_type3A_645, %cond3A_646 : i32
        scf.if %cond3A_647 {
          %dma_wait3A_662 = arith.constant 8 : i32
          %dma_wait3A_663 = arith.constant 0 : i32
          %dma_wait3A_664 = arith.constant 0 : i32
          %dma_wait3A_665 = tpu.memref_slice %arg6[%dma_wait3A_662, %dma_wait3A_663, %dma_wait3A_664] : memref<10x64x128xf32, #tpu.memory_space<vmem>> -> memref<1x64x128xf32, #tpu.memory_space<vmem>>
          %dma_wait3A_666 = tpu.memref_squeeze %dma_wait3A_665 : memref<1x64x128xf32, #tpu.memory_space<vmem>> -> memref<64x128xf32, #tpu.memory_space<vmem>>
          %dma_wait3A_667 = arith.constant 0 : i32
          %dma_wait3A_668 = arith.constant 0 : i32
          %dma_wait3A_669 = tpu.memref_slice %arg4[%dma_wait3A_667, %dma_wait3A_668] : memref<81920x128xf32, #tpu.memory_space<hbm>> -> memref<64x128xf32, #tpu.memory_space<hbm>>
          %dma_wait3A_670 = arith.constant 0 : i32
          %dma_wait3A_671 = arith.constant 0 : i32
          %dma_wait3A_672 = tpu.memref_slice %arg4[%dma_wait3A_670, %dma_wait3A_671] : memref<81920x128xf32, #tpu.memory_space<hbm>> -> memref<64x128xf32, #tpu.memory_space<hbm>>
          %dma_wait3A_673 = arith.constant 0 : i32
          %dma_wait3A_674 = arith.constant 0 : i32
          %dma_wait3A_675 = tpu.memref_slice %arg6[%dma_wait3A_662, %dma_wait3A_673, %dma_wait3A_674] : memref<10x64x128xf32, #tpu.memory_space<vmem>> -> memref<1x64x128xf32, #tpu.memory_space<vmem>>
          %dma_wait3A_676 = tpu.memref_squeeze %dma_wait3A_675 : memref<1x64x128xf32, #tpu.memory_space<vmem>> -> memref<64x128xf32, #tpu.memory_space<vmem>>
          tpu.wait_dma2 semaphore(%arg25 : memref<!tpu.dma_semaphore, #tpu.memory_space<semaphore_mem>>) src(%dma_wait3A_676 : memref<64x128xf32, #tpu.memory_space<vmem>>) dst(%dma_wait3A_672 : memref<64x128xf32, #tpu.memory_space<hbm>>)
        } else {
        }
        %add3A_648 = arith.constant 10 : i32
        %add3A_649 = arith.addi %add3A_607, %add3A_648 : i32
        %sub3A = arith.constant 1 : i32
        %sub3A_650 = arith.subi %add3A_649, %sub3A : i32
        %mul3A_651 = arith.constant 64 : i32
        %mul3A_652 = arith.muli %sub3A_650, %mul3A_651 : i32
        %dma_start3A_653 = arith.constant 8 : i32
        %dma_start3A_654 = arith.constant 0 : i32
        %dma_start3A_655 = arith.constant 0 : i32
        %dma_start3A_656 = tpu.memref_slice %arg6[%dma_start3A_653, %dma_start3A_654, %dma_start3A_655] : memref<10x64x128xf32, #tpu.memory_space<vmem>> -> memref<1x64x128xf32, #tpu.memory_space<vmem>>
        %dma_start3A_657 = tpu.memref_squeeze %dma_start3A_656 : memref<1x64x128xf32, #tpu.memory_space<vmem>> -> memref<64x128xf32, #tpu.memory_space<vmem>>
        %dma_start3A_658 = tpu.memref_slice %arg5[%mul3A_652] : memref<2560xi32, #tpu.memory_space<vmem>> -> memref<64xi32, #tpu.memory_space<vmem>>
        %dma_start3A_659 = arith.constant 0 : i32
        %dma_start3A_660 = arith.constant 0 : i32
        %dma_start3A_661 = tpu.memref_slice %arg2[%dma_start3A_659, %dma_start3A_660] : memref<100000x128xf32, #tpu.memory_space<hbm>> -> memref<100000x128xf32, #tpu.memory_space<hbm>>
        tpu.enqueue_indirect_dma source(%dma_start3A_661 : memref<100000x128xf32, #tpu.memory_space<hbm>>) target(%dma_start3A_657 : memref<64x128xf32, #tpu.memory_space<vmem>>) offsets(%dma_start3A_658 : memref<64xi32, #tpu.memory_space<vmem>>) semaphore(%arg15 : memref<!tpu.dma_semaphore, #tpu.memory_space<semaphore_mem>>)
      } else {
      }
    }
    %scan3A_96 = arith.constant 4 : i32
    %dma_wait3A = arith.constant 0 : i32
    %dma_wait3A_97 = arith.constant 0 : i32
    %dma_wait3A_98 = arith.constant 0 : i32
    %dma_wait3A_99 = tpu.memref_slice %arg6[%dma_wait3A, %dma_wait3A_97, %dma_wait3A_98] : memref<10x64x128xf32, #tpu.memory_space<vmem>> -> memref<1x64x128xf32, #tpu.memory_space<vmem>>
    %dma_wait3A_100 = tpu.memref_squeeze %dma_wait3A_99 : memref<1x64x128xf32, #tpu.memory_space<vmem>> -> memref<64x128xf32, #tpu.memory_space<vmem>>
    %dma_wait3A_101 = arith.constant 0 : i32
    %dma_wait3A_102 = arith.constant 0 : i32
    %dma_wait3A_103 = tpu.memref_slice %arg4[%dma_wait3A_101, %dma_wait3A_102] : memref<81920x128xf32, #tpu.memory_space<hbm>> -> memref<64x128xf32, #tpu.memory_space<hbm>>
    %dma_wait3A_104 = arith.constant 0 : i32
    %dma_wait3A_105 = arith.constant 0 : i32
    %dma_wait3A_106 = tpu.memref_slice %arg4[%dma_wait3A_104, %dma_wait3A_105] : memref<81920x128xf32, #tpu.memory_space<hbm>> -> memref<64x128xf32, #tpu.memory_space<hbm>>
    %dma_wait3A_107 = arith.constant 0 : i32
    %dma_wait3A_108 = arith.constant 0 : i32
    %dma_wait3A_109 = tpu.memref_slice %arg6[%dma_wait3A, %dma_wait3A_107, %dma_wait3A_108] : memref<10x64x128xf32, #tpu.memory_space<vmem>> -> memref<1x64x128xf32, #tpu.memory_space<vmem>>
    %dma_wait3A_110 = tpu.memref_squeeze %dma_wait3A_109 : memref<1x64x128xf32, #tpu.memory_space<vmem>> -> memref<64x128xf32, #tpu.memory_space<vmem>>
    tpu.wait_dma2 semaphore(%arg17 : memref<!tpu.dma_semaphore, #tpu.memory_space<semaphore_mem>>) src(%dma_wait3A_110 : memref<64x128xf32, #tpu.memory_space<vmem>>) dst(%dma_wait3A_106 : memref<64x128xf32, #tpu.memory_space<hbm>>)
    %dma_wait3A_111 = arith.constant 1 : i32
    %dma_wait3A_112 = arith.constant 0 : i32
    %dma_wait3A_113 = arith.constant 0 : i32
    %dma_wait3A_114 = tpu.memref_slice %arg6[%dma_wait3A_111, %dma_wait3A_112, %dma_wait3A_113] : memref<10x64x128xf32, #tpu.memory_space<vmem>> -> memref<1x64x128xf32, #tpu.memory_space<vmem>>
    %dma_wait3A_115 = tpu.memref_squeeze %dma_wait3A_114 : memref<1x64x128xf32, #tpu.memory_space<vmem>> -> memref<64x128xf32, #tpu.memory_space<vmem>>
    %dma_wait3A_116 = arith.constant 0 : i32
    %dma_wait3A_117 = arith.constant 0 : i32
    %dma_wait3A_118 = tpu.memref_slice %arg4[%dma_wait3A_116, %dma_wait3A_117] : memref<81920x128xf32, #tpu.memory_space<hbm>> -> memref<64x128xf32, #tpu.memory_space<hbm>>
    %dma_wait3A_119 = arith.constant 0 : i32
    %dma_wait3A_120 = arith.constant 0 : i32
    %dma_wait3A_121 = tpu.memref_slice %arg4[%dma_wait3A_119, %dma_wait3A_120] : memref<81920x128xf32, #tpu.memory_space<hbm>> -> memref<64x128xf32, #tpu.memory_space<hbm>>
    %dma_wait3A_122 = arith.constant 0 : i32
    %dma_wait3A_123 = arith.constant 0 : i32
    %dma_wait3A_124 = tpu.memref_slice %arg6[%dma_wait3A_111, %dma_wait3A_122, %dma_wait3A_123] : memref<10x64x128xf32, #tpu.memory_space<vmem>> -> memref<1x64x128xf32, #tpu.memory_space<vmem>>
    %dma_wait3A_125 = tpu.memref_squeeze %dma_wait3A_124 : memref<1x64x128xf32, #tpu.memory_space<vmem>> -> memref<64x128xf32, #tpu.memory_space<vmem>>
    tpu.wait_dma2 semaphore(%arg18 : memref<!tpu.dma_semaphore, #tpu.memory_space<semaphore_mem>>) src(%dma_wait3A_125 : memref<64x128xf32, #tpu.memory_space<vmem>>) dst(%dma_wait3A_121 : memref<64x128xf32, #tpu.memory_space<hbm>>)
    %dma_wait3A_126 = arith.constant 2 : i32
    %dma_wait3A_127 = arith.constant 0 : i32
    %dma_wait3A_128 = arith.constant 0 : i32
    %dma_wait3A_129 = tpu.memref_slice %arg6[%dma_wait3A_126, %dma_wait3A_127, %dma_wait3A_128] : memref<10x64x128xf32, #tpu.memory_space<vmem>> -> memref<1x64x128xf32, #tpu.memory_space<vmem>>
    %dma_wait3A_130 = tpu.memref_squeeze %dma_wait3A_129 : memref<1x64x128xf32, #tpu.memory_space<vmem>> -> memref<64x128xf32, #tpu.memory_space<vmem>>
    %dma_wait3A_131 = arith.constant 0 : i32
    %dma_wait3A_132 = arith.constant 0 : i32
    %dma_wait3A_133 = tpu.memref_slice %arg4[%dma_wait3A_131, %dma_wait3A_132] : memref<81920x128xf32, #tpu.memory_space<hbm>> -> memref<64x128xf32, #tpu.memory_space<hbm>>
    %dma_wait3A_134 = arith.constant 0 : i32
    %dma_wait3A_135 = arith.constant 0 : i32
    %dma_wait3A_136 = tpu.memref_slice %arg4[%dma_wait3A_134, %dma_wait3A_135] : memref<81920x128xf32, #tpu.memory_space<hbm>> -> memref<64x128xf32, #tpu.memory_space<hbm>>
    %dma_wait3A_137 = arith.constant 0 : i32
    %dma_wait3A_138 = arith.constant 0 : i32
    %dma_wait3A_139 = tpu.memref_slice %arg6[%dma_wait3A_126, %dma_wait3A_137, %dma_wait3A_138] : memref<10x64x128xf32, #tpu.memory_space<vmem>> -> memref<1x64x128xf32, #tpu.memory_space<vmem>>
    %dma_wait3A_140 = tpu.memref_squeeze %dma_wait3A_139 : memref<1x64x128xf32, #tpu.memory_space<vmem>> -> memref<64x128xf32, #tpu.memory_space<vmem>>
    tpu.wait_dma2 semaphore(%arg19 : memref<!tpu.dma_semaphore, #tpu.memory_space<semaphore_mem>>) src(%dma_wait3A_140 : memref<64x128xf32, #tpu.memory_space<vmem>>) dst(%dma_wait3A_136 : memref<64x128xf32, #tpu.memory_space<hbm>>)
    %dma_wait3A_141 = arith.constant 3 : i32
    %dma_wait3A_142 = arith.constant 0 : i32
    %dma_wait3A_143 = arith.constant 0 : i32
    %dma_wait3A_144 = tpu.memref_slice %arg6[%dma_wait3A_141, %dma_wait3A_142, %dma_wait3A_143] : memref<10x64x128xf32, #tpu.memory_space<vmem>> -> memref<1x64x128xf32, #tpu.memory_space<vmem>>
    %dma_wait3A_145 = tpu.memref_squeeze %dma_wait3A_144 : memref<1x64x128xf32, #tpu.memory_space<vmem>> -> memref<64x128xf32, #tpu.memory_space<vmem>>
    %dma_wait3A_146 = arith.constant 0 : i32
    %dma_wait3A_147 = arith.constant 0 : i32
    %dma_wait3A_148 = tpu.memref_slice %arg4[%dma_wait3A_146, %dma_wait3A_147] : memref<81920x128xf32, #tpu.memory_space<hbm>> -> memref<64x128xf32, #tpu.memory_space<hbm>>
    %dma_wait3A_149 = arith.constant 0 : i32
    %dma_wait3A_150 = arith.constant 0 : i32
    %dma_wait3A_151 = tpu.memref_slice %arg4[%dma_wait3A_149, %dma_wait3A_150] : memref<81920x128xf32, #tpu.memory_space<hbm>> -> memref<64x128xf32, #tpu.memory_space<hbm>>
    %dma_wait3A_152 = arith.constant 0 : i32
    %dma_wait3A_153 = arith.constant 0 : i32
    %dma_wait3A_154 = tpu.memref_slice %arg6[%dma_wait3A_141, %dma_wait3A_152, %dma_wait3A_153] : memref<10x64x128xf32, #tpu.memory_space<vmem>> -> memref<1x64x128xf32, #tpu.memory_space<vmem>>
    %dma_wait3A_155 = tpu.memref_squeeze %dma_wait3A_154 : memref<1x64x128xf32, #tpu.memory_space<vmem>> -> memref<64x128xf32, #tpu.memory_space<vmem>>
    tpu.wait_dma2 semaphore(%arg20 : memref<!tpu.dma_semaphore, #tpu.memory_space<semaphore_mem>>) src(%dma_wait3A_155 : memref<64x128xf32, #tpu.memory_space<vmem>>) dst(%dma_wait3A_151 : memref<64x128xf32, #tpu.memory_space<hbm>>)
    %dma_wait3A_156 = arith.constant 4 : i32
    %dma_wait3A_157 = arith.constant 0 : i32
    %dma_wait3A_158 = arith.constant 0 : i32
    %dma_wait3A_159 = tpu.memref_slice %arg6[%dma_wait3A_156, %dma_wait3A_157, %dma_wait3A_158] : memref<10x64x128xf32, #tpu.memory_space<vmem>> -> memref<1x64x128xf32, #tpu.memory_space<vmem>>
    %dma_wait3A_160 = tpu.memref_squeeze %dma_wait3A_159 : memref<1x64x128xf32, #tpu.memory_space<vmem>> -> memref<64x128xf32, #tpu.memory_space<vmem>>
    %dma_wait3A_161 = arith.constant 0 : i32
    %dma_wait3A_162 = arith.constant 0 : i32
    %dma_wait3A_163 = tpu.memref_slice %arg4[%dma_wait3A_161, %dma_wait3A_162] : memref<81920x128xf32, #tpu.memory_space<hbm>> -> memref<64x128xf32, #tpu.memory_space<hbm>>
    %dma_wait3A_164 = arith.constant 0 : i32
    %dma_wait3A_165 = arith.constant 0 : i32
    %dma_wait3A_166 = tpu.memref_slice %arg4[%dma_wait3A_164, %dma_wait3A_165] : memref<81920x128xf32, #tpu.memory_space<hbm>> -> memref<64x128xf32, #tpu.memory_space<hbm>>
    %dma_wait3A_167 = arith.constant 0 : i32
    %dma_wait3A_168 = arith.constant 0 : i32
    %dma_wait3A_169 = tpu.memref_slice %arg6[%dma_wait3A_156, %dma_wait3A_167, %dma_wait3A_168] : memref<10x64x128xf32, #tpu.memory_space<vmem>> -> memref<1x64x128xf32, #tpu.memory_space<vmem>>
    %dma_wait3A_170 = tpu.memref_squeeze %dma_wait3A_169 : memref<1x64x128xf32, #tpu.memory_space<vmem>> -> memref<64x128xf32, #tpu.memory_space<vmem>>
    tpu.wait_dma2 semaphore(%arg21 : memref<!tpu.dma_semaphore, #tpu.memory_space<semaphore_mem>>) src(%dma_wait3A_170 : memref<64x128xf32, #tpu.memory_space<vmem>>) dst(%dma_wait3A_166 : memref<64x128xf32, #tpu.memory_space<hbm>>)
    %dma_wait3A_171 = arith.constant 5 : i32
    %dma_wait3A_172 = arith.constant 0 : i32
    %dma_wait3A_173 = arith.constant 0 : i32
    %dma_wait3A_174 = tpu.memref_slice %arg6[%dma_wait3A_171, %dma_wait3A_172, %dma_wait3A_173] : memref<10x64x128xf32, #tpu.memory_space<vmem>> -> memref<1x64x128xf32, #tpu.memory_space<vmem>>
    %dma_wait3A_175 = tpu.memref_squeeze %dma_wait3A_174 : memref<1x64x128xf32, #tpu.memory_space<vmem>> -> memref<64x128xf32, #tpu.memory_space<vmem>>
    %dma_wait3A_176 = arith.constant 0 : i32
    %dma_wait3A_177 = arith.constant 0 : i32
    %dma_wait3A_178 = tpu.memref_slice %arg4[%dma_wait3A_176, %dma_wait3A_177] : memref<81920x128xf32, #tpu.memory_space<hbm>> -> memref<64x128xf32, #tpu.memory_space<hbm>>
    %dma_wait3A_179 = arith.constant 0 : i32
    %dma_wait3A_180 = arith.constant 0 : i32
    %dma_wait3A_181 = tpu.memref_slice %arg4[%dma_wait3A_179, %dma_wait3A_180] : memref<81920x128xf32, #tpu.memory_space<hbm>> -> memref<64x128xf32, #tpu.memory_space<hbm>>
    %dma_wait3A_182 = arith.constant 0 : i32
    %dma_wait3A_183 = arith.constant 0 : i32
    %dma_wait3A_184 = tpu.memref_slice %arg6[%dma_wait3A_171, %dma_wait3A_182, %dma_wait3A_183] : memref<10x64x128xf32, #tpu.memory_space<vmem>> -> memref<1x64x128xf32, #tpu.memory_space<vmem>>
    %dma_wait3A_185 = tpu.memref_squeeze %dma_wait3A_184 : memref<1x64x128xf32, #tpu.memory_space<vmem>> -> memref<64x128xf32, #tpu.memory_space<vmem>>
    tpu.wait_dma2 semaphore(%arg22 : memref<!tpu.dma_semaphore, #tpu.memory_space<semaphore_mem>>) src(%dma_wait3A_185 : memref<64x128xf32, #tpu.memory_space<vmem>>) dst(%dma_wait3A_181 : memref<64x128xf32, #tpu.memory_space<hbm>>)
    %dma_wait3A_186 = arith.constant 6 : i32
    %dma_wait3A_187 = arith.constant 0 : i32
    %dma_wait3A_188 = arith.constant 0 : i32
    %dma_wait3A_189 = tpu.memref_slice %arg6[%dma_wait3A_186, %dma_wait3A_187, %dma_wait3A_188] : memref<10x64x128xf32, #tpu.memory_space<vmem>> -> memref<1x64x128xf32, #tpu.memory_space<vmem>>
    %dma_wait3A_190 = tpu.memref_squeeze %dma_wait3A_189 : memref<1x64x128xf32, #tpu.memory_space<vmem>> -> memref<64x128xf32, #tpu.memory_space<vmem>>
    %dma_wait3A_191 = arith.constant 0 : i32
    %dma_wait3A_192 = arith.constant 0 : i32
    %dma_wait3A_193 = tpu.memref_slice %arg4[%dma_wait3A_191, %dma_wait3A_192] : memref<81920x128xf32, #tpu.memory_space<hbm>> -> memref<64x128xf32, #tpu.memory_space<hbm>>
    %dma_wait3A_194 = arith.constant 0 : i32
    %dma_wait3A_195 = arith.constant 0 : i32
    %dma_wait3A_196 = tpu.memref_slice %arg4[%dma_wait3A_194, %dma_wait3A_195] : memref<81920x128xf32, #tpu.memory_space<hbm>> -> memref<64x128xf32, #tpu.memory_space<hbm>>
    %dma_wait3A_197 = arith.constant 0 : i32
    %dma_wait3A_198 = arith.constant 0 : i32
    %dma_wait3A_199 = tpu.memref_slice %arg6[%dma_wait3A_186, %dma_wait3A_197, %dma_wait3A_198] : memref<10x64x128xf32, #tpu.memory_space<vmem>> -> memref<1x64x128xf32, #tpu.memory_space<vmem>>
    %dma_wait3A_200 = tpu.memref_squeeze %dma_wait3A_199 : memref<1x64x128xf32, #tpu.memory_space<vmem>> -> memref<64x128xf32, #tpu.memory_space<vmem>>
    tpu.wait_dma2 semaphore(%arg23 : memref<!tpu.dma_semaphore, #tpu.memory_space<semaphore_mem>>) src(%dma_wait3A_200 : memref<64x128xf32, #tpu.memory_space<vmem>>) dst(%dma_wait3A_196 : memref<64x128xf32, #tpu.memory_space<hbm>>)
    %dma_wait3A_201 = arith.constant 7 : i32
    %dma_wait3A_202 = arith.constant 0 : i32
    %dma_wait3A_203 = arith.constant 0 : i32
    %dma_wait3A_204 = tpu.memref_slice %arg6[%dma_wait3A_201, %dma_wait3A_202, %dma_wait3A_203] : memref<10x64x128xf32, #tpu.memory_space<vmem>> -> memref<1x64x128xf32, #tpu.memory_space<vmem>>
    %dma_wait3A_205 = tpu.memref_squeeze %dma_wait3A_204 : memref<1x64x128xf32, #tpu.memory_space<vmem>> -> memref<64x128xf32, #tpu.memory_space<vmem>>
    %dma_wait3A_206 = arith.constant 0 : i32
    %dma_wait3A_207 = arith.constant 0 : i32
    %dma_wait3A_208 = tpu.memref_slice %arg4[%dma_wait3A_206, %dma_wait3A_207] : memref<81920x128xf32, #tpu.memory_space<hbm>> -> memref<64x128xf32, #tpu.memory_space<hbm>>
    %dma_wait3A_209 = arith.constant 0 : i32
    %dma_wait3A_210 = arith.constant 0 : i32
    %dma_wait3A_211 = tpu.memref_slice %arg4[%dma_wait3A_209, %dma_wait3A_210] : memref<81920x128xf32, #tpu.memory_space<hbm>> -> memref<64x128xf32, #tpu.memory_space<hbm>>
    %dma_wait3A_212 = arith.constant 0 : i32
    %dma_wait3A_213 = arith.constant 0 : i32
    %dma_wait3A_214 = tpu.memref_slice %arg6[%dma_wait3A_201, %dma_wait3A_212, %dma_wait3A_213] : memref<10x64x128xf32, #tpu.memory_space<vmem>> -> memref<1x64x128xf32, #tpu.memory_space<vmem>>
    %dma_wait3A_215 = tpu.memref_squeeze %dma_wait3A_214 : memref<1x64x128xf32, #tpu.memory_space<vmem>> -> memref<64x128xf32, #tpu.memory_space<vmem>>
    tpu.wait_dma2 semaphore(%arg24 : memref<!tpu.dma_semaphore, #tpu.memory_space<semaphore_mem>>) src(%dma_wait3A_215 : memref<64x128xf32, #tpu.memory_space<vmem>>) dst(%dma_wait3A_211 : memref<64x128xf32, #tpu.memory_space<hbm>>)
    %dma_wait3A_216 = arith.constant 8 : i32
    %dma_wait3A_217 = arith.constant 0 : i32
    %dma_wait3A_218 = arith.constant 0 : i32
    %dma_wait3A_219 = tpu.memref_slice %arg6[%dma_wait3A_216, %dma_wait3A_217, %dma_wait3A_218] : memref<10x64x128xf32, #tpu.memory_space<vmem>> -> memref<1x64x128xf32, #tpu.memory_space<vmem>>
    %dma_wait3A_220 = tpu.memref_squeeze %dma_wait3A_219 : memref<1x64x128xf32, #tpu.memory_space<vmem>> -> memref<64x128xf32, #tpu.memory_space<vmem>>
    %dma_wait3A_221 = arith.constant 0 : i32
    %dma_wait3A_222 = arith.constant 0 : i32
    %dma_wait3A_223 = tpu.memref_slice %arg4[%dma_wait3A_221, %dma_wait3A_222] : memref<81920x128xf32, #tpu.memory_space<hbm>> -> memref<64x128xf32, #tpu.memory_space<hbm>>
    %dma_wait3A_224 = arith.constant 0 : i32
    %dma_wait3A_225 = arith.constant 0 : i32
    %dma_wait3A_226 = tpu.memref_slice %arg4[%dma_wait3A_224, %dma_wait3A_225] : memref<81920x128xf32, #tpu.memory_space<hbm>> -> memref<64x128xf32, #tpu.memory_space<hbm>>
    %dma_wait3A_227 = arith.constant 0 : i32
    %dma_wait3A_228 = arith.constant 0 : i32
    %dma_wait3A_229 = tpu.memref_slice %arg6[%dma_wait3A_216, %dma_wait3A_227, %dma_wait3A_228] : memref<10x64x128xf32, #tpu.memory_space<vmem>> -> memref<1x64x128xf32, #tpu.memory_space<vmem>>
    %dma_wait3A_230 = tpu.memref_squeeze %dma_wait3A_229 : memref<1x64x128xf32, #tpu.memory_space<vmem>> -> memref<64x128xf32, #tpu.memory_space<vmem>>
    tpu.wait_dma2 semaphore(%arg25 : memref<!tpu.dma_semaphore, #tpu.memory_space<semaphore_mem>>) src(%dma_wait3A_230 : memref<64x128xf32, #tpu.memory_space<vmem>>) dst(%dma_wait3A_226 : memref<64x128xf32, #tpu.memory_space<hbm>>)
    %dma_wait3A_231 = arith.constant 9 : i32
    %dma_wait3A_232 = arith.constant 0 : i32
    %dma_wait3A_233 = arith.constant 0 : i32
    %dma_wait3A_234 = tpu.memref_slice %arg6[%dma_wait3A_231, %dma_wait3A_232, %dma_wait3A_233] : memref<10x64x128xf32, #tpu.memory_space<vmem>> -> memref<1x64x128xf32, #tpu.memory_space<vmem>>
    %dma_wait3A_235 = tpu.memref_squeeze %dma_wait3A_234 : memref<1x64x128xf32, #tpu.memory_space<vmem>> -> memref<64x128xf32, #tpu.memory_space<vmem>>
    %dma_wait3A_236 = arith.constant 0 : i32
    %dma_wait3A_237 = arith.constant 0 : i32
    %dma_wait3A_238 = tpu.memref_slice %arg4[%dma_wait3A_236, %dma_wait3A_237] : memref<81920x128xf32, #tpu.memory_space<hbm>> -> memref<64x128xf32, #tpu.memory_space<hbm>>
    %dma_wait3A_239 = arith.constant 0 : i32
    %dma_wait3A_240 = arith.constant 0 : i32
    %dma_wait3A_241 = tpu.memref_slice %arg4[%dma_wait3A_239, %dma_wait3A_240] : memref<81920x128xf32, #tpu.memory_space<hbm>> -> memref<64x128xf32, #tpu.memory_space<hbm>>
    %dma_wait3A_242 = arith.constant 0 : i32
    %dma_wait3A_243 = arith.constant 0 : i32
    %dma_wait3A_244 = tpu.memref_slice %arg6[%dma_wait3A_231, %dma_wait3A_242, %dma_wait3A_243] : memref<10x64x128xf32, #tpu.memory_space<vmem>> -> memref<1x64x128xf32, #tpu.memory_space<vmem>>
    %dma_wait3A_245 = tpu.memref_squeeze %dma_wait3A_244 : memref<1x64x128xf32, #tpu.memory_space<vmem>> -> memref<64x128xf32, #tpu.memory_space<vmem>>
    tpu.wait_dma2 semaphore(%arg26 : memref<!tpu.dma_semaphore, #tpu.memory_space<semaphore_mem>>) src(%dma_wait3A_245 : memref<64x128xf32, #tpu.memory_space<vmem>>) dst(%dma_wait3A_241 : memref<64x128xf32, #tpu.memory_space<hbm>>)
    return
  }
}

module attributes {stable_mosaic.version = 14 : i64} {
  func.func @_tc_b_kernel(%arg0: i32, %arg1: i32, %arg2: memref<10x256x128xf32, #tpu.memory_space<vmem>>, %arg3: memref<1x10x256xi32, #tpu.memory_space<vmem>>, %arg4: memref<60x128xf32, #tpu.memory_space<vmem>>, %arg5: memref<3x128xf32, #tpu.memory_space<vmem>>, %arg6: memref<60x4096x128xf32, #tpu.memory_space<any>>, %arg7: memref<10x256x128xf32, #tpu.memory_space<vmem>>) attributes {dimension_semantics = [#tpu.dimension_semantics<parallel>, #tpu.dimension_semantics<parallel>], iteration_bounds = array<i64: 16, 3>, scalar_prefetch = 0 : i64, scratch_operands = 0 : i64, tpu.core_type = #tpu.core_type<tc>, window_params = [{transform_indices = @transform_0, window_bounds = array<i64: 10, 256, 128>}, {transform_indices = @transform_1, window_bounds = array<i64: 1, 10, 256>}, {pipeline_mode = #tpu.pipeline_mode<synchronous>, transform_indices = @transform_2, window_bounds = array<i64: 60, 128>}, {pipeline_mode = #tpu.pipeline_mode<synchronous>, transform_indices = @transform_3, window_bounds = array<i64: 3, 128>}, {}, {transform_indices = @transform_5, window_bounds = array<i64: 10, 256, 128>}]} {
    %get3A = arith.constant 0 : index
    %get3A_0 = arith.constant 0 : index
    %get3A_1 = arith.constant 0 : index
    %get3A_2 = vector.load %arg2[%get3A, %get3A_0, %get3A_1] : memref<10x256x128xf32, #tpu.memory_space<vmem>>, vector<10x256x128xf32>
    %get3A_3 = arith.constant 0 : index
    %get3A_4 = arith.constant 0 : index
    %get3A_5 = arith.constant 0 : index
    %get3A_6 = vector.load %arg3[%get3A_3, %get3A_4, %get3A_5] : memref<1x10x256xi32, #tpu.memory_space<vmem>>, vector<1x10x256xi32>
    %get3A_7 = vector.shape_cast %get3A_6 : vector<1x10x256xi32> to vector<10x256xi32>
    %get3A_8 = arith.constant 0 : index
    %get3A_9 = arith.constant 0 : index
    %get3A_10 = vector.load %arg4[%get3A_8, %get3A_9] : memref<60x128xf32, #tpu.memory_space<vmem>>, vector<60x128xf32>
    %get3A_11 = arith.constant 0 : index
    %get3A_12 = arith.constant 0 : index
    %get3A_13 = vector.load %arg5[%get3A_11, %get3A_12] : memref<3x128xf32, #tpu.memory_space<vmem>>, vector<3x128xf32>
    %broadcast_in_dim3A = vector.shape_cast %get3A_10 : vector<60x128xf32> to vector<60x1x128xf32>
    %broadcast_in_dim3A_14 = vector.broadcast %broadcast_in_dim3A : vector<60x1x128xf32> to vector<60x3x128xf32>
    %reshape3A = vector.shape_cast %broadcast_in_dim3A_14 : vector<60x3x128xf32> to vector<180x128xf32>
    %tile3A = tpu.concatenate %get3A_13, %get3A_13, %get3A_13, %get3A_13, %get3A_13, %get3A_13, %get3A_13, %get3A_13, %get3A_13, %get3A_13, %get3A_13, %get3A_13, %get3A_13, %get3A_13, %get3A_13, %get3A_13, %get3A_13, %get3A_13, %get3A_13, %get3A_13, %get3A_13, %get3A_13, %get3A_13, %get3A_13, %get3A_13, %get3A_13, %get3A_13, %get3A_13, %get3A_13, %get3A_13, %get3A_13, %get3A_13, %get3A_13, %get3A_13, %get3A_13, %get3A_13, %get3A_13, %get3A_13, %get3A_13, %get3A_13, %get3A_13, %get3A_13, %get3A_13, %get3A_13, %get3A_13, %get3A_13, %get3A_13, %get3A_13, %get3A_13, %get3A_13, %get3A_13, %get3A_13, %get3A_13, %get3A_13, %get3A_13, %get3A_13, %get3A_13, %get3A_13, %get3A_13, %get3A_13 in 0 : vector<3x128xf32>, vector<3x128xf32>, vector<3x128xf32>, vector<3x128xf32>, vector<3x128xf32>, vector<3x128xf32>, vector<3x128xf32>, vector<3x128xf32>, vector<3x128xf32>, vector<3x128xf32>, vector<3x128xf32>, vector<3x128xf32>, vector<3x128xf32>, vector<3x128xf32>, vector<3x128xf32>, vector<3x128xf32>, vector<3x128xf32>, vector<3x128xf32>, vector<3x128xf32>, vector<3x128xf32>, vector<3x128xf32>, vector<3x128xf32>, vector<3x128xf32>, vector<3x128xf32>, vector<3x128xf32>, vector<3x128xf32>, vector<3x128xf32>, vector<3x128xf32>, vector<3x128xf32>, vector<3x128xf32>, vector<3x128xf32>, vector<3x128xf32>, vector<3x128xf32>, vector<3x128xf32>, vector<3x128xf32>, vector<3x128xf32>, vector<3x128xf32>, vector<3x128xf32>, vector<3x128xf32>, vector<3x128xf32>, vector<3x128xf32>, vector<3x128xf32>, vector<3x128xf32>, vector<3x128xf32>, vector<3x128xf32>, vector<3x128xf32>, vector<3x128xf32>, vector<3x128xf32>, vector<3x128xf32>, vector<3x128xf32>, vector<3x128xf32>, vector<3x128xf32>, vector<3x128xf32>, vector<3x128xf32>, vector<3x128xf32>, vector<3x128xf32>, vector<3x128xf32>, vector<3x128xf32>, vector<3x128xf32>, vector<3x128xf32> -> vector<180x128xf32>
    %add3A = arith.addf %reshape3A, %tile3A : vector<180x128xf32>
    %broadcast_in_dim3A_15 = vector.shape_cast %get3A_7 : vector<10x256xi32> to vector<10x256x1xi32>
    %iota3A = tpu.iota {dimensions = array<i32: 2>} : vector<10x256x180xi32>
    %eq3A = vector.broadcast %broadcast_in_dim3A_15 : vector<10x256x1xi32> to vector<10x256x180xi32>
    %eq3A_16 = arith.cmpi eq, %eq3A, %iota3A : vector<10x256x180xi32>
    %convert_element_type3A = arith.extui %eq3A_16 : vector<10x256x180xi1> to vector<10x256x180xi32>
    %convert_element_type3A_17 = arith.sitofp %convert_element_type3A : vector<10x256x180xi32> to vector<10x256x180xf32>
    %reshape3A_18 = vector.shape_cast %convert_element_type3A_17 : vector<10x256x180xf32> to vector<2560x180xf32>
    %dot_general3A = arith.constant dense<0.000000e+00> : vector<2560x128xf32>
    %dot_general3A_19 = tpu.matmul %reshape3A_18, %add3A, %dot_general3A {dimension_numbers = #tpu.dot_dimension_numbers<[1], [0], [0], [1], [0, 0, 1, 1], [], []>, transpose_lhs_hint = false} : vector<2560x180xf32>, vector<180x128xf32>, vector<2560x128xf32> -> vector<2560x128xf32>
    %reshape3A_20 = vector.shape_cast %dot_general3A_19 : vector<2560x128xf32> to vector<10x256x128xf32>
    %add3A_21 = arith.addf %get3A_2, %reshape3A_20 : vector<10x256x128xf32>
    %reduce_sum3A = arith.constant dense<0.000000e+00> : vector<10x256xf32>
    %reduce_sum3A_22 = vector.multi_reduction <add>, %add3A_21, %reduce_sum3A [2] : vector<10x256x128xf32> to vector<10x256xf32>
    %broadcast_in_dim3A_23 = vector.shape_cast %reduce_sum3A_22 : vector<10x256xf32> to vector<10x256x1xf32>
    %div3A = arith.constant 1.280000e+02 : f32
    %div3A_24 = vector.broadcast %div3A : f32 to vector<10x256x1xf32>
    %div3A_25 = arith.divf %broadcast_in_dim3A_23, %div3A_24 : vector<10x256x1xf32>
    %sub3A = vector.broadcast %div3A_25 : vector<10x256x1xf32> to vector<10x256x128xf32>
    %sub3A_26 = arith.subf %add3A_21, %sub3A : vector<10x256x128xf32>
    %mul3A = arith.mulf %sub3A_26, %sub3A_26 : vector<10x256x128xf32>
    %reduce_sum3A_27 = arith.constant dense<0.000000e+00> : vector<10x256xf32>
    %reduce_sum3A_28 = vector.multi_reduction <add>, %mul3A, %reduce_sum3A_27 [2] : vector<10x256x128xf32> to vector<10x256xf32>
    %broadcast_in_dim3A_29 = vector.shape_cast %reduce_sum3A_28 : vector<10x256xf32> to vector<10x256x1xf32>
    %div3A_30 = arith.constant 1.280000e+02 : f32
    %div3A_31 = vector.broadcast %div3A_30 : f32 to vector<10x256x1xf32>
    %div3A_32 = arith.divf %broadcast_in_dim3A_29, %div3A_31 : vector<10x256x1xf32>
    %add3A_33 = arith.constant 9.99999996E-13 : f32
    %add3A_34 = vector.broadcast %add3A_33 : f32 to vector<10x256x1xf32>
    %add3A_35 = arith.addf %div3A_32, %add3A_34 : vector<10x256x1xf32>
    %rsqrt3A = math.rsqrt %add3A_35 : vector<10x256x1xf32>
    %mul3A_36 = vector.broadcast %rsqrt3A : vector<10x256x1xf32> to vector<10x256x128xf32>
    %mul3A_37 = arith.mulf %sub3A_26, %mul3A_36 : vector<10x256x128xf32>
    %swap3A = arith.constant 0 : index
    %swap3A_38 = arith.constant 0 : index
    %swap3A_39 = arith.constant 0 : index
    %swap3A_40 = vector.load %arg7[%swap3A, %swap3A_38, %swap3A_39] : memref<10x256x128xf32, #tpu.memory_space<vmem>>, vector<10x256x128xf32>
    tpu.vector_store %arg7[%swap3A, %swap3A_38, %swap3A_39], %mul3A_37 {strides = array<i32>} : memref<10x256x128xf32, #tpu.memory_space<vmem>>, vector<10x256x128xf32>,
    return
  }
  func.func @transform_0(%arg0: i32, %arg1: i32) -> (i32, i32, i32) {
    %c0_i32 = arith.constant 0 : i32
    %c0_i32_0 = arith.constant 0 : i32
    return %arg1, %arg0, %c0_i32 : i32, i32, i32
  }
  func.func @transform_1(%arg0: i32, %arg1: i32) -> (i32, i32, i32) {
    %c0_i32 = arith.constant 0 : i32
    %c0_i32_0 = arith.constant 0 : i32
    return %arg1, %c0_i32, %arg0 : i32, i32, i32
  }
  func.func @transform_2(%arg0: i32, %arg1: i32) -> (i32, i32) {
    %c0_i32 = arith.constant 0 : i32
    %c0_i32_0 = arith.constant 0 : i32
    %c0_i32_1 = arith.constant 0 : i32
    return %c0_i32, %c0_i32_0 : i32, i32
  }
  func.func @transform_3(%arg0: i32, %arg1: i32) -> (i32, i32) {
    %c0_i32 = arith.constant 0 : i32
    %c0_i32_0 = arith.constant 0 : i32
    %c0_i32_1 = arith.constant 0 : i32
    return %c0_i32, %c0_i32_0 : i32, i32
  }
  func.func @transform_5(%arg0: i32, %arg1: i32) -> (i32, i32, i32) {
    %add3A = arith.constant 3 : i32
    %add3A_0 = arith.addi %add3A, %arg1 : i32
    %c0_i32 = arith.constant 0 : i32
    %c0_i32_1 = arith.constant 0 : i32
    return %add3A_0, %arg0, %c0_i32 : i32, i32, i32
  }
}

module attributes {stable_mosaic.version = 14 : i64} {
  func.func @_tc_a_kernel(%arg0: i32, %arg1: memref<20x256x128xf32, #tpu.memory_space<vmem>>, %arg2: memref<60x256xi32, #tpu.memory_space<vmem>>, %arg3: memref<20x256xi32, #tpu.memory_space<vmem>>, %arg4: memref<60x256xf32, #tpu.memory_space<vmem>>, %arg5: memref<10x256xi32, #tpu.memory_space<vmem>>, %arg6: memref<10x256xi32, #tpu.memory_space<vmem>>, %arg7: memref<10x256xi32, #tpu.memory_space<vmem>>, %arg8: memref<10x256xi32, #tpu.memory_space<vmem>>, %arg9: memref<60x128xf32, #tpu.memory_space<vmem>>, %arg10: memref<3x128xf32, #tpu.memory_space<vmem>>, %arg11: memref<9x64xf32, #tpu.memory_space<vmem>>, %arg12: memref<4x64xf32, #tpu.memory_space<vmem>>, %arg13: memref<3x64xf32, #tpu.memory_space<vmem>>, %arg14: memref<3x64xf32, #tpu.memory_space<vmem>>, %arg15: memref<6x64xf32, #tpu.memory_space<vmem>>, %arg16: memref<320x128xf32, #tpu.memory_space<vmem>>, %arg17: memref<30x256x128xf32, #tpu.memory_space<vmem>>, %arg18: memref<60x256xf32, #tpu.memory_space<vmem>>, %arg19: memref<60x256xf32, #tpu.memory_space<vmem>>) attributes {dimension_semantics = [#tpu.dimension_semantics<parallel>], iteration_bounds = array<i64: 16>, scalar_prefetch = 0 : i64, scratch_operands = 0 : i64, tpu.core_type = #tpu.core_type<tc>, window_params = [{transform_indices = @transform_0, window_bounds = array<i64: 20, 256, 128>}, {transform_indices = @transform_1, window_bounds = array<i64: 60, 256>}, {transform_indices = @transform_2, window_bounds = array<i64: 20, 256>}, {transform_indices = @transform_3, window_bounds = array<i64: 60, 256>}, {transform_indices = @transform_4, window_bounds = array<i64: 10, 256>}, {transform_indices = @transform_5, window_bounds = array<i64: 10, 256>}, {transform_indices = @transform_6, window_bounds = array<i64: 10, 256>}, {transform_indices = @transform_7, window_bounds = array<i64: 10, 256>}, {pipeline_mode = #tpu.pipeline_mode<synchronous>, transform_indices = @transform_8, window_bounds = array<i64: 60, 128>}, {pipeline_mode = #tpu.pipeline_mode<synchronous>, transform_indices = @transform_9, window_bounds = array<i64: 3, 128>}, {pipeline_mode = #tpu.pipeline_mode<synchronous>, transform_indices = @transform_10, window_bounds = array<i64: 9, 64>}, {pipeline_mode = #tpu.pipeline_mode<synchronous>, transform_indices = @transform_11, window_bounds = array<i64: 4, 64>}, {pipeline_mode = #tpu.pipeline_mode<synchronous>, transform_indices = @transform_12, window_bounds = array<i64: 3, 64>}, {pipeline_mode = #tpu.pipeline_mode<synchronous>, transform_indices = @transform_13, window_bounds = array<i64: 3, 64>}, {pipeline_mode = #tpu.pipeline_mode<synchronous>, transform_indices = @transform_14, window_bounds = array<i64: 6, 64>}, {pipeline_mode = #tpu.pipeline_mode<synchronous>, transform_indices = @transform_15, window_bounds = array<i64: 320, 128>}, {transform_indices = @transform_16, window_bounds = array<i64: 30, 256, 128>}, {transform_indices = @transform_17, window_bounds = array<i64: 60, 256>}, {transform_indices = @transform_18, window_bounds = array<i64: 60, 256>}]} {
    %get3A = arith.constant 0 : index
    %get3A_0 = arith.constant 0 : index
    %get3A_1 = vector.load %arg2[%get3A, %get3A_0] : memref<60x256xi32, #tpu.memory_space<vmem>>, vector<60x256xi32>
    %ge3A = arith.constant 1 : i32
    %ge3A_2 = vector.broadcast %ge3A : i32 to vector<60x256xi32>
    %ge3A_3 = arith.cmpi sge, %get3A_1, %ge3A_2 : vector<60x256xi32>
    %jit3A = arith.constant 0.000000e+00 : f32
    %jit3A_4 = arith.constant -1.000000e+05 : f32
    %broadcast_in_dim3A = vector.broadcast %jit3A : f32 to vector<60x256xf32>
    %broadcast_in_dim3A_5 = vector.broadcast %jit3A_4 : f32 to vector<60x256xf32>
    %select_n3A = arith.select %ge3A_3, %broadcast_in_dim3A, %broadcast_in_dim3A_5 : vector<60x256xi1>, vector<60x256xf32>
    %swap3A = arith.constant 0 : index
    %swap3A_6 = arith.constant 0 : index
    %swap3A_7 = vector.load %arg18[%swap3A, %swap3A_6] : memref<60x256xf32, #tpu.memory_space<vmem>>, vector<60x256xf32>
    tpu.vector_store %arg18[%swap3A, %swap3A_6], %select_n3A {strides = array<i32>} : memref<60x256xf32, #tpu.memory_space<vmem>>, vector<60x256xf32>,
    %eq3A = arith.constant 1 : i32
    %eq3A_8 = vector.broadcast %eq3A : i32 to vector<60x256xi32>
    %eq3A_9 = arith.cmpi eq, %get3A_1, %eq3A_8 : vector<60x256xi32>
    %convert_element_type3A = arith.extui %eq3A_9 : vector<60x256xi1> to vector<60x256xi32>
    %convert_element_type3A_10 = arith.sitofp %convert_element_type3A : vector<60x256xi32> to vector<60x256xf32>
    %swap3A_11 = arith.constant 0 : index
    %swap3A_12 = arith.constant 0 : index
    %swap3A_13 = vector.load %arg19[%swap3A_11, %swap3A_12] : memref<60x256xf32, #tpu.memory_space<vmem>>, vector<60x256xf32>
    tpu.vector_store %arg19[%swap3A_11, %swap3A_12], %convert_element_type3A_10 {strides = array<i32>} : memref<60x256xf32, #tpu.memory_space<vmem>>, vector<60x256xf32>,
    %get3A_14 = arith.constant 0 : index
    %get3A_15 = arith.constant 0 : index
    %get3A_16 = vector.load %arg10[%get3A_14, %get3A_15] : memref<3x128xf32, #tpu.memory_space<vmem>>, vector<3x128xf32>
    %get3A_17 = arith.constant 0 : index
    %get3A_18 = arith.constant 0 : index
    %get3A_19 = arith.constant 0 : index
    %get3A_20 = vector.load %arg1[%get3A_17, %get3A_18, %get3A_19] : memref<20x256x128xf32, #tpu.memory_space<vmem>>, vector<20x256x128xf32>
    %get3A_21 = arith.constant 0 : index
    %get3A_22 = arith.constant 0 : index
    %get3A_23 = vector.load %arg3[%get3A_21, %get3A_22] : memref<20x256xi32, #tpu.memory_space<vmem>>, vector<20x256xi32>
    %get3A_24 = arith.constant 0 : index
    %get3A_25 = arith.constant 0 : index
    %get3A_26 = vector.load %arg9[%get3A_24, %get3A_25] : memref<60x128xf32, #tpu.memory_space<vmem>>, vector<60x128xf32>
    %broadcast_in_dim3A_27 = vector.shape_cast %get3A_26 : vector<60x128xf32> to vector<60x1x128xf32>
    %broadcast_in_dim3A_28 = vector.broadcast %broadcast_in_dim3A_27 : vector<60x1x128xf32> to vector<60x3x128xf32>
    %reshape3A = vector.shape_cast %broadcast_in_dim3A_28 : vector<60x3x128xf32> to vector<180x128xf32>
    %tile3A = tpu.concatenate %get3A_16, %get3A_16, %get3A_16, %get3A_16, %get3A_16, %get3A_16, %get3A_16, %get3A_16, %get3A_16, %get3A_16, %get3A_16, %get3A_16, %get3A_16, %get3A_16, %get3A_16, %get3A_16, %get3A_16, %get3A_16, %get3A_16, %get3A_16, %get3A_16, %get3A_16, %get3A_16, %get3A_16, %get3A_16, %get3A_16, %get3A_16, %get3A_16, %get3A_16, %get3A_16, %get3A_16, %get3A_16, %get3A_16, %get3A_16, %get3A_16, %get3A_16, %get3A_16, %get3A_16, %get3A_16, %get3A_16, %get3A_16, %get3A_16, %get3A_16, %get3A_16, %get3A_16, %get3A_16, %get3A_16, %get3A_16, %get3A_16, %get3A_16, %get3A_16, %get3A_16, %get3A_16, %get3A_16, %get3A_16, %get3A_16, %get3A_16, %get3A_16, %get3A_16, %get3A_16 in 0 : vector<3x128xf32>, vector<3x128xf32>, vector<3x128xf32>, vector<3x128xf32>, vector<3x128xf32>, vector<3x128xf32>, vector<3x128xf32>, vector<3x128xf32>, vector<3x128xf32>, vector<3x128xf32>, vector<3x128xf32>, vector<3x128xf32>, vector<3x128xf32>, vector<3x128xf32>, vector<3x128xf32>, vector<3x128xf32>, vector<3x128xf32>, vector<3x128xf32>, vector<3x128xf32>, vector<3x128xf32>, vector<3x128xf32>, vector<3x128xf32>, vector<3x128xf32>, vector<3x128xf32>, vector<3x128xf32>, vector<3x128xf32>, vector<3x128xf32>, vector<3x128xf32>, vector<3x128xf32>, vector<3x128xf32>, vector<3x128xf32>, vector<3x128xf32>, vector<3x128xf32>, vector<3x128xf32>, vector<3x128xf32>, vector<3x128xf32>, vector<3x128xf32>, vector<3x128xf32>, vector<3x128xf32>, vector<3x128xf32>, vector<3x128xf32>, vector<3x128xf32>, vector<3x128xf32>, vector<3x128xf32>, vector<3x128xf32>, vector<3x128xf32>, vector<3x128xf32>, vector<3x128xf32>, vector<3x128xf32>, vector<3x128xf32>, vector<3x128xf32>, vector<3x128xf32>, vector<3x128xf32>, vector<3x128xf32>, vector<3x128xf32>, vector<3x128xf32>, vector<3x128xf32>, vector<3x128xf32>, vector<3x128xf32>, vector<3x128xf32> -> vector<180x128xf32>
    %add3A = arith.addf %reshape3A, %tile3A : vector<180x128xf32>
    %broadcast_in_dim3A_29 = vector.shape_cast %get3A_23 : vector<20x256xi32> to vector<20x256x1xi32>
    %iota3A = tpu.iota {dimensions = array<i32: 2>} : vector<20x256x180xi32>
    %eq3A_30 = vector.broadcast %broadcast_in_dim3A_29 : vector<20x256x1xi32> to vector<20x256x180xi32>
    %eq3A_31 = arith.cmpi eq, %eq3A_30, %iota3A : vector<20x256x180xi32>
    %convert_element_type3A_32 = arith.extui %eq3A_31 : vector<20x256x180xi1> to vector<20x256x180xi32>
    %convert_element_type3A_33 = arith.sitofp %convert_element_type3A_32 : vector<20x256x180xi32> to vector<20x256x180xf32>
    %reshape3A_34 = vector.shape_cast %convert_element_type3A_33 : vector<20x256x180xf32> to vector<5120x180xf32>
    %dot_general3A = arith.constant dense<0.000000e+00> : vector<5120x128xf32>
    %dot_general3A_35 = tpu.matmul %reshape3A_34, %add3A, %dot_general3A {dimension_numbers = #tpu.dot_dimension_numbers<[1], [0], [0], [1], [0, 0, 1, 1], [], []>, transpose_lhs_hint = false} : vector<5120x180xf32>, vector<180x128xf32>, vector<5120x128xf32> -> vector<5120x128xf32>
    %reshape3A_36 = vector.shape_cast %dot_general3A_35 : vector<5120x128xf32> to vector<20x256x128xf32>
    %add3A_37 = arith.addf %get3A_20, %reshape3A_36 : vector<20x256x128xf32>
    %reduce_sum3A = arith.constant dense<0.000000e+00> : vector<20x256xf32>
    %reduce_sum3A_38 = vector.multi_reduction <add>, %add3A_37, %reduce_sum3A [2] : vector<20x256x128xf32> to vector<20x256xf32>
    %broadcast_in_dim3A_39 = vector.shape_cast %reduce_sum3A_38 : vector<20x256xf32> to vector<20x256x1xf32>
    %div3A = arith.constant 1.280000e+02 : f32
    %div3A_40 = vector.broadcast %div3A : f32 to vector<20x256x1xf32>
    %div3A_41 = arith.divf %broadcast_in_dim3A_39, %div3A_40 : vector<20x256x1xf32>
    %sub3A = vector.broadcast %div3A_41 : vector<20x256x1xf32> to vector<20x256x128xf32>
    %sub3A_42 = arith.subf %add3A_37, %sub3A : vector<20x256x128xf32>
    %mul3A = arith.mulf %sub3A_42, %sub3A_42 : vector<20x256x128xf32>
    %reduce_sum3A_43 = arith.constant dense<0.000000e+00> : vector<20x256xf32>
    %reduce_sum3A_44 = vector.multi_reduction <add>, %mul3A, %reduce_sum3A_43 [2] : vector<20x256x128xf32> to vector<20x256xf32>
    %broadcast_in_dim3A_45 = vector.shape_cast %reduce_sum3A_44 : vector<20x256xf32> to vector<20x256x1xf32>
    %div3A_46 = arith.constant 1.280000e+02 : f32
    %div3A_47 = vector.broadcast %div3A_46 : f32 to vector<20x256x1xf32>
    %div3A_48 = arith.divf %broadcast_in_dim3A_45, %div3A_47 : vector<20x256x1xf32>
    %add3A_49 = arith.constant 9.99999996E-13 : f32
    %add3A_50 = vector.broadcast %add3A_49 : f32 to vector<20x256x1xf32>
    %add3A_51 = arith.addf %div3A_48, %add3A_50 : vector<20x256x1xf32>
    %rsqrt3A = math.rsqrt %add3A_51 : vector<20x256x1xf32>
    %mul3A_52 = vector.broadcast %rsqrt3A : vector<20x256x1xf32> to vector<20x256x128xf32>
    %mul3A_53 = arith.mulf %sub3A_42, %mul3A_52 : vector<20x256x128xf32>
    %get3A_54 = arith.constant 0 : index
    %get3A_55 = arith.constant 0 : index
    %get3A_56 = vector.load %arg16[%get3A_54, %get3A_55] : memref<320x128xf32, #tpu.memory_space<vmem>>, vector<320x128xf32>
    %get3A_57 = arith.constant 0 : index
    %get3A_58 = arith.constant 0 : index
    %get3A_59 = vector.load %arg15[%get3A_57, %get3A_58] : memref<6x64xf32, #tpu.memory_space<vmem>>, vector<6x64xf32>
    %slice3A = vector.extract_strided_slice %get3A_56 {offsets = [0, 0], sizes = [64, 128], strides = [1, 1]} : vector<320x128xf32> to vector<64x128xf32>
    %dot_general3A_60 = arith.constant dense<0.000000e+00> : vector<6x128xf32>
    %dot_general3A_61 = tpu.matmul %get3A_59, %slice3A, %dot_general3A_60 {dimension_numbers = #tpu.dot_dimension_numbers<[1], [0], [0], [1], [0, 0, 1, 1], [], []>, transpose_lhs_hint = false} : vector<6x64xf32>, vector<64x128xf32>, vector<6x128xf32> -> vector<6x128xf32>
    %get3A_62 = arith.constant 0 : index
    %get3A_63 = arith.constant 0 : index
    %get3A_64 = vector.load %arg11[%get3A_62, %get3A_63] : memref<9x64xf32, #tpu.memory_space<vmem>>, vector<9x64xf32>
    %slice3A_65 = vector.extract_strided_slice %get3A_56 {offsets = [64, 0], sizes = [64, 128], strides = [1, 1]} : vector<320x128xf32> to vector<64x128xf32>
    %dot_general3A_66 = arith.constant dense<0.000000e+00> : vector<9x128xf32>
    %dot_general3A_67 = tpu.matmul %get3A_64, %slice3A_65, %dot_general3A_66 {dimension_numbers = #tpu.dot_dimension_numbers<[1], [0], [0], [1], [0, 0, 1, 1], [], []>, transpose_lhs_hint = false} : vector<9x64xf32>, vector<64x128xf32>, vector<9x128xf32> -> vector<9x128xf32>
    %get3A_68 = arith.constant 0 : index
    %get3A_69 = arith.constant 0 : index
    %get3A_70 = vector.load %arg12[%get3A_68, %get3A_69] : memref<4x64xf32, #tpu.memory_space<vmem>>, vector<4x64xf32>
    %slice3A_71 = vector.extract_strided_slice %get3A_56 {offsets = [128, 0], sizes = [64, 128], strides = [1, 1]} : vector<320x128xf32> to vector<64x128xf32>
    %dot_general3A_72 = arith.constant dense<0.000000e+00> : vector<4x128xf32>
    %dot_general3A_73 = tpu.matmul %get3A_70, %slice3A_71, %dot_general3A_72 {dimension_numbers = #tpu.dot_dimension_numbers<[1], [0], [0], [1], [0, 0, 1, 1], [], []>, transpose_lhs_hint = false} : vector<4x64xf32>, vector<64x128xf32>, vector<4x128xf32> -> vector<4x128xf32>
    %get3A_74 = arith.constant 0 : index
    %get3A_75 = arith.constant 0 : index
    %get3A_76 = vector.load %arg13[%get3A_74, %get3A_75] : memref<3x64xf32, #tpu.memory_space<vmem>>, vector<3x64xf32>
    %slice3A_77 = vector.extract_strided_slice %get3A_56 {offsets = [192, 0], sizes = [64, 128], strides = [1, 1]} : vector<320x128xf32> to vector<64x128xf32>
    %dot_general3A_78 = arith.constant dense<0.000000e+00> : vector<3x128xf32>
    %dot_general3A_79 = tpu.matmul %get3A_76, %slice3A_77, %dot_general3A_78 {dimension_numbers = #tpu.dot_dimension_numbers<[1], [0], [0], [1], [0, 0, 1, 1], [], []>, transpose_lhs_hint = false} : vector<3x64xf32>, vector<64x128xf32>, vector<3x128xf32> -> vector<3x128xf32>
    %get3A_80 = arith.constant 0 : index
    %get3A_81 = arith.constant 0 : index
    %get3A_82 = vector.load %arg14[%get3A_80, %get3A_81] : memref<3x64xf32, #tpu.memory_space<vmem>>, vector<3x64xf32>
    %slice3A_83 = vector.extract_strided_slice %get3A_56 {offsets = [256, 0], sizes = [64, 128], strides = [1, 1]} : vector<320x128xf32> to vector<64x128xf32>
    %dot_general3A_84 = arith.constant dense<0.000000e+00> : vector<3x128xf32>
    %dot_general3A_85 = tpu.matmul %get3A_82, %slice3A_83, %dot_general3A_84 {dimension_numbers = #tpu.dot_dimension_numbers<[1], [0], [0], [1], [0, 0, 1, 1], [], []>, transpose_lhs_hint = false} : vector<3x64xf32>, vector<64x128xf32>, vector<3x128xf32> -> vector<3x128xf32>
    %get3A_86 = arith.constant 0 : index
    %get3A_87 = arith.constant 0 : index
    %get3A_88 = vector.load %arg4[%get3A_86, %get3A_87] : memref<60x256xf32, #tpu.memory_space<vmem>>, vector<60x256xf32>
    %get3A_89 = arith.constant 0 : index
    %get3A_90 = arith.constant 0 : index
    %get3A_91 = vector.load %arg5[%get3A_89, %get3A_90] : memref<10x256xi32, #tpu.memory_space<vmem>>, vector<10x256xi32>
    %get3A_92 = arith.constant 0 : index
    %get3A_93 = arith.constant 0 : index
    %get3A_94 = vector.load %arg6[%get3A_92, %get3A_93] : memref<10x256xi32, #tpu.memory_space<vmem>>, vector<10x256xi32>
    %get3A_95 = arith.constant 0 : index
    %get3A_96 = arith.constant 0 : index
    %get3A_97 = vector.load %arg7[%get3A_95, %get3A_96] : memref<10x256xi32, #tpu.memory_space<vmem>>, vector<10x256xi32>
    %get3A_98 = arith.constant 0 : index
    %get3A_99 = arith.constant 0 : index
    %get3A_100 = vector.load %arg8[%get3A_98, %get3A_99] : memref<10x256xi32, #tpu.memory_space<vmem>>, vector<10x256xi32>
    %slice3A_101 = vector.extract_strided_slice %get3A_88 {offsets = [0, 0], sizes = [6, 256], strides = [1, 1]} : vector<60x256xf32> to vector<6x256xf32>
    %dot_general3A_102 = arith.constant dense<0.000000e+00> : vector<256x128xf32>
    %dot_general3A_103 = tpu.matmul %slice3A_101, %dot_general3A_61, %dot_general3A_102 {dimension_numbers = #tpu.dot_dimension_numbers<[0], [0], [1], [1], [0, 1, 1, 1], [], []>, transpose_lhs_hint = false} : vector<6x256xf32>, vector<6x128xf32>, vector<256x128xf32> -> vector<256x128xf32>
    %slice3A_104 = vector.extract_strided_slice %get3A_91 {offsets = [0, 0], sizes = [1, 256], strides = [1, 1]} : vector<10x256xi32> to vector<1x256xi32>
    %broadcast_in_dim3A_105 = vector.shape_cast %slice3A_104 : vector<1x256xi32> to vector<1x256xi32>
    %broadcast_in_dim3A_106 = vector.broadcast %broadcast_in_dim3A_105 : vector<1x256xi32> to vector<9x256xi32>
    %iota3A_107 = tpu.iota {dimensions = array<i32: 0>} : vector<9x256xi32>
    %eq3A_108 = arith.cmpi eq, %broadcast_in_dim3A_106, %iota3A_107 : vector<9x256xi32>
    %convert_element_type3A_109 = arith.extui %eq3A_108 : vector<9x256xi1> to vector<9x256xi32>
    %convert_element_type3A_110 = arith.sitofp %convert_element_type3A_109 : vector<9x256xi32> to vector<9x256xf32>
    %dot_general3A_111 = arith.constant dense<0.000000e+00> : vector<256x128xf32>
    %dot_general3A_112 = tpu.matmul %convert_element_type3A_110, %dot_general3A_67, %dot_general3A_111 {dimension_numbers = #tpu.dot_dimension_numbers<[0], [0], [1], [1], [0, 1, 1, 1], [], []>, transpose_lhs_hint = false} : vector<9x256xf32>, vector<9x128xf32>, vector<256x128xf32> -> vector<256x128xf32>
    %add3A_113 = arith.addf %dot_general3A_103, %dot_general3A_112 : vector<256x128xf32>
    %slice3A_114 = vector.extract_strided_slice %get3A_94 {offsets = [0, 0], sizes = [1, 256], strides = [1, 1]} : vector<10x256xi32> to vector<1x256xi32>
    %broadcast_in_dim3A_115 = vector.shape_cast %slice3A_114 : vector<1x256xi32> to vector<1x256xi32>
    %broadcast_in_dim3A_116 = vector.broadcast %broadcast_in_dim3A_115 : vector<1x256xi32> to vector<4x256xi32>
    %iota3A_117 = tpu.iota {dimensions = array<i32: 0>} : vector<4x256xi32>
    %eq3A_118 = arith.cmpi eq, %broadcast_in_dim3A_116, %iota3A_117 : vector<4x256xi32>
    %convert_element_type3A_119 = arith.extui %eq3A_118 : vector<4x256xi1> to vector<4x256xi32>
    %convert_element_type3A_120 = arith.sitofp %convert_element_type3A_119 : vector<4x256xi32> to vector<4x256xf32>
    %dot_general3A_121 = arith.constant dense<0.000000e+00> : vector<256x128xf32>
    %dot_general3A_122 = tpu.matmul %convert_element_type3A_120, %dot_general3A_73, %dot_general3A_121 {dimension_numbers = #tpu.dot_dimension_numbers<[0], [0], [1], [1], [0, 1, 1, 1], [], []>, transpose_lhs_hint = false} : vector<4x256xf32>, vector<4x128xf32>, vector<256x128xf32> -> vector<256x128xf32>
    %add3A_123 = arith.addf %add3A_113, %dot_general3A_122 : vector<256x128xf32>
    %slice3A_124 = vector.extract_strided_slice %get3A_97 {offsets = [0, 0], sizes = [1, 256], strides = [1, 1]} : vector<10x256xi32> to vector<1x256xi32>
    %broadcast_in_dim3A_125 = vector.shape_cast %slice3A_124 : vector<1x256xi32> to vector<1x256xi32>
    %broadcast_in_dim3A_126 = vector.broadcast %broadcast_in_dim3A_125 : vector<1x256xi32> to vector<3x256xi32>
    %iota3A_127 = tpu.iota {dimensions = array<i32: 0>} : vector<3x256xi32>
    %eq3A_128 = arith.cmpi eq, %broadcast_in_dim3A_126, %iota3A_127 : vector<3x256xi32>
    %convert_element_type3A_129 = arith.extui %eq3A_128 : vector<3x256xi1> to vector<3x256xi32>
    %convert_element_type3A_130 = arith.sitofp %convert_element_type3A_129 : vector<3x256xi32> to vector<3x256xf32>
    %dot_general3A_131 = arith.constant dense<0.000000e+00> : vector<256x128xf32>
    %dot_general3A_132 = tpu.matmul %convert_element_type3A_130, %dot_general3A_79, %dot_general3A_131 {dimension_numbers = #tpu.dot_dimension_numbers<[0], [0], [1], [1], [0, 1, 1, 1], [], []>, transpose_lhs_hint = false} : vector<3x256xf32>, vector<3x128xf32>, vector<256x128xf32> -> vector<256x128xf32>
    %add3A_133 = arith.addf %add3A_123, %dot_general3A_132 : vector<256x128xf32>
    %slice3A_134 = vector.extract_strided_slice %get3A_100 {offsets = [0, 0], sizes = [1, 256], strides = [1, 1]} : vector<10x256xi32> to vector<1x256xi32>
    %broadcast_in_dim3A_135 = vector.shape_cast %slice3A_134 : vector<1x256xi32> to vector<1x256xi32>
    %broadcast_in_dim3A_136 = vector.broadcast %broadcast_in_dim3A_135 : vector<1x256xi32> to vector<3x256xi32>
    %iota3A_137 = tpu.iota {dimensions = array<i32: 0>} : vector<3x256xi32>
    %eq3A_138 = arith.cmpi eq, %broadcast_in_dim3A_136, %iota3A_137 : vector<3x256xi32>
    %convert_element_type3A_139 = arith.extui %eq3A_138 : vector<3x256xi1> to vector<3x256xi32>
    %convert_element_type3A_140 = arith.sitofp %convert_element_type3A_139 : vector<3x256xi32> to vector<3x256xf32>
    %dot_general3A_141 = arith.constant dense<0.000000e+00> : vector<256x128xf32>
    %dot_general3A_142 = tpu.matmul %convert_element_type3A_140, %dot_general3A_85, %dot_general3A_141 {dimension_numbers = #tpu.dot_dimension_numbers<[0], [0], [1], [1], [0, 1, 1, 1], [], []>, transpose_lhs_hint = false} : vector<3x256xf32>, vector<3x128xf32>, vector<256x128xf32> -> vector<256x128xf32>
    %add3A_143 = arith.addf %add3A_133, %dot_general3A_142 : vector<256x128xf32>
    %slice3A_144 = vector.extract_strided_slice %get3A_1 {offsets = [0, 0], sizes = [1, 256], strides = [1, 1]} : vector<60x256xi32> to vector<1x256xi32>
    %broadcast_in_dim3A_145 = vector.shape_cast %slice3A_144 : vector<1x256xi32> to vector<1x256xi32>
    %broadcast_in_dim3A_146 = vector.broadcast %broadcast_in_dim3A_145 : vector<1x256xi32> to vector<3x256xi32>
    %iota3A_147 = tpu.iota {dimensions = array<i32: 0>} : vector<3x256xi32>
    %eq3A_148 = arith.cmpi eq, %broadcast_in_dim3A_146, %iota3A_147 : vector<3x256xi32>
    %convert_element_type3A_149 = arith.extui %eq3A_148 : vector<3x256xi1> to vector<3x256xi32>
    %convert_element_type3A_150 = arith.sitofp %convert_element_type3A_149 : vector<3x256xi32> to vector<3x256xf32>
    %dot_general3A_151 = arith.constant dense<0.000000e+00> : vector<256x128xf32>
    %dot_general3A_152 = tpu.matmul %convert_element_type3A_150, %get3A_16, %dot_general3A_151 {dimension_numbers = #tpu.dot_dimension_numbers<[0], [0], [1], [1], [0, 1, 1, 1], [], []>, transpose_lhs_hint = false} : vector<3x256xf32>, vector<3x128xf32>, vector<256x128xf32> -> vector<256x128xf32>
    %add3A_153 = arith.addf %add3A_143, %dot_general3A_152 : vector<256x128xf32>
    %reduce_sum3A_154 = arith.constant dense<0.000000e+00> : vector<256xf32>
    %reduce_sum3A_155 = vector.multi_reduction <add>, %add3A_153, %reduce_sum3A_154 [1] : vector<256x128xf32> to vector<256xf32>
    %broadcast_in_dim3A_156 = vector.shape_cast %reduce_sum3A_155 : vector<256xf32> to vector<256x1xf32>
    %div3A_157 = arith.constant 1.280000e+02 : f32
    %div3A_158 = vector.broadcast %div3A_157 : f32 to vector<256x1xf32>
    %div3A_159 = arith.divf %broadcast_in_dim3A_156, %div3A_158 : vector<256x1xf32>
    %sub3A_160 = vector.broadcast %div3A_159 : vector<256x1xf32> to vector<256x128xf32>
    %sub3A_161 = arith.subf %add3A_153, %sub3A_160 : vector<256x128xf32>
    %mul3A_162 = arith.mulf %sub3A_161, %sub3A_161 : vector<256x128xf32>
    %reduce_sum3A_163 = arith.constant dense<0.000000e+00> : vector<256xf32>
    %reduce_sum3A_164 = vector.multi_reduction <add>, %mul3A_162, %reduce_sum3A_163 [1] : vector<256x128xf32> to vector<256xf32>
    %broadcast_in_dim3A_165 = vector.shape_cast %reduce_sum3A_164 : vector<256xf32> to vector<256x1xf32>
    %div3A_166 = arith.constant 1.280000e+02 : f32
    %div3A_167 = vector.broadcast %div3A_166 : f32 to vector<256x1xf32>
    %div3A_168 = arith.divf %broadcast_in_dim3A_165, %div3A_167 : vector<256x1xf32>
    %add3A_169 = arith.constant 9.99999996E-13 : f32
    %add3A_170 = vector.broadcast %add3A_169 : f32 to vector<256x1xf32>
    %add3A_171 = arith.addf %div3A_168, %add3A_170 : vector<256x1xf32>
    %rsqrt3A_172 = math.rsqrt %add3A_171 : vector<256x1xf32>
    %mul3A_173 = vector.broadcast %rsqrt3A_172 : vector<256x1xf32> to vector<256x128xf32>
    %mul3A_174 = arith.mulf %sub3A_161, %mul3A_173 : vector<256x128xf32>
    %swap3A_175 = arith.constant 0 : index
    %swap3A_176 = arith.constant 0 : index
    %swap3A_177 = arith.constant 0 : index
    %swap3A_178 = vector.load %arg17[%swap3A_175, %swap3A_176, %swap3A_177] : memref<30x256x128xf32, #tpu.memory_space<vmem>>, vector<1x256x128xf32>
    %swap3A_179 = vector.shape_cast %swap3A_178 : vector<1x256x128xf32> to vector<256x128xf32>
    %swap3A_180 = vector.shape_cast %mul3A_174 : vector<256x128xf32> to vector<1x256x128xf32>
    tpu.vector_store %arg17[%swap3A_175, %swap3A_176, %swap3A_177], %swap3A_180 {strides = array<i32>} : memref<30x256x128xf32, #tpu.memory_space<vmem>>, vector<1x256x128xf32>,
    %slice3A_181 = vector.extract_strided_slice %get3A_88 {offsets = [6, 0], sizes = [6, 256], strides = [1, 1]} : vector<60x256xf32> to vector<6x256xf32>
    %dot_general3A_182 = arith.constant dense<0.000000e+00> : vector<256x128xf32>
    %dot_general3A_183 = tpu.matmul %slice3A_181, %dot_general3A_61, %dot_general3A_182 {dimension_numbers = #tpu.dot_dimension_numbers<[0], [0], [1], [1], [0, 1, 1, 1], [], []>, transpose_lhs_hint = false} : vector<6x256xf32>, vector<6x128xf32>, vector<256x128xf32> -> vector<256x128xf32>
    %slice3A_184 = vector.extract_strided_slice %get3A_91 {offsets = [1, 0], sizes = [1, 256], strides = [1, 1]} : vector<10x256xi32> to vector<1x256xi32>
    %broadcast_in_dim3A_185 = vector.shape_cast %slice3A_184 : vector<1x256xi32> to vector<1x256xi32>
    %broadcast_in_dim3A_186 = vector.broadcast %broadcast_in_dim3A_185 : vector<1x256xi32> to vector<9x256xi32>
    %iota3A_187 = tpu.iota {dimensions = array<i32: 0>} : vector<9x256xi32>
    %eq3A_188 = arith.cmpi eq, %broadcast_in_dim3A_186, %iota3A_187 : vector<9x256xi32>
    %convert_element_type3A_189 = arith.extui %eq3A_188 : vector<9x256xi1> to vector<9x256xi32>
    %convert_element_type3A_190 = arith.sitofp %convert_element_type3A_189 : vector<9x256xi32> to vector<9x256xf32>
    %dot_general3A_191 = arith.constant dense<0.000000e+00> : vector<256x128xf32>
    %dot_general3A_192 = tpu.matmul %convert_element_type3A_190, %dot_general3A_67, %dot_general3A_191 {dimension_numbers = #tpu.dot_dimension_numbers<[0], [0], [1], [1], [0, 1, 1, 1], [], []>, transpose_lhs_hint = false} : vector<9x256xf32>, vector<9x128xf32>, vector<256x128xf32> -> vector<256x128xf32>
    %add3A_193 = arith.addf %dot_general3A_183, %dot_general3A_192 : vector<256x128xf32>
    %slice3A_194 = vector.extract_strided_slice %get3A_94 {offsets = [1, 0], sizes = [1, 256], strides = [1, 1]} : vector<10x256xi32> to vector<1x256xi32>
    %broadcast_in_dim3A_195 = vector.shape_cast %slice3A_194 : vector<1x256xi32> to vector<1x256xi32>
    %broadcast_in_dim3A_196 = vector.broadcast %broadcast_in_dim3A_195 : vector<1x256xi32> to vector<4x256xi32>
    %iota3A_197 = tpu.iota {dimensions = array<i32: 0>} : vector<4x256xi32>
    %eq3A_198 = arith.cmpi eq, %broadcast_in_dim3A_196, %iota3A_197 : vector<4x256xi32>
    %convert_element_type3A_199 = arith.extui %eq3A_198 : vector<4x256xi1> to vector<4x256xi32>
    %convert_element_type3A_200 = arith.sitofp %convert_element_type3A_199 : vector<4x256xi32> to vector<4x256xf32>
    %dot_general3A_201 = arith.constant dense<0.000000e+00> : vector<256x128xf32>
    %dot_general3A_202 = tpu.matmul %convert_element_type3A_200, %dot_general3A_73, %dot_general3A_201 {dimension_numbers = #tpu.dot_dimension_numbers<[0], [0], [1], [1], [0, 1, 1, 1], [], []>, transpose_lhs_hint = false} : vector<4x256xf32>, vector<4x128xf32>, vector<256x128xf32> -> vector<256x128xf32>
    %add3A_203 = arith.addf %add3A_193, %dot_general3A_202 : vector<256x128xf32>
    %slice3A_204 = vector.extract_strided_slice %get3A_97 {offsets = [1, 0], sizes = [1, 256], strides = [1, 1]} : vector<10x256xi32> to vector<1x256xi32>
    %broadcast_in_dim3A_205 = vector.shape_cast %slice3A_204 : vector<1x256xi32> to vector<1x256xi32>
    %broadcast_in_dim3A_206 = vector.broadcast %broadcast_in_dim3A_205 : vector<1x256xi32> to vector<3x256xi32>
    %iota3A_207 = tpu.iota {dimensions = array<i32: 0>} : vector<3x256xi32>
    %eq3A_208 = arith.cmpi eq, %broadcast_in_dim3A_206, %iota3A_207 : vector<3x256xi32>
    %convert_element_type3A_209 = arith.extui %eq3A_208 : vector<3x256xi1> to vector<3x256xi32>
    %convert_element_type3A_210 = arith.sitofp %convert_element_type3A_209 : vector<3x256xi32> to vector<3x256xf32>
    %dot_general3A_211 = arith.constant dense<0.000000e+00> : vector<256x128xf32>
    %dot_general3A_212 = tpu.matmul %convert_element_type3A_210, %dot_general3A_79, %dot_general3A_211 {dimension_numbers = #tpu.dot_dimension_numbers<[0], [0], [1], [1], [0, 1, 1, 1], [], []>, transpose_lhs_hint = false} : vector<3x256xf32>, vector<3x128xf32>, vector<256x128xf32> -> vector<256x128xf32>
    %add3A_213 = arith.addf %add3A_203, %dot_general3A_212 : vector<256x128xf32>
    %slice3A_214 = vector.extract_strided_slice %get3A_100 {offsets = [1, 0], sizes = [1, 256], strides = [1, 1]} : vector<10x256xi32> to vector<1x256xi32>
    %broadcast_in_dim3A_215 = vector.shape_cast %slice3A_214 : vector<1x256xi32> to vector<1x256xi32>
    %broadcast_in_dim3A_216 = vector.broadcast %broadcast_in_dim3A_215 : vector<1x256xi32> to vector<3x256xi32>
    %iota3A_217 = tpu.iota {dimensions = array<i32: 0>} : vector<3x256xi32>
    %eq3A_218 = arith.cmpi eq, %broadcast_in_dim3A_216, %iota3A_217 : vector<3x256xi32>
    %convert_element_type3A_219 = arith.extui %eq3A_218 : vector<3x256xi1> to vector<3x256xi32>
    %convert_element_type3A_220 = arith.sitofp %convert_element_type3A_219 : vector<3x256xi32> to vector<3x256xf32>
    %dot_general3A_221 = arith.constant dense<0.000000e+00> : vector<256x128xf32>
    %dot_general3A_222 = tpu.matmul %convert_element_type3A_220, %dot_general3A_85, %dot_general3A_221 {dimension_numbers = #tpu.dot_dimension_numbers<[0], [0], [1], [1], [0, 1, 1, 1], [], []>, transpose_lhs_hint = false} : vector<3x256xf32>, vector<3x128xf32>, vector<256x128xf32> -> vector<256x128xf32>
    %add3A_223 = arith.addf %add3A_213, %dot_general3A_222 : vector<256x128xf32>
    %slice3A_224 = vector.extract_strided_slice %get3A_1 {offsets = [1, 0], sizes = [1, 256], strides = [1, 1]} : vector<60x256xi32> to vector<1x256xi32>
    %broadcast_in_dim3A_225 = vector.shape_cast %slice3A_224 : vector<1x256xi32> to vector<1x256xi32>
    %broadcast_in_dim3A_226 = vector.broadcast %broadcast_in_dim3A_225 : vector<1x256xi32> to vector<3x256xi32>
    %iota3A_227 = tpu.iota {dimensions = array<i32: 0>} : vector<3x256xi32>
    %eq3A_228 = arith.cmpi eq, %broadcast_in_dim3A_226, %iota3A_227 : vector<3x256xi32>
    %convert_element_type3A_229 = arith.extui %eq3A_228 : vector<3x256xi1> to vector<3x256xi32>
    %convert_element_type3A_230 = arith.sitofp %convert_element_type3A_229 : vector<3x256xi32> to vector<3x256xf32>
    %dot_general3A_231 = arith.constant dense<0.000000e+00> : vector<256x128xf32>
    %dot_general3A_232 = tpu.matmul %convert_element_type3A_230, %get3A_16, %dot_general3A_231 {dimension_numbers = #tpu.dot_dimension_numbers<[0], [0], [1], [1], [0, 1, 1, 1], [], []>, transpose_lhs_hint = false} : vector<3x256xf32>, vector<3x128xf32>, vector<256x128xf32> -> vector<256x128xf32>
    %add3A_233 = arith.addf %add3A_223, %dot_general3A_232 : vector<256x128xf32>
    %reduce_sum3A_234 = arith.constant dense<0.000000e+00> : vector<256xf32>
    %reduce_sum3A_235 = vector.multi_reduction <add>, %add3A_233, %reduce_sum3A_234 [1] : vector<256x128xf32> to vector<256xf32>
    %broadcast_in_dim3A_236 = vector.shape_cast %reduce_sum3A_235 : vector<256xf32> to vector<256x1xf32>
    %div3A_237 = arith.constant 1.280000e+02 : f32
    %div3A_238 = vector.broadcast %div3A_237 : f32 to vector<256x1xf32>
    %div3A_239 = arith.divf %broadcast_in_dim3A_236, %div3A_238 : vector<256x1xf32>
    %sub3A_240 = vector.broadcast %div3A_239 : vector<256x1xf32> to vector<256x128xf32>
    %sub3A_241 = arith.subf %add3A_233, %sub3A_240 : vector<256x128xf32>
    %mul3A_242 = arith.mulf %sub3A_241, %sub3A_241 : vector<256x128xf32>
    %reduce_sum3A_243 = arith.constant dense<0.000000e+00> : vector<256xf32>
    %reduce_sum3A_244 = vector.multi_reduction <add>, %mul3A_242, %reduce_sum3A_243 [1] : vector<256x128xf32> to vector<256xf32>
    %broadcast_in_dim3A_245 = vector.shape_cast %reduce_sum3A_244 : vector<256xf32> to vector<256x1xf32>
    %div3A_246 = arith.constant 1.280000e+02 : f32
    %div3A_247 = vector.broadcast %div3A_246 : f32 to vector<256x1xf32>
    %div3A_248 = arith.divf %broadcast_in_dim3A_245, %div3A_247 : vector<256x1xf32>
    %add3A_249 = arith.constant 9.99999996E-13 : f32
    %add3A_250 = vector.broadcast %add3A_249 : f32 to vector<256x1xf32>
    %add3A_251 = arith.addf %div3A_248, %add3A_250 : vector<256x1xf32>
    %rsqrt3A_252 = math.rsqrt %add3A_251 : vector<256x1xf32>
    %mul3A_253 = vector.broadcast %rsqrt3A_252 : vector<256x1xf32> to vector<256x128xf32>
    %mul3A_254 = arith.mulf %sub3A_241, %mul3A_253 : vector<256x128xf32>
    %swap3A_255 = arith.constant 1 : index
    %swap3A_256 = arith.constant 0 : index
    %swap3A_257 = arith.constant 0 : index
    %swap3A_258 = vector.load %arg17[%swap3A_255, %swap3A_256, %swap3A_257] : memref<30x256x128xf32, #tpu.memory_space<vmem>>, vector<1x256x128xf32>
    %swap3A_259 = vector.shape_cast %swap3A_258 : vector<1x256x128xf32> to vector<256x128xf32>
    %swap3A_260 = vector.shape_cast %mul3A_254 : vector<256x128xf32> to vector<1x256x128xf32>
    tpu.vector_store %arg17[%swap3A_255, %swap3A_256, %swap3A_257], %swap3A_260 {strides = array<i32>} : memref<30x256x128xf32, #tpu.memory_space<vmem>>, vector<1x256x128xf32>,
    %slice3A_261 = vector.extract_strided_slice %get3A_88 {offsets = [12, 0], sizes = [6, 256], strides = [1, 1]} : vector<60x256xf32> to vector<6x256xf32>
    %dot_general3A_262 = arith.constant dense<0.000000e+00> : vector<256x128xf32>
    %dot_general3A_263 = tpu.matmul %slice3A_261, %dot_general3A_61, %dot_general3A_262 {dimension_numbers = #tpu.dot_dimension_numbers<[0], [0], [1], [1], [0, 1, 1, 1], [], []>, transpose_lhs_hint = false} : vector<6x256xf32>, vector<6x128xf32>, vector<256x128xf32> -> vector<256x128xf32>
    %slice3A_264 = vector.extract_strided_slice %get3A_91 {offsets = [2, 0], sizes = [1, 256], strides = [1, 1]} : vector<10x256xi32> to vector<1x256xi32>
    %broadcast_in_dim3A_265 = vector.shape_cast %slice3A_264 : vector<1x256xi32> to vector<1x256xi32>
    %broadcast_in_dim3A_266 = vector.broadcast %broadcast_in_dim3A_265 : vector<1x256xi32> to vector<9x256xi32>
    %iota3A_267 = tpu.iota {dimensions = array<i32: 0>} : vector<9x256xi32>
    %eq3A_268 = arith.cmpi eq, %broadcast_in_dim3A_266, %iota3A_267 : vector<9x256xi32>
    %convert_element_type3A_269 = arith.extui %eq3A_268 : vector<9x256xi1> to vector<9x256xi32>
    %convert_element_type3A_270 = arith.sitofp %convert_element_type3A_269 : vector<9x256xi32> to vector<9x256xf32>
    %dot_general3A_271 = arith.constant dense<0.000000e+00> : vector<256x128xf32>
    %dot_general3A_272 = tpu.matmul %convert_element_type3A_270, %dot_general3A_67, %dot_general3A_271 {dimension_numbers = #tpu.dot_dimension_numbers<[0], [0], [1], [1], [0, 1, 1, 1], [], []>, transpose_lhs_hint = false} : vector<9x256xf32>, vector<9x128xf32>, vector<256x128xf32> -> vector<256x128xf32>
    %add3A_273 = arith.addf %dot_general3A_263, %dot_general3A_272 : vector<256x128xf32>
    %slice3A_274 = vector.extract_strided_slice %get3A_94 {offsets = [2, 0], sizes = [1, 256], strides = [1, 1]} : vector<10x256xi32> to vector<1x256xi32>
    %broadcast_in_dim3A_275 = vector.shape_cast %slice3A_274 : vector<1x256xi32> to vector<1x256xi32>
    %broadcast_in_dim3A_276 = vector.broadcast %broadcast_in_dim3A_275 : vector<1x256xi32> to vector<4x256xi32>
    %iota3A_277 = tpu.iota {dimensions = array<i32: 0>} : vector<4x256xi32>
    %eq3A_278 = arith.cmpi eq, %broadcast_in_dim3A_276, %iota3A_277 : vector<4x256xi32>
    %convert_element_type3A_279 = arith.extui %eq3A_278 : vector<4x256xi1> to vector<4x256xi32>
    %convert_element_type3A_280 = arith.sitofp %convert_element_type3A_279 : vector<4x256xi32> to vector<4x256xf32>
    %dot_general3A_281 = arith.constant dense<0.000000e+00> : vector<256x128xf32>
    %dot_general3A_282 = tpu.matmul %convert_element_type3A_280, %dot_general3A_73, %dot_general3A_281 {dimension_numbers = #tpu.dot_dimension_numbers<[0], [0], [1], [1], [0, 1, 1, 1], [], []>, transpose_lhs_hint = false} : vector<4x256xf32>, vector<4x128xf32>, vector<256x128xf32> -> vector<256x128xf32>
    %add3A_283 = arith.addf %add3A_273, %dot_general3A_282 : vector<256x128xf32>
    %slice3A_284 = vector.extract_strided_slice %get3A_97 {offsets = [2, 0], sizes = [1, 256], strides = [1, 1]} : vector<10x256xi32> to vector<1x256xi32>
    %broadcast_in_dim3A_285 = vector.shape_cast %slice3A_284 : vector<1x256xi32> to vector<1x256xi32>
    %broadcast_in_dim3A_286 = vector.broadcast %broadcast_in_dim3A_285 : vector<1x256xi32> to vector<3x256xi32>
    %iota3A_287 = tpu.iota {dimensions = array<i32: 0>} : vector<3x256xi32>
    %eq3A_288 = arith.cmpi eq, %broadcast_in_dim3A_286, %iota3A_287 : vector<3x256xi32>
    %convert_element_type3A_289 = arith.extui %eq3A_288 : vector<3x256xi1> to vector<3x256xi32>
    %convert_element_type3A_290 = arith.sitofp %convert_element_type3A_289 : vector<3x256xi32> to vector<3x256xf32>
    %dot_general3A_291 = arith.constant dense<0.000000e+00> : vector<256x128xf32>
    %dot_general3A_292 = tpu.matmul %convert_element_type3A_290, %dot_general3A_79, %dot_general3A_291 {dimension_numbers = #tpu.dot_dimension_numbers<[0], [0], [1], [1], [0, 1, 1, 1], [], []>, transpose_lhs_hint = false} : vector<3x256xf32>, vector<3x128xf32>, vector<256x128xf32> -> vector<256x128xf32>
    %add3A_293 = arith.addf %add3A_283, %dot_general3A_292 : vector<256x128xf32>
    %slice3A_294 = vector.extract_strided_slice %get3A_100 {offsets = [2, 0], sizes = [1, 256], strides = [1, 1]} : vector<10x256xi32> to vector<1x256xi32>
    %broadcast_in_dim3A_295 = vector.shape_cast %slice3A_294 : vector<1x256xi32> to vector<1x256xi32>
    %broadcast_in_dim3A_296 = vector.broadcast %broadcast_in_dim3A_295 : vector<1x256xi32> to vector<3x256xi32>
    %iota3A_297 = tpu.iota {dimensions = array<i32: 0>} : vector<3x256xi32>
    %eq3A_298 = arith.cmpi eq, %broadcast_in_dim3A_296, %iota3A_297 : vector<3x256xi32>
    %convert_element_type3A_299 = arith.extui %eq3A_298 : vector<3x256xi1> to vector<3x256xi32>
    %convert_element_type3A_300 = arith.sitofp %convert_element_type3A_299 : vector<3x256xi32> to vector<3x256xf32>
    %dot_general3A_301 = arith.constant dense<0.000000e+00> : vector<256x128xf32>
    %dot_general3A_302 = tpu.matmul %convert_element_type3A_300, %dot_general3A_85, %dot_general3A_301 {dimension_numbers = #tpu.dot_dimension_numbers<[0], [0], [1], [1], [0, 1, 1, 1], [], []>, transpose_lhs_hint = false} : vector<3x256xf32>, vector<3x128xf32>, vector<256x128xf32> -> vector<256x128xf32>
    %add3A_303 = arith.addf %add3A_293, %dot_general3A_302 : vector<256x128xf32>
    %slice3A_304 = vector.extract_strided_slice %get3A_1 {offsets = [2, 0], sizes = [1, 256], strides = [1, 1]} : vector<60x256xi32> to vector<1x256xi32>
    %broadcast_in_dim3A_305 = vector.shape_cast %slice3A_304 : vector<1x256xi32> to vector<1x256xi32>
    %broadcast_in_dim3A_306 = vector.broadcast %broadcast_in_dim3A_305 : vector<1x256xi32> to vector<3x256xi32>
    %iota3A_307 = tpu.iota {dimensions = array<i32: 0>} : vector<3x256xi32>
    %eq3A_308 = arith.cmpi eq, %broadcast_in_dim3A_306, %iota3A_307 : vector<3x256xi32>
    %convert_element_type3A_309 = arith.extui %eq3A_308 : vector<3x256xi1> to vector<3x256xi32>
    %convert_element_type3A_310 = arith.sitofp %convert_element_type3A_309 : vector<3x256xi32> to vector<3x256xf32>
    %dot_general3A_311 = arith.constant dense<0.000000e+00> : vector<256x128xf32>
    %dot_general3A_312 = tpu.matmul %convert_element_type3A_310, %get3A_16, %dot_general3A_311 {dimension_numbers = #tpu.dot_dimension_numbers<[0], [0], [1], [1], [0, 1, 1, 1], [], []>, transpose_lhs_hint = false} : vector<3x256xf32>, vector<3x128xf32>, vector<256x128xf32> -> vector<256x128xf32>
    %add3A_313 = arith.addf %add3A_303, %dot_general3A_312 : vector<256x128xf32>
    %reduce_sum3A_314 = arith.constant dense<0.000000e+00> : vector<256xf32>
    %reduce_sum3A_315 = vector.multi_reduction <add>, %add3A_313, %reduce_sum3A_314 [1] : vector<256x128xf32> to vector<256xf32>
    %broadcast_in_dim3A_316 = vector.shape_cast %reduce_sum3A_315 : vector<256xf32> to vector<256x1xf32>
    %div3A_317 = arith.constant 1.280000e+02 : f32
    %div3A_318 = vector.broadcast %div3A_317 : f32 to vector<256x1xf32>
    %div3A_319 = arith.divf %broadcast_in_dim3A_316, %div3A_318 : vector<256x1xf32>
    %sub3A_320 = vector.broadcast %div3A_319 : vector<256x1xf32> to vector<256x128xf32>
    %sub3A_321 = arith.subf %add3A_313, %sub3A_320 : vector<256x128xf32>
    %mul3A_322 = arith.mulf %sub3A_321, %sub3A_321 : vector<256x128xf32>
    %reduce_sum3A_323 = arith.constant dense<0.000000e+00> : vector<256xf32>
    %reduce_sum3A_324 = vector.multi_reduction <add>, %mul3A_322, %reduce_sum3A_323 [1] : vector<256x128xf32> to vector<256xf32>
    %broadcast_in_dim3A_325 = vector.shape_cast %reduce_sum3A_324 : vector<256xf32> to vector<256x1xf32>
    %div3A_326 = arith.constant 1.280000e+02 : f32
    %div3A_327 = vector.broadcast %div3A_326 : f32 to vector<256x1xf32>
    %div3A_328 = arith.divf %broadcast_in_dim3A_325, %div3A_327 : vector<256x1xf32>
    %add3A_329 = arith.constant 9.99999996E-13 : f32
    %add3A_330 = vector.broadcast %add3A_329 : f32 to vector<256x1xf32>
    %add3A_331 = arith.addf %div3A_328, %add3A_330 : vector<256x1xf32>
    %rsqrt3A_332 = math.rsqrt %add3A_331 : vector<256x1xf32>
    %mul3A_333 = vector.broadcast %rsqrt3A_332 : vector<256x1xf32> to vector<256x128xf32>
    %mul3A_334 = arith.mulf %sub3A_321, %mul3A_333 : vector<256x128xf32>
    %swap3A_335 = arith.constant 2 : index
    %swap3A_336 = arith.constant 0 : index
    %swap3A_337 = arith.constant 0 : index
    %swap3A_338 = vector.load %arg17[%swap3A_335, %swap3A_336, %swap3A_337] : memref<30x256x128xf32, #tpu.memory_space<vmem>>, vector<1x256x128xf32>
    %swap3A_339 = vector.shape_cast %swap3A_338 : vector<1x256x128xf32> to vector<256x128xf32>
    %swap3A_340 = vector.shape_cast %mul3A_334 : vector<256x128xf32> to vector<1x256x128xf32>
    tpu.vector_store %arg17[%swap3A_335, %swap3A_336, %swap3A_337], %swap3A_340 {strides = array<i32>} : memref<30x256x128xf32, #tpu.memory_space<vmem>>, vector<1x256x128xf32>,
    %slice3A_341 = vector.extract_strided_slice %get3A_88 {offsets = [18, 0], sizes = [6, 256], strides = [1, 1]} : vector<60x256xf32> to vector<6x256xf32>
    %dot_general3A_342 = arith.constant dense<0.000000e+00> : vector<256x128xf32>
    %dot_general3A_343 = tpu.matmul %slice3A_341, %dot_general3A_61, %dot_general3A_342 {dimension_numbers = #tpu.dot_dimension_numbers<[0], [0], [1], [1], [0, 1, 1, 1], [], []>, transpose_lhs_hint = false} : vector<6x256xf32>, vector<6x128xf32>, vector<256x128xf32> -> vector<256x128xf32>
    %slice3A_344 = vector.extract_strided_slice %get3A_91 {offsets = [3, 0], sizes = [1, 256], strides = [1, 1]} : vector<10x256xi32> to vector<1x256xi32>
    %broadcast_in_dim3A_345 = vector.shape_cast %slice3A_344 : vector<1x256xi32> to vector<1x256xi32>
    %broadcast_in_dim3A_346 = vector.broadcast %broadcast_in_dim3A_345 : vector<1x256xi32> to vector<9x256xi32>
    %iota3A_347 = tpu.iota {dimensions = array<i32: 0>} : vector<9x256xi32>
    %eq3A_348 = arith.cmpi eq, %broadcast_in_dim3A_346, %iota3A_347 : vector<9x256xi32>
    %convert_element_type3A_349 = arith.extui %eq3A_348 : vector<9x256xi1> to vector<9x256xi32>
    %convert_element_type3A_350 = arith.sitofp %convert_element_type3A_349 : vector<9x256xi32> to vector<9x256xf32>
    %dot_general3A_351 = arith.constant dense<0.000000e+00> : vector<256x128xf32>
    %dot_general3A_352 = tpu.matmul %convert_element_type3A_350, %dot_general3A_67, %dot_general3A_351 {dimension_numbers = #tpu.dot_dimension_numbers<[0], [0], [1], [1], [0, 1, 1, 1], [], []>, transpose_lhs_hint = false} : vector<9x256xf32>, vector<9x128xf32>, vector<256x128xf32> -> vector<256x128xf32>
    %add3A_353 = arith.addf %dot_general3A_343, %dot_general3A_352 : vector<256x128xf32>
    %slice3A_354 = vector.extract_strided_slice %get3A_94 {offsets = [3, 0], sizes = [1, 256], strides = [1, 1]} : vector<10x256xi32> to vector<1x256xi32>
    %broadcast_in_dim3A_355 = vector.shape_cast %slice3A_354 : vector<1x256xi32> to vector<1x256xi32>
    %broadcast_in_dim3A_356 = vector.broadcast %broadcast_in_dim3A_355 : vector<1x256xi32> to vector<4x256xi32>
    %iota3A_357 = tpu.iota {dimensions = array<i32: 0>} : vector<4x256xi32>
    %eq3A_358 = arith.cmpi eq, %broadcast_in_dim3A_356, %iota3A_357 : vector<4x256xi32>
    %convert_element_type3A_359 = arith.extui %eq3A_358 : vector<4x256xi1> to vector<4x256xi32>
    %convert_element_type3A_360 = arith.sitofp %convert_element_type3A_359 : vector<4x256xi32> to vector<4x256xf32>
    %dot_general3A_361 = arith.constant dense<0.000000e+00> : vector<256x128xf32>
    %dot_general3A_362 = tpu.matmul %convert_element_type3A_360, %dot_general3A_73, %dot_general3A_361 {dimension_numbers = #tpu.dot_dimension_numbers<[0], [0], [1], [1], [0, 1, 1, 1], [], []>, transpose_lhs_hint = false} : vector<4x256xf32>, vector<4x128xf32>, vector<256x128xf32> -> vector<256x128xf32>
    %add3A_363 = arith.addf %add3A_353, %dot_general3A_362 : vector<256x128xf32>
    %slice3A_364 = vector.extract_strided_slice %get3A_97 {offsets = [3, 0], sizes = [1, 256], strides = [1, 1]} : vector<10x256xi32> to vector<1x256xi32>
    %broadcast_in_dim3A_365 = vector.shape_cast %slice3A_364 : vector<1x256xi32> to vector<1x256xi32>
    %broadcast_in_dim3A_366 = vector.broadcast %broadcast_in_dim3A_365 : vector<1x256xi32> to vector<3x256xi32>
    %iota3A_367 = tpu.iota {dimensions = array<i32: 0>} : vector<3x256xi32>
    %eq3A_368 = arith.cmpi eq, %broadcast_in_dim3A_366, %iota3A_367 : vector<3x256xi32>
    %convert_element_type3A_369 = arith.extui %eq3A_368 : vector<3x256xi1> to vector<3x256xi32>
    %convert_element_type3A_370 = arith.sitofp %convert_element_type3A_369 : vector<3x256xi32> to vector<3x256xf32>
    %dot_general3A_371 = arith.constant dense<0.000000e+00> : vector<256x128xf32>
    %dot_general3A_372 = tpu.matmul %convert_element_type3A_370, %dot_general3A_79, %dot_general3A_371 {dimension_numbers = #tpu.dot_dimension_numbers<[0], [0], [1], [1], [0, 1, 1, 1], [], []>, transpose_lhs_hint = false} : vector<3x256xf32>, vector<3x128xf32>, vector<256x128xf32> -> vector<256x128xf32>
    %add3A_373 = arith.addf %add3A_363, %dot_general3A_372 : vector<256x128xf32>
    %slice3A_374 = vector.extract_strided_slice %get3A_100 {offsets = [3, 0], sizes = [1, 256], strides = [1, 1]} : vector<10x256xi32> to vector<1x256xi32>
    %broadcast_in_dim3A_375 = vector.shape_cast %slice3A_374 : vector<1x256xi32> to vector<1x256xi32>
    %broadcast_in_dim3A_376 = vector.broadcast %broadcast_in_dim3A_375 : vector<1x256xi32> to vector<3x256xi32>
    %iota3A_377 = tpu.iota {dimensions = array<i32: 0>} : vector<3x256xi32>
    %eq3A_378 = arith.cmpi eq, %broadcast_in_dim3A_376, %iota3A_377 : vector<3x256xi32>
    %convert_element_type3A_379 = arith.extui %eq3A_378 : vector<3x256xi1> to vector<3x256xi32>
    %convert_element_type3A_380 = arith.sitofp %convert_element_type3A_379 : vector<3x256xi32> to vector<3x256xf32>
    %dot_general3A_381 = arith.constant dense<0.000000e+00> : vector<256x128xf32>
    %dot_general3A_382 = tpu.matmul %convert_element_type3A_380, %dot_general3A_85, %dot_general3A_381 {dimension_numbers = #tpu.dot_dimension_numbers<[0], [0], [1], [1], [0, 1, 1, 1], [], []>, transpose_lhs_hint = false} : vector<3x256xf32>, vector<3x128xf32>, vector<256x128xf32> -> vector<256x128xf32>
    %add3A_383 = arith.addf %add3A_373, %dot_general3A_382 : vector<256x128xf32>
    %slice3A_384 = vector.extract_strided_slice %get3A_1 {offsets = [3, 0], sizes = [1, 256], strides = [1, 1]} : vector<60x256xi32> to vector<1x256xi32>
    %broadcast_in_dim3A_385 = vector.shape_cast %slice3A_384 : vector<1x256xi32> to vector<1x256xi32>
    %broadcast_in_dim3A_386 = vector.broadcast %broadcast_in_dim3A_385 : vector<1x256xi32> to vector<3x256xi32>
    %iota3A_387 = tpu.iota {dimensions = array<i32: 0>} : vector<3x256xi32>
    %eq3A_388 = arith.cmpi eq, %broadcast_in_dim3A_386, %iota3A_387 : vector<3x256xi32>
    %convert_element_type3A_389 = arith.extui %eq3A_388 : vector<3x256xi1> to vector<3x256xi32>
    %convert_element_type3A_390 = arith.sitofp %convert_element_type3A_389 : vector<3x256xi32> to vector<3x256xf32>
    %dot_general3A_391 = arith.constant dense<0.000000e+00> : vector<256x128xf32>
    %dot_general3A_392 = tpu.matmul %convert_element_type3A_390, %get3A_16, %dot_general3A_391 {dimension_numbers = #tpu.dot_dimension_numbers<[0], [0], [1], [1], [0, 1, 1, 1], [], []>, transpose_lhs_hint = false} : vector<3x256xf32>, vector<3x128xf32>, vector<256x128xf32> -> vector<256x128xf32>
    %add3A_393 = arith.addf %add3A_383, %dot_general3A_392 : vector<256x128xf32>
    %reduce_sum3A_394 = arith.constant dense<0.000000e+00> : vector<256xf32>
    %reduce_sum3A_395 = vector.multi_reduction <add>, %add3A_393, %reduce_sum3A_394 [1] : vector<256x128xf32> to vector<256xf32>
    %broadcast_in_dim3A_396 = vector.shape_cast %reduce_sum3A_395 : vector<256xf32> to vector<256x1xf32>
    %div3A_397 = arith.constant 1.280000e+02 : f32
    %div3A_398 = vector.broadcast %div3A_397 : f32 to vector<256x1xf32>
    %div3A_399 = arith.divf %broadcast_in_dim3A_396, %div3A_398 : vector<256x1xf32>
    %sub3A_400 = vector.broadcast %div3A_399 : vector<256x1xf32> to vector<256x128xf32>
    %sub3A_401 = arith.subf %add3A_393, %sub3A_400 : vector<256x128xf32>
    %mul3A_402 = arith.mulf %sub3A_401, %sub3A_401 : vector<256x128xf32>
    %reduce_sum3A_403 = arith.constant dense<0.000000e+00> : vector<256xf32>
    %reduce_sum3A_404 = vector.multi_reduction <add>, %mul3A_402, %reduce_sum3A_403 [1] : vector<256x128xf32> to vector<256xf32>
    %broadcast_in_dim3A_405 = vector.shape_cast %reduce_sum3A_404 : vector<256xf32> to vector<256x1xf32>
    %div3A_406 = arith.constant 1.280000e+02 : f32
    %div3A_407 = vector.broadcast %div3A_406 : f32 to vector<256x1xf32>
    %div3A_408 = arith.divf %broadcast_in_dim3A_405, %div3A_407 : vector<256x1xf32>
    %add3A_409 = arith.constant 9.99999996E-13 : f32
    %add3A_410 = vector.broadcast %add3A_409 : f32 to vector<256x1xf32>
    %add3A_411 = arith.addf %div3A_408, %add3A_410 : vector<256x1xf32>
    %rsqrt3A_412 = math.rsqrt %add3A_411 : vector<256x1xf32>
    %mul3A_413 = vector.broadcast %rsqrt3A_412 : vector<256x1xf32> to vector<256x128xf32>
    %mul3A_414 = arith.mulf %sub3A_401, %mul3A_413 : vector<256x128xf32>
    %swap3A_415 = arith.constant 3 : index
    %swap3A_416 = arith.constant 0 : index
    %swap3A_417 = arith.constant 0 : index
    %swap3A_418 = vector.load %arg17[%swap3A_415, %swap3A_416, %swap3A_417] : memref<30x256x128xf32, #tpu.memory_space<vmem>>, vector<1x256x128xf32>
    %swap3A_419 = vector.shape_cast %swap3A_418 : vector<1x256x128xf32> to vector<256x128xf32>
    %swap3A_420 = vector.shape_cast %mul3A_414 : vector<256x128xf32> to vector<1x256x128xf32>
    tpu.vector_store %arg17[%swap3A_415, %swap3A_416, %swap3A_417], %swap3A_420 {strides = array<i32>} : memref<30x256x128xf32, #tpu.memory_space<vmem>>, vector<1x256x128xf32>,
    %slice3A_421 = vector.extract_strided_slice %get3A_88 {offsets = [24, 0], sizes = [6, 256], strides = [1, 1]} : vector<60x256xf32> to vector<6x256xf32>
    %dot_general3A_422 = arith.constant dense<0.000000e+00> : vector<256x128xf32>
    %dot_general3A_423 = tpu.matmul %slice3A_421, %dot_general3A_61, %dot_general3A_422 {dimension_numbers = #tpu.dot_dimension_numbers<[0], [0], [1], [1], [0, 1, 1, 1], [], []>, transpose_lhs_hint = false} : vector<6x256xf32>, vector<6x128xf32>, vector<256x128xf32> -> vector<256x128xf32>
    %slice3A_424 = vector.extract_strided_slice %get3A_91 {offsets = [4, 0], sizes = [1, 256], strides = [1, 1]} : vector<10x256xi32> to vector<1x256xi32>
    %broadcast_in_dim3A_425 = vector.shape_cast %slice3A_424 : vector<1x256xi32> to vector<1x256xi32>
    %broadcast_in_dim3A_426 = vector.broadcast %broadcast_in_dim3A_425 : vector<1x256xi32> to vector<9x256xi32>
    %iota3A_427 = tpu.iota {dimensions = array<i32: 0>} : vector<9x256xi32>
    %eq3A_428 = arith.cmpi eq, %broadcast_in_dim3A_426, %iota3A_427 : vector<9x256xi32>
    %convert_element_type3A_429 = arith.extui %eq3A_428 : vector<9x256xi1> to vector<9x256xi32>
    %convert_element_type3A_430 = arith.sitofp %convert_element_type3A_429 : vector<9x256xi32> to vector<9x256xf32>
    %dot_general3A_431 = arith.constant dense<0.000000e+00> : vector<256x128xf32>
    %dot_general3A_432 = tpu.matmul %convert_element_type3A_430, %dot_general3A_67, %dot_general3A_431 {dimension_numbers = #tpu.dot_dimension_numbers<[0], [0], [1], [1], [0, 1, 1, 1], [], []>, transpose_lhs_hint = false} : vector<9x256xf32>, vector<9x128xf32>, vector<256x128xf32> -> vector<256x128xf32>
    %add3A_433 = arith.addf %dot_general3A_423, %dot_general3A_432 : vector<256x128xf32>
    %slice3A_434 = vector.extract_strided_slice %get3A_94 {offsets = [4, 0], sizes = [1, 256], strides = [1, 1]} : vector<10x256xi32> to vector<1x256xi32>
    %broadcast_in_dim3A_435 = vector.shape_cast %slice3A_434 : vector<1x256xi32> to vector<1x256xi32>
    %broadcast_in_dim3A_436 = vector.broadcast %broadcast_in_dim3A_435 : vector<1x256xi32> to vector<4x256xi32>
    %iota3A_437 = tpu.iota {dimensions = array<i32: 0>} : vector<4x256xi32>
    %eq3A_438 = arith.cmpi eq, %broadcast_in_dim3A_436, %iota3A_437 : vector<4x256xi32>
    %convert_element_type3A_439 = arith.extui %eq3A_438 : vector<4x256xi1> to vector<4x256xi32>
    %convert_element_type3A_440 = arith.sitofp %convert_element_type3A_439 : vector<4x256xi32> to vector<4x256xf32>
    %dot_general3A_441 = arith.constant dense<0.000000e+00> : vector<256x128xf32>
    %dot_general3A_442 = tpu.matmul %convert_element_type3A_440, %dot_general3A_73, %dot_general3A_441 {dimension_numbers = #tpu.dot_dimension_numbers<[0], [0], [1], [1], [0, 1, 1, 1], [], []>, transpose_lhs_hint = false} : vector<4x256xf32>, vector<4x128xf32>, vector<256x128xf32> -> vector<256x128xf32>
    %add3A_443 = arith.addf %add3A_433, %dot_general3A_442 : vector<256x128xf32>
    %slice3A_444 = vector.extract_strided_slice %get3A_97 {offsets = [4, 0], sizes = [1, 256], strides = [1, 1]} : vector<10x256xi32> to vector<1x256xi32>
    %broadcast_in_dim3A_445 = vector.shape_cast %slice3A_444 : vector<1x256xi32> to vector<1x256xi32>
    %broadcast_in_dim3A_446 = vector.broadcast %broadcast_in_dim3A_445 : vector<1x256xi32> to vector<3x256xi32>
    %iota3A_447 = tpu.iota {dimensions = array<i32: 0>} : vector<3x256xi32>
    %eq3A_448 = arith.cmpi eq, %broadcast_in_dim3A_446, %iota3A_447 : vector<3x256xi32>
    %convert_element_type3A_449 = arith.extui %eq3A_448 : vector<3x256xi1> to vector<3x256xi32>
    %convert_element_type3A_450 = arith.sitofp %convert_element_type3A_449 : vector<3x256xi32> to vector<3x256xf32>
    %dot_general3A_451 = arith.constant dense<0.000000e+00> : vector<256x128xf32>
    %dot_general3A_452 = tpu.matmul %convert_element_type3A_450, %dot_general3A_79, %dot_general3A_451 {dimension_numbers = #tpu.dot_dimension_numbers<[0], [0], [1], [1], [0, 1, 1, 1], [], []>, transpose_lhs_hint = false} : vector<3x256xf32>, vector<3x128xf32>, vector<256x128xf32> -> vector<256x128xf32>
    %add3A_453 = arith.addf %add3A_443, %dot_general3A_452 : vector<256x128xf32>
    %slice3A_454 = vector.extract_strided_slice %get3A_100 {offsets = [4, 0], sizes = [1, 256], strides = [1, 1]} : vector<10x256xi32> to vector<1x256xi32>
    %broadcast_in_dim3A_455 = vector.shape_cast %slice3A_454 : vector<1x256xi32> to vector<1x256xi32>
    %broadcast_in_dim3A_456 = vector.broadcast %broadcast_in_dim3A_455 : vector<1x256xi32> to vector<3x256xi32>
    %iota3A_457 = tpu.iota {dimensions = array<i32: 0>} : vector<3x256xi32>
    %eq3A_458 = arith.cmpi eq, %broadcast_in_dim3A_456, %iota3A_457 : vector<3x256xi32>
    %convert_element_type3A_459 = arith.extui %eq3A_458 : vector<3x256xi1> to vector<3x256xi32>
    %convert_element_type3A_460 = arith.sitofp %convert_element_type3A_459 : vector<3x256xi32> to vector<3x256xf32>
    %dot_general3A_461 = arith.constant dense<0.000000e+00> : vector<256x128xf32>
    %dot_general3A_462 = tpu.matmul %convert_element_type3A_460, %dot_general3A_85, %dot_general3A_461 {dimension_numbers = #tpu.dot_dimension_numbers<[0], [0], [1], [1], [0, 1, 1, 1], [], []>, transpose_lhs_hint = false} : vector<3x256xf32>, vector<3x128xf32>, vector<256x128xf32> -> vector<256x128xf32>
    %add3A_463 = arith.addf %add3A_453, %dot_general3A_462 : vector<256x128xf32>
    %slice3A_464 = vector.extract_strided_slice %get3A_1 {offsets = [4, 0], sizes = [1, 256], strides = [1, 1]} : vector<60x256xi32> to vector<1x256xi32>
    %broadcast_in_dim3A_465 = vector.shape_cast %slice3A_464 : vector<1x256xi32> to vector<1x256xi32>
    %broadcast_in_dim3A_466 = vector.broadcast %broadcast_in_dim3A_465 : vector<1x256xi32> to vector<3x256xi32>
    %iota3A_467 = tpu.iota {dimensions = array<i32: 0>} : vector<3x256xi32>
    %eq3A_468 = arith.cmpi eq, %broadcast_in_dim3A_466, %iota3A_467 : vector<3x256xi32>
    %convert_element_type3A_469 = arith.extui %eq3A_468 : vector<3x256xi1> to vector<3x256xi32>
    %convert_element_type3A_470 = arith.sitofp %convert_element_type3A_469 : vector<3x256xi32> to vector<3x256xf32>
    %dot_general3A_471 = arith.constant dense<0.000000e+00> : vector<256x128xf32>
    %dot_general3A_472 = tpu.matmul %convert_element_type3A_470, %get3A_16, %dot_general3A_471 {dimension_numbers = #tpu.dot_dimension_numbers<[0], [0], [1], [1], [0, 1, 1, 1], [], []>, transpose_lhs_hint = false} : vector<3x256xf32>, vector<3x128xf32>, vector<256x128xf32> -> vector<256x128xf32>
    %add3A_473 = arith.addf %add3A_463, %dot_general3A_472 : vector<256x128xf32>
    %reduce_sum3A_474 = arith.constant dense<0.000000e+00> : vector<256xf32>
    %reduce_sum3A_475 = vector.multi_reduction <add>, %add3A_473, %reduce_sum3A_474 [1] : vector<256x128xf32> to vector<256xf32>
    %broadcast_in_dim3A_476 = vector.shape_cast %reduce_sum3A_475 : vector<256xf32> to vector<256x1xf32>
    %div3A_477 = arith.constant 1.280000e+02 : f32
    %div3A_478 = vector.broadcast %div3A_477 : f32 to vector<256x1xf32>
    %div3A_479 = arith.divf %broadcast_in_dim3A_476, %div3A_478 : vector<256x1xf32>
    %sub3A_480 = vector.broadcast %div3A_479 : vector<256x1xf32> to vector<256x128xf32>
    %sub3A_481 = arith.subf %add3A_473, %sub3A_480 : vector<256x128xf32>
    %mul3A_482 = arith.mulf %sub3A_481, %sub3A_481 : vector<256x128xf32>
    %reduce_sum3A_483 = arith.constant dense<0.000000e+00> : vector<256xf32>
    %reduce_sum3A_484 = vector.multi_reduction <add>, %mul3A_482, %reduce_sum3A_483 [1] : vector<256x128xf32> to vector<256xf32>
    %broadcast_in_dim3A_485 = vector.shape_cast %reduce_sum3A_484 : vector<256xf32> to vector<256x1xf32>
    %div3A_486 = arith.constant 1.280000e+02 : f32
    %div3A_487 = vector.broadcast %div3A_486 : f32 to vector<256x1xf32>
    %div3A_488 = arith.divf %broadcast_in_dim3A_485, %div3A_487 : vector<256x1xf32>
    %add3A_489 = arith.constant 9.99999996E-13 : f32
    %add3A_490 = vector.broadcast %add3A_489 : f32 to vector<256x1xf32>
    %add3A_491 = arith.addf %div3A_488, %add3A_490 : vector<256x1xf32>
    %rsqrt3A_492 = math.rsqrt %add3A_491 : vector<256x1xf32>
    %mul3A_493 = vector.broadcast %rsqrt3A_492 : vector<256x1xf32> to vector<256x128xf32>
    %mul3A_494 = arith.mulf %sub3A_481, %mul3A_493 : vector<256x128xf32>
    %swap3A_495 = arith.constant 4 : index
    %swap3A_496 = arith.constant 0 : index
    %swap3A_497 = arith.constant 0 : index
    %swap3A_498 = vector.load %arg17[%swap3A_495, %swap3A_496, %swap3A_497] : memref<30x256x128xf32, #tpu.memory_space<vmem>>, vector<1x256x128xf32>
    %swap3A_499 = vector.shape_cast %swap3A_498 : vector<1x256x128xf32> to vector<256x128xf32>
    %swap3A_500 = vector.shape_cast %mul3A_494 : vector<256x128xf32> to vector<1x256x128xf32>
    tpu.vector_store %arg17[%swap3A_495, %swap3A_496, %swap3A_497], %swap3A_500 {strides = array<i32>} : memref<30x256x128xf32, #tpu.memory_space<vmem>>, vector<1x256x128xf32>,
    %slice3A_501 = vector.extract_strided_slice %get3A_88 {offsets = [30, 0], sizes = [6, 256], strides = [1, 1]} : vector<60x256xf32> to vector<6x256xf32>
    %dot_general3A_502 = arith.constant dense<0.000000e+00> : vector<256x128xf32>
    %dot_general3A_503 = tpu.matmul %slice3A_501, %dot_general3A_61, %dot_general3A_502 {dimension_numbers = #tpu.dot_dimension_numbers<[0], [0], [1], [1], [0, 1, 1, 1], [], []>, transpose_lhs_hint = false} : vector<6x256xf32>, vector<6x128xf32>, vector<256x128xf32> -> vector<256x128xf32>
    %slice3A_504 = vector.extract_strided_slice %get3A_91 {offsets = [5, 0], sizes = [1, 256], strides = [1, 1]} : vector<10x256xi32> to vector<1x256xi32>
    %broadcast_in_dim3A_505 = vector.shape_cast %slice3A_504 : vector<1x256xi32> to vector<1x256xi32>
    %broadcast_in_dim3A_506 = vector.broadcast %broadcast_in_dim3A_505 : vector<1x256xi32> to vector<9x256xi32>
    %iota3A_507 = tpu.iota {dimensions = array<i32: 0>} : vector<9x256xi32>
    %eq3A_508 = arith.cmpi eq, %broadcast_in_dim3A_506, %iota3A_507 : vector<9x256xi32>
    %convert_element_type3A_509 = arith.extui %eq3A_508 : vector<9x256xi1> to vector<9x256xi32>
    %convert_element_type3A_510 = arith.sitofp %convert_element_type3A_509 : vector<9x256xi32> to vector<9x256xf32>
    %dot_general3A_511 = arith.constant dense<0.000000e+00> : vector<256x128xf32>
    %dot_general3A_512 = tpu.matmul %convert_element_type3A_510, %dot_general3A_67, %dot_general3A_511 {dimension_numbers = #tpu.dot_dimension_numbers<[0], [0], [1], [1], [0, 1, 1, 1], [], []>, transpose_lhs_hint = false} : vector<9x256xf32>, vector<9x128xf32>, vector<256x128xf32> -> vector<256x128xf32>
    %add3A_513 = arith.addf %dot_general3A_503, %dot_general3A_512 : vector<256x128xf32>
    %slice3A_514 = vector.extract_strided_slice %get3A_94 {offsets = [5, 0], sizes = [1, 256], strides = [1, 1]} : vector<10x256xi32> to vector<1x256xi32>
    %broadcast_in_dim3A_515 = vector.shape_cast %slice3A_514 : vector<1x256xi32> to vector<1x256xi32>
    %broadcast_in_dim3A_516 = vector.broadcast %broadcast_in_dim3A_515 : vector<1x256xi32> to vector<4x256xi32>
    %iota3A_517 = tpu.iota {dimensions = array<i32: 0>} : vector<4x256xi32>
    %eq3A_518 = arith.cmpi eq, %broadcast_in_dim3A_516, %iota3A_517 : vector<4x256xi32>
    %convert_element_type3A_519 = arith.extui %eq3A_518 : vector<4x256xi1> to vector<4x256xi32>
    %convert_element_type3A_520 = arith.sitofp %convert_element_type3A_519 : vector<4x256xi32> to vector<4x256xf32>
    %dot_general3A_521 = arith.constant dense<0.000000e+00> : vector<256x128xf32>
    %dot_general3A_522 = tpu.matmul %convert_element_type3A_520, %dot_general3A_73, %dot_general3A_521 {dimension_numbers = #tpu.dot_dimension_numbers<[0], [0], [1], [1], [0, 1, 1, 1], [], []>, transpose_lhs_hint = false} : vector<4x256xf32>, vector<4x128xf32>, vector<256x128xf32> -> vector<256x128xf32>
    %add3A_523 = arith.addf %add3A_513, %dot_general3A_522 : vector<256x128xf32>
    %slice3A_524 = vector.extract_strided_slice %get3A_97 {offsets = [5, 0], sizes = [1, 256], strides = [1, 1]} : vector<10x256xi32> to vector<1x256xi32>
    %broadcast_in_dim3A_525 = vector.shape_cast %slice3A_524 : vector<1x256xi32> to vector<1x256xi32>
    %broadcast_in_dim3A_526 = vector.broadcast %broadcast_in_dim3A_525 : vector<1x256xi32> to vector<3x256xi32>
    %iota3A_527 = tpu.iota {dimensions = array<i32: 0>} : vector<3x256xi32>
    %eq3A_528 = arith.cmpi eq, %broadcast_in_dim3A_526, %iota3A_527 : vector<3x256xi32>
    %convert_element_type3A_529 = arith.extui %eq3A_528 : vector<3x256xi1> to vector<3x256xi32>
    %convert_element_type3A_530 = arith.sitofp %convert_element_type3A_529 : vector<3x256xi32> to vector<3x256xf32>
    %dot_general3A_531 = arith.constant dense<0.000000e+00> : vector<256x128xf32>
    %dot_general3A_532 = tpu.matmul %convert_element_type3A_530, %dot_general3A_79, %dot_general3A_531 {dimension_numbers = #tpu.dot_dimension_numbers<[0], [0], [1], [1], [0, 1, 1, 1], [], []>, transpose_lhs_hint = false} : vector<3x256xf32>, vector<3x128xf32>, vector<256x128xf32> -> vector<256x128xf32>
    %add3A_533 = arith.addf %add3A_523, %dot_general3A_532 : vector<256x128xf32>
    %slice3A_534 = vector.extract_strided_slice %get3A_100 {offsets = [5, 0], sizes = [1, 256], strides = [1, 1]} : vector<10x256xi32> to vector<1x256xi32>
    %broadcast_in_dim3A_535 = vector.shape_cast %slice3A_534 : vector<1x256xi32> to vector<1x256xi32>
    %broadcast_in_dim3A_536 = vector.broadcast %broadcast_in_dim3A_535 : vector<1x256xi32> to vector<3x256xi32>
    %iota3A_537 = tpu.iota {dimensions = array<i32: 0>} : vector<3x256xi32>
    %eq3A_538 = arith.cmpi eq, %broadcast_in_dim3A_536, %iota3A_537 : vector<3x256xi32>
    %convert_element_type3A_539 = arith.extui %eq3A_538 : vector<3x256xi1> to vector<3x256xi32>
    %convert_element_type3A_540 = arith.sitofp %convert_element_type3A_539 : vector<3x256xi32> to vector<3x256xf32>
    %dot_general3A_541 = arith.constant dense<0.000000e+00> : vector<256x128xf32>
    %dot_general3A_542 = tpu.matmul %convert_element_type3A_540, %dot_general3A_85, %dot_general3A_541 {dimension_numbers = #tpu.dot_dimension_numbers<[0], [0], [1], [1], [0, 1, 1, 1], [], []>, transpose_lhs_hint = false} : vector<3x256xf32>, vector<3x128xf32>, vector<256x128xf32> -> vector<256x128xf32>
    %add3A_543 = arith.addf %add3A_533, %dot_general3A_542 : vector<256x128xf32>
    %slice3A_544 = vector.extract_strided_slice %get3A_1 {offsets = [5, 0], sizes = [1, 256], strides = [1, 1]} : vector<60x256xi32> to vector<1x256xi32>
    %broadcast_in_dim3A_545 = vector.shape_cast %slice3A_544 : vector<1x256xi32> to vector<1x256xi32>
    %broadcast_in_dim3A_546 = vector.broadcast %broadcast_in_dim3A_545 : vector<1x256xi32> to vector<3x256xi32>
    %iota3A_547 = tpu.iota {dimensions = array<i32: 0>} : vector<3x256xi32>
    %eq3A_548 = arith.cmpi eq, %broadcast_in_dim3A_546, %iota3A_547 : vector<3x256xi32>
    %convert_element_type3A_549 = arith.extui %eq3A_548 : vector<3x256xi1> to vector<3x256xi32>
    %convert_element_type3A_550 = arith.sitofp %convert_element_type3A_549 : vector<3x256xi32> to vector<3x256xf32>
    %dot_general3A_551 = arith.constant dense<0.000000e+00> : vector<256x128xf32>
    %dot_general3A_552 = tpu.matmul %convert_element_type3A_550, %get3A_16, %dot_general3A_551 {dimension_numbers = #tpu.dot_dimension_numbers<[0], [0], [1], [1], [0, 1, 1, 1], [], []>, transpose_lhs_hint = false} : vector<3x256xf32>, vector<3x128xf32>, vector<256x128xf32> -> vector<256x128xf32>
    %add3A_553 = arith.addf %add3A_543, %dot_general3A_552 : vector<256x128xf32>
    %reduce_sum3A_554 = arith.constant dense<0.000000e+00> : vector<256xf32>
    %reduce_sum3A_555 = vector.multi_reduction <add>, %add3A_553, %reduce_sum3A_554 [1] : vector<256x128xf32> to vector<256xf32>
    %broadcast_in_dim3A_556 = vector.shape_cast %reduce_sum3A_555 : vector<256xf32> to vector<256x1xf32>
    %div3A_557 = arith.constant 1.280000e+02 : f32
    %div3A_558 = vector.broadcast %div3A_557 : f32 to vector<256x1xf32>
    %div3A_559 = arith.divf %broadcast_in_dim3A_556, %div3A_558 : vector<256x1xf32>
    %sub3A_560 = vector.broadcast %div3A_559 : vector<256x1xf32> to vector<256x128xf32>
    %sub3A_561 = arith.subf %add3A_553, %sub3A_560 : vector<256x128xf32>
    %mul3A_562 = arith.mulf %sub3A_561, %sub3A_561 : vector<256x128xf32>
    %reduce_sum3A_563 = arith.constant dense<0.000000e+00> : vector<256xf32>
    %reduce_sum3A_564 = vector.multi_reduction <add>, %mul3A_562, %reduce_sum3A_563 [1] : vector<256x128xf32> to vector<256xf32>
    %broadcast_in_dim3A_565 = vector.shape_cast %reduce_sum3A_564 : vector<256xf32> to vector<256x1xf32>
    %div3A_566 = arith.constant 1.280000e+02 : f32
    %div3A_567 = vector.broadcast %div3A_566 : f32 to vector<256x1xf32>
    %div3A_568 = arith.divf %broadcast_in_dim3A_565, %div3A_567 : vector<256x1xf32>
    %add3A_569 = arith.constant 9.99999996E-13 : f32
    %add3A_570 = vector.broadcast %add3A_569 : f32 to vector<256x1xf32>
    %add3A_571 = arith.addf %div3A_568, %add3A_570 : vector<256x1xf32>
    %rsqrt3A_572 = math.rsqrt %add3A_571 : vector<256x1xf32>
    %mul3A_573 = vector.broadcast %rsqrt3A_572 : vector<256x1xf32> to vector<256x128xf32>
    %mul3A_574 = arith.mulf %sub3A_561, %mul3A_573 : vector<256x128xf32>
    %swap3A_575 = arith.constant 5 : index
    %swap3A_576 = arith.constant 0 : index
    %swap3A_577 = arith.constant 0 : index
    %swap3A_578 = vector.load %arg17[%swap3A_575, %swap3A_576, %swap3A_577] : memref<30x256x128xf32, #tpu.memory_space<vmem>>, vector<1x256x128xf32>
    %swap3A_579 = vector.shape_cast %swap3A_578 : vector<1x256x128xf32> to vector<256x128xf32>
    %swap3A_580 = vector.shape_cast %mul3A_574 : vector<256x128xf32> to vector<1x256x128xf32>
    tpu.vector_store %arg17[%swap3A_575, %swap3A_576, %swap3A_577], %swap3A_580 {strides = array<i32>} : memref<30x256x128xf32, #tpu.memory_space<vmem>>, vector<1x256x128xf32>,
    %slice3A_581 = vector.extract_strided_slice %get3A_88 {offsets = [36, 0], sizes = [6, 256], strides = [1, 1]} : vector<60x256xf32> to vector<6x256xf32>
    %dot_general3A_582 = arith.constant dense<0.000000e+00> : vector<256x128xf32>
    %dot_general3A_583 = tpu.matmul %slice3A_581, %dot_general3A_61, %dot_general3A_582 {dimension_numbers = #tpu.dot_dimension_numbers<[0], [0], [1], [1], [0, 1, 1, 1], [], []>, transpose_lhs_hint = false} : vector<6x256xf32>, vector<6x128xf32>, vector<256x128xf32> -> vector<256x128xf32>
    %slice3A_584 = vector.extract_strided_slice %get3A_91 {offsets = [6, 0], sizes = [1, 256], strides = [1, 1]} : vector<10x256xi32> to vector<1x256xi32>
    %broadcast_in_dim3A_585 = vector.shape_cast %slice3A_584 : vector<1x256xi32> to vector<1x256xi32>
    %broadcast_in_dim3A_586 = vector.broadcast %broadcast_in_dim3A_585 : vector<1x256xi32> to vector<9x256xi32>
    %iota3A_587 = tpu.iota {dimensions = array<i32: 0>} : vector<9x256xi32>
    %eq3A_588 = arith.cmpi eq, %broadcast_in_dim3A_586, %iota3A_587 : vector<9x256xi32>
    %convert_element_type3A_589 = arith.extui %eq3A_588 : vector<9x256xi1> to vector<9x256xi32>
    %convert_element_type3A_590 = arith.sitofp %convert_element_type3A_589 : vector<9x256xi32> to vector<9x256xf32>
    %dot_general3A_591 = arith.constant dense<0.000000e+00> : vector<256x128xf32>
    %dot_general3A_592 = tpu.matmul %convert_element_type3A_590, %dot_general3A_67, %dot_general3A_591 {dimension_numbers = #tpu.dot_dimension_numbers<[0], [0], [1], [1], [0, 1, 1, 1], [], []>, transpose_lhs_hint = false} : vector<9x256xf32>, vector<9x128xf32>, vector<256x128xf32> -> vector<256x128xf32>
    %add3A_593 = arith.addf %dot_general3A_583, %dot_general3A_592 : vector<256x128xf32>
    %slice3A_594 = vector.extract_strided_slice %get3A_94 {offsets = [6, 0], sizes = [1, 256], strides = [1, 1]} : vector<10x256xi32> to vector<1x256xi32>
    %broadcast_in_dim3A_595 = vector.shape_cast %slice3A_594 : vector<1x256xi32> to vector<1x256xi32>
    %broadcast_in_dim3A_596 = vector.broadcast %broadcast_in_dim3A_595 : vector<1x256xi32> to vector<4x256xi32>
    %iota3A_597 = tpu.iota {dimensions = array<i32: 0>} : vector<4x256xi32>
    %eq3A_598 = arith.cmpi eq, %broadcast_in_dim3A_596, %iota3A_597 : vector<4x256xi32>
    %convert_element_type3A_599 = arith.extui %eq3A_598 : vector<4x256xi1> to vector<4x256xi32>
    %convert_element_type3A_600 = arith.sitofp %convert_element_type3A_599 : vector<4x256xi32> to vector<4x256xf32>
    %dot_general3A_601 = arith.constant dense<0.000000e+00> : vector<256x128xf32>
    %dot_general3A_602 = tpu.matmul %convert_element_type3A_600, %dot_general3A_73, %dot_general3A_601 {dimension_numbers = #tpu.dot_dimension_numbers<[0], [0], [1], [1], [0, 1, 1, 1], [], []>, transpose_lhs_hint = false} : vector<4x256xf32>, vector<4x128xf32>, vector<256x128xf32> -> vector<256x128xf32>
    %add3A_603 = arith.addf %add3A_593, %dot_general3A_602 : vector<256x128xf32>
    %slice3A_604 = vector.extract_strided_slice %get3A_97 {offsets = [6, 0], sizes = [1, 256], strides = [1, 1]} : vector<10x256xi32> to vector<1x256xi32>
    %broadcast_in_dim3A_605 = vector.shape_cast %slice3A_604 : vector<1x256xi32> to vector<1x256xi32>
    %broadcast_in_dim3A_606 = vector.broadcast %broadcast_in_dim3A_605 : vector<1x256xi32> to vector<3x256xi32>
    %iota3A_607 = tpu.iota {dimensions = array<i32: 0>} : vector<3x256xi32>
    %eq3A_608 = arith.cmpi eq, %broadcast_in_dim3A_606, %iota3A_607 : vector<3x256xi32>
    %convert_element_type3A_609 = arith.extui %eq3A_608 : vector<3x256xi1> to vector<3x256xi32>
    %convert_element_type3A_610 = arith.sitofp %convert_element_type3A_609 : vector<3x256xi32> to vector<3x256xf32>
    %dot_general3A_611 = arith.constant dense<0.000000e+00> : vector<256x128xf32>
    %dot_general3A_612 = tpu.matmul %convert_element_type3A_610, %dot_general3A_79, %dot_general3A_611 {dimension_numbers = #tpu.dot_dimension_numbers<[0], [0], [1], [1], [0, 1, 1, 1], [], []>, transpose_lhs_hint = false} : vector<3x256xf32>, vector<3x128xf32>, vector<256x128xf32> -> vector<256x128xf32>
    %add3A_613 = arith.addf %add3A_603, %dot_general3A_612 : vector<256x128xf32>
    %slice3A_614 = vector.extract_strided_slice %get3A_100 {offsets = [6, 0], sizes = [1, 256], strides = [1, 1]} : vector<10x256xi32> to vector<1x256xi32>
    %broadcast_in_dim3A_615 = vector.shape_cast %slice3A_614 : vector<1x256xi32> to vector<1x256xi32>
    %broadcast_in_dim3A_616 = vector.broadcast %broadcast_in_dim3A_615 : vector<1x256xi32> to vector<3x256xi32>
    %iota3A_617 = tpu.iota {dimensions = array<i32: 0>} : vector<3x256xi32>
    %eq3A_618 = arith.cmpi eq, %broadcast_in_dim3A_616, %iota3A_617 : vector<3x256xi32>
    %convert_element_type3A_619 = arith.extui %eq3A_618 : vector<3x256xi1> to vector<3x256xi32>
    %convert_element_type3A_620 = arith.sitofp %convert_element_type3A_619 : vector<3x256xi32> to vector<3x256xf32>
    %dot_general3A_621 = arith.constant dense<0.000000e+00> : vector<256x128xf32>
    %dot_general3A_622 = tpu.matmul %convert_element_type3A_620, %dot_general3A_85, %dot_general3A_621 {dimension_numbers = #tpu.dot_dimension_numbers<[0], [0], [1], [1], [0, 1, 1, 1], [], []>, transpose_lhs_hint = false} : vector<3x256xf32>, vector<3x128xf32>, vector<256x128xf32> -> vector<256x128xf32>
    %add3A_623 = arith.addf %add3A_613, %dot_general3A_622 : vector<256x128xf32>
    %slice3A_624 = vector.extract_strided_slice %get3A_1 {offsets = [6, 0], sizes = [1, 256], strides = [1, 1]} : vector<60x256xi32> to vector<1x256xi32>
    %broadcast_in_dim3A_625 = vector.shape_cast %slice3A_624 : vector<1x256xi32> to vector<1x256xi32>
    %broadcast_in_dim3A_626 = vector.broadcast %broadcast_in_dim3A_625 : vector<1x256xi32> to vector<3x256xi32>
    %iota3A_627 = tpu.iota {dimensions = array<i32: 0>} : vector<3x256xi32>
    %eq3A_628 = arith.cmpi eq, %broadcast_in_dim3A_626, %iota3A_627 : vector<3x256xi32>
    %convert_element_type3A_629 = arith.extui %eq3A_628 : vector<3x256xi1> to vector<3x256xi32>
    %convert_element_type3A_630 = arith.sitofp %convert_element_type3A_629 : vector<3x256xi32> to vector<3x256xf32>
    %dot_general3A_631 = arith.constant dense<0.000000e+00> : vector<256x128xf32>
    %dot_general3A_632 = tpu.matmul %convert_element_type3A_630, %get3A_16, %dot_general3A_631 {dimension_numbers = #tpu.dot_dimension_numbers<[0], [0], [1], [1], [0, 1, 1, 1], [], []>, transpose_lhs_hint = false} : vector<3x256xf32>, vector<3x128xf32>, vector<256x128xf32> -> vector<256x128xf32>
    %add3A_633 = arith.addf %add3A_623, %dot_general3A_632 : vector<256x128xf32>
    %reduce_sum3A_634 = arith.constant dense<0.000000e+00> : vector<256xf32>
    %reduce_sum3A_635 = vector.multi_reduction <add>, %add3A_633, %reduce_sum3A_634 [1] : vector<256x128xf32> to vector<256xf32>
    %broadcast_in_dim3A_636 = vector.shape_cast %reduce_sum3A_635 : vector<256xf32> to vector<256x1xf32>
    %div3A_637 = arith.constant 1.280000e+02 : f32
    %div3A_638 = vector.broadcast %div3A_637 : f32 to vector<256x1xf32>
    %div3A_639 = arith.divf %broadcast_in_dim3A_636, %div3A_638 : vector<256x1xf32>
    %sub3A_640 = vector.broadcast %div3A_639 : vector<256x1xf32> to vector<256x128xf32>
    %sub3A_641 = arith.subf %add3A_633, %sub3A_640 : vector<256x128xf32>
    %mul3A_642 = arith.mulf %sub3A_641, %sub3A_641 : vector<256x128xf32>
    %reduce_sum3A_643 = arith.constant dense<0.000000e+00> : vector<256xf32>
    %reduce_sum3A_644 = vector.multi_reduction <add>, %mul3A_642, %reduce_sum3A_643 [1] : vector<256x128xf32> to vector<256xf32>
    %broadcast_in_dim3A_645 = vector.shape_cast %reduce_sum3A_644 : vector<256xf32> to vector<256x1xf32>
    %div3A_646 = arith.constant 1.280000e+02 : f32
    %div3A_647 = vector.broadcast %div3A_646 : f32 to vector<256x1xf32>
    %div3A_648 = arith.divf %broadcast_in_dim3A_645, %div3A_647 : vector<256x1xf32>
    %add3A_649 = arith.constant 9.99999996E-13 : f32
    %add3A_650 = vector.broadcast %add3A_649 : f32 to vector<256x1xf32>
    %add3A_651 = arith.addf %div3A_648, %add3A_650 : vector<256x1xf32>
    %rsqrt3A_652 = math.rsqrt %add3A_651 : vector<256x1xf32>
    %mul3A_653 = vector.broadcast %rsqrt3A_652 : vector<256x1xf32> to vector<256x128xf32>
    %mul3A_654 = arith.mulf %sub3A_641, %mul3A_653 : vector<256x128xf32>
    %swap3A_655 = arith.constant 6 : index
    %swap3A_656 = arith.constant 0 : index
    %swap3A_657 = arith.constant 0 : index
    %swap3A_658 = vector.load %arg17[%swap3A_655, %swap3A_656, %swap3A_657] : memref<30x256x128xf32, #tpu.memory_space<vmem>>, vector<1x256x128xf32>
    %swap3A_659 = vector.shape_cast %swap3A_658 : vector<1x256x128xf32> to vector<256x128xf32>
    %swap3A_660 = vector.shape_cast %mul3A_654 : vector<256x128xf32> to vector<1x256x128xf32>
    tpu.vector_store %arg17[%swap3A_655, %swap3A_656, %swap3A_657], %swap3A_660 {strides = array<i32>} : memref<30x256x128xf32, #tpu.memory_space<vmem>>, vector<1x256x128xf32>,
    %slice3A_661 = vector.extract_strided_slice %get3A_88 {offsets = [42, 0], sizes = [6, 256], strides = [1, 1]} : vector<60x256xf32> to vector<6x256xf32>
    %dot_general3A_662 = arith.constant dense<0.000000e+00> : vector<256x128xf32>
    %dot_general3A_663 = tpu.matmul %slice3A_661, %dot_general3A_61, %dot_general3A_662 {dimension_numbers = #tpu.dot_dimension_numbers<[0], [0], [1], [1], [0, 1, 1, 1], [], []>, transpose_lhs_hint = false} : vector<6x256xf32>, vector<6x128xf32>, vector<256x128xf32> -> vector<256x128xf32>
    %slice3A_664 = vector.extract_strided_slice %get3A_91 {offsets = [7, 0], sizes = [1, 256], strides = [1, 1]} : vector<10x256xi32> to vector<1x256xi32>
    %broadcast_in_dim3A_665 = vector.shape_cast %slice3A_664 : vector<1x256xi32> to vector<1x256xi32>
    %broadcast_in_dim3A_666 = vector.broadcast %broadcast_in_dim3A_665 : vector<1x256xi32> to vector<9x256xi32>
    %iota3A_667 = tpu.iota {dimensions = array<i32: 0>} : vector<9x256xi32>
    %eq3A_668 = arith.cmpi eq, %broadcast_in_dim3A_666, %iota3A_667 : vector<9x256xi32>
    %convert_element_type3A_669 = arith.extui %eq3A_668 : vector<9x256xi1> to vector<9x256xi32>
    %convert_element_type3A_670 = arith.sitofp %convert_element_type3A_669 : vector<9x256xi32> to vector<9x256xf32>
    %dot_general3A_671 = arith.constant dense<0.000000e+00> : vector<256x128xf32>
    %dot_general3A_672 = tpu.matmul %convert_element_type3A_670, %dot_general3A_67, %dot_general3A_671 {dimension_numbers = #tpu.dot_dimension_numbers<[0], [0], [1], [1], [0, 1, 1, 1], [], []>, transpose_lhs_hint = false} : vector<9x256xf32>, vector<9x128xf32>, vector<256x128xf32> -> vector<256x128xf32>
    %add3A_673 = arith.addf %dot_general3A_663, %dot_general3A_672 : vector<256x128xf32>
    %slice3A_674 = vector.extract_strided_slice %get3A_94 {offsets = [7, 0], sizes = [1, 256], strides = [1, 1]} : vector<10x256xi32> to vector<1x256xi32>
    %broadcast_in_dim3A_675 = vector.shape_cast %slice3A_674 : vector<1x256xi32> to vector<1x256xi32>
    %broadcast_in_dim3A_676 = vector.broadcast %broadcast_in_dim3A_675 : vector<1x256xi32> to vector<4x256xi32>
    %iota3A_677 = tpu.iota {dimensions = array<i32: 0>} : vector<4x256xi32>
    %eq3A_678 = arith.cmpi eq, %broadcast_in_dim3A_676, %iota3A_677 : vector<4x256xi32>
    %convert_element_type3A_679 = arith.extui %eq3A_678 : vector<4x256xi1> to vector<4x256xi32>
    %convert_element_type3A_680 = arith.sitofp %convert_element_type3A_679 : vector<4x256xi32> to vector<4x256xf32>
    %dot_general3A_681 = arith.constant dense<0.000000e+00> : vector<256x128xf32>
    %dot_general3A_682 = tpu.matmul %convert_element_type3A_680, %dot_general3A_73, %dot_general3A_681 {dimension_numbers = #tpu.dot_dimension_numbers<[0], [0], [1], [1], [0, 1, 1, 1], [], []>, transpose_lhs_hint = false} : vector<4x256xf32>, vector<4x128xf32>, vector<256x128xf32> -> vector<256x128xf32>
    %add3A_683 = arith.addf %add3A_673, %dot_general3A_682 : vector<256x128xf32>
    %slice3A_684 = vector.extract_strided_slice %get3A_97 {offsets = [7, 0], sizes = [1, 256], strides = [1, 1]} : vector<10x256xi32> to vector<1x256xi32>
    %broadcast_in_dim3A_685 = vector.shape_cast %slice3A_684 : vector<1x256xi32> to vector<1x256xi32>
    %broadcast_in_dim3A_686 = vector.broadcast %broadcast_in_dim3A_685 : vector<1x256xi32> to vector<3x256xi32>
    %iota3A_687 = tpu.iota {dimensions = array<i32: 0>} : vector<3x256xi32>
    %eq3A_688 = arith.cmpi eq, %broadcast_in_dim3A_686, %iota3A_687 : vector<3x256xi32>
    %convert_element_type3A_689 = arith.extui %eq3A_688 : vector<3x256xi1> to vector<3x256xi32>
    %convert_element_type3A_690 = arith.sitofp %convert_element_type3A_689 : vector<3x256xi32> to vector<3x256xf32>
    %dot_general3A_691 = arith.constant dense<0.000000e+00> : vector<256x128xf32>
    %dot_general3A_692 = tpu.matmul %convert_element_type3A_690, %dot_general3A_79, %dot_general3A_691 {dimension_numbers = #tpu.dot_dimension_numbers<[0], [0], [1], [1], [0, 1, 1, 1], [], []>, transpose_lhs_hint = false} : vector<3x256xf32>, vector<3x128xf32>, vector<256x128xf32> -> vector<256x128xf32>
    %add3A_693 = arith.addf %add3A_683, %dot_general3A_692 : vector<256x128xf32>
    %slice3A_694 = vector.extract_strided_slice %get3A_100 {offsets = [7, 0], sizes = [1, 256], strides = [1, 1]} : vector<10x256xi32> to vector<1x256xi32>
    %broadcast_in_dim3A_695 = vector.shape_cast %slice3A_694 : vector<1x256xi32> to vector<1x256xi32>
    %broadcast_in_dim3A_696 = vector.broadcast %broadcast_in_dim3A_695 : vector<1x256xi32> to vector<3x256xi32>
    %iota3A_697 = tpu.iota {dimensions = array<i32: 0>} : vector<3x256xi32>
    %eq3A_698 = arith.cmpi eq, %broadcast_in_dim3A_696, %iota3A_697 : vector<3x256xi32>
    %convert_element_type3A_699 = arith.extui %eq3A_698 : vector<3x256xi1> to vector<3x256xi32>
    %convert_element_type3A_700 = arith.sitofp %convert_element_type3A_699 : vector<3x256xi32> to vector<3x256xf32>
    %dot_general3A_701 = arith.constant dense<0.000000e+00> : vector<256x128xf32>
    %dot_general3A_702 = tpu.matmul %convert_element_type3A_700, %dot_general3A_85, %dot_general3A_701 {dimension_numbers = #tpu.dot_dimension_numbers<[0], [0], [1], [1], [0, 1, 1, 1], [], []>, transpose_lhs_hint = false} : vector<3x256xf32>, vector<3x128xf32>, vector<256x128xf32> -> vector<256x128xf32>
    %add3A_703 = arith.addf %add3A_693, %dot_general3A_702 : vector<256x128xf32>
    %slice3A_704 = vector.extract_strided_slice %get3A_1 {offsets = [7, 0], sizes = [1, 256], strides = [1, 1]} : vector<60x256xi32> to vector<1x256xi32>
    %broadcast_in_dim3A_705 = vector.shape_cast %slice3A_704 : vector<1x256xi32> to vector<1x256xi32>
    %broadcast_in_dim3A_706 = vector.broadcast %broadcast_in_dim3A_705 : vector<1x256xi32> to vector<3x256xi32>
    %iota3A_707 = tpu.iota {dimensions = array<i32: 0>} : vector<3x256xi32>
    %eq3A_708 = arith.cmpi eq, %broadcast_in_dim3A_706, %iota3A_707 : vector<3x256xi32>
    %convert_element_type3A_709 = arith.extui %eq3A_708 : vector<3x256xi1> to vector<3x256xi32>
    %convert_element_type3A_710 = arith.sitofp %convert_element_type3A_709 : vector<3x256xi32> to vector<3x256xf32>
    %dot_general3A_711 = arith.constant dense<0.000000e+00> : vector<256x128xf32>
    %dot_general3A_712 = tpu.matmul %convert_element_type3A_710, %get3A_16, %dot_general3A_711 {dimension_numbers = #tpu.dot_dimension_numbers<[0], [0], [1], [1], [0, 1, 1, 1], [], []>, transpose_lhs_hint = false} : vector<3x256xf32>, vector<3x128xf32>, vector<256x128xf32> -> vector<256x128xf32>
    %add3A_713 = arith.addf %add3A_703, %dot_general3A_712 : vector<256x128xf32>
    %reduce_sum3A_714 = arith.constant dense<0.000000e+00> : vector<256xf32>
    %reduce_sum3A_715 = vector.multi_reduction <add>, %add3A_713, %reduce_sum3A_714 [1] : vector<256x128xf32> to vector<256xf32>
    %broadcast_in_dim3A_716 = vector.shape_cast %reduce_sum3A_715 : vector<256xf32> to vector<256x1xf32>
    %div3A_717 = arith.constant 1.280000e+02 : f32
    %div3A_718 = vector.broadcast %div3A_717 : f32 to vector<256x1xf32>
    %div3A_719 = arith.divf %broadcast_in_dim3A_716, %div3A_718 : vector<256x1xf32>
    %sub3A_720 = vector.broadcast %div3A_719 : vector<256x1xf32> to vector<256x128xf32>
    %sub3A_721 = arith.subf %add3A_713, %sub3A_720 : vector<256x128xf32>
    %mul3A_722 = arith.mulf %sub3A_721, %sub3A_721 : vector<256x128xf32>
    %reduce_sum3A_723 = arith.constant dense<0.000000e+00> : vector<256xf32>
    %reduce_sum3A_724 = vector.multi_reduction <add>, %mul3A_722, %reduce_sum3A_723 [1] : vector<256x128xf32> to vector<256xf32>
    %broadcast_in_dim3A_725 = vector.shape_cast %reduce_sum3A_724 : vector<256xf32> to vector<256x1xf32>
    %div3A_726 = arith.constant 1.280000e+02 : f32
    %div3A_727 = vector.broadcast %div3A_726 : f32 to vector<256x1xf32>
    %div3A_728 = arith.divf %broadcast_in_dim3A_725, %div3A_727 : vector<256x1xf32>
    %add3A_729 = arith.constant 9.99999996E-13 : f32
    %add3A_730 = vector.broadcast %add3A_729 : f32 to vector<256x1xf32>
    %add3A_731 = arith.addf %div3A_728, %add3A_730 : vector<256x1xf32>
    %rsqrt3A_732 = math.rsqrt %add3A_731 : vector<256x1xf32>
    %mul3A_733 = vector.broadcast %rsqrt3A_732 : vector<256x1xf32> to vector<256x128xf32>
    %mul3A_734 = arith.mulf %sub3A_721, %mul3A_733 : vector<256x128xf32>
    %swap3A_735 = arith.constant 7 : index
    %swap3A_736 = arith.constant 0 : index
    %swap3A_737 = arith.constant 0 : index
    %swap3A_738 = vector.load %arg17[%swap3A_735, %swap3A_736, %swap3A_737] : memref<30x256x128xf32, #tpu.memory_space<vmem>>, vector<1x256x128xf32>
    %swap3A_739 = vector.shape_cast %swap3A_738 : vector<1x256x128xf32> to vector<256x128xf32>
    %swap3A_740 = vector.shape_cast %mul3A_734 : vector<256x128xf32> to vector<1x256x128xf32>
    tpu.vector_store %arg17[%swap3A_735, %swap3A_736, %swap3A_737], %swap3A_740 {strides = array<i32>} : memref<30x256x128xf32, #tpu.memory_space<vmem>>, vector<1x256x128xf32>,
    %slice3A_741 = vector.extract_strided_slice %get3A_88 {offsets = [48, 0], sizes = [6, 256], strides = [1, 1]} : vector<60x256xf32> to vector<6x256xf32>
    %dot_general3A_742 = arith.constant dense<0.000000e+00> : vector<256x128xf32>
    %dot_general3A_743 = tpu.matmul %slice3A_741, %dot_general3A_61, %dot_general3A_742 {dimension_numbers = #tpu.dot_dimension_numbers<[0], [0], [1], [1], [0, 1, 1, 1], [], []>, transpose_lhs_hint = false} : vector<6x256xf32>, vector<6x128xf32>, vector<256x128xf32> -> vector<256x128xf32>
    %slice3A_744 = vector.extract_strided_slice %get3A_91 {offsets = [8, 0], sizes = [1, 256], strides = [1, 1]} : vector<10x256xi32> to vector<1x256xi32>
    %broadcast_in_dim3A_745 = vector.shape_cast %slice3A_744 : vector<1x256xi32> to vector<1x256xi32>
    %broadcast_in_dim3A_746 = vector.broadcast %broadcast_in_dim3A_745 : vector<1x256xi32> to vector<9x256xi32>
    %iota3A_747 = tpu.iota {dimensions = array<i32: 0>} : vector<9x256xi32>
    %eq3A_748 = arith.cmpi eq, %broadcast_in_dim3A_746, %iota3A_747 : vector<9x256xi32>
    %convert_element_type3A_749 = arith.extui %eq3A_748 : vector<9x256xi1> to vector<9x256xi32>
    %convert_element_type3A_750 = arith.sitofp %convert_element_type3A_749 : vector<9x256xi32> to vector<9x256xf32>
    %dot_general3A_751 = arith.constant dense<0.000000e+00> : vector<256x128xf32>
    %dot_general3A_752 = tpu.matmul %convert_element_type3A_750, %dot_general3A_67, %dot_general3A_751 {dimension_numbers = #tpu.dot_dimension_numbers<[0], [0], [1], [1], [0, 1, 1, 1], [], []>, transpose_lhs_hint = false} : vector<9x256xf32>, vector<9x128xf32>, vector<256x128xf32> -> vector<256x128xf32>
    %add3A_753 = arith.addf %dot_general3A_743, %dot_general3A_752 : vector<256x128xf32>
    %slice3A_754 = vector.extract_strided_slice %get3A_94 {offsets = [8, 0], sizes = [1, 256], strides = [1, 1]} : vector<10x256xi32> to vector<1x256xi32>
    %broadcast_in_dim3A_755 = vector.shape_cast %slice3A_754 : vector<1x256xi32> to vector<1x256xi32>
    %broadcast_in_dim3A_756 = vector.broadcast %broadcast_in_dim3A_755 : vector<1x256xi32> to vector<4x256xi32>
    %iota3A_757 = tpu.iota {dimensions = array<i32: 0>} : vector<4x256xi32>
    %eq3A_758 = arith.cmpi eq, %broadcast_in_dim3A_756, %iota3A_757 : vector<4x256xi32>
    %convert_element_type3A_759 = arith.extui %eq3A_758 : vector<4x256xi1> to vector<4x256xi32>
    %convert_element_type3A_760 = arith.sitofp %convert_element_type3A_759 : vector<4x256xi32> to vector<4x256xf32>
    %dot_general3A_761 = arith.constant dense<0.000000e+00> : vector<256x128xf32>
    %dot_general3A_762 = tpu.matmul %convert_element_type3A_760, %dot_general3A_73, %dot_general3A_761 {dimension_numbers = #tpu.dot_dimension_numbers<[0], [0], [1], [1], [0, 1, 1, 1], [], []>, transpose_lhs_hint = false} : vector<4x256xf32>, vector<4x128xf32>, vector<256x128xf32> -> vector<256x128xf32>
    %add3A_763 = arith.addf %add3A_753, %dot_general3A_762 : vector<256x128xf32>
    %slice3A_764 = vector.extract_strided_slice %get3A_97 {offsets = [8, 0], sizes = [1, 256], strides = [1, 1]} : vector<10x256xi32> to vector<1x256xi32>
    %broadcast_in_dim3A_765 = vector.shape_cast %slice3A_764 : vector<1x256xi32> to vector<1x256xi32>
    %broadcast_in_dim3A_766 = vector.broadcast %broadcast_in_dim3A_765 : vector<1x256xi32> to vector<3x256xi32>
    %iota3A_767 = tpu.iota {dimensions = array<i32: 0>} : vector<3x256xi32>
    %eq3A_768 = arith.cmpi eq, %broadcast_in_dim3A_766, %iota3A_767 : vector<3x256xi32>
    %convert_element_type3A_769 = arith.extui %eq3A_768 : vector<3x256xi1> to vector<3x256xi32>
    %convert_element_type3A_770 = arith.sitofp %convert_element_type3A_769 : vector<3x256xi32> to vector<3x256xf32>
    %dot_general3A_771 = arith.constant dense<0.000000e+00> : vector<256x128xf32>
    %dot_general3A_772 = tpu.matmul %convert_element_type3A_770, %dot_general3A_79, %dot_general3A_771 {dimension_numbers = #tpu.dot_dimension_numbers<[0], [0], [1], [1], [0, 1, 1, 1], [], []>, transpose_lhs_hint = false} : vector<3x256xf32>, vector<3x128xf32>, vector<256x128xf32> -> vector<256x128xf32>
    %add3A_773 = arith.addf %add3A_763, %dot_general3A_772 : vector<256x128xf32>
    %slice3A_774 = vector.extract_strided_slice %get3A_100 {offsets = [8, 0], sizes = [1, 256], strides = [1, 1]} : vector<10x256xi32> to vector<1x256xi32>
    %broadcast_in_dim3A_775 = vector.shape_cast %slice3A_774 : vector<1x256xi32> to vector<1x256xi32>
    %broadcast_in_dim3A_776 = vector.broadcast %broadcast_in_dim3A_775 : vector<1x256xi32> to vector<3x256xi32>
    %iota3A_777 = tpu.iota {dimensions = array<i32: 0>} : vector<3x256xi32>
    %eq3A_778 = arith.cmpi eq, %broadcast_in_dim3A_776, %iota3A_777 : vector<3x256xi32>
    %convert_element_type3A_779 = arith.extui %eq3A_778 : vector<3x256xi1> to vector<3x256xi32>
    %convert_element_type3A_780 = arith.sitofp %convert_element_type3A_779 : vector<3x256xi32> to vector<3x256xf32>
    %dot_general3A_781 = arith.constant dense<0.000000e+00> : vector<256x128xf32>
    %dot_general3A_782 = tpu.matmul %convert_element_type3A_780, %dot_general3A_85, %dot_general3A_781 {dimension_numbers = #tpu.dot_dimension_numbers<[0], [0], [1], [1], [0, 1, 1, 1], [], []>, transpose_lhs_hint = false} : vector<3x256xf32>, vector<3x128xf32>, vector<256x128xf32> -> vector<256x128xf32>
    %add3A_783 = arith.addf %add3A_773, %dot_general3A_782 : vector<256x128xf32>
    %slice3A_784 = vector.extract_strided_slice %get3A_1 {offsets = [8, 0], sizes = [1, 256], strides = [1, 1]} : vector<60x256xi32> to vector<1x256xi32>
    %broadcast_in_dim3A_785 = vector.shape_cast %slice3A_784 : vector<1x256xi32> to vector<1x256xi32>
    %broadcast_in_dim3A_786 = vector.broadcast %broadcast_in_dim3A_785 : vector<1x256xi32> to vector<3x256xi32>
    %iota3A_787 = tpu.iota {dimensions = array<i32: 0>} : vector<3x256xi32>
    %eq3A_788 = arith.cmpi eq, %broadcast_in_dim3A_786, %iota3A_787 : vector<3x256xi32>
    %convert_element_type3A_789 = arith.extui %eq3A_788 : vector<3x256xi1> to vector<3x256xi32>
    %convert_element_type3A_790 = arith.sitofp %convert_element_type3A_789 : vector<3x256xi32> to vector<3x256xf32>
    %dot_general3A_791 = arith.constant dense<0.000000e+00> : vector<256x128xf32>
    %dot_general3A_792 = tpu.matmul %convert_element_type3A_790, %get3A_16, %dot_general3A_791 {dimension_numbers = #tpu.dot_dimension_numbers<[0], [0], [1], [1], [0, 1, 1, 1], [], []>, transpose_lhs_hint = false} : vector<3x256xf32>, vector<3x128xf32>, vector<256x128xf32> -> vector<256x128xf32>
    %add3A_793 = arith.addf %add3A_783, %dot_general3A_792 : vector<256x128xf32>
    %reduce_sum3A_794 = arith.constant dense<0.000000e+00> : vector<256xf32>
    %reduce_sum3A_795 = vector.multi_reduction <add>, %add3A_793, %reduce_sum3A_794 [1] : vector<256x128xf32> to vector<256xf32>
    %broadcast_in_dim3A_796 = vector.shape_cast %reduce_sum3A_795 : vector<256xf32> to vector<256x1xf32>
    %div3A_797 = arith.constant 1.280000e+02 : f32
    %div3A_798 = vector.broadcast %div3A_797 : f32 to vector<256x1xf32>
    %div3A_799 = arith.divf %broadcast_in_dim3A_796, %div3A_798 : vector<256x1xf32>
    %sub3A_800 = vector.broadcast %div3A_799 : vector<256x1xf32> to vector<256x128xf32>
    %sub3A_801 = arith.subf %add3A_793, %sub3A_800 : vector<256x128xf32>
    %mul3A_802 = arith.mulf %sub3A_801, %sub3A_801 : vector<256x128xf32>
    %reduce_sum3A_803 = arith.constant dense<0.000000e+00> : vector<256xf32>
    %reduce_sum3A_804 = vector.multi_reduction <add>, %mul3A_802, %reduce_sum3A_803 [1] : vector<256x128xf32> to vector<256xf32>
    %broadcast_in_dim3A_805 = vector.shape_cast %reduce_sum3A_804 : vector<256xf32> to vector<256x1xf32>
    %div3A_806 = arith.constant 1.280000e+02 : f32
    %div3A_807 = vector.broadcast %div3A_806 : f32 to vector<256x1xf32>
    %div3A_808 = arith.divf %broadcast_in_dim3A_805, %div3A_807 : vector<256x1xf32>
    %add3A_809 = arith.constant 9.99999996E-13 : f32
    %add3A_810 = vector.broadcast %add3A_809 : f32 to vector<256x1xf32>
    %add3A_811 = arith.addf %div3A_808, %add3A_810 : vector<256x1xf32>
    %rsqrt3A_812 = math.rsqrt %add3A_811 : vector<256x1xf32>
    %mul3A_813 = vector.broadcast %rsqrt3A_812 : vector<256x1xf32> to vector<256x128xf32>
    %mul3A_814 = arith.mulf %sub3A_801, %mul3A_813 : vector<256x128xf32>
    %swap3A_815 = arith.constant 8 : index
    %swap3A_816 = arith.constant 0 : index
    %swap3A_817 = arith.constant 0 : index
    %swap3A_818 = vector.load %arg17[%swap3A_815, %swap3A_816, %swap3A_817] : memref<30x256x128xf32, #tpu.memory_space<vmem>>, vector<1x256x128xf32>
    %swap3A_819 = vector.shape_cast %swap3A_818 : vector<1x256x128xf32> to vector<256x128xf32>
    %swap3A_820 = vector.shape_cast %mul3A_814 : vector<256x128xf32> to vector<1x256x128xf32>
    tpu.vector_store %arg17[%swap3A_815, %swap3A_816, %swap3A_817], %swap3A_820 {strides = array<i32>} : memref<30x256x128xf32, #tpu.memory_space<vmem>>, vector<1x256x128xf32>,
    %slice3A_821 = vector.extract_strided_slice %get3A_88 {offsets = [54, 0], sizes = [6, 256], strides = [1, 1]} : vector<60x256xf32> to vector<6x256xf32>
    %dot_general3A_822 = arith.constant dense<0.000000e+00> : vector<256x128xf32>
    %dot_general3A_823 = tpu.matmul %slice3A_821, %dot_general3A_61, %dot_general3A_822 {dimension_numbers = #tpu.dot_dimension_numbers<[0], [0], [1], [1], [0, 1, 1, 1], [], []>, transpose_lhs_hint = false} : vector<6x256xf32>, vector<6x128xf32>, vector<256x128xf32> -> vector<256x128xf32>
    %slice3A_824 = vector.extract_strided_slice %get3A_91 {offsets = [9, 0], sizes = [1, 256], strides = [1, 1]} : vector<10x256xi32> to vector<1x256xi32>
    %broadcast_in_dim3A_825 = vector.shape_cast %slice3A_824 : vector<1x256xi32> to vector<1x256xi32>
    %broadcast_in_dim3A_826 = vector.broadcast %broadcast_in_dim3A_825 : vector<1x256xi32> to vector<9x256xi32>
    %iota3A_827 = tpu.iota {dimensions = array<i32: 0>} : vector<9x256xi32>
    %eq3A_828 = arith.cmpi eq, %broadcast_in_dim3A_826, %iota3A_827 : vector<9x256xi32>
    %convert_element_type3A_829 = arith.extui %eq3A_828 : vector<9x256xi1> to vector<9x256xi32>
    %convert_element_type3A_830 = arith.sitofp %convert_element_type3A_829 : vector<9x256xi32> to vector<9x256xf32>
    %dot_general3A_831 = arith.constant dense<0.000000e+00> : vector<256x128xf32>
    %dot_general3A_832 = tpu.matmul %convert_element_type3A_830, %dot_general3A_67, %dot_general3A_831 {dimension_numbers = #tpu.dot_dimension_numbers<[0], [0], [1], [1], [0, 1, 1, 1], [], []>, transpose_lhs_hint = false} : vector<9x256xf32>, vector<9x128xf32>, vector<256x128xf32> -> vector<256x128xf32>
    %add3A_833 = arith.addf %dot_general3A_823, %dot_general3A_832 : vector<256x128xf32>
    %slice3A_834 = vector.extract_strided_slice %get3A_94 {offsets = [9, 0], sizes = [1, 256], strides = [1, 1]} : vector<10x256xi32> to vector<1x256xi32>
    %broadcast_in_dim3A_835 = vector.shape_cast %slice3A_834 : vector<1x256xi32> to vector<1x256xi32>
    %broadcast_in_dim3A_836 = vector.broadcast %broadcast_in_dim3A_835 : vector<1x256xi32> to vector<4x256xi32>
    %iota3A_837 = tpu.iota {dimensions = array<i32: 0>} : vector<4x256xi32>
    %eq3A_838 = arith.cmpi eq, %broadcast_in_dim3A_836, %iota3A_837 : vector<4x256xi32>
    %convert_element_type3A_839 = arith.extui %eq3A_838 : vector<4x256xi1> to vector<4x256xi32>
    %convert_element_type3A_840 = arith.sitofp %convert_element_type3A_839 : vector<4x256xi32> to vector<4x256xf32>
    %dot_general3A_841 = arith.constant dense<0.000000e+00> : vector<256x128xf32>
    %dot_general3A_842 = tpu.matmul %convert_element_type3A_840, %dot_general3A_73, %dot_general3A_841 {dimension_numbers = #tpu.dot_dimension_numbers<[0], [0], [1], [1], [0, 1, 1, 1], [], []>, transpose_lhs_hint = false} : vector<4x256xf32>, vector<4x128xf32>, vector<256x128xf32> -> vector<256x128xf32>
    %add3A_843 = arith.addf %add3A_833, %dot_general3A_842 : vector<256x128xf32>
    %slice3A_844 = vector.extract_strided_slice %get3A_97 {offsets = [9, 0], sizes = [1, 256], strides = [1, 1]} : vector<10x256xi32> to vector<1x256xi32>
    %broadcast_in_dim3A_845 = vector.shape_cast %slice3A_844 : vector<1x256xi32> to vector<1x256xi32>
    %broadcast_in_dim3A_846 = vector.broadcast %broadcast_in_dim3A_845 : vector<1x256xi32> to vector<3x256xi32>
    %iota3A_847 = tpu.iota {dimensions = array<i32: 0>} : vector<3x256xi32>
    %eq3A_848 = arith.cmpi eq, %broadcast_in_dim3A_846, %iota3A_847 : vector<3x256xi32>
    %convert_element_type3A_849 = arith.extui %eq3A_848 : vector<3x256xi1> to vector<3x256xi32>
    %convert_element_type3A_850 = arith.sitofp %convert_element_type3A_849 : vector<3x256xi32> to vector<3x256xf32>
    %dot_general3A_851 = arith.constant dense<0.000000e+00> : vector<256x128xf32>
    %dot_general3A_852 = tpu.matmul %convert_element_type3A_850, %dot_general3A_79, %dot_general3A_851 {dimension_numbers = #tpu.dot_dimension_numbers<[0], [0], [1], [1], [0, 1, 1, 1], [], []>, transpose_lhs_hint = false} : vector<3x256xf32>, vector<3x128xf32>, vector<256x128xf32> -> vector<256x128xf32>
    %add3A_853 = arith.addf %add3A_843, %dot_general3A_852 : vector<256x128xf32>
    %slice3A_854 = vector.extract_strided_slice %get3A_100 {offsets = [9, 0], sizes = [1, 256], strides = [1, 1]} : vector<10x256xi32> to vector<1x256xi32>
    %broadcast_in_dim3A_855 = vector.shape_cast %slice3A_854 : vector<1x256xi32> to vector<1x256xi32>
    %broadcast_in_dim3A_856 = vector.broadcast %broadcast_in_dim3A_855 : vector<1x256xi32> to vector<3x256xi32>
    %iota3A_857 = tpu.iota {dimensions = array<i32: 0>} : vector<3x256xi32>
    %eq3A_858 = arith.cmpi eq, %broadcast_in_dim3A_856, %iota3A_857 : vector<3x256xi32>
    %convert_element_type3A_859 = arith.extui %eq3A_858 : vector<3x256xi1> to vector<3x256xi32>
    %convert_element_type3A_860 = arith.sitofp %convert_element_type3A_859 : vector<3x256xi32> to vector<3x256xf32>
    %dot_general3A_861 = arith.constant dense<0.000000e+00> : vector<256x128xf32>
    %dot_general3A_862 = tpu.matmul %convert_element_type3A_860, %dot_general3A_85, %dot_general3A_861 {dimension_numbers = #tpu.dot_dimension_numbers<[0], [0], [1], [1], [0, 1, 1, 1], [], []>, transpose_lhs_hint = false} : vector<3x256xf32>, vector<3x128xf32>, vector<256x128xf32> -> vector<256x128xf32>
    %add3A_863 = arith.addf %add3A_853, %dot_general3A_862 : vector<256x128xf32>
    %slice3A_864 = vector.extract_strided_slice %get3A_1 {offsets = [9, 0], sizes = [1, 256], strides = [1, 1]} : vector<60x256xi32> to vector<1x256xi32>
    %broadcast_in_dim3A_865 = vector.shape_cast %slice3A_864 : vector<1x256xi32> to vector<1x256xi32>
    %broadcast_in_dim3A_866 = vector.broadcast %broadcast_in_dim3A_865 : vector<1x256xi32> to vector<3x256xi32>
    %iota3A_867 = tpu.iota {dimensions = array<i32: 0>} : vector<3x256xi32>
    %eq3A_868 = arith.cmpi eq, %broadcast_in_dim3A_866, %iota3A_867 : vector<3x256xi32>
    %convert_element_type3A_869 = arith.extui %eq3A_868 : vector<3x256xi1> to vector<3x256xi32>
    %convert_element_type3A_870 = arith.sitofp %convert_element_type3A_869 : vector<3x256xi32> to vector<3x256xf32>
    %dot_general3A_871 = arith.constant dense<0.000000e+00> : vector<256x128xf32>
    %dot_general3A_872 = tpu.matmul %convert_element_type3A_870, %get3A_16, %dot_general3A_871 {dimension_numbers = #tpu.dot_dimension_numbers<[0], [0], [1], [1], [0, 1, 1, 1], [], []>, transpose_lhs_hint = false} : vector<3x256xf32>, vector<3x128xf32>, vector<256x128xf32> -> vector<256x128xf32>
    %add3A_873 = arith.addf %add3A_863, %dot_general3A_872 : vector<256x128xf32>
    %reduce_sum3A_874 = arith.constant dense<0.000000e+00> : vector<256xf32>
    %reduce_sum3A_875 = vector.multi_reduction <add>, %add3A_873, %reduce_sum3A_874 [1] : vector<256x128xf32> to vector<256xf32>
    %broadcast_in_dim3A_876 = vector.shape_cast %reduce_sum3A_875 : vector<256xf32> to vector<256x1xf32>
    %div3A_877 = arith.constant 1.280000e+02 : f32
    %div3A_878 = vector.broadcast %div3A_877 : f32 to vector<256x1xf32>
    %div3A_879 = arith.divf %broadcast_in_dim3A_876, %div3A_878 : vector<256x1xf32>
    %sub3A_880 = vector.broadcast %div3A_879 : vector<256x1xf32> to vector<256x128xf32>
    %sub3A_881 = arith.subf %add3A_873, %sub3A_880 : vector<256x128xf32>
    %mul3A_882 = arith.mulf %sub3A_881, %sub3A_881 : vector<256x128xf32>
    %reduce_sum3A_883 = arith.constant dense<0.000000e+00> : vector<256xf32>
    %reduce_sum3A_884 = vector.multi_reduction <add>, %mul3A_882, %reduce_sum3A_883 [1] : vector<256x128xf32> to vector<256xf32>
    %broadcast_in_dim3A_885 = vector.shape_cast %reduce_sum3A_884 : vector<256xf32> to vector<256x1xf32>
    %div3A_886 = arith.constant 1.280000e+02 : f32
    %div3A_887 = vector.broadcast %div3A_886 : f32 to vector<256x1xf32>
    %div3A_888 = arith.divf %broadcast_in_dim3A_885, %div3A_887 : vector<256x1xf32>
    %add3A_889 = arith.constant 9.99999996E-13 : f32
    %add3A_890 = vector.broadcast %add3A_889 : f32 to vector<256x1xf32>
    %add3A_891 = arith.addf %div3A_888, %add3A_890 : vector<256x1xf32>
    %rsqrt3A_892 = math.rsqrt %add3A_891 : vector<256x1xf32>
    %mul3A_893 = vector.broadcast %rsqrt3A_892 : vector<256x1xf32> to vector<256x128xf32>
    %mul3A_894 = arith.mulf %sub3A_881, %mul3A_893 : vector<256x128xf32>
    %swap3A_895 = arith.constant 9 : index
    %swap3A_896 = arith.constant 0 : index
    %swap3A_897 = arith.constant 0 : index
    %swap3A_898 = vector.load %arg17[%swap3A_895, %swap3A_896, %swap3A_897] : memref<30x256x128xf32, #tpu.memory_space<vmem>>, vector<1x256x128xf32>
    %swap3A_899 = vector.shape_cast %swap3A_898 : vector<1x256x128xf32> to vector<256x128xf32>
    %swap3A_900 = vector.shape_cast %mul3A_894 : vector<256x128xf32> to vector<1x256x128xf32>
    tpu.vector_store %arg17[%swap3A_895, %swap3A_896, %swap3A_897], %swap3A_900 {strides = array<i32>} : memref<30x256x128xf32, #tpu.memory_space<vmem>>, vector<1x256x128xf32>,
    %swap3A_901 = arith.constant 10 : index
    %swap3A_902 = arith.constant 0 : index
    %swap3A_903 = arith.constant 0 : index
    %swap3A_904 = vector.load %arg17[%swap3A_901, %swap3A_902, %swap3A_903] : memref<30x256x128xf32, #tpu.memory_space<vmem>>, vector<20x256x128xf32>
    tpu.vector_store %arg17[%swap3A_901, %swap3A_902, %swap3A_903], %mul3A_53 {strides = array<i32>} : memref<30x256x128xf32, #tpu.memory_space<vmem>>, vector<20x256x128xf32>,
    return
  }
  func.func @transform_0(%arg0: i32) -> (i32, i32, i32) {
    %c0_i32 = arith.constant 0 : i32
    %c0_i32_0 = arith.constant 0 : i32
    %c0_i32_1 = arith.constant 0 : i32
    return %c0_i32, %arg0, %c0_i32_0 : i32, i32, i32
  }
  func.func @transform_1(%arg0: i32) -> (i32, i32) {
    %c0_i32 = arith.constant 0 : i32
    %c0_i32_0 = arith.constant 0 : i32
    return %c0_i32, %arg0 : i32, i32
  }
  func.func @transform_2(%arg0: i32) -> (i32, i32) {
    %c0_i32 = arith.constant 0 : i32
    %c0_i32_0 = arith.constant 0 : i32
    return %c0_i32, %arg0 : i32, i32
  }
  func.func @transform_3(%arg0: i32) -> (i32, i32) {
    %c0_i32 = arith.constant 0 : i32
    %c0_i32_0 = arith.constant 0 : i32
    return %c0_i32, %arg0 : i32, i32
  }
  func.func @transform_4(%arg0: i32) -> (i32, i32) {
    %c0_i32 = arith.constant 0 : i32
    %c0_i32_0 = arith.constant 0 : i32
    return %c0_i32, %arg0 : i32, i32
  }
  func.func @transform_5(%arg0: i32) -> (i32, i32) {
    %c0_i32 = arith.constant 0 : i32
    %c0_i32_0 = arith.constant 0 : i32
    return %c0_i32, %arg0 : i32, i32
  }
  func.func @transform_6(%arg0: i32) -> (i32, i32) {
    %c0_i32 = arith.constant 0 : i32
    %c0_i32_0 = arith.constant 0 : i32
    return %c0_i32, %arg0 : i32, i32
  }
  func.func @transform_7(%arg0: i32) -> (i32, i32) {
    %c0_i32 = arith.constant 0 : i32
    %c0_i32_0 = arith.constant 0 : i32
    return %c0_i32, %arg0 : i32, i32
  }
  func.func @transform_8(%arg0: i32) -> (i32, i32) {
    %c0_i32 = arith.constant 0 : i32
    %c0_i32_0 = arith.constant 0 : i32
    %c0_i32_1 = arith.constant 0 : i32
    return %c0_i32, %c0_i32_0 : i32, i32
  }
  func.func @transform_9(%arg0: i32) -> (i32, i32) {
    %c0_i32 = arith.constant 0 : i32
    %c0_i32_0 = arith.constant 0 : i32
    %c0_i32_1 = arith.constant 0 : i32
    return %c0_i32, %c0_i32_0 : i32, i32
  }
  func.func @transform_10(%arg0: i32) -> (i32, i32) {
    %c0_i32 = arith.constant 0 : i32
    %c0_i32_0 = arith.constant 0 : i32
    %c0_i32_1 = arith.constant 0 : i32
    return %c0_i32, %c0_i32_0 : i32, i32
  }
  func.func @transform_11(%arg0: i32) -> (i32, i32) {
    %c0_i32 = arith.constant 0 : i32
    %c0_i32_0 = arith.constant 0 : i32
    %c0_i32_1 = arith.constant 0 : i32
    return %c0_i32, %c0_i32_0 : i32, i32
  }
  func.func @transform_12(%arg0: i32) -> (i32, i32) {
    %c0_i32 = arith.constant 0 : i32
    %c0_i32_0 = arith.constant 0 : i32
    %c0_i32_1 = arith.constant 0 : i32
    return %c0_i32, %c0_i32_0 : i32, i32
  }
  func.func @transform_13(%arg0: i32) -> (i32, i32) {
    %c0_i32 = arith.constant 0 : i32
    %c0_i32_0 = arith.constant 0 : i32
    %c0_i32_1 = arith.constant 0 : i32
    return %c0_i32, %c0_i32_0 : i32, i32
  }
  func.func @transform_14(%arg0: i32) -> (i32, i32) {
    %c0_i32 = arith.constant 0 : i32
    %c0_i32_0 = arith.constant 0 : i32
    %c0_i32_1 = arith.constant 0 : i32
    return %c0_i32, %c0_i32_0 : i32, i32
  }
  func.func @transform_15(%arg0: i32) -> (i32, i32) {
    %c0_i32 = arith.constant 0 : i32
    %c0_i32_0 = arith.constant 0 : i32
    %c0_i32_1 = arith.constant 0 : i32
    return %c0_i32, %c0_i32_0 : i32, i32
  }
  func.func @transform_16(%arg0: i32) -> (i32, i32, i32) {
    %c0_i32 = arith.constant 0 : i32
    %c0_i32_0 = arith.constant 0 : i32
    %c0_i32_1 = arith.constant 0 : i32
    return %c0_i32, %arg0, %c0_i32_0 : i32, i32, i32
  }
  func.func @transform_17(%arg0: i32) -> (i32, i32) {
    %c0_i32 = arith.constant 0 : i32
    %c0_i32_0 = arith.constant 0 : i32
    return %c0_i32, %arg0 : i32, i32
  }
  func.func @transform_18(%arg0: i32) -> (i32, i32) {
    %c0_i32 = arith.constant 0 : i32
    %c0_i32_0 = arith.constant 0 : i32
    return %c0_i32, %arg0 : i32, i32
  }
}

</mosaic_0001>

<sc_bundles>
// kernel: kernel.6.cloned.1.call-start
scs
__scs_entry_jumppad:
0x0: {  	(pc) =	sbr.rel $0x88, $3  }
0x1: {  	(tag) =	ssettag $0x0;
	lr =	simm.s32 $0x1  }
0x2: {  	[smem:$0x3F90] =	sst lr;
	_ =	strace $0xD0000000  }
0x3: {  	_ = 	snop  }
0x4: {  	_ = 	snop  }
0x5: {  	_ = 	snop  }
0x6: {  	_ = 	snop  }
0x7: {  	_ = 	snop  }
__scs_overlays_trampoline_lowered:
0x8: {  	[smem:$0x3F9F] =	sst s0  }
0x9: {  	[smem:$0x3FA0] =	sst s1  }
0xa: {  	[smem:$0x3FA1] =	sst s2  }
0xb: {  	[smem:$0x3FA2] =	sst s3  }
0xc: {  	[smem:$0x3FA3] =	sst s4  }
0xd: {  	[smem:$0x3FA4] =	sst s5  }
0xe: {  	[smem:$0x3FA5] =	sst s6  }
0xf: {  	[smem:$0x3FA6] =	sst s7  }
0x10: {  	[smem:$0x3FA7] =	sst s8  }
0x11: {  	[smem:$0x3FA8] =	sst s9;
	s0 =	simm.s32 @!p0 $0x0  }
0x12: {  	s1 =	sld [smem:$0x3F8E];
	s0 =	simm.s32 @p0 $0x1  }
0x13: {  	[smem:$0x3FA9] =	sst s0;
	s0 =	simm.s32 @!p1 $0x0  }
0x14: {  	s2 =	sld [smem:$0x3F8D];
	s0 =	simm.s32 @p1 $0x1  }
0x15: {  	[smem:$0x3FAA] =	sst s0;
	s0 =	simm.s32 @!p2 $0x0  }
0x16: {  	s3 =	sld [smem:$0x3FDB];
	s0 =	simm.s32 @p2 $0x1  }
0x17: {  	s4 =	simm.s32 $0x1BF5;
	[smem:$0x3FAC] =	sst s0  }
0x18: {  	s0 =	sld [smem:$0x3F8F];
	_ =	swait.ge [sflag:s4], $0x0  }
0x19: {  	s7 =	sld [smem:$0x3F90]  }
0x1a: {  	s8 =	sadd.s32 $0xFFFFE003, lr  }
0x1b: {  	s9 =	sadd.s32 $0xFFFFFEF7, lr;
	s5 =	simm.s32 $0xFFFFFFFF;
	p2 =	slt.u32 s8, $0xFFFFF086  }
0x1c: {  	p1 =	slt.u32 s9, $0xF7A;
	s5 =	simm.s32 @!p2 $0x0  }
0x1d: {  	s5 =	simm.s32 @p1 $0x1;
	p0 =	seq.s32 s7, s2  }
0x1e: {  	s7 =	smul.u32 @!p0 $0xF7A, s2;
	p2 =	seq.s32 @!p0 s5, $0x0  }
0x1f: {  	s9 =	smul.u32 $0xF7A, s1;
	s8 =	simm.s32 @!p0 $0x1BF5;
	p2 =	por !p2, p0  }
0x20: {  	[sflag:s8] =	ssyncset.s32 @!p0 $0xFFFFF086;
	s6 =	sadd.s32 @!p0 s3, s7;
	s7 =	simm.s32 @!p0 $0x108  }
0x21: {  	s3 =	sadd.s32 s3, s9;
	s6 =	sadd.s32 @!p0 $0x88, s6;
	s7 =	simm.s32 @p2 $0x1082  }
0x22: {  	[simem:s7], [sflag:s8] =	dma.local @!p0 [hbm:s6], $0xF7A  }
0x23: {  	s9 =	sor.u32 $0xD0000000, s2;
	s6 =	simm.s32 $0x108;
	_ =	swait.ge @!p0 [sflag:s8], $0x0  }
0x24: {  	s3 =	sadd.s32 $0x88, s3;
	s6 =	simm.s32 @!p1 $0x1082;
	[sflag:s4] =	ssyncset.s32 $0xFFFFF086  }
0x25: {  	[simem:s6], [sflag:s4] =	dma.local [hbm:s3], $0xF7A  }
0x26: {  	[smem:$0x3F90] =	sst s1;
	(tag) =	ssettag s2;
	_ =	strace s9  }
0x27: {  	s1 =	sld [smem:$0x3FA0]  }
0x28: {  	s2 =	sld [smem:$0x3FA1]  }
0x29: {  	s4 =	sld [smem:$0x3FA3]  }
0x2a: {  	p0 =	seq.s32 s5, $0x0;
	s5 =	sld [smem:$0x3FA4]  }
0x2b: {  	s6 =	sld [smem:$0x3FA5]  }
0x2c: {  	s7 =	sld [smem:$0x3FA6]  }
0x2d: {  	s3 =	simm.s32 $0x108;
	s8 =	sld [smem:$0x3FA7]  }
0x2e: {  	s3 =	simm.s32 @!p0 $0x1082;
	s9 =	sld [smem:$0x3FA8]  }
0x2f: {  	lr =	sadd.s32 s0, s3;
	s0 =	sld [smem:$0x3F9F]  }
0x30: {  	s3 =	sld [smem:$0x3FA2]  }
0x31: {  	[smem:$0x3FAB] =	sst s10  }
0x32: {  	s10 =	sld [smem:$0x3FA9];
	_ =	sdelay $0x3  }
0x33: {  	p0 =	seq.s32 s10, $0x1;
	s10 =	sld [smem:$0x3FAB];
	_ =	sdelay $0x3  }
0x34: {  	[smem:$0x3FAB] =	sst s10  }
0x35: {  	s10 =	sld [smem:$0x3FAA];
	_ =	sdelay $0x3  }
0x36: {  	p1 =	seq.s32 s10, $0x1;
	s10 =	sld [smem:$0x3FAB];
	_ =	sdelay $0x3  }
0x37: {  	[smem:$0x3FAB] =	sst s10  }
0x38: {  	s10 =	sld [smem:$0x3FAC]  }
0x39: {  	_ = 	snop;
	(pc) =	sbr.ind lr, $3  }
0x3a: {  	_ = 	snop  }
0x3b: {  	_ = 	snop  }
0x3c: {  	p2 =	seq.s32 s10, $0x1;
	s10 =	sld [smem:$0x3FAB]  }
0x3d: {  	_ =	shalt  }
0x3e: {  	_ =	shalt  }
0x3f: {  	_ =	shalt  }
0x40: {  	_ =	shalt  }
0x41: {  	_ =	shalt  }
0x42: {  	_ =	shalt  }
0x43: {  	_ =	shalt  }
0x44: {  	_ =	shalt  }
0x45: {  	_ =	shalt  }
0x46: {  	_ =	shalt  }
0x47: {  	_ =	shalt  }
0x48: {  	_ =	shalt  }
0x49: {  	_ =	shalt  }
0x4a: {  	_ =	shalt  }
0x4b: {  	_ =	shalt  }
0x4c: {  	_ =	shalt  }
0x4d: {  	_ =	shalt  }
0x4e: {  	_ =	shalt  }
0x4f: {  	_ =	shalt  }
0x50: {  	_ =	shalt  }
0x51: {  	_ =	shalt  }
0x52: {  	_ =	shalt  }
0x53: {  	_ =	shalt  }
0x54: {  	_ =	shalt  }
0x55: {  	_ =	shalt  }
0x56: {  	_ =	shalt  }
0x57: {  	_ =	shalt  }
0x58: {  	_ =	shalt  }
0x59: {  	_ =	shalt  }
0x5a: {  	_ =	shalt  }
0x5b: {  	_ =	shalt  }
0x5c: {  	_ =	shalt  }
0x5d: {  	_ =	shalt  }
0x5e: {  	_ =	shalt  }
0x5f: {  	_ =	shalt  }
0x60: {  	_ =	shalt  }
0x61: {  	_ =	shalt  }
0x62: {  	_ =	shalt  }
0x63: {  	_ =	shalt  }
0x64: {  	_ =	shalt  }
0x65: {  	_ =	shalt  }
0x66: {  	_ =	shalt  }
0x67: {  	_ =	shalt  }
0x68: {  	_ =	shalt  }
0x69: {  	_ =	shalt  }
0x6a: {  	_ =	shalt  }
0x6b: {  	_ =	shalt  }
0x6c: {  	_ =	shalt  }
0x6d: {  	_ =	shalt  }
0x6e: {  	_ =	shalt  }
0x6f: {  	_ =	shalt  }
0x70: {  	_ =	shalt  }
0x71: {  	_ =	shalt  }
0x72: {  	_ =	shalt  }
0x73: {  	_ =	shalt  }
0x74: {  	_ =	shalt  }
0x75: {  	_ =	shalt  }
0x76: {  	_ =	shalt  }
0x77: {  	_ =	shalt  }
0x78: {  	_ =	shalt  }
0x79: {  	_ =	shalt  }
0x7a: {  	_ =	shalt  }
0x7b: {  	_ =	shalt  }
0x7c: {  	_ =	shalt  }
0x7d: {  	_ =	shalt  }
0x7e: {  	_ =	shalt  }
0x7f: {  	_ =	shalt  }
0x80: {  	_ =	shalt  }
0x81: {  	_ =	shalt  }
0x82: {  	_ =	shalt  }
0x83: {  	_ =	shalt  }
0x84: {  	_ =	shalt  }
0x85: {  	_ =	shalt  }
0x86: {  	_ =	shalt  }
0x87: {  	_ =	shalt  }
.Lfunc_end0:
.L_simem_size_0:
called_computation_lowered:
.L_overlay_start_0:
0x88: {  	s2 =	sld [smem:$0x3FD9]  }
0x89: {  	s3 =	sld [smem:$0x3FFE];
	_ =	sdelay $0x1  }
0x8a: {  	s1 =	srdreg.scid  }
0x8b: {  	s0 =	sand.u32 $0x1, s1  }
0x8c: {  	s14 =	sshll.u32 s0, $0xA;
	s2 =	sadd.s32 s3, s2  }
0x8d: {  	s2 =	sadd.s32 s2, s14  }
0x8e: {  	[smem:$0x3FB7] =	sst s2  }
0x8f: {  	_ = 	snop  }
0x90: {  	s2 =	sld [smem:$0x3FD0];
	_ =	sdelay $0x2  }
0x91: {  	s4 =	simm.s32 $0xB;
	s5 =	simm.s32 $0x10;
	s15 =	sld [smem:$0x3FC1]  }
0x92: {  	[smem:s5], [sflag:s4] =	dma.local [hbm:s2], $0x1  }
0x93: {  	_ =	swait.eq [sflag:s4], $0x1  }
0x94: {  	[sflag:s4] =	ssyncset.done $0x0  }
0x95: {  	[sflag:s4] =	ssyncadd.s32 $0xFFFFFFFF  }
0x96: {  	s16 =	sld [smem:$0x11];
	(tm) =	ssettm $0x1  }
0x97: {  	s17 =	sld [smem:$0x3FFB];
	_ =	sdelay $0x3  }
0x98: {  	_ =	strace s17  }
0x99: {  	s4 =	sld [smem:$0x3FFC];
	_ =	sdelay $0x3  }
0x9a: {  	_ =	strace s4  }
0x9b: {  	s4 =	sld [smem:$0x3FFD];
	_ =	sdelay $0x3  }
0x9c: {  	_ =	strace s4  }
0x9d: {  	_ =	strace $0x8FFFFFFF  }
0x9e: {  	s18 =	sld [smem:$0x3FDB];
	_ =	sdelay $0x1  }
0x9f: {  	s19 =	simm.s32 $_scs_section_size  }
0xa0: {  	s6 =	simm.s32 $_size__tile_overlayer_lowered;
	s7 =	simm.s32 $_tile_overlayer_lowered  }
0xa1: {  	s22 =	simm.s32 $0x1BFF;
	s21 =	sshll.u32 s7, $0x1;
	s4 =	sadd.s32 s19, s18  }
0xa2: {  	s8 =	simm.s32 $0x0;
	s20 =	sshll.u32 s6, $0x1;
	s6 =	sadd.s32 s21, s4  }
0xa3: {  	[timem:s8], [sflag:s22] =	dma.local [hbm:s6], s20  }
0xa4: {  	_ =	swait.ge [sflag:s22], s20  }
0xa5: {  	s5 =	ssub.s32 $0x0, s20;
	[sflag:s22] =	ssyncset.done $0x0  }
0xa6: {  	[sflag:s22] =	ssyncadd.s32 s5;
	_ =	sdelay $0x1  }
0xa7: {  	s23 =	simm.s32 $0x1B8B  }
0xa8: {  	_ =	swait.ge [sflag:s23], $0x1  }
0xa9: {  	[sflag:s23] =	ssyncset.done $0x0  }
0xaa: {  	s25 =	simm.s32 $0x1B8E;
	s24 =	sld [smem:$0x3FFE];
	[sflag:s23] =	ssyncadd.s32 $0xFFFFFFFF  }
0xab: {  	s26 =	simm.s32 $execute0_lowered;
	[smem:$0x3FD2] =	sst s25  }
0xac: {  	s6 =	sshll.u32 s26, $0x1;
	_ =	strace $0x80000046;
	[dreg:$0x1] =	wrdreg $0xFFFFFFFF  }
0xad: {  	s28 =	simm.s32 $_size_execute0_lowered;
	s4 =	sadd.s32 s4, s6;
	[dreg:$0x0] =	wrdreg $0x0  }
0xae: {  	s6 =	sshll.u32 s28, $0x1;
	[dreg:$0x2] =	wrdreg s4  }
0xaf: {  	[dreg:$0x3] =	wrdreg s6  }
0xb0: {  	[dreg:$0x4] =	wrdreg $0xC0  }
0xb1: {  	_ =	task [dreg:s8], $0x5FFFF  }
0xb2: {  	[dreg:$0x1] =	wrdreg $0xFFFFFFFF  }
0xb3: {  	[dreg:$0x0] =	wrdreg $0x60  }
0xb4: {  	[dreg:$0x2] =	wrdreg s15  }
0xb5: {  	[dreg:$0x3] =	wrdreg s16  }
0xb6: {  	[dreg:$0x4] =	wrdreg s24  }
0xb7: {  	[dreg:$0x5] =	wrdreg $0x9  }
0xb8: {  	_ =	task.clear_ibuf [dreg:s8], $0x6FFFF;
	_ =	strace $0x90000046  }
0xb9: {  	s29 =	simm.s32 $0x9;
	_ =	strace $0x80000048  }
0xba: {  	_ =	swait.ge [sflag:s29], $0x1  }
0xbb: {  	[sflag:s29] =	ssyncadd.s32 $0xFFFFFFFF  }
0xbc: {  	_ =	strace $0x90000048  }
0xbd: {  	_ =	sfence  }
0xbe: {  	s30 =	sld [smem:$0x0];
	_ =	sdelay $0x2  }
0xbf: {  	s31 =	sshll.u32 s1, $0xD;
	s1 =	sshrl.u32 s1, $0x2  }
0xc0: {  	s3 =	sand.u32 $0x4000, s31;
	s1 =	sadd.s32 s1, s30  }
0xc1: {  	s0 =	sor.u32 s3, s0;
	s1 =	sshll.u32 s1, $0x11  }
0xc2: {  	s0 =	sor.u32 s1, s0  }
0xc3: {  	s0 =	sadd.s32 $0x8F2B, s0  }
0xc4: {  	[sflag:s0] =	ssyncadd.remote.s32 $0x1  }
0xc5: {  	_ =	sfence.sel $0xFFFF  }
0xc6: {  	[dreg:$0x0] =	wrdreg $0xFFFFFFFF;
	(pc) =	sbr.abs _section_cstart, $3  }
0xc7: {  	[dreg:$0x1] =	wrdreg $0xFFFFFFFF  }
0xc8: {  	_ =	task.clear_ibuf [dreg:s8], $0x2FFFF;
	_ =	strace $0x9FFFFFFF  }
0xc9: {  	(tm) =	ssettm $0x7FFFFFFF  }
tec
execute0_lowered:
.L_overlay_start_1:
0x0: {  	(tag) =	ssettag $0x1  }
0x1: {  	s1 =	rddreg [dreg:$0x0]  }
0x2: {  	s0 =	rddreg [dreg:$0x1];
	s2 =	srdreg.scid  }
0x3: {  	s9 =	stileid.u32;
	s4 =	rddreg [dreg:$0x2];
	s3 =	simm.s32 $0x0  }
0x4: {  	s2 =	sand.u32 $0x1, s2;
	s5 =	sshll.u32 s9, $0x1;
	s30 =	smul.u32 $0x14000, s9  }
0x5: {  	s29 =	simm.s32 $0x12A00;
	s31 =	smul.u32 $0xA0000, s9;
	s5 =	sor.u32 s2, s5  }
0x6: {  	[smem:$0x7FF] =	sst s3;
	s6 =	ssub.s32 $0x2, s2;
	s7 =	smul.u32 $0xA00, s5  }
0x7: {  	s10 =	sadd.s32 $0x2A00, s4;
	s8 =	sshrl.u32 s6, $0x1;
	s5 =	smul.u32 $0x50000, s5  }
0x8: {  	_ =	strace $0x80000047;
	[dreg:$0x4] =	wrdreg s10;
	s28 =	ssub.s32 s6, s8  }
0x9: {  	s6 =	simm.s32 $0x5;
	s7 =	sshrl.u32 s7, $0x3;
	s5 =	sshrl.u32 s5, $0x3  }
0xa: {  	s4 =	smax.u32 s28, $0x1;
	s9 =	sadd.s32 s10, s5;
	s10 =	smul.u32 $0x50000, s2  }
0xb: {  	s0 =	sadd.s32 s0, s7;
	[dreg:$0x6] =	wrdreg s4;
	s2 =	smul.u32 $0xA000, s2  }
0xc: {  	s5 =	simm.s32 $0x3;
	[dreg:$0x5] =	wrdreg s0;
	s11 =	sadd.s32 $0x8400, s9  }
0xd: {  	s4 =	simm.s32 $0x7;
	s12 =	sadd.s32 $0x8C00, s9;
	[dreg:$0x7] =	wrdreg s11  }
0xe: {  	s13 =	sadd.s32 $0x9400, s9;
	s0 =	sadd.s32 $0x9C00, s9;
	[dreg:$0x8] =	wrdreg s12  }
0xf: {  	s9 =	simm.s32 $0x0;
	[dreg:$0x9] =	wrdreg s13;
	s14 =	sadd.s32 s10, s31  }
0x10: {  	[dreg:$0xa] =	wrdreg s0;
	s19 =	sadd.s32 s2, s30;
	s2 =	simm.s32 $0x2  }
0x11: {  	s10 =	simm.s32 $0x9;
	[dreg:$0xb] =	wrdreg s19;
	s20 =	sor.u32 $0x2000, s14  }
0x12: {  	s21 =	sadd.s32 $0x12000, s14;
	s22 =	sadd.s32 $0x10000, s14;
	s24 =	sor.u32 $0xE000, s14  }
0x13: {  	s25 =	sor.u32 $0xC000, s14;
	s26 =	sor.u32 $0xA000, s14;
	s28 =	sor.u32 $0x8000, s14  }
0x14: {  	s30 =	sor.u32 $0x6000, s14;
	s31 =	sor.u32 $0x4000, s14;
	s0 =	sshrl.u32 s20, $0x3  }
0x15: {  	s23 =	sshrl.u32 s22, $0x3;
	s15 =	sshrl.u32 s24, $0x3;
	s16 =	sshrl.u32 s25, $0x3  }
.Ltmp0:
0x16: {  	s17 =	sshrl.u32 s26, $0x3;
	s18 =	sshrl.u32 s28, $0x3;
	(pc) =	sbr.rel .LBB2_1-.Ltmp0, $4  }
0x17: {  	s19 =	sshrl.u32 s30, $0x3;
	s20 =	sshrl.u32 s31, $0x3;
	s22 =	simm.s32 $0x40  }
0x18: {  	s25 =	simm.s32 $0x1;
	s24 =	simm.s32 $0x13;
	[dreg:$0xc] =	wrdreg s0  }
0x19: {  	s0 =	sshrl.u32 s21, $0x3;
	[dreg:$0xe] =	wrdreg s23;
	s21 =	simm.s32 $0xA  }
0x1a: {  	s23 =	simm.s32 $0x12;
	[dreg:$0xd] =	wrdreg s0;
	s0 =	simm.s32 $0x10A00  }
.LBB2_4:
0x1b: {  	_ =	swait.ge [sflag:s21], $0x2000  }
0x1c: {  	[sflag:s21] =	ssyncset.done $0x0  }
0x1d: {  	s11 =	simm.s32 $0xB;
	s7 =	rddreg [dreg:$0xa];
	[sflag:s21] =	ssyncadd.s32 $0xFFFFE000  }
0x1e: {  	[hbm4b:s7+s3] =	stream.linear.scatter [tilespmem:s29], [sflag:$0x14], $0x2000, $0x38;
	[tilespmem:$0x14A00] =	vst v63  }
0x1f: {  	_ =	swait.ge [sflag:s11], $0x2000  }
0x20: {  	[sflag:s11] =	ssyncset.done $0x0  }
0x21: {  	s12 =	simm.s32 $0xC;
	[sflag:s11] =	ssyncadd.s32 $0xFFFFE000  }
0x22: {  	_ =	swait.ge [sflag:s12], $0x2000  }
0x23: {  	[sflag:s12] =	ssyncset.done $0x0  }
0x24: {  	s13 =	simm.s32 $0xD;
	[sflag:s12] =	ssyncadd.s32 $0xFFFFE000  }
0x25: {  	_ =	swait.ge [sflag:s13], $0x2000  }
0x26: {  	[sflag:s13] =	ssyncset.done $0x0  }
0x27: {  	s14 =	simm.s32 $0xE;
	[sflag:s13] =	ssyncadd.s32 $0xFFFFE000  }
0x28: {  	_ =	swait.ge [sflag:s14], $0x2000  }
0x29: {  	[sflag:s14] =	ssyncset.done $0x0  }
0x2a: {  	s26 =	simm.s32 $0xF;
	[sflag:s14] =	ssyncadd.s32 $0xFFFFE000  }
0x2b: {  	_ =	swait.ge [sflag:s26], $0x2000  }
0x2c: {  	[sflag:s26] =	ssyncset.done $0x0  }
0x2d: {  	s28 =	simm.s32 $0x10;
	[sflag:s26] =	ssyncadd.s32 $0xFFFFE000  }
0x2e: {  	_ =	swait.ge [sflag:s28], $0x2000  }
0x2f: {  	[sflag:s28] =	ssyncset.done $0x0  }
0x30: {  	s30 =	simm.s32 $0x11;
	[sflag:s28] =	ssyncadd.s32 $0xFFFFE000  }
0x31: {  	_ =	swait.ge [sflag:s30], $0x2000  }
0x32: {  	[sflag:s30] =	ssyncset.done $0x0  }
0x33: {  	[sflag:s30] =	ssyncadd.s32 $0xFFFFE000  }
0x34: {  	_ =	swait.ge [sflag:s23], $0x2000  }
0x35: {  	[sflag:s23] =	ssyncset.done $0x0  }
0x36: {  	[sflag:s23] =	ssyncadd.s32 $0xFFFFE000  }
0x37: {  	_ =	swait.ge [sflag:s24], $0x2000  }
0x38: {  	[sflag:s24] =	ssyncset.done $0x0  }
0x39: {  	s8 =	simm.s32 $0x14;
	[sflag:s24] =	ssyncadd.s32 $0xFFFFE000  }
0x3a: {  	_ =	swait.ge [sflag:s8], $0x2000  }
0x3b: {  	s9 =	rddreg [dreg:$0xf]  }
0x3c: {  	s31 =	rddreg [dreg:$0x6];
	s9 =	sadd.s32 $0x1, s9  }
0x3d: {  	p0 =	sne.s32 s9, s31  }
.Ltmp1:
0x3e: {  	_ = 	snop;
	(pc) =	sbr.rel @!p0 .LBB2_5-.Ltmp1, $3  }
0x3f: {  	_ =	sdelay $0x1  }
0x40: {  	[sflag:s8] =	ssyncset.done $0x0  }
0x41: {  	[sflag:s8] =	ssyncadd.s32 $0xFFFFE000  }
.LBB2_1:
0x42: {  	[dreg:$0xf] =	wrdreg s9  }
0x43: {  	s7 =	rddreg [dreg:$0x5];
	s8 =	simm.s32 $0x15  }
0x44: {  	[tilespmem:s3], [sflag:$0x15] =	stream.linear.gather [hbm4b:s7+s3], $0xA00, $0x38;
	[tilespmem:$0x14A00] =	vst v63  }
0x45: {  	_ =	swait.ge [sflag:s8], $0xA00  }
0x46: {  	[sflag:s8] =	ssyncset.done $0x0  }
0x47: {  	s9 =	simm.s32 $0xA00;
	[sflag:s8] =	ssyncadd.s32 $0xFFFFF600  }
0x48: {  	[tilespmem:s9], [sflag:$0x1] =	stream.indirect.gather [hbm4b:s1+s22], $0x80, s3, s22, $0xb8;
	[tilespmem:$0x14A00] =	vst v63  }
0x49: {  	s11 =	simm.s32 $0x2A00  }
0x4a: {  	[tilespmem:s11], [sflag:$0x2] =	stream.indirect.gather [hbm4b:s1+s22], $0x80, s22, s22, $0xb8;
	[tilespmem:$0x14A00] =	vst v63  }
0x4b: {  	s12 =	simm.s32 $0x80;
	s8 =	simm.s32 $0x4A00  }
0x4c: {  	[tilespmem:s8], [sflag:$0x3] =	stream.indirect.gather [hbm4b:s1+s22], $0x80, s12, s22, $0xb8;
	[tilespmem:$0x14A00] =	vst v63  }
0x4d: {  	s13 =	simm.s32 $0xC0;
	s14 =	simm.s32 $0x6A00  }
0x4e: {  	[tilespmem:s14], [sflag:$0x4] =	stream.indirect.gather [hbm4b:s1+s22], $0x80, s13, s22, $0xb8;
	[tilespmem:$0x14A00] =	vst v63  }
0x4f: {  	s26 =	simm.s32 $0x100;
	s28 =	simm.s32 $0x8A00  }
0x50: {  	[tilespmem:s28], [sflag:$0x5] =	stream.indirect.gather [hbm4b:s1+s22], $0x80, s26, s22, $0xb8;
	[tilespmem:$0x14A00] =	vst v63  }
0x51: {  	s9 =	simm.s32 $0x140;
	s11 =	simm.s32 $0xAA00  }
0x52: {  	[tilespmem:s11], [sflag:$0x6] =	stream.indirect.gather [hbm4b:s1+s22], $0x80, s9, s22, $0xb8;
	[tilespmem:$0x14A00] =	vst v63  }
0x53: {  	s12 =	simm.s32 $0x180;
	s13 =	simm.s32 $0xCA00  }
0x54: {  	[tilespmem:s13], [sflag:$0x7] =	stream.indirect.gather [hbm4b:s1+s22], $0x80, s12, s22, $0xb8;
	[tilespmem:$0x14A00] =	vst v63  }
0x55: {  	s31 =	simm.s32 $0x0;
	s14 =	simm.s32 $0x1C0;
	s26 =	simm.s32 $0xEA00  }
0x56: {  	[tilespmem:s26], [sflag:$0x8] =	stream.indirect.gather [hbm4b:s1+s22], $0x80, s14, s22, $0xb8;
	[tilespmem:$0x14A00] =	vst v63  }
0x57: {  	s30 =	rddreg [dreg:$0x4];
	s28 =	simm.s32 $0x200;
	s26 =	simm.s32 $0x1  }
0x58: {  	[tilespmem:s0], [sflag:$0x9] =	stream.indirect.gather [hbm4b:s1+s22], $0x80, s28, s22, $0xb8;
	[tilespmem:$0x14A00] =	vst v63  }
.LBB2_2:
0x59: {  	_ =	swait.ge [sflag:s25], $0x2000  }
0x5a: {  	s8 =	simm.s32 $0xA00;
	[sflag:s25] =	ssyncset.done $0x0;
	s7 =	rddreg [dreg:$0xb]  }
0x5b: {  	p0 =	seq.s32 s31, $0x0;
	[sflag:s25] =	ssyncadd.s32 $0xFFFFE000;
	s7 =	sadd.s32 s30, s7  }
0x5c: {  	[hbm4b:s7+s3] =	stream.linear.scatter [tilespmem:s8], [sflag:$0xB], $0x2000, $0x38;
	[tilespmem:$0x14A00] =	vst v63  }
0x5d: {  	s7 =	simm.s32 @!p0 $0x14  }
0x5e: {  	_ =	swait.ge @!p0 [sflag:s7], $0x2000  }
0x5f: {  	s28 =	sshra.s32 s31, $0x2;
	[sflag:s7] =	ssyncset.done @!p0 $0x0  }
0x60: {  	s8 =	sadd.s32 $0x240, s28;
	[sflag:s7] =	ssyncadd.s32 @!p0 $0xFFFFE000  }
0x61: {  	[tilespmem:s29], [sflag:$0xA] =	stream.indirect.gather [hbm4b:s1+s22], $0x80, s8, s22, $0xb8;
	[tilespmem:$0x14A00] =	vst v63  }
0x62: {  	_ =	swait.ge [sflag:s2], $0x2000  }
0x63: {  	s11 =	simm.s32 $0x2A00;
	[sflag:s2] =	ssyncset.done $0x0;
	s9 =	rddreg [dreg:$0xc]  }
0x64: {  	p0 =	sgt.u32 s26, $0x1E;
	[sflag:s2] =	ssyncadd.s32 $0xFFFFE000;
	s7 =	sadd.s32 s30, s9  }
0x65: {  	[hbm4b:s7+s3] =	stream.linear.scatter [tilespmem:s11], [sflag:$0xC], $0x2000, $0x38;
	[tilespmem:$0x14A00] =	vst v63  }
0x66: {  	s7 =	simm.s32 @!p0 $0xB  }
0x67: {  	_ =	swait.ge @!p0 [sflag:s7], $0x2000  }
0x68: {  	[sflag:s7] =	ssyncset.done @!p0 $0x0  }
0x69: {  	[sflag:s7] =	ssyncadd.s32 @!p0 $0xFFFFE000;
	s7 =	sshra.s32 @!p0 s31, $0x2  }
0x6a: {  	s8 =	simm.s32 @!p0 $0x40;
	s9 =	simm.s32 @!p0 $0xA00;
	s7 =	sadd.s32 @!p0 $0x280, s7  }
0x6b: {  	[tilespmem:s9], [sflag:$0x1] =	stream.indirect.gather @!p0 [hbm4b:s1+s8], $0x80, s7, s8, $0xb8;
	[tilespmem:$0x14A00] =	vst v63  }
0x6c: {  	_ =	swait.ge [sflag:s5], $0x2000  }
0x6d: {  	s12 =	sadd.s32 s30, s20;
	p0 =	seq.s32 s31, $0x1E00;
	[sflag:s5] =	ssyncset.done $0x0  }
0x6e: {  	s13 =	simm.s32 $0x4A00;
	s7 =	simm.s32 @p0 $0x4;
	[sflag:s5] =	ssyncadd.s32 $0xFFFFE000  }
0x6f: {  	[hbm4b:s12+s3] =	stream.linear.scatter [tilespmem:s13], [sflag:$0xD], $0x2000, $0x38;
	[tilespmem:$0x14A00] =	vst v63  }
0x70: {  	_ =	swait.ge @p0 [sflag:s7], $0x2000  }
0x71: {  	s8 =	simm.s32 @p0 $0x0;
	[sflag:s7] =	ssyncset.done @p0 $0x0  }
0x72: {  	s9 =	rddreg [dreg:$0x7];
	[sflag:s7] =	ssyncadd.s32 @p0 $0xFFFFE000;
	s7 =	simm.s32 @p0 $0x6A00  }
0x73: {  	[hbm4b:s9+s8] =	stream.linear.scatter @p0 [tilespmem:s7], [sflag:$0xE], $0x2000, $0x38;
	[tilespmem:$0x14A00] =	vst v63  }
0x74: {  	s7 =	simm.s32 @!p0 $0xC  }
0x75: {  	_ =	swait.ge @!p0 [sflag:s7], $0x2000  }
0x76: {  	[sflag:s7] =	ssyncset.done @!p0 $0x0  }
0x77: {  	[sflag:s7] =	ssyncadd.s32 @!p0 $0xFFFFE000;
	s7 =	sshra.s32 @!p0 s31, $0x2  }
0x78: {  	s11 =	simm.s32 @!p0 $0x2A00;
	s13 =	simm.s32 @!p0 $0x40;
	s9 =	sadd.s32 @!p0 $0x2C0, s7  }
0x79: {  	[tilespmem:s11], [sflag:$0x2] =	stream.indirect.gather @!p0 [hbm4b:s1+s13], $0x80, s9, s13, $0xb8;
	[tilespmem:$0x14A00] =	vst v63  }
0x7a: {  	s9 =	simm.s32 @!p0 $0x4  }
0x7b: {  	_ =	swait.ge @!p0 [sflag:s9], $0x2000  }
0x7c: {  	s12 =	simm.s32 @!p0 $0x6A00;
	[sflag:s9] =	ssyncset.done @!p0 $0x0  }
0x7d: {  	s11 =	sadd.s32 @!p0 s30, s19;
	[sflag:s9] =	ssyncadd.s32 @!p0 $0xFFFFE000;
	s9 =	simm.s32 @!p0 $0x0  }
0x7e: {  	[hbm4b:s11+s9] =	stream.linear.scatter @!p0 [tilespmem:s12], [sflag:$0xE], $0x2000, $0x38;
	[tilespmem:$0x14A00] =	vst v63  }
0x7f: {  	s11 =	simm.s32 @!p0 $0xD  }
0x80: {  	_ =	swait.ge @!p0 [sflag:s11], $0x2000  }
0x81: {  	[sflag:s11] =	ssyncset.done @!p0 $0x0  }
0x82: {  	s14 =	simm.s32 @!p0 $0x4A00;
	[sflag:s11] =	ssyncadd.s32 @!p0 $0xFFFFE000;
	s11 =	sadd.s32 @!p0 $0x300, s7  }
0x83: {  	[tilespmem:s14], [sflag:$0x3] =	stream.indirect.gather @!p0 [hbm4b:s1+s13], $0x80, s11, s13, $0xb8;
	[tilespmem:$0x14A00] =	vst v63  }
0x84: {  	_ =	swait.ge [sflag:s6], $0x2000  }
0x85: {  	[sflag:s6] =	ssyncset.done $0x0  }
0x86: {  	s11 =	sadd.s32 s30, s18;
	s14 =	simm.s32 $0x8A00;
	[sflag:s6] =	ssyncadd.s32 $0xFFFFE000  }
0x87: {  	[hbm4b:s11+s3] =	stream.linear.scatter [tilespmem:s14], [sflag:$0xF], $0x2000, $0x38;
	[tilespmem:$0x14A00] =	vst v63  }
0x88: {  	s11 =	simm.s32 @p0 $0x6  }
0x89: {  	_ =	swait.ge @p0 [sflag:s11], $0x2000  }
0x8a: {  	[sflag:s11] =	ssyncset.done @p0 $0x0  }
0x8b: {  	s14 =	rddreg [dreg:$0x8];
	[sflag:s11] =	ssyncadd.s32 @p0 $0xFFFFE000;
	s11 =	simm.s32 @p0 $0xAA00  }
0x8c: {  	[hbm4b:s14+s8] =	stream.linear.scatter @p0 [tilespmem:s11], [sflag:$0x10], $0x2000, $0x38;
	[tilespmem:$0x14A00] =	vst v63  }
0x8d: {  	s11 =	simm.s32 @!p0 $0xE  }
0x8e: {  	_ =	swait.ge @!p0 [sflag:s11], $0x2000  }
0x8f: {  	[sflag:s11] =	ssyncset.done @!p0 $0x0  }
0x90: {  	[sflag:s11] =	ssyncadd.s32 @!p0 $0xFFFFE000;
	s11 =	sadd.s32 @!p0 $0x340, s7  }
0x91: {  	[tilespmem:s12], [sflag:$0x4] =	stream.indirect.gather @!p0 [hbm4b:s1+s13], $0x80, s11, s13, $0xb8;
	[tilespmem:$0x14A00] =	vst v63  }
0x92: {  	s11 =	simm.s32 @!p0 $0x6  }
0x93: {  	_ =	swait.ge @!p0 [sflag:s11], $0x2000  }
0x94: {  	[sflag:s11] =	ssyncset.done @!p0 $0x0  }
0x95: {  	s12 =	simm.s32 @!p0 $0xAA00;
	[sflag:s11] =	ssyncadd.s32 @!p0 $0xFFFFE000;
	s11 =	sadd.s32 @!p0 s30, s17  }
0x96: {  	[hbm4b:s11+s9] =	stream.linear.scatter @!p0 [tilespmem:s12], [sflag:$0x10], $0x2000, $0x38;
	[tilespmem:$0x14A00] =	vst v63  }
0x97: {  	s11 =	simm.s32 @!p0 $0xF  }
0x98: {  	_ =	swait.ge @!p0 [sflag:s11], $0x2000  }
0x99: {  	[sflag:s11] =	ssyncset.done @!p0 $0x0  }
0x9a: {  	s14 =	simm.s32 @!p0 $0x8A00;
	[sflag:s11] =	ssyncadd.s32 @!p0 $0xFFFFE000;
	s11 =	sadd.s32 @!p0 $0x380, s7  }
0x9b: {  	[tilespmem:s14], [sflag:$0x5] =	stream.indirect.gather @!p0 [hbm4b:s1+s13], $0x80, s11, s13, $0xb8;
	[tilespmem:$0x14A00] =	vst v63  }
0x9c: {  	_ =	swait.ge [sflag:s4], $0x2000  }
0x9d: {  	[sflag:s4] =	ssyncset.done $0x0  }
0x9e: {  	s11 =	sadd.s32 s30, s16;
	s14 =	simm.s32 $0xCA00;
	[sflag:s4] =	ssyncadd.s32 $0xFFFFE000  }
0x9f: {  	[hbm4b:s11+s3] =	stream.linear.scatter [tilespmem:s14], [sflag:$0x11], $0x2000, $0x38;
	[tilespmem:$0x14A00] =	vst v63  }
0xa0: {  	s11 =	simm.s32 @p0 $0x8  }
0xa1: {  	_ =	swait.ge @p0 [sflag:s11], $0x2000  }
0xa2: {  	[sflag:s11] =	ssyncset.done @p0 $0x0  }
0xa3: {  	s14 =	rddreg [dreg:$0x9];
	[sflag:s11] =	ssyncadd.s32 @p0 $0xFFFFE000;
	s11 =	simm.s32 @p0 $0xEA00  }
0xa4: {  	[hbm4b:s14+s8] =	stream.linear.scatter @p0 [tilespmem:s11], [sflag:$0x12], $0x2000, $0x38;
	[tilespmem:$0x14A00] =	vst v63  }
0xa5: {  	s8 =	simm.s32 @!p0 $0x10  }
0xa6: {  	_ =	swait.ge @!p0 [sflag:s8], $0x2000  }
0xa7: {  	[sflag:s8] =	ssyncset.done @!p0 $0x0  }
0xa8: {  	[sflag:s8] =	ssyncadd.s32 @!p0 $0xFFFFE000;
	s8 =	sadd.s32 @!p0 $0x3C0, s7  }
0xa9: {  	[tilespmem:s12], [sflag:$0x6] =	stream.indirect.gather @!p0 [hbm4b:s1+s13], $0x80, s8, s13, $0xb8;
	[tilespmem:$0x14A00] =	vst v63  }
0xaa: {  	s8 =	simm.s32 @!p0 $0x8  }
0xab: {  	_ =	swait.ge @!p0 [sflag:s8], $0x2000  }
0xac: {  	[sflag:s8] =	ssyncset.done @!p0 $0x0  }
0xad: {  	s11 =	simm.s32 @!p0 $0xEA00;
	[sflag:s8] =	ssyncadd.s32 @!p0 $0xFFFFE000;
	s8 =	sadd.s32 @!p0 s30, s15  }
0xae: {  	[hbm4b:s8+s9] =	stream.linear.scatter @!p0 [tilespmem:s11], [sflag:$0x12], $0x2000, $0x38;
	[tilespmem:$0x14A00] =	vst v63  }
0xaf: {  	s8 =	simm.s32 @!p0 $0x11  }
0xb0: {  	_ =	swait.ge @!p0 [sflag:s8], $0x2000  }
0xb1: {  	[sflag:s8] =	ssyncset.done @!p0 $0x0  }
0xb2: {  	s7 =	sadd.s32 @!p0 $0x400, s7;
	[sflag:s8] =	ssyncadd.s32 @!p0 $0xFFFFE000;
	s8 =	simm.s32 @!p0 $0xCA00  }
0xb3: {  	[tilespmem:s8], [sflag:$0x7] =	stream.indirect.gather @!p0 [hbm4b:s1+s13], $0x80, s7, s13, $0xb8;
	[tilespmem:$0x14A00] =	vst v63  }
.Ltmp2:
0xb4: {  	_ = 	snop;
	(pc) =	sbr.rel @p0 .LBB2_4-.Ltmp2, $4  }
0xb5: {  	_ =	swait.ge [sflag:s10], $0x2000  }
0xb6: {  	[sflag:s10] =	ssyncset.done $0x0;
	s14 =	rddreg [dreg:$0xe]  }
0xb7: {  	[sflag:s10] =	ssyncadd.s32 $0xFFFFE000;
	s7 =	sadd.s32 s30, s14  }
0xb8: {  	[hbm4b:s7+s3] =	stream.linear.scatter [tilespmem:s0], [sflag:$0x13], $0x2000, $0x38;
	[tilespmem:$0x14A00] =	vst v63  }
0xb9: {  	_ =	swait.ge [sflag:s23], $0x2000  }
0xba: {  	[sflag:s23] =	ssyncset.done $0x0  }
0xbb: {  	s7 =	sadd.s32 $0x440, s28;
	s8 =	simm.s32 $0xEA00;
	[sflag:s23] =	ssyncadd.s32 $0xFFFFE000  }
0xbc: {  	[tilespmem:s8], [sflag:$0x8] =	stream.indirect.gather [hbm4b:s1+s22], $0x80, s7, s22, $0xb8;
	[tilespmem:$0x14A00] =	vst v63  }
0xbd: {  	_ =	swait.ge [sflag:s21], $0x2000  }
0xbe: {  	[sflag:s21] =	ssyncset.done $0x0;
	s14 =	rddreg [dreg:$0xd]  }
0xbf: {  	[sflag:s21] =	ssyncadd.s32 $0xFFFFE000;
	s7 =	sadd.s32 s30, s14  }
0xc0: {  	[hbm4b:s7+s3] =	stream.linear.scatter [tilespmem:s29], [sflag:$0x14], $0x2000, $0x38;
	[tilespmem:$0x14A00] =	vst v63  }
.Ltmp3:
0xc1: {  	_ = 	snop;
	(pc) =	sbr.rel .LBB2_2-.Ltmp3, $4  }
0xc2: {  	_ =	swait.ge [sflag:s24], $0x2000  }
0xc3: {  	s28 =	sadd.s32 $0x480, s28;
	s31 =	sadd.s32 $0xA00, s31;
	[sflag:s24] =	ssyncset.done $0x0  }
0xc4: {  	s26 =	sadd.s32 $0xA, s26;
	s30 =	sadd.s32 $0x2800, s30;
	[sflag:s24] =	ssyncadd.s32 $0xFFFFE000  }
0xc5: {  	[tilespmem:s0], [sflag:$0x9] =	stream.indirect.gather [hbm4b:s1+s22], $0x80, s28, s22, $0xb8;
	[tilespmem:$0x14A00] =	vst v63  }
.LBB2_5:
0xc6: {  	_ =	sfence.sel $0x180000  }
0xc7: {  	[bflag:$0x0] =	sbarrier.arrive $0xFFFF  }
0xc8: {  	_ =	strace $0x90000047  }
0xc9: {  	s0 =	stileid.u32;
	[bflag:$0x2] =	sbarrier.arrive $0xFFFF  }
0xca: {  	p0 =	sne.s32 s0, $0x0;
	s0 =	rddreg [dreg:$0x3]  }
0xcb: {  	s0 =	sadd.s32 @!p0 $0x100000, s0  }
0xcc: {  	[sflag:s0] =	ssyncadd.tile.s32 @!p0 $0x1;
	_ =	shalt  }
.Lfunc_end2:
_tile_overlayer_lowered:
.L_overlay_start_2:
0xcd: {  	(tag) =	ssettag $0x2  }
0xce: {  	s0 =	rddreg [dreg:$0x0];
	s2 =	stileid.u32  }
0xcf: {  	s1 =	rddreg [dreg:$0x1];
	p0 =	sne.s32 s2, $0x0  }
0xd0: {  	s3 =	rddreg [dreg:$0x2];
	[bflag:$0x3] =	sbarrier.arrive $0xFFFF;
	s2 =	simm.s32 @!p0 $0x1C15  }
0xd1: {  	[timem:s3], [sflag:s2] =	dma.local @!p0 [hbm:s0], s1  }
0xd2: {  	s0 =	simm.s32 @!p0 $0x15  }
0xd3: {  	_ =	swait.ge @!p0 [sflag:s0], s1  }
0xd4: {  	s1 =	ssub.s32 @!p0 $0x0, s1;
	[sflag:s0] =	ssyncset.done @!p0 $0x0  }
0xd5: {  	[sflag:s0] =	ssyncadd.s32 @!p0 s1  }
0xd6: {  	[bflag:$0x3] =	sbarrier.arrive $0xFFFF  }
0xd7: {  	_ =	shalt  }

// kernel: kernel.9.cloned.1.call-start
scs
__scs_entry_jumppad:
0x0: {  	(pc) =	sbr.rel $0x88, $3  }
0x1: {  	(tag) =	ssettag $0x0;
	lr =	simm.s32 $0x1  }
0x2: {  	[smem:$0x3F90] =	sst lr;
	_ =	strace $0xD0000000  }
0x3: {  	_ = 	snop  }
0x4: {  	_ = 	snop  }
0x5: {  	_ = 	snop  }
0x6: {  	_ = 	snop  }
0x7: {  	_ = 	snop  }
__scs_overlays_trampoline_lowered:
0x8: {  	[smem:$0x3F9F] =	sst s0  }
0x9: {  	[smem:$0x3FA0] =	sst s1  }
0xa: {  	[smem:$0x3FA1] =	sst s2  }
0xb: {  	[smem:$0x3FA2] =	sst s3  }
0xc: {  	[smem:$0x3FA3] =	sst s4  }
0xd: {  	[smem:$0x3FA4] =	sst s5  }
0xe: {  	[smem:$0x3FA5] =	sst s6  }
0xf: {  	[smem:$0x3FA6] =	sst s7  }
0x10: {  	[smem:$0x3FA7] =	sst s8  }
0x11: {  	[smem:$0x3FA8] =	sst s9;
	s0 =	simm.s32 @!p0 $0x0  }
0x12: {  	s1 =	sld [smem:$0x3F8E];
	s0 =	simm.s32 @p0 $0x1  }
0x13: {  	[smem:$0x3FA9] =	sst s0;
	s0 =	simm.s32 @!p1 $0x0  }
0x14: {  	s2 =	sld [smem:$0x3F8D];
	s0 =	simm.s32 @p1 $0x1  }
0x15: {  	[smem:$0x3FAA] =	sst s0;
	s0 =	simm.s32 @!p2 $0x0  }
0x16: {  	s3 =	sld [smem:$0x3FDB];
	s0 =	simm.s32 @p2 $0x1  }
0x17: {  	s4 =	simm.s32 $0x1BF5;
	[smem:$0x3FAC] =	sst s0  }
0x18: {  	s0 =	sld [smem:$0x3F8F];
	_ =	swait.ge [sflag:s4], $0x0  }
0x19: {  	s7 =	sld [smem:$0x3F90]  }
0x1a: {  	s8 =	sadd.s32 $0xFFFFE003, lr  }
0x1b: {  	s9 =	sadd.s32 $0xFFFFFEF7, lr;
	s5 =	simm.s32 $0xFFFFFFFF;
	p2 =	slt.u32 s8, $0xFFFFF086  }
0x1c: {  	p1 =	slt.u32 s9, $0xF7A;
	s5 =	simm.s32 @!p2 $0x0  }
0x1d: {  	s5 =	simm.s32 @p1 $0x1;
	p0 =	seq.s32 s7, s2  }
0x1e: {  	s7 =	smul.u32 @!p0 $0xF7A, s2;
	p2 =	seq.s32 @!p0 s5, $0x0  }
0x1f: {  	s9 =	smul.u32 $0xF7A, s1;
	s8 =	simm.s32 @!p0 $0x1BF5;
	p2 =	por !p2, p0  }
0x20: {  	[sflag:s8] =	ssyncset.s32 @!p0 $0xFFFFF086;
	s6 =	sadd.s32 @!p0 s3, s7;
	s7 =	simm.s32 @!p0 $0x108  }
0x21: {  	s3 =	sadd.s32 s3, s9;
	s6 =	sadd.s32 @!p0 $0x88, s6;
	s7 =	simm.s32 @p2 $0x1082  }
0x22: {  	[simem:s7], [sflag:s8] =	dma.local @!p0 [hbm:s6], $0xF7A  }
0x23: {  	s9 =	sor.u32 $0xD0000000, s2;
	s6 =	simm.s32 $0x108;
	_ =	swait.ge @!p0 [sflag:s8], $0x0  }
0x24: {  	s3 =	sadd.s32 $0x88, s3;
	s6 =	simm.s32 @!p1 $0x1082;
	[sflag:s4] =	ssyncset.s32 $0xFFFFF086  }
0x25: {  	[simem:s6], [sflag:s4] =	dma.local [hbm:s3], $0xF7A  }
0x26: {  	[smem:$0x3F90] =	sst s1;
	(tag) =	ssettag s2;
	_ =	strace s9  }
0x27: {  	s1 =	sld [smem:$0x3FA0]  }
0x28: {  	s2 =	sld [smem:$0x3FA1]  }
0x29: {  	s4 =	sld [smem:$0x3FA3]  }
0x2a: {  	p0 =	seq.s32 s5, $0x0;
	s5 =	sld [smem:$0x3FA4]  }
0x2b: {  	s6 =	sld [smem:$0x3FA5]  }
0x2c: {  	s7 =	sld [smem:$0x3FA6]  }
0x2d: {  	s3 =	simm.s32 $0x108;
	s8 =	sld [smem:$0x3FA7]  }
0x2e: {  	s3 =	simm.s32 @!p0 $0x1082;
	s9 =	sld [smem:$0x3FA8]  }
0x2f: {  	lr =	sadd.s32 s0, s3;
	s0 =	sld [smem:$0x3F9F]  }
0x30: {  	s3 =	sld [smem:$0x3FA2]  }
0x31: {  	[smem:$0x3FAB] =	sst s10  }
0x32: {  	s10 =	sld [smem:$0x3FA9];
	_ =	sdelay $0x3  }
0x33: {  	p0 =	seq.s32 s10, $0x1;
	s10 =	sld [smem:$0x3FAB];
	_ =	sdelay $0x3  }
0x34: {  	[smem:$0x3FAB] =	sst s10  }
0x35: {  	s10 =	sld [smem:$0x3FAA];
	_ =	sdelay $0x3  }
0x36: {  	p1 =	seq.s32 s10, $0x1;
	s10 =	sld [smem:$0x3FAB];
	_ =	sdelay $0x3  }
0x37: {  	[smem:$0x3FAB] =	sst s10  }
0x38: {  	s10 =	sld [smem:$0x3FAC]  }
0x39: {  	_ = 	snop;
	(pc) =	sbr.ind lr, $3  }
0x3a: {  	_ = 	snop  }
0x3b: {  	_ = 	snop  }
0x3c: {  	p2 =	seq.s32 s10, $0x1;
	s10 =	sld [smem:$0x3FAB]  }
0x3d: {  	_ =	shalt  }
0x3e: {  	_ =	shalt  }
0x3f: {  	_ =	shalt  }
0x40: {  	_ =	shalt  }
0x41: {  	_ =	shalt  }
0x42: {  	_ =	shalt  }
0x43: {  	_ =	shalt  }
0x44: {  	_ =	shalt  }
0x45: {  	_ =	shalt  }
0x46: {  	_ =	shalt  }
0x47: {  	_ =	shalt  }
0x48: {  	_ =	shalt  }
0x49: {  	_ =	shalt  }
0x4a: {  	_ =	shalt  }
0x4b: {  	_ =	shalt  }
0x4c: {  	_ =	shalt  }
0x4d: {  	_ =	shalt  }
0x4e: {  	_ =	shalt  }
0x4f: {  	_ =	shalt  }
0x50: {  	_ =	shalt  }
0x51: {  	_ =	shalt  }
0x52: {  	_ =	shalt  }
0x53: {  	_ =	shalt  }
0x54: {  	_ =	shalt  }
0x55: {  	_ =	shalt  }
0x56: {  	_ =	shalt  }
0x57: {  	_ =	shalt  }
0x58: {  	_ =	shalt  }
0x59: {  	_ =	shalt  }
0x5a: {  	_ =	shalt  }
0x5b: {  	_ =	shalt  }
0x5c: {  	_ =	shalt  }
0x5d: {  	_ =	shalt  }
0x5e: {  	_ =	shalt  }
0x5f: {  	_ =	shalt  }
0x60: {  	_ =	shalt  }
0x61: {  	_ =	shalt  }
0x62: {  	_ =	shalt  }
0x63: {  	_ =	shalt  }
0x64: {  	_ =	shalt  }
0x65: {  	_ =	shalt  }
0x66: {  	_ =	shalt  }
0x67: {  	_ =	shalt  }
0x68: {  	_ =	shalt  }
0x69: {  	_ =	shalt  }
0x6a: {  	_ =	shalt  }
0x6b: {  	_ =	shalt  }
0x6c: {  	_ =	shalt  }
0x6d: {  	_ =	shalt  }
0x6e: {  	_ =	shalt  }
0x6f: {  	_ =	shalt  }
0x70: {  	_ =	shalt  }
0x71: {  	_ =	shalt  }
0x72: {  	_ =	shalt  }
0x73: {  	_ =	shalt  }
0x74: {  	_ =	shalt  }
0x75: {  	_ =	shalt  }
0x76: {  	_ =	shalt  }
0x77: {  	_ =	shalt  }
0x78: {  	_ =	shalt  }
0x79: {  	_ =	shalt  }
0x7a: {  	_ =	shalt  }
0x7b: {  	_ =	shalt  }
0x7c: {  	_ =	shalt  }
0x7d: {  	_ =	shalt  }
0x7e: {  	_ =	shalt  }
0x7f: {  	_ =	shalt  }
0x80: {  	_ =	shalt  }
0x81: {  	_ =	shalt  }
0x82: {  	_ =	shalt  }
0x83: {  	_ =	shalt  }
0x84: {  	_ =	shalt  }
0x85: {  	_ =	shalt  }
0x86: {  	_ =	shalt  }
0x87: {  	_ =	shalt  }
.Lfunc_end0:
.L_simem_size_0:
called_computation.1_lowered:
.L_overlay_start_0:
0x88: {  	s2 =	sld [smem:$0x3FD9]  }
0x89: {  	s3 =	sld [smem:$0x3FFE];
	_ =	sdelay $0x1  }
0x8a: {  	s1 =	srdreg.scid  }
0x8b: {  	s0 =	sand.u32 $0x1, s1  }
0x8c: {  	s17 =	sshll.u32 s0, $0xA;
	s2 =	sadd.s32 s3, s2  }
0x8d: {  	s2 =	sadd.s32 s2, s17  }
0x8e: {  	[smem:$0x3FB7] =	sst s2  }
0x8f: {  	_ = 	snop  }
0x90: {  	s18 =	sld [smem:$0x3FC1];
	(tm) =	ssettm $0x1  }
0x91: {  	s19 =	sld [smem:$0x3FFB];
	_ =	sdelay $0x3  }
0x92: {  	_ =	strace s19  }
0x93: {  	s2 =	sld [smem:$0x3FFC];
	_ =	sdelay $0x3  }
0x94: {  	_ =	strace s2  }
0x95: {  	s2 =	sld [smem:$0x3FFD];
	_ =	sdelay $0x3  }
0x96: {  	_ =	strace s2  }
0x97: {  	_ =	strace $0x8FFFFFFF  }
0x98: {  	s20 =	sld [smem:$0x3FDB];
	_ =	sdelay $0x1  }
0x99: {  	s4 =	simm.s32 $_scs_section_size  }
0x9a: {  	s5 =	simm.s32 $_size__tile_overlayer_lowered;
	s6 =	simm.s32 $_tile_overlayer_lowered  }
0x9b: {  	s7 =	simm.s32 $0x1BFF;
	s21 =	sshll.u32 s6, $0x1;
	s4 =	sadd.s32 s4, s20  }
0x9c: {  	s22 =	simm.s32 $0x0;
	s5 =	sshll.u32 s5, $0x1;
	s6 =	sadd.s32 s21, s4  }
0x9d: {  	[timem:s22], [sflag:s7] =	dma.local [hbm:s6], s5  }
0x9e: {  	_ =	swait.ge [sflag:s7], s5  }
0x9f: {  	s5 =	ssub.s32 $0x0, s5;
	[sflag:s7] =	ssyncset.done $0x0  }
0xa0: {  	[sflag:s7] =	ssyncadd.s32 s5;
	_ =	sdelay $0x1  }
0xa1: {  	s23 =	simm.s32 $0x1B8B  }
0xa2: {  	_ =	swait.ge [sflag:s23], $0x1  }
0xa3: {  	[sflag:s23] =	ssyncset.done $0x0  }
0xa4: {  	[sflag:s23] =	ssyncadd.s32 $0xFFFFFFFF  }
0xa5: {  	s5 =	sld [smem:$0x0]  }
0xa6: {  	s6 =	sand.u32 $0xFFFFFFFE, s1  }
0xa7: {  	p0 =	sne.s32 s1, s6  }
0xa8: {  	s6 =	sshll.u32 @p0 s6, $0xE  }
0xa9: {  	s6 =	sadd.s32 @p0 $0x11B8D, s6;
	s7 =	sshll.u32 @p0 s5, $0x11  }
0xaa: {  	s6 =	sor.u32 @p0 s7, s6  }
0xab: {  	[sflag:s6] =	ssyncadd.remote.s32 @p0 $0x1;
	_ =	sdelay $0x1  }
0xac: {  	s6 =	simm.s32 @p0 $0x1B8D  }
0xad: {  	_ =	swait.eq @p0 [sflag:s6], $0x1  }
0xae: {  	[sflag:s6] =	ssyncadd.s32 @p0 $0xFFFFFFFF  }
0xaf: {  	s7 =	sshll.u32 @!p0 s1, $0xE  }
0xb0: {  	s7 =	sor.u32 @!p0 $0x4000, s7;
	s6 =	simm.s32 @!p0 $0x1B8D  }
0xb1: {  	s5 =	sshll.u32 @!p0 s5, $0x11;
	s7 =	sadd.s32 @!p0 $0x11B8D, s7;
	_ =	swait.eq @!p0 [sflag:s6], $0x1  }
0xb2: {  	s5 =	sor.u32 @!p0 s5, s7;
	[sflag:s6] =	ssyncadd.s32 @!p0 $0xFFFFFFFF  }
0xb3: {  	s25 =	simm.s32 $0x1B8E;
	s24 =	sld [smem:$0x3FFE];
	[sflag:s5] =	ssyncadd.remote.s32 @!p0 $0x1  }
0xb4: {  	s26 =	simm.s32 $execute0_lowered;
	[smem:$0x3FD2] =	sst s25  }
0xb5: {  	s6 =	sshll.u32 s26, $0x1;
	_ =	strace $0x80000049;
	[dreg:$0x1] =	wrdreg $0xFFFFFFFF  }
0xb6: {  	s28 =	simm.s32 $_size_execute0_lowered;
	s4 =	sadd.s32 s4, s6;
	[dreg:$0x0] =	wrdreg $0x0  }
0xb7: {  	s6 =	sshll.u32 s28, $0x1;
	[dreg:$0x2] =	wrdreg s4  }
0xb8: {  	[dreg:$0x3] =	wrdreg s6  }
0xb9: {  	[dreg:$0x4] =	wrdreg $0xC0  }
0xba: {  	_ =	task [dreg:s22], $0x5FFFF  }
0xbb: {  	[dreg:$0x1] =	wrdreg $0xFFFFFFFF  }
0xbc: {  	[dreg:$0x0] =	wrdreg $0x60  }
0xbd: {  	[dreg:$0x2] =	wrdreg s18  }
0xbe: {  	[dreg:$0x3] =	wrdreg s24  }
0xbf: {  	[dreg:$0x4] =	wrdreg $0xA  }
0xc0: {  	_ =	task.clear_ibuf [dreg:s22], $0x5FFFF;
	_ =	strace $0x90000049  }
0xc1: {  	s29 =	simm.s32 $0xA;
	_ =	strace $0x8000004B  }
0xc2: {  	_ =	swait.ge [sflag:s29], $0x1  }
0xc3: {  	[sflag:s29] =	ssyncadd.s32 $0xFFFFFFFF  }
0xc4: {  	_ =	strace $0x9000004B  }
0xc5: {  	_ =	sfence  }
0xc6: {  	s30 =	sld [smem:$0x0];
	_ =	sdelay $0x2  }
0xc7: {  	s31 =	sshll.u32 s1, $0xD;
	s1 =	sshrl.u32 s1, $0x2  }
0xc8: {  	s4 =	sand.u32 $0x4000, s31;
	s1 =	sadd.s32 s1, s30  }
0xc9: {  	s0 =	sor.u32 s4, s0;
	s1 =	sshll.u32 s1, $0x11  }
0xca: {  	s0 =	sor.u32 s1, s0  }
0xcb: {  	s0 =	sadd.s32 $0x8F2B, s0  }
0xcc: {  	[sflag:s0] =	ssyncadd.remote.s32 $0x1  }
0xcd: {  	_ =	sfence.sel $0xFFFF  }
0xce: {  	[dreg:$0x0] =	wrdreg $0xFFFFFFFF;
	(pc) =	sbr.abs _section_cstart, $3  }
0xcf: {  	[dreg:$0x1] =	wrdreg $0xFFFFFFFF  }
0xd0: {  	_ =	task.clear_ibuf [dreg:s22], $0x2FFFF;
	_ =	strace $0x9FFFFFFF  }
0xd1: {  	(tm) =	ssettm $0x7FFFFFFF  }
tec
execute0_lowered:
.L_overlay_start_1:
0x0: {  	(tag) =	ssettag $0x1  }
0x1: {  	s0 =	srdreg.scid  }
0x2: {  	s8 =	stileid.u32;
	s2 =	rddreg [dreg:$0x0]  }
0x3: {  	s4 =	rddreg [dreg:$0x1];
	s3 =	simm.s32 $0x0;
	s7 =	smul.u32 $0x1E000, s8  }
0x4: {  	s29 =	simm.s32 $0x12F00;
	s0 =	sand.u32 $0x1, s0;
	s14 =	smul.u32 $0xF0000, s8  }
0x5: {  	s10 =	simm.s32 $0x9;
	s1 =	sshll.u32 s8, $0x1;
	s15 =	smul.u32 $0x78000, s0  }
0x6: {  	s1 =	sor.u32 s0, s1;
	s6 =	ssub.s32 $0x2, s0;
	s0 =	smul.u32 $0xF000, s0  }
0x7: {  	[smem:$0x7FF] =	sst s3;
	s9 =	sadd.s32 $0x146600, s4;
	s5 =	smul.u32 $0xF00, s1  }
0x8: {  	_ =	strace $0x8000004A;
	[dreg:$0x3] =	wrdreg s9;
	s1 =	smul.u32 $0x78000, s1  }
0x9: {  	s13 =	sshrl.u32 s6, $0x1;
	s19 =	sadd.s32 s15, s14;
	s0 =	sadd.s32 s0, s7  }
0xa: {  	s5 =	sshrl.u32 s5, $0x3;
	s1 =	sshrl.u32 s1, $0x3;
	[dreg:$0xa] =	wrdreg s0  }
0xb: {  	s20 =	sor.u32 $0x2000, s19;
	s21 =	sadd.s32 $0x12000, s19;
	s22 =	sadd.s32 $0x10000, s19  }
0xc: {  	s24 =	sadd.s32 $0xE000, s19;
	s25 =	sadd.s32 $0xC000, s19;
	s26 =	sadd.s32 $0xA000, s19  }
0xd: {  	s28 =	sadd.s32 $0x8000, s19;
	s30 =	sor.u32 $0x6000, s19;
	s31 =	sor.u32 $0x4000, s19  }
0xe: {  	s5 =	sadd.s32 s5, s4;
	s4 =	ssub.s32 s6, s13;
	s1 =	sadd.s32 s9, s1  }
0xf: {  	s0 =	sshrl.u32 s20, $0x3;
	s23 =	sshrl.u32 s22, $0x3;
	s15 =	sshrl.u32 s24, $0x3  }
0x10: {  	s19 =	sshrl.u32 s30, $0x3;
	s20 =	sshrl.u32 s31, $0x3;
	[dreg:$0xb] =	wrdreg s0  }
0x11: {  	s22 =	simm.s32 $0x40;
	s5 =	sadd.s32 $0x142A00, s5;
	[dreg:$0xd] =	wrdreg s23  }
0x12: {  	s6 =	simm.s32 $0x5;
	s4 =	smax.u32 s4, $0x1;
	[dreg:$0x4] =	wrdreg s5  }
0x13: {  	s24 =	simm.s32 $0x13;
	s16 =	sadd.s32 $0xD400, s1;
	[dreg:$0x5] =	wrdreg s4  }
0x14: {  	s9 =	simm.s32 $0x0;
	s17 =	sadd.s32 $0xDC00, s1;
	[dreg:$0x6] =	wrdreg s16  }
0x15: {  	s18 =	sadd.s32 $0xE400, s1;
	s1 =	sadd.s32 $0xEC00, s1;
	[dreg:$0x7] =	wrdreg s17  }
.Ltmp0:
0x16: {  	s0 =	sshrl.u32 s21, $0x3;
	[dreg:$0x8] =	wrdreg s18;
	(pc) =	sbr.rel .LBB2_1-.Ltmp0, $4  }
0x17: {  	s21 =	simm.s32 $0xA;
	s23 =	simm.s32 $0x12;
	[dreg:$0x9] =	wrdreg s1  }
0x18: {  	[dreg:$0xc] =	wrdreg s0;
	s16 =	sshrl.u32 s25, $0x3;
	s17 =	sshrl.u32 s26, $0x3  }
0x19: {  	s18 =	sshrl.u32 s28, $0x3;
	s0 =	simm.s32 $0x10F00;
	s25 =	simm.s32 $0x1  }
0x1a: {  	s1 =	simm.s32 $0x2;
	s5 =	simm.s32 $0x3;
	s4 =	simm.s32 $0x7  }
.LBB2_4:
0x1b: {  	_ =	swait.ge [sflag:s21], $0x2000  }
0x1c: {  	[sflag:s21] =	ssyncset.done $0x0  }
0x1d: {  	s11 =	simm.s32 $0xB;
	s7 =	rddreg [dreg:$0x9];
	[sflag:s21] =	ssyncadd.s32 $0xFFFFE000  }
0x1e: {  	[hbm4b:s7+s3] =	stream.linear.scatter [tilespmem:s29], [sflag:$0x14], $0x2000, $0x38;
	[tilespmem:$0x14F00] =	vst v63  }
0x1f: {  	_ =	swait.ge [sflag:s11], $0x2000  }
0x20: {  	[sflag:s11] =	ssyncset.done $0x0  }
0x21: {  	s12 =	simm.s32 $0xC;
	[sflag:s11] =	ssyncadd.s32 $0xFFFFE000  }
0x22: {  	_ =	swait.ge [sflag:s12], $0x2000  }
0x23: {  	[sflag:s12] =	ssyncset.done $0x0  }
0x24: {  	s13 =	simm.s32 $0xD;
	[sflag:s12] =	ssyncadd.s32 $0xFFFFE000  }
0x25: {  	_ =	swait.ge [sflag:s13], $0x2000  }
0x26: {  	[sflag:s13] =	ssyncset.done $0x0  }
0x27: {  	s14 =	simm.s32 $0xE;
	[sflag:s13] =	ssyncadd.s32 $0xFFFFE000  }
0x28: {  	_ =	swait.ge [sflag:s14], $0x2000  }
0x29: {  	[sflag:s14] =	ssyncset.done $0x0  }
0x2a: {  	s26 =	simm.s32 $0xF;
	[sflag:s14] =	ssyncadd.s32 $0xFFFFE000  }
0x2b: {  	_ =	swait.ge [sflag:s26], $0x2000  }
0x2c: {  	[sflag:s26] =	ssyncset.done $0x0  }
0x2d: {  	s28 =	simm.s32 $0x10;
	[sflag:s26] =	ssyncadd.s32 $0xFFFFE000  }
0x2e: {  	_ =	swait.ge [sflag:s28], $0x2000  }
0x2f: {  	[sflag:s28] =	ssyncset.done $0x0  }
0x30: {  	s30 =	simm.s32 $0x11;
	[sflag:s28] =	ssyncadd.s32 $0xFFFFE000  }
0x31: {  	_ =	swait.ge [sflag:s30], $0x2000  }
0x32: {  	[sflag:s30] =	ssyncset.done $0x0  }
0x33: {  	[sflag:s30] =	ssyncadd.s32 $0xFFFFE000  }
0x34: {  	_ =	swait.ge [sflag:s23], $0x2000  }
0x35: {  	[sflag:s23] =	ssyncset.done $0x0  }
0x36: {  	[sflag:s23] =	ssyncadd.s32 $0xFFFFE000  }
0x37: {  	_ =	swait.ge [sflag:s24], $0x2000  }
0x38: {  	[sflag:s24] =	ssyncset.done $0x0  }
0x39: {  	s8 =	simm.s32 $0x14;
	[sflag:s24] =	ssyncadd.s32 $0xFFFFE000  }
0x3a: {  	_ =	swait.ge [sflag:s8], $0x2000  }
0x3b: {  	s9 =	rddreg [dreg:$0xe]  }
0x3c: {  	s31 =	rddreg [dreg:$0x5];
	s9 =	sadd.s32 $0x1, s9  }
0x3d: {  	p0 =	sne.s32 s9, s31  }
.Ltmp1:
0x3e: {  	_ = 	snop;
	(pc) =	sbr.rel @!p0 .LBB2_5-.Ltmp1, $3  }
0x3f: {  	_ =	sdelay $0x1  }
0x40: {  	[sflag:s8] =	ssyncset.done $0x0  }
0x41: {  	[sflag:s8] =	ssyncadd.s32 $0xFFFFE000  }
.LBB2_1:
0x42: {  	[dreg:$0xe] =	wrdreg s9  }
0x43: {  	s7 =	rddreg [dreg:$0x4];
	s8 =	simm.s32 $0x15  }
0x44: {  	[tilespmem:s3], [sflag:$0x15] =	stream.linear.gather [hbm4b:s7+s3], $0xF00, $0x38;
	[tilespmem:$0x14F00] =	vst v63  }
0x45: {  	_ =	swait.ge [sflag:s8], $0xF00  }
0x46: {  	[sflag:s8] =	ssyncset.done $0x0  }
0x47: {  	s9 =	simm.s32 $0xF00;
	[sflag:s8] =	ssyncadd.s32 $0xFFFFF100  }
0x48: {  	[tilespmem:s9], [sflag:$0x1] =	stream.indirect.gather [hbm4b:s2+s22], $0x80, s3, s22, $0xb8;
	[tilespmem:$0x14F00] =	vst v63  }
0x49: {  	s11 =	simm.s32 $0x2F00  }
0x4a: {  	[tilespmem:s11], [sflag:$0x2] =	stream.indirect.gather [hbm4b:s2+s22], $0x80, s22, s22, $0xb8;
	[tilespmem:$0x14F00] =	vst v63  }
0x4b: {  	s12 =	simm.s32 $0x80;
	s8 =	simm.s32 $0x4F00  }
0x4c: {  	[tilespmem:s8], [sflag:$0x3] =	stream.indirect.gather [hbm4b:s2+s22], $0x80, s12, s22, $0xb8;
	[tilespmem:$0x14F00] =	vst v63  }
0x4d: {  	s13 =	simm.s32 $0xC0;
	s14 =	simm.s32 $0x6F00  }
0x4e: {  	[tilespmem:s14], [sflag:$0x4] =	stream.indirect.gather [hbm4b:s2+s22], $0x80, s13, s22, $0xb8;
	[tilespmem:$0x14F00] =	vst v63  }
0x4f: {  	s26 =	simm.s32 $0x100;
	s28 =	simm.s32 $0x8F00  }
0x50: {  	[tilespmem:s28], [sflag:$0x5] =	stream.indirect.gather [hbm4b:s2+s22], $0x80, s26, s22, $0xb8;
	[tilespmem:$0x14F00] =	vst v63  }
0x51: {  	s9 =	simm.s32 $0x140;
	s11 =	simm.s32 $0xAF00  }
0x52: {  	[tilespmem:s11], [sflag:$0x6] =	stream.indirect.gather [hbm4b:s2+s22], $0x80, s9, s22, $0xb8;
	[tilespmem:$0x14F00] =	vst v63  }
0x53: {  	s12 =	simm.s32 $0x180;
	s13 =	simm.s32 $0xCF00  }
0x54: {  	[tilespmem:s13], [sflag:$0x7] =	stream.indirect.gather [hbm4b:s2+s22], $0x80, s12, s22, $0xb8;
	[tilespmem:$0x14F00] =	vst v63  }
0x55: {  	s31 =	simm.s32 $0x0;
	s14 =	simm.s32 $0x1C0;
	s26 =	simm.s32 $0xEF00  }
0x56: {  	[tilespmem:s26], [sflag:$0x8] =	stream.indirect.gather [hbm4b:s2+s22], $0x80, s14, s22, $0xb8;
	[tilespmem:$0x14F00] =	vst v63  }
0x57: {  	s30 =	rddreg [dreg:$0x3];
	s28 =	simm.s32 $0x200;
	s26 =	simm.s32 $0x1  }
0x58: {  	[tilespmem:s0], [sflag:$0x9] =	stream.indirect.gather [hbm4b:s2+s22], $0x80, s28, s22, $0xb8;
	[tilespmem:$0x14F00] =	vst v63  }
.LBB2_2:
0x59: {  	_ =	swait.ge [sflag:s25], $0x2000  }
0x5a: {  	s8 =	simm.s32 $0xF00;
	[sflag:s25] =	ssyncset.done $0x0;
	s7 =	rddreg [dreg:$0xa]  }
0x5b: {  	p0 =	seq.s32 s31, $0x0;
	[sflag:s25] =	ssyncadd.s32 $0xFFFFE000;
	s7 =	sadd.s32 s30, s7  }
0x5c: {  	[hbm4b:s7+s3] =	stream.linear.scatter [tilespmem:s8], [sflag:$0xB], $0x2000, $0x38;
	[tilespmem:$0x14F00] =	vst v63  }
0x5d: {  	s7 =	simm.s32 @!p0 $0x14  }
0x5e: {  	_ =	swait.ge @!p0 [sflag:s7], $0x2000  }
0x5f: {  	s28 =	sshra.s32 s31, $0x2;
	[sflag:s7] =	ssyncset.done @!p0 $0x0  }
0x60: {  	s8 =	sadd.s32 $0x240, s28;
	[sflag:s7] =	ssyncadd.s32 @!p0 $0xFFFFE000  }
0x61: {  	[tilespmem:s29], [sflag:$0xA] =	stream.indirect.gather [hbm4b:s2+s22], $0x80, s8, s22, $0xb8;
	[tilespmem:$0x14F00] =	vst v63  }
0x62: {  	_ =	swait.ge [sflag:s1], $0x2000  }
0x63: {  	s11 =	simm.s32 $0x2F00;
	[sflag:s1] =	ssyncset.done $0x0;
	s9 =	rddreg [dreg:$0xb]  }
0x64: {  	p0 =	sgt.u32 s26, $0x32;
	[sflag:s1] =	ssyncadd.s32 $0xFFFFE000;
	s7 =	sadd.s32 s30, s9  }
0x65: {  	[hbm4b:s7+s3] =	stream.linear.scatter [tilespmem:s11], [sflag:$0xC], $0x2000, $0x38;
	[tilespmem:$0x14F00] =	vst v63  }
0x66: {  	s7 =	simm.s32 @!p0 $0xB  }
0x67: {  	_ =	swait.ge @!p0 [sflag:s7], $0x2000  }
0x68: {  	[sflag:s7] =	ssyncset.done @!p0 $0x0  }
0x69: {  	[sflag:s7] =	ssyncadd.s32 @!p0 $0xFFFFE000;
	s7 =	sshra.s32 @!p0 s31, $0x2  }
0x6a: {  	s8 =	simm.s32 @!p0 $0x40;
	s9 =	simm.s32 @!p0 $0xF00;
	s7 =	sadd.s32 @!p0 $0x280, s7  }
0x6b: {  	[tilespmem:s9], [sflag:$0x1] =	stream.indirect.gather @!p0 [hbm4b:s2+s8], $0x80, s7, s8, $0xb8;
	[tilespmem:$0x14F00] =	vst v63  }
0x6c: {  	_ =	swait.ge [sflag:s5], $0x2000  }
0x6d: {  	s12 =	sadd.s32 s30, s20;
	p0 =	seq.s32 s31, $0x3200;
	[sflag:s5] =	ssyncset.done $0x0  }
0x6e: {  	s13 =	simm.s32 $0x4F00;
	s7 =	simm.s32 @p0 $0x4;
	[sflag:s5] =	ssyncadd.s32 $0xFFFFE000  }
0x6f: {  	[hbm4b:s12+s3] =	stream.linear.scatter [tilespmem:s13], [sflag:$0xD], $0x2000, $0x38;
	[tilespmem:$0x14F00] =	vst v63  }
0x70: {  	_ =	swait.ge @p0 [sflag:s7], $0x2000  }
0x71: {  	s8 =	simm.s32 @p0 $0x0;
	[sflag:s7] =	ssyncset.done @p0 $0x0  }
0x72: {  	s9 =	rddreg [dreg:$0x6];
	[sflag:s7] =	ssyncadd.s32 @p0 $0xFFFFE000;
	s7 =	simm.s32 @p0 $0x6F00  }
0x73: {  	[hbm4b:s9+s8] =	stream.linear.scatter @p0 [tilespmem:s7], [sflag:$0xE], $0x2000, $0x38;
	[tilespmem:$0x14F00] =	vst v63  }
0x74: {  	s7 =	simm.s32 @!p0 $0xC  }
0x75: {  	_ =	swait.ge @!p0 [sflag:s7], $0x2000  }
0x76: {  	[sflag:s7] =	ssyncset.done @!p0 $0x0  }
0x77: {  	[sflag:s7] =	ssyncadd.s32 @!p0 $0xFFFFE000;
	s7 =	sshra.s32 @!p0 s31, $0x2  }
0x78: {  	s11 =	simm.s32 @!p0 $0x2F00;
	s13 =	simm.s32 @!p0 $0x40;
	s9 =	sadd.s32 @!p0 $0x2C0, s7  }
0x79: {  	[tilespmem:s11], [sflag:$0x2] =	stream.indirect.gather @!p0 [hbm4b:s2+s13], $0x80, s9, s13, $0xb8;
	[tilespmem:$0x14F00] =	vst v63  }
0x7a: {  	s9 =	simm.s32 @!p0 $0x4  }
0x7b: {  	_ =	swait.ge @!p0 [sflag:s9], $0x2000  }
0x7c: {  	s12 =	simm.s32 @!p0 $0x6F00;
	[sflag:s9] =	ssyncset.done @!p0 $0x0  }
0x7d: {  	s11 =	sadd.s32 @!p0 s30, s19;
	[sflag:s9] =	ssyncadd.s32 @!p0 $0xFFFFE000;
	s9 =	simm.s32 @!p0 $0x0  }
0x7e: {  	[hbm4b:s11+s9] =	stream.linear.scatter @!p0 [tilespmem:s12], [sflag:$0xE], $0x2000, $0x38;
	[tilespmem:$0x14F00] =	vst v63  }
0x7f: {  	s11 =	simm.s32 @!p0 $0xD  }
0x80: {  	_ =	swait.ge @!p0 [sflag:s11], $0x2000  }
0x81: {  	[sflag:s11] =	ssyncset.done @!p0 $0x0  }
0x82: {  	s14 =	simm.s32 @!p0 $0x4F00;
	[sflag:s11] =	ssyncadd.s32 @!p0 $0xFFFFE000;
	s11 =	sadd.s32 @!p0 $0x300, s7  }
0x83: {  	[tilespmem:s14], [sflag:$0x3] =	stream.indirect.gather @!p0 [hbm4b:s2+s13], $0x80, s11, s13, $0xb8;
	[tilespmem:$0x14F00] =	vst v63  }
0x84: {  	_ =	swait.ge [sflag:s6], $0x2000  }
0x85: {  	[sflag:s6] =	ssyncset.done $0x0  }
0x86: {  	s11 =	sadd.s32 s30, s18;
	s14 =	simm.s32 $0x8F00;
	[sflag:s6] =	ssyncadd.s32 $0xFFFFE000  }
0x87: {  	[hbm4b:s11+s3] =	stream.linear.scatter [tilespmem:s14], [sflag:$0xF], $0x2000, $0x38;
	[tilespmem:$0x14F00] =	vst v63  }
0x88: {  	s11 =	simm.s32 @p0 $0x6  }
0x89: {  	_ =	swait.ge @p0 [sflag:s11], $0x2000  }
0x8a: {  	[sflag:s11] =	ssyncset.done @p0 $0x0  }
0x8b: {  	s14 =	rddreg [dreg:$0x7];
	[sflag:s11] =	ssyncadd.s32 @p0 $0xFFFFE000;
	s11 =	simm.s32 @p0 $0xAF00  }
0x8c: {  	[hbm4b:s14+s8] =	stream.linear.scatter @p0 [tilespmem:s11], [sflag:$0x10], $0x2000, $0x38;
	[tilespmem:$0x14F00] =	vst v63  }
0x8d: {  	s11 =	simm.s32 @!p0 $0xE  }
0x8e: {  	_ =	swait.ge @!p0 [sflag:s11], $0x2000  }
0x8f: {  	[sflag:s11] =	ssyncset.done @!p0 $0x0  }
0x90: {  	[sflag:s11] =	ssyncadd.s32 @!p0 $0xFFFFE000;
	s11 =	sadd.s32 @!p0 $0x340, s7  }
0x91: {  	[tilespmem:s12], [sflag:$0x4] =	stream.indirect.gather @!p0 [hbm4b:s2+s13], $0x80, s11, s13, $0xb8;
	[tilespmem:$0x14F00] =	vst v63  }
0x92: {  	s11 =	simm.s32 @!p0 $0x6  }
0x93: {  	_ =	swait.ge @!p0 [sflag:s11], $0x2000  }
0x94: {  	[sflag:s11] =	ssyncset.done @!p0 $0x0  }
0x95: {  	s12 =	simm.s32 @!p0 $0xAF00;
	[sflag:s11] =	ssyncadd.s32 @!p0 $0xFFFFE000;
	s11 =	sadd.s32 @!p0 s30, s17  }
0x96: {  	[hbm4b:s11+s9] =	stream.linear.scatter @!p0 [tilespmem:s12], [sflag:$0x10], $0x2000, $0x38;
	[tilespmem:$0x14F00] =	vst v63  }
0x97: {  	s11 =	simm.s32 @!p0 $0xF  }
0x98: {  	_ =	swait.ge @!p0 [sflag:s11], $0x2000  }
0x99: {  	[sflag:s11] =	ssyncset.done @!p0 $0x0  }
0x9a: {  	s14 =	simm.s32 @!p0 $0x8F00;
	[sflag:s11] =	ssyncadd.s32 @!p0 $0xFFFFE000;
	s11 =	sadd.s32 @!p0 $0x380, s7  }
0x9b: {  	[tilespmem:s14], [sflag:$0x5] =	stream.indirect.gather @!p0 [hbm4b:s2+s13], $0x80, s11, s13, $0xb8;
	[tilespmem:$0x14F00] =	vst v63  }
0x9c: {  	_ =	swait.ge [sflag:s4], $0x2000  }
0x9d: {  	[sflag:s4] =	ssyncset.done $0x0  }
0x9e: {  	s11 =	sadd.s32 s30, s16;
	s14 =	simm.s32 $0xCF00;
	[sflag:s4] =	ssyncadd.s32 $0xFFFFE000  }
0x9f: {  	[hbm4b:s11+s3] =	stream.linear.scatter [tilespmem:s14], [sflag:$0x11], $0x2000, $0x38;
	[tilespmem:$0x14F00] =	vst v63  }
0xa0: {  	s11 =	simm.s32 @p0 $0x8  }
0xa1: {  	_ =	swait.ge @p0 [sflag:s11], $0x2000  }
0xa2: {  	[sflag:s11] =	ssyncset.done @p0 $0x0  }
0xa3: {  	s14 =	rddreg [dreg:$0x8];
	[sflag:s11] =	ssyncadd.s32 @p0 $0xFFFFE000;
	s11 =	simm.s32 @p0 $0xEF00  }
0xa4: {  	[hbm4b:s14+s8] =	stream.linear.scatter @p0 [tilespmem:s11], [sflag:$0x12], $0x2000, $0x38;
	[tilespmem:$0x14F00] =	vst v63  }
0xa5: {  	s8 =	simm.s32 @!p0 $0x10  }
0xa6: {  	_ =	swait.ge @!p0 [sflag:s8], $0x2000  }
0xa7: {  	[sflag:s8] =	ssyncset.done @!p0 $0x0  }
0xa8: {  	[sflag:s8] =	ssyncadd.s32 @!p0 $0xFFFFE000;
	s8 =	sadd.s32 @!p0 $0x3C0, s7  }
0xa9: {  	[tilespmem:s12], [sflag:$0x6] =	stream.indirect.gather @!p0 [hbm4b:s2+s13], $0x80, s8, s13, $0xb8;
	[tilespmem:$0x14F00] =	vst v63  }
0xaa: {  	s8 =	simm.s32 @!p0 $0x8  }
0xab: {  	_ =	swait.ge @!p0 [sflag:s8], $0x2000  }
0xac: {  	[sflag:s8] =	ssyncset.done @!p0 $0x0  }
0xad: {  	s11 =	simm.s32 @!p0 $0xEF00;
	[sflag:s8] =	ssyncadd.s32 @!p0 $0xFFFFE000;
	s8 =	sadd.s32 @!p0 s30, s15  }
0xae: {  	[hbm4b:s8+s9] =	stream.linear.scatter @!p0 [tilespmem:s11], [sflag:$0x12], $0x2000, $0x38;
	[tilespmem:$0x14F00] =	vst v63  }
0xaf: {  	s8 =	simm.s32 @!p0 $0x11  }
0xb0: {  	_ =	swait.ge @!p0 [sflag:s8], $0x2000  }
0xb1: {  	[sflag:s8] =	ssyncset.done @!p0 $0x0  }
0xb2: {  	s7 =	sadd.s32 @!p0 $0x400, s7;
	[sflag:s8] =	ssyncadd.s32 @!p0 $0xFFFFE000;
	s8 =	simm.s32 @!p0 $0xCF00  }
0xb3: {  	[tilespmem:s8], [sflag:$0x7] =	stream.indirect.gather @!p0 [hbm4b:s2+s13], $0x80, s7, s13, $0xb8;
	[tilespmem:$0x14F00] =	vst v63  }
.Ltmp2:
0xb4: {  	_ = 	snop;
	(pc) =	sbr.rel @p0 .LBB2_4-.Ltmp2, $4  }
0xb5: {  	_ =	swait.ge [sflag:s10], $0x2000  }
0xb6: {  	[sflag:s10] =	ssyncset.done $0x0;
	s14 =	rddreg [dreg:$0xd]  }
0xb7: {  	[sflag:s10] =	ssyncadd.s32 $0xFFFFE000;
	s7 =	sadd.s32 s30, s14  }
0xb8: {  	[hbm4b:s7+s3] =	stream.linear.scatter [tilespmem:s0], [sflag:$0x13], $0x2000, $0x38;
	[tilespmem:$0x14F00] =	vst v63  }
0xb9: {  	_ =	swait.ge [sflag:s23], $0x2000  }
0xba: {  	[sflag:s23] =	ssyncset.done $0x0  }
0xbb: {  	s7 =	sadd.s32 $0x440, s28;
	s8 =	simm.s32 $0xEF00;
	[sflag:s23] =	ssyncadd.s32 $0xFFFFE000  }
0xbc: {  	[tilespmem:s8], [sflag:$0x8] =	stream.indirect.gather [hbm4b:s2+s22], $0x80, s7, s22, $0xb8;
	[tilespmem:$0x14F00] =	vst v63  }
0xbd: {  	_ =	swait.ge [sflag:s21], $0x2000  }
0xbe: {  	[sflag:s21] =	ssyncset.done $0x0;
	s14 =	rddreg [dreg:$0xc]  }
0xbf: {  	[sflag:s21] =	ssyncadd.s32 $0xFFFFE000;
	s7 =	sadd.s32 s30, s14  }
0xc0: {  	[hbm4b:s7+s3] =	stream.linear.scatter [tilespmem:s29], [sflag:$0x14], $0x2000, $0x38;
	[tilespmem:$0x14F00] =	vst v63  }
.Ltmp3:
0xc1: {  	_ = 	snop;
	(pc) =	sbr.rel .LBB2_2-.Ltmp3, $4  }
0xc2: {  	_ =	swait.ge [sflag:s24], $0x2000  }
0xc3: {  	s28 =	sadd.s32 $0x480, s28;
	s31 =	sadd.s32 $0xA00, s31;
	[sflag:s24] =	ssyncset.done $0x0  }
0xc4: {  	s26 =	sadd.s32 $0xA, s26;
	s30 =	sadd.s32 $0x2800, s30;
	[sflag:s24] =	ssyncadd.s32 $0xFFFFE000  }
0xc5: {  	[tilespmem:s0], [sflag:$0x9] =	stream.indirect.gather [hbm4b:s2+s22], $0x80, s28, s22, $0xb8;
	[tilespmem:$0x14F00] =	vst v63  }
.LBB2_5:
0xc6: {  	_ =	sfence.sel $0x180000  }
0xc7: {  	[bflag:$0x0] =	sbarrier.arrive $0xFFFF  }
0xc8: {  	_ =	strace $0x9000004A  }
0xc9: {  	s0 =	stileid.u32;
	[bflag:$0x2] =	sbarrier.arrive $0xFFFF  }
0xca: {  	p0 =	sne.s32 s0, $0x0;
	s0 =	rddreg [dreg:$0x2]  }
0xcb: {  	s0 =	sadd.s32 @!p0 $0x100000, s0  }
0xcc: {  	[sflag:s0] =	ssyncadd.tile.s32 @!p0 $0x1;
	_ =	shalt  }
.Lfunc_end2:
_tile_overlayer_lowered:
.L_overlay_start_2:
0xcd: {  	(tag) =	ssettag $0x2  }
0xce: {  	s0 =	rddreg [dreg:$0x0];
	s2 =	stileid.u32  }
0xcf: {  	s1 =	rddreg [dreg:$0x1];
	p0 =	sne.s32 s2, $0x0  }
0xd0: {  	s3 =	rddreg [dreg:$0x2];
	[bflag:$0x3] =	sbarrier.arrive $0xFFFF;
	s2 =	simm.s32 @!p0 $0x1C15  }
0xd1: {  	[timem:s3], [sflag:s2] =	dma.local @!p0 [hbm:s0], s1  }
0xd2: {  	s0 =	simm.s32 @!p0 $0x15  }
0xd3: {  	_ =	swait.ge @!p0 [sflag:s0], s1  }
0xd4: {  	s1 =	ssub.s32 @!p0 $0x0, s1;
	[sflag:s0] =	ssyncset.done @!p0 $0x0  }
0xd5: {  	[sflag:s0] =	ssyncadd.s32 @!p0 s1  }
0xd6: {  	[bflag:$0x3] =	sbarrier.arrive $0xFFFF  }
0xd7: {  	_ =	shalt  }

</sc_bundles>
